<compile_context>
chip_gen: v7x
topology: tpu7x:2x2x1
jax: 0.10.2.dev20260603
libtpu: 0.0.44.dev20260713+nightly
codegen_flags: <defaults>
</compile_context>

<pallas_src>
import functools

import jax
import jax.numpy as jnp
from jax import lax
from jax.experimental import pallas as pl
from jax.experimental.pallas import tpu as pltpu
from jax.experimental.pallas import tpu_sc as plsc

NC, NS = 2, 16
NW = NC * NS
LANE = 16
VPAD = 128

CB = 25
RB = 128
GRP = 1024
CCH = 5
RPW = RB // NW
ITERS = RPW * (CB // CCH)
NBUF = 2


def _fold_linear(emb_pad, W, b):
    O = W.shape[0]

    def body(emb_ref, w_ref, b_ref, t_ref):
        t_ref[...] = lax.dot_general(
            w_ref[...], emb_ref[...], (((1,), (1,)), ((), ())),
            preferred_element_type=jnp.float32) + b_ref[...]

    return pl.pallas_call(
        body,
        out_shape=jax.ShapeDtypeStruct((O, VPAD), jnp.float32),
    )(emb_pad, W, b.reshape(O, 1))


def _sc_lookup(table4, ids_phys):
    O = table4.shape[0]
    mesh = plsc.VectorSubcoreMesh(core_axis_name="c", subcore_axis_name="s")

    @functools.partial(
        pl.kernel,
        out_type=jax.ShapeDtypeStruct((8 * CB, RB, O * 128), jnp.float32),
        mesh=mesh,
        scratch_types=[
            pltpu.VMEM((O, VPAD), jnp.float32),
            pltpu.VMEM((O * VPAD * LANE,), jnp.float32),
            [pltpu.VMEM((CCH, GRP), jnp.int32) for _ in range(NBUF)],
            [pltpu.VMEM((8 * CCH, O * 128), jnp.float32) for _ in range(NBUF)],
            [pltpu.SemaphoreType.DMA for _ in range(NBUF)],
            [pltpu.SemaphoreType.DMA for _ in range(NBUF)],
        ],
        compiler_params=pltpu.CompilerParams(
            use_tc_tiling_on_sc=False, needs_layout_passes=False),
    )
    def body(t_ref, ids_ref, out_ref, t_v, ts_v, in_v, out_v, in_sem, out_sem):
        wid = lax.axis_index("s") * NC + lax.axis_index("c")
        pltpu.sync_copy(t_ref, t_v)

        def spread(s, carry):
            r0 = s * LANE
            for c in range(O):
                vals16 = t_v[c, pl.ds(r0, LANE)]
                for k in range(LANE):
                    ts_v[pl.ds((r0 + k) * (O * LANE) + c * LANE, LANE)] = (
                        jnp.broadcast_to(vals16[k], (LANE,)))
            return carry

        lax.fori_loop(0, VPAD // LANE, spread, 0)
        offs = [lax.iota(jnp.int32, LANE) + c * LANE for c in range(O)]

        def coords(it):
            rblk = wid * RPW + it // CCH
            c0 = (it % CCH) * CCH
            return rblk, c0

        def start_in(it, buf):
            rblk, c0 = coords(it)
            pltpu.async_copy(
                ids_ref.at[pl.ds(c0, CCH), rblk], in_v[buf], in_sem[buf])

        def wait_in(buf):
            pltpu.make_async_copy(
                ids_ref.at[pl.ds(0, CCH), 0], in_v[buf], in_sem[buf]).wait()

        def start_out(it, buf):
            rblk, c0 = coords(it)
            pltpu.async_copy(
                out_v[buf], out_ref.at[pl.ds(8 * c0, 8 * CCH), rblk],
                out_sem[buf])

        def wait_out(buf):
            pltpu.make_async_copy(
                out_v[buf], out_ref.at[pl.ds(0, 8 * CCH), 0],
                out_sem[buf]).wait()

        for buf in range(NBUF):
            start_in(buf, buf)

        def step(i, carry):
            for buf in range(NBUF):
                it = NBUF * i + buf
                wait_in(buf)

                @pl.when(it >= NBUF)
                def _():
                    wait_out(buf)

                for ci in range(CCH):
                    @plsc.parallel_loop(0, GRP // LANE, unroll=8)
                    def _(s, _ci=ci, _buf=buf):
                        ids16 = in_v[_buf][_ci, pl.ds(s * LANE, LANE)]
                        base = ids16 * (O * LANE)
                        row = _ci * 8 + s // 8
                        b0 = (s % 8) * LANE
                        for c in range(O):
                            vals = plsc.load_gather(ts_v, [base + offs[c]])
                            out_v[_buf][row, pl.ds(c * 128 + b0, LANE)] = vals
                start_out(it, buf)

                @pl.when(it + NBUF < ITERS)
                def _():
                    start_in(it + NBUF, buf)

            return carry

        lax.fori_loop(0, ITERS // NBUF, step, 0)
        for buf in range(NBUF):
            wait_out(buf)

    return body(table4, ids_phys)


def kernel(input_ids, emb_table, W, b):
    Bsz, Lseq = input_ids.shape
    V, D = emb_table.shape
    O = W.shape[0]
    emb_pad = jnp.zeros((VPAD, D), jnp.float32).at[:V].set(emb_table)
    table4 = _fold_linear(emb_pad, W, b)
    ids_phys = (input_ids.reshape(RB, 128, CB, 8)
                .transpose(2, 0, 3, 1).reshape(CB, RB, GRP))
    out_phys = _sc_lookup(table4, ids_phys)
    out = (out_phys.reshape(Lseq, RB, O, 128)
           .transpose(1, 3, 0, 2).reshape(Bsz, Lseq, O))
    return out

# --- scband reference (transcript-rebuilt; emitter-appended) ---
"""Pipeline reference for scband-error-prone-model-31361851195955 (READ-ONLY COPY).

The authoritative reference and input builder live on the scoring server;
editing this copy changes nothing except your own understanding.
"""

import jax, jax.numpy as jnp
import numpy as np


def setup_inputs(seed: int = 0) -> dict:
    key = jax.random.key(seed)
    k_ids, k_emb, k_w, k_b = jax.random.split(key, 4)
    input_ids = jax.random.randint(k_ids, (16384, 200), 0, 100, dtype=jnp.int64 if jax.config.jax_enable_x64 else jnp.int32).astype(jnp.int32)
    emb_table = jax.random.normal(k_emb, (100, 4), dtype=jnp.float32)
    # torch nn.Linear(4, 4): weight [out, in], bias [out]
    W = jax.random.normal(k_w, (4, 4), dtype=jnp.float32) * 0.5
    b = jax.random.normal(k_b, (4,), dtype=jnp.float32) * 0.1
    return {"input_ids": input_ids, "emb_table": emb_table, "W": W, "b": b}


def reference(input_ids, emb_table, W, b):
    # x = self.emb(input_ids)  -> gather rows of the embedding table
    x = jnp.take(emb_table, input_ids, axis=0)  # [B, L, 4]
    # return self.lin(x)       -> x @ W.T + b (torch Linear convention)
    out = jnp.einsum("bld,od->blo", x, W) + b
    return out

if __name__ == "__main__":
    import jax
    _d = setup_inputs()
    print(jax.jit(kernel)(*tuple(_d.values())))

</pallas_src>

<mosaic_0001>
#map = affine_map<(d0, d1) -> (0, 0)>
#map1 = affine_map<(d0, d1) -> (0, 0, 0)>
module attributes {stable_mosaic.version = 14 : i64} {
  func.func @body(%arg0: i32, %arg1: i32, %arg2: memref<4x128xf32, #tpu.memory_space<hbm>>, %arg3: memref<25x128x1024xi32, #tpu.memory_space<hbm>>, %arg4: memref<200x128x512xf32, #tpu.memory_space<hbm>>, %arg5: memref<4x128xf32, #tpu.memory_space<vmem>>, %arg6: memref<8192xf32, #tpu.memory_space<vmem>>, %arg7: memref<5x1024xi32, #tpu.memory_space<vmem>>, %arg8: memref<5x1024xi32, #tpu.memory_space<vmem>>, %arg9: memref<40x512xf32, #tpu.memory_space<vmem>>, %arg10: memref<40x512xf32, #tpu.memory_space<vmem>>, %arg11: memref<!tpu.dma_semaphore, #tpu.memory_space<semaphore_mem>>, %arg12: memref<!tpu.dma_semaphore, #tpu.memory_space<semaphore_mem>>, %arg13: memref<!tpu.dma_semaphore, #tpu.memory_space<semaphore_mem>>, %arg14: memref<!tpu.dma_semaphore, #tpu.memory_space<semaphore_mem>>) attributes {dimension_semantics = [#tpu.dimension_semantics<core_parallel>, #tpu.dimension_semantics<subcore_parallel>], iteration_bounds = array<i64: 2, 16>, scalar_prefetch = 0 : i64, scratch_operands = 10 : i64, tpu.core_type = #tpu.core_type<sc_vector_subcore>, window_params = [{transform_indices = #map}, {transform_indices = #map1}, {transform_indices = #map1}]} {
    %mul3A = arith.constant 2 : i32
    %mul3A_0 = arith.muli %arg1, %mul3A : i32
    %add3A = arith.addi %mul3A_0, %arg0 : i32
    "tpu.region"() ({
      %run_scoped3A = tpu.sem_alloc : memref<!tpu.dma_semaphore, #tpu.memory_space<semaphore_mem>>
      tpu.enqueue_dma source(%arg2 : memref<4x128xf32, #tpu.memory_space<hbm>>) target(%arg5 : memref<4x128xf32, #tpu.memory_space<vmem>>) target_semaphore(%run_scoped3A : memref<!tpu.dma_semaphore, #tpu.memory_space<semaphore_mem>>)
      tpu.wait_dma2 semaphore(%run_scoped3A : memref<!tpu.dma_semaphore, #tpu.memory_space<semaphore_mem>>) src(%arg2 : memref<4x128xf32, #tpu.memory_space<hbm>>) dst(%arg5 : memref<4x128xf32, #tpu.memory_space<vmem>>)
      tpu.yield
    }) : () -> ()
    %scan3A = arith.constant 0 : i32
    %scan3A_1 = arith.constant 0 : i32
    %scan3A_2 = arith.constant 8 : i32
    %scan3A_3 = arith.addi %scan3A_1, %scan3A_2 : i32
    %scan3A_4 = arith.constant 1 : i32
    scf.for %scan3A_67 = %scan3A_1 to %scan3A_3 step %scan3A_4  : i32 {
      %mul3A_68 = arith.constant 16 : i32
      %mul3A_69 = arith.muli %scan3A_67, %mul3A_68 : i32
      %get3A = arith.constant 0 : i32
      %get3A_70 = arith.index_cast %get3A : i32 to index
      %get3A_71 = arith.index_cast %mul3A_69 : i32 to index
      %get3A_72 = tpu.vector_load %arg5[%get3A_70, %get3A_71] {strides = array<i32>} : memref<4x128xf32, #tpu.memory_space<vmem>>, vector<16xf32>,
      %slice3A = vector.extract_strided_slice %get3A_72 {offsets = [0], sizes = [1], strides = [1]} : vector<16xf32> to vector<1xf32>
      %squeeze3A = vector.extract %slice3A[0] : f32 from vector<1xf32>
      %broadcast_in_dim3A = vector.broadcast %squeeze3A : f32 to vector<16xf32>
      %add3A_73 = arith.constant 0 : i32
      %add3A_74 = arith.addi %mul3A_69, %add3A_73 : i32
      %mul3A_75 = arith.constant 64 : i32
      %mul3A_76 = arith.muli %add3A_74, %mul3A_75 : i32
      %add3A_77 = arith.constant 0 : i32
      %add3A_78 = arith.addi %mul3A_76, %add3A_77 : i32
      %swap3A = arith.index_cast %add3A_78 : i32 to index
      %swap3A_79 = tpu.vector_load %arg6[%swap3A] {strides = array<i32>} : memref<8192xf32, #tpu.memory_space<vmem>>, vector<16xf32>,
      tpu.vector_store %arg6[%swap3A], %broadcast_in_dim3A {strides = array<i32>} : memref<8192xf32, #tpu.memory_space<vmem>>, vector<16xf32>,
      %slice3A_80 = vector.extract_strided_slice %get3A_72 {offsets = [1], sizes = [1], strides = [1]} : vector<16xf32> to vector<1xf32>
      %squeeze3A_81 = vector.extract %slice3A_80[0] : f32 from vector<1xf32>
      %broadcast_in_dim3A_82 = vector.broadcast %squeeze3A_81 : f32 to vector<16xf32>
      %add3A_83 = arith.constant 1 : i32
      %add3A_84 = arith.addi %mul3A_69, %add3A_83 : i32
      %mul3A_85 = arith.constant 64 : i32
      %mul3A_86 = arith.muli %add3A_84, %mul3A_85 : i32
      %add3A_87 = arith.constant 0 : i32
      %add3A_88 = arith.addi %mul3A_86, %add3A_87 : i32
      %swap3A_89 = arith.index_cast %add3A_88 : i32 to index
      %swap3A_90 = tpu.vector_load %arg6[%swap3A_89] {strides = array<i32>} : memref<8192xf32, #tpu.memory_space<vmem>>, vector<16xf32>,
      tpu.vector_store %arg6[%swap3A_89], %broadcast_in_dim3A_82 {strides = array<i32>} : memref<8192xf32, #tpu.memory_space<vmem>>, vector<16xf32>,
      %slice3A_91 = vector.extract_strided_slice %get3A_72 {offsets = [2], sizes = [1], strides = [1]} : vector<16xf32> to vector<1xf32>
      %squeeze3A_92 = vector.extract %slice3A_91[0] : f32 from vector<1xf32>
      %broadcast_in_dim3A_93 = vector.broadcast %squeeze3A_92 : f32 to vector<16xf32>
      %add3A_94 = arith.constant 2 : i32
      %add3A_95 = arith.addi %mul3A_69, %add3A_94 : i32
      %mul3A_96 = arith.constant 64 : i32
      %mul3A_97 = arith.muli %add3A_95, %mul3A_96 : i32
      %add3A_98 = arith.constant 0 : i32
      %add3A_99 = arith.addi %mul3A_97, %add3A_98 : i32
      %swap3A_100 = arith.index_cast %add3A_99 : i32 to index
      %swap3A_101 = tpu.vector_load %arg6[%swap3A_100] {strides = array<i32>} : memref<8192xf32, #tpu.memory_space<vmem>>, vector<16xf32>,
      tpu.vector_store %arg6[%swap3A_100], %broadcast_in_dim3A_93 {strides = array<i32>} : memref<8192xf32, #tpu.memory_space<vmem>>, vector<16xf32>,
      %slice3A_102 = vector.extract_strided_slice %get3A_72 {offsets = [3], sizes = [1], strides = [1]} : vector<16xf32> to vector<1xf32>
      %squeeze3A_103 = vector.extract %slice3A_102[0] : f32 from vector<1xf32>
      %broadcast_in_dim3A_104 = vector.broadcast %squeeze3A_103 : f32 to vector<16xf32>
      %add3A_105 = arith.constant 3 : i32
      %add3A_106 = arith.addi %mul3A_69, %add3A_105 : i32
      %mul3A_107 = arith.constant 64 : i32
      %mul3A_108 = arith.muli %add3A_106, %mul3A_107 : i32
      %add3A_109 = arith.constant 0 : i32
      %add3A_110 = arith.addi %mul3A_108, %add3A_109 : i32
      %swap3A_111 = arith.index_cast %add3A_110 : i32 to index
      %swap3A_112 = tpu.vector_load %arg6[%swap3A_111] {strides = array<i32>} : memref<8192xf32, #tpu.memory_space<vmem>>, vector<16xf32>,
      tpu.vector_store %arg6[%swap3A_111], %broadcast_in_dim3A_104 {strides = array<i32>} : memref<8192xf32, #tpu.memory_space<vmem>>, vector<16xf32>,
      %slice3A_113 = vector.extract_strided_slice %get3A_72 {offsets = [4], sizes = [1], strides = [1]} : vector<16xf32> to vector<1xf32>
      %squeeze3A_114 = vector.extract %slice3A_113[0] : f32 from vector<1xf32>
      %broadcast_in_dim3A_115 = vector.broadcast %squeeze3A_114 : f32 to vector<16xf32>
      %add3A_116 = arith.constant 4 : i32
      %add3A_117 = arith.addi %mul3A_69, %add3A_116 : i32
      %mul3A_118 = arith.constant 64 : i32
      %mul3A_119 = arith.muli %add3A_117, %mul3A_118 : i32
      %add3A_120 = arith.constant 0 : i32
      %add3A_121 = arith.addi %mul3A_119, %add3A_120 : i32
      %swap3A_122 = arith.index_cast %add3A_121 : i32 to index
      %swap3A_123 = tpu.vector_load %arg6[%swap3A_122] {strides = array<i32>} : memref<8192xf32, #tpu.memory_space<vmem>>, vector<16xf32>,
      tpu.vector_store %arg6[%swap3A_122], %broadcast_in_dim3A_115 {strides = array<i32>} : memref<8192xf32, #tpu.memory_space<vmem>>, vector<16xf32>,
      %slice3A_124 = vector.extract_strided_slice %get3A_72 {offsets = [5], sizes = [1], strides = [1]} : vector<16xf32> to vector<1xf32>
      %squeeze3A_125 = vector.extract %slice3A_124[0] : f32 from vector<1xf32>
      %broadcast_in_dim3A_126 = vector.broadcast %squeeze3A_125 : f32 to vector<16xf32>
      %add3A_127 = arith.constant 5 : i32
      %add3A_128 = arith.addi %mul3A_69, %add3A_127 : i32
      %mul3A_129 = arith.constant 64 : i32
      %mul3A_130 = arith.muli %add3A_128, %mul3A_129 : i32
      %add3A_131 = arith.constant 0 : i32
      %add3A_132 = arith.addi %mul3A_130, %add3A_131 : i32
      %swap3A_133 = arith.index_cast %add3A_132 : i32 to index
      %swap3A_134 = tpu.vector_load %arg6[%swap3A_133] {strides = array<i32>} : memref<8192xf32, #tpu.memory_space<vmem>>, vector<16xf32>,
      tpu.vector_store %arg6[%swap3A_133], %broadcast_in_dim3A_126 {strides = array<i32>} : memref<8192xf32, #tpu.memory_space<vmem>>, vector<16xf32>,
      %slice3A_135 = vector.extract_strided_slice %get3A_72 {offsets = [6], sizes = [1], strides = [1]} : vector<16xf32> to vector<1xf32>
      %squeeze3A_136 = vector.extract %slice3A_135[0] : f32 from vector<1xf32>
      %broadcast_in_dim3A_137 = vector.broadcast %squeeze3A_136 : f32 to vector<16xf32>
      %add3A_138 = arith.constant 6 : i32
      %add3A_139 = arith.addi %mul3A_69, %add3A_138 : i32
      %mul3A_140 = arith.constant 64 : i32
      %mul3A_141 = arith.muli %add3A_139, %mul3A_140 : i32
      %add3A_142 = arith.constant 0 : i32
      %add3A_143 = arith.addi %mul3A_141, %add3A_142 : i32
      %swap3A_144 = arith.index_cast %add3A_143 : i32 to index
      %swap3A_145 = tpu.vector_load %arg6[%swap3A_144] {strides = array<i32>} : memref<8192xf32, #tpu.memory_space<vmem>>, vector<16xf32>,
      tpu.vector_store %arg6[%swap3A_144], %broadcast_in_dim3A_137 {strides = array<i32>} : memref<8192xf32, #tpu.memory_space<vmem>>, vector<16xf32>,
      %slice3A_146 = vector.extract_strided_slice %get3A_72 {offsets = [7], sizes = [1], strides = [1]} : vector<16xf32> to vector<1xf32>
      %squeeze3A_147 = vector.extract %slice3A_146[0] : f32 from vector<1xf32>
      %broadcast_in_dim3A_148 = vector.broadcast %squeeze3A_147 : f32 to vector<16xf32>
      %add3A_149 = arith.constant 7 : i32
      %add3A_150 = arith.addi %mul3A_69, %add3A_149 : i32
      %mul3A_151 = arith.constant 64 : i32
      %mul3A_152 = arith.muli %add3A_150, %mul3A_151 : i32
      %add3A_153 = arith.constant 0 : i32
      %add3A_154 = arith.addi %mul3A_152, %add3A_153 : i32
      %swap3A_155 = arith.index_cast %add3A_154 : i32 to index
      %swap3A_156 = tpu.vector_load %arg6[%swap3A_155] {strides = array<i32>} : memref<8192xf32, #tpu.memory_space<vmem>>, vector<16xf32>,
      tpu.vector_store %arg6[%swap3A_155], %broadcast_in_dim3A_148 {strides = array<i32>} : memref<8192xf32, #tpu.memory_space<vmem>>, vector<16xf32>,
      %slice3A_157 = vector.extract_strided_slice %get3A_72 {offsets = [8], sizes = [1], strides = [1]} : vector<16xf32> to vector<1xf32>
      %squeeze3A_158 = vector.extract %slice3A_157[0] : f32 from vector<1xf32>
      %broadcast_in_dim3A_159 = vector.broadcast %squeeze3A_158 : f32 to vector<16xf32>
      %add3A_160 = arith.constant 8 : i32
      %add3A_161 = arith.addi %mul3A_69, %add3A_160 : i32
      %mul3A_162 = arith.constant 64 : i32
      %mul3A_163 = arith.muli %add3A_161, %mul3A_162 : i32
      %add3A_164 = arith.constant 0 : i32
      %add3A_165 = arith.addi %mul3A_163, %add3A_164 : i32
      %swap3A_166 = arith.index_cast %add3A_165 : i32 to index
      %swap3A_167 = tpu.vector_load %arg6[%swap3A_166] {strides = array<i32>} : memref<8192xf32, #tpu.memory_space<vmem>>, vector<16xf32>,
      tpu.vector_store %arg6[%swap3A_166], %broadcast_in_dim3A_159 {strides = array<i32>} : memref<8192xf32, #tpu.memory_space<vmem>>, vector<16xf32>,
      %slice3A_168 = vector.extract_strided_slice %get3A_72 {offsets = [9], sizes = [1], strides = [1]} : vector<16xf32> to vector<1xf32>
      %squeeze3A_169 = vector.extract %slice3A_168[0] : f32 from vector<1xf32>
      %broadcast_in_dim3A_170 = vector.broadcast %squeeze3A_169 : f32 to vector<16xf32>
      %add3A_171 = arith.constant 9 : i32
      %add3A_172 = arith.addi %mul3A_69, %add3A_171 : i32
      %mul3A_173 = arith.constant 64 : i32
      %mul3A_174 = arith.muli %add3A_172, %mul3A_173 : i32
      %add3A_175 = arith.constant 0 : i32
      %add3A_176 = arith.addi %mul3A_174, %add3A_175 : i32
      %swap3A_177 = arith.index_cast %add3A_176 : i32 to index
      %swap3A_178 = tpu.vector_load %arg6[%swap3A_177] {strides = array<i32>} : memref<8192xf32, #tpu.memory_space<vmem>>, vector<16xf32>,
      tpu.vector_store %arg6[%swap3A_177], %broadcast_in_dim3A_170 {strides = array<i32>} : memref<8192xf32, #tpu.memory_space<vmem>>, vector<16xf32>,
      %slice3A_179 = vector.extract_strided_slice %get3A_72 {offsets = [10], sizes = [1], strides = [1]} : vector<16xf32> to vector<1xf32>
      %squeeze3A_180 = vector.extract %slice3A_179[0] : f32 from vector<1xf32>
      %broadcast_in_dim3A_181 = vector.broadcast %squeeze3A_180 : f32 to vector<16xf32>
      %add3A_182 = arith.constant 10 : i32
      %add3A_183 = arith.addi %mul3A_69, %add3A_182 : i32
      %mul3A_184 = arith.constant 64 : i32
      %mul3A_185 = arith.muli %add3A_183, %mul3A_184 : i32
      %add3A_186 = arith.constant 0 : i32
      %add3A_187 = arith.addi %mul3A_185, %add3A_186 : i32
      %swap3A_188 = arith.index_cast %add3A_187 : i32 to index
      %swap3A_189 = tpu.vector_load %arg6[%swap3A_188] {strides = array<i32>} : memref<8192xf32, #tpu.memory_space<vmem>>, vector<16xf32>,
      tpu.vector_store %arg6[%swap3A_188], %broadcast_in_dim3A_181 {strides = array<i32>} : memref<8192xf32, #tpu.memory_space<vmem>>, vector<16xf32>,
      %slice3A_190 = vector.extract_strided_slice %get3A_72 {offsets = [11], sizes = [1], strides = [1]} : vector<16xf32> to vector<1xf32>
      %squeeze3A_191 = vector.extract %slice3A_190[0] : f32 from vector<1xf32>
      %broadcast_in_dim3A_192 = vector.broadcast %squeeze3A_191 : f32 to vector<16xf32>
      %add3A_193 = arith.constant 11 : i32
      %add3A_194 = arith.addi %mul3A_69, %add3A_193 : i32
      %mul3A_195 = arith.constant 64 : i32
      %mul3A_196 = arith.muli %add3A_194, %mul3A_195 : i32
      %add3A_197 = arith.constant 0 : i32
      %add3A_198 = arith.addi %mul3A_196, %add3A_197 : i32
      %swap3A_199 = arith.index_cast %add3A_198 : i32 to index
      %swap3A_200 = tpu.vector_load %arg6[%swap3A_199] {strides = array<i32>} : memref<8192xf32, #tpu.memory_space<vmem>>, vector<16xf32>,
      tpu.vector_store %arg6[%swap3A_199], %broadcast_in_dim3A_192 {strides = array<i32>} : memref<8192xf32, #tpu.memory_space<vmem>>, vector<16xf32>,
      %slice3A_201 = vector.extract_strided_slice %get3A_72 {offsets = [12], sizes = [1], strides = [1]} : vector<16xf32> to vector<1xf32>
      %squeeze3A_202 = vector.extract %slice3A_201[0] : f32 from vector<1xf32>
      %broadcast_in_dim3A_203 = vector.broadcast %squeeze3A_202 : f32 to vector<16xf32>
      %add3A_204 = arith.constant 12 : i32
      %add3A_205 = arith.addi %mul3A_69, %add3A_204 : i32
      %mul3A_206 = arith.constant 64 : i32
      %mul3A_207 = arith.muli %add3A_205, %mul3A_206 : i32
      %add3A_208 = arith.constant 0 : i32
      %add3A_209 = arith.addi %mul3A_207, %add3A_208 : i32
      %swap3A_210 = arith.index_cast %add3A_209 : i32 to index
      %swap3A_211 = tpu.vector_load %arg6[%swap3A_210] {strides = array<i32>} : memref<8192xf32, #tpu.memory_space<vmem>>, vector<16xf32>,
      tpu.vector_store %arg6[%swap3A_210], %broadcast_in_dim3A_203 {strides = array<i32>} : memref<8192xf32, #tpu.memory_space<vmem>>, vector<16xf32>,
      %slice3A_212 = vector.extract_strided_slice %get3A_72 {offsets = [13], sizes = [1], strides = [1]} : vector<16xf32> to vector<1xf32>
      %squeeze3A_213 = vector.extract %slice3A_212[0] : f32 from vector<1xf32>
      %broadcast_in_dim3A_214 = vector.broadcast %squeeze3A_213 : f32 to vector<16xf32>
      %add3A_215 = arith.constant 13 : i32
      %add3A_216 = arith.addi %mul3A_69, %add3A_215 : i32
      %mul3A_217 = arith.constant 64 : i32
      %mul3A_218 = arith.muli %add3A_216, %mul3A_217 : i32
      %add3A_219 = arith.constant 0 : i32
      %add3A_220 = arith.addi %mul3A_218, %add3A_219 : i32
      %swap3A_221 = arith.index_cast %add3A_220 : i32 to index
      %swap3A_222 = tpu.vector_load %arg6[%swap3A_221] {strides = array<i32>} : memref<8192xf32, #tpu.memory_space<vmem>>, vector<16xf32>,
      tpu.vector_store %arg6[%swap3A_221], %broadcast_in_dim3A_214 {strides = array<i32>} : memref<8192xf32, #tpu.memory_space<vmem>>, vector<16xf32>,
      %slice3A_223 = vector.extract_strided_slice %get3A_72 {offsets = [14], sizes = [1], strides = [1]} : vector<16xf32> to vector<1xf32>
      %squeeze3A_224 = vector.extract %slice3A_223[0] : f32 from vector<1xf32>
      %broadcast_in_dim3A_225 = vector.broadcast %squeeze3A_224 : f32 to vector<16xf32>
      %add3A_226 = arith.constant 14 : i32
      %add3A_227 = arith.addi %mul3A_69, %add3A_226 : i32
      %mul3A_228 = arith.constant 64 : i32
      %mul3A_229 = arith.muli %add3A_227, %mul3A_228 : i32
      %add3A_230 = arith.constant 0 : i32
      %add3A_231 = arith.addi %mul3A_229, %add3A_230 : i32
      %swap3A_232 = arith.index_cast %add3A_231 : i32 to index
      %swap3A_233 = tpu.vector_load %arg6[%swap3A_232] {strides = array<i32>} : memref<8192xf32, #tpu.memory_space<vmem>>, vector<16xf32>,
      tpu.vector_store %arg6[%swap3A_232], %broadcast_in_dim3A_225 {strides = array<i32>} : memref<8192xf32, #tpu.memory_space<vmem>>, vector<16xf32>,
      %slice3A_234 = vector.extract_strided_slice %get3A_72 {offsets = [15], sizes = [1], strides = [1]} : vector<16xf32> to vector<1xf32>
      %squeeze3A_235 = vector.extract %slice3A_234[0] : f32 from vector<1xf32>
      %broadcast_in_dim3A_236 = vector.broadcast %squeeze3A_235 : f32 to vector<16xf32>
      %add3A_237 = arith.constant 15 : i32
      %add3A_238 = arith.addi %mul3A_69, %add3A_237 : i32
      %mul3A_239 = arith.constant 64 : i32
      %mul3A_240 = arith.muli %add3A_238, %mul3A_239 : i32
      %add3A_241 = arith.constant 0 : i32
      %add3A_242 = arith.addi %mul3A_240, %add3A_241 : i32
      %swap3A_243 = arith.index_cast %add3A_242 : i32 to index
      %swap3A_244 = tpu.vector_load %arg6[%swap3A_243] {strides = array<i32>} : memref<8192xf32, #tpu.memory_space<vmem>>, vector<16xf32>,
      tpu.vector_store %arg6[%swap3A_243], %broadcast_in_dim3A_236 {strides = array<i32>} : memref<8192xf32, #tpu.memory_space<vmem>>, vector<16xf32>,
      %get3A_245 = arith.constant 1 : i32
      %get3A_246 = arith.index_cast %get3A_245 : i32 to index
      %get3A_247 = arith.index_cast %mul3A_69 : i32 to index
      %get3A_248 = tpu.vector_load %arg5[%get3A_246, %get3A_247] {strides = array<i32>} : memref<4x128xf32, #tpu.memory_space<vmem>>, vector<16xf32>,
      %slice3A_249 = vector.extract_strided_slice %get3A_248 {offsets = [0], sizes = [1], strides = [1]} : vector<16xf32> to vector<1xf32>
      %squeeze3A_250 = vector.extract %slice3A_249[0] : f32 from vector<1xf32>
      %broadcast_in_dim3A_251 = vector.broadcast %squeeze3A_250 : f32 to vector<16xf32>
      %add3A_252 = arith.constant 0 : i32
      %add3A_253 = arith.addi %mul3A_69, %add3A_252 : i32
      %mul3A_254 = arith.constant 64 : i32
      %mul3A_255 = arith.muli %add3A_253, %mul3A_254 : i32
      %add3A_256 = arith.constant 16 : i32
      %add3A_257 = arith.addi %mul3A_255, %add3A_256 : i32
      %swap3A_258 = arith.index_cast %add3A_257 : i32 to index
      %swap3A_259 = tpu.vector_load %arg6[%swap3A_258] {strides = array<i32>} : memref<8192xf32, #tpu.memory_space<vmem>>, vector<16xf32>,
      tpu.vector_store %arg6[%swap3A_258], %broadcast_in_dim3A_251 {strides = array<i32>} : memref<8192xf32, #tpu.memory_space<vmem>>, vector<16xf32>,
      %slice3A_260 = vector.extract_strided_slice %get3A_248 {offsets = [1], sizes = [1], strides = [1]} : vector<16xf32> to vector<1xf32>
      %squeeze3A_261 = vector.extract %slice3A_260[0] : f32 from vector<1xf32>
      %broadcast_in_dim3A_262 = vector.broadcast %squeeze3A_261 : f32 to vector<16xf32>
      %add3A_263 = arith.constant 1 : i32
      %add3A_264 = arith.addi %mul3A_69, %add3A_263 : i32
      %mul3A_265 = arith.constant 64 : i32
      %mul3A_266 = arith.muli %add3A_264, %mul3A_265 : i32
      %add3A_267 = arith.constant 16 : i32
      %add3A_268 = arith.addi %mul3A_266, %add3A_267 : i32
      %swap3A_269 = arith.index_cast %add3A_268 : i32 to index
      %swap3A_270 = tpu.vector_load %arg6[%swap3A_269] {strides = array<i32>} : memref<8192xf32, #tpu.memory_space<vmem>>, vector<16xf32>,
      tpu.vector_store %arg6[%swap3A_269], %broadcast_in_dim3A_262 {strides = array<i32>} : memref<8192xf32, #tpu.memory_space<vmem>>, vector<16xf32>,
      %slice3A_271 = vector.extract_strided_slice %get3A_248 {offsets = [2], sizes = [1], strides = [1]} : vector<16xf32> to vector<1xf32>
      %squeeze3A_272 = vector.extract %slice3A_271[0] : f32 from vector<1xf32>
      %broadcast_in_dim3A_273 = vector.broadcast %squeeze3A_272 : f32 to vector<16xf32>
      %add3A_274 = arith.constant 2 : i32
      %add3A_275 = arith.addi %mul3A_69, %add3A_274 : i32
      %mul3A_276 = arith.constant 64 : i32
      %mul3A_277 = arith.muli %add3A_275, %mul3A_276 : i32
      %add3A_278 = arith.constant 16 : i32
      %add3A_279 = arith.addi %mul3A_277, %add3A_278 : i32
      %swap3A_280 = arith.index_cast %add3A_279 : i32 to index
      %swap3A_281 = tpu.vector_load %arg6[%swap3A_280] {strides = array<i32>} : memref<8192xf32, #tpu.memory_space<vmem>>, vector<16xf32>,
      tpu.vector_store %arg6[%swap3A_280], %broadcast_in_dim3A_273 {strides = array<i32>} : memref<8192xf32, #tpu.memory_space<vmem>>, vector<16xf32>,
      %slice3A_282 = vector.extract_strided_slice %get3A_248 {offsets = [3], sizes = [1], strides = [1]} : vector<16xf32> to vector<1xf32>
      %squeeze3A_283 = vector.extract %slice3A_282[0] : f32 from vector<1xf32>
      %broadcast_in_dim3A_284 = vector.broadcast %squeeze3A_283 : f32 to vector<16xf32>
      %add3A_285 = arith.constant 3 : i32
      %add3A_286 = arith.addi %mul3A_69, %add3A_285 : i32
      %mul3A_287 = arith.constant 64 : i32
      %mul3A_288 = arith.muli %add3A_286, %mul3A_287 : i32
      %add3A_289 = arith.constant 16 : i32
      %add3A_290 = arith.addi %mul3A_288, %add3A_289 : i32
      %swap3A_291 = arith.index_cast %add3A_290 : i32 to index
      %swap3A_292 = tpu.vector_load %arg6[%swap3A_291] {strides = array<i32>} : memref<8192xf32, #tpu.memory_space<vmem>>, vector<16xf32>,
      tpu.vector_store %arg6[%swap3A_291], %broadcast_in_dim3A_284 {strides = array<i32>} : memref<8192xf32, #tpu.memory_space<vmem>>, vector<16xf32>,
      %slice3A_293 = vector.extract_strided_slice %get3A_248 {offsets = [4], sizes = [1], strides = [1]} : vector<16xf32> to vector<1xf32>
      %squeeze3A_294 = vector.extract %slice3A_293[0] : f32 from vector<1xf32>
      %broadcast_in_dim3A_295 = vector.broadcast %squeeze3A_294 : f32 to vector<16xf32>
      %add3A_296 = arith.constant 4 : i32
      %add3A_297 = arith.addi %mul3A_69, %add3A_296 : i32
      %mul3A_298 = arith.constant 64 : i32
      %mul3A_299 = arith.muli %add3A_297, %mul3A_298 : i32
      %add3A_300 = arith.constant 16 : i32
      %add3A_301 = arith.addi %mul3A_299, %add3A_300 : i32
      %swap3A_302 = arith.index_cast %add3A_301 : i32 to index
      %swap3A_303 = tpu.vector_load %arg6[%swap3A_302] {strides = array<i32>} : memref<8192xf32, #tpu.memory_space<vmem>>, vector<16xf32>,
      tpu.vector_store %arg6[%swap3A_302], %broadcast_in_dim3A_295 {strides = array<i32>} : memref<8192xf32, #tpu.memory_space<vmem>>, vector<16xf32>,
      %slice3A_304 = vector.extract_strided_slice %get3A_248 {offsets = [5], sizes = [1], strides = [1]} : vector<16xf32> to vector<1xf32>
      %squeeze3A_305 = vector.extract %slice3A_304[0] : f32 from vector<1xf32>
      %broadcast_in_dim3A_306 = vector.broadcast %squeeze3A_305 : f32 to vector<16xf32>
      %add3A_307 = arith.constant 5 : i32
      %add3A_308 = arith.addi %mul3A_69, %add3A_307 : i32
      %mul3A_309 = arith.constant 64 : i32
      %mul3A_310 = arith.muli %add3A_308, %mul3A_309 : i32
      %add3A_311 = arith.constant 16 : i32
      %add3A_312 = arith.addi %mul3A_310, %add3A_311 : i32
      %swap3A_313 = arith.index_cast %add3A_312 : i32 to index
      %swap3A_314 = tpu.vector_load %arg6[%swap3A_313] {strides = array<i32>} : memref<8192xf32, #tpu.memory_space<vmem>>, vector<16xf32>,
      tpu.vector_store %arg6[%swap3A_313], %broadcast_in_dim3A_306 {strides = array<i32>} : memref<8192xf32, #tpu.memory_space<vmem>>, vector<16xf32>,
      %slice3A_315 = vector.extract_strided_slice %get3A_248 {offsets = [6], sizes = [1], strides = [1]} : vector<16xf32> to vector<1xf32>
      %squeeze3A_316 = vector.extract %slice3A_315[0] : f32 from vector<1xf32>
      %broadcast_in_dim3A_317 = vector.broadcast %squeeze3A_316 : f32 to vector<16xf32>
      %add3A_318 = arith.constant 6 : i32
      %add3A_319 = arith.addi %mul3A_69, %add3A_318 : i32
      %mul3A_320 = arith.constant 64 : i32
      %mul3A_321 = arith.muli %add3A_319, %mul3A_320 : i32
      %add3A_322 = arith.constant 16 : i32
      %add3A_323 = arith.addi %mul3A_321, %add3A_322 : i32
      %swap3A_324 = arith.index_cast %add3A_323 : i32 to index
      %swap3A_325 = tpu.vector_load %arg6[%swap3A_324] {strides = array<i32>} : memref<8192xf32, #tpu.memory_space<vmem>>, vector<16xf32>,
      tpu.vector_store %arg6[%swap3A_324], %broadcast_in_dim3A_317 {strides = array<i32>} : memref<8192xf32, #tpu.memory_space<vmem>>, vector<16xf32>,
      %slice3A_326 = vector.extract_strided_slice %get3A_248 {offsets = [7], sizes = [1], strides = [1]} : vector<16xf32> to vector<1xf32>
      %squeeze3A_327 = vector.extract %slice3A_326[0] : f32 from vector<1xf32>
      %broadcast_in_dim3A_328 = vector.broadcast %squeeze3A_327 : f32 to vector<16xf32>
      %add3A_329 = arith.constant 7 : i32
      %add3A_330 = arith.addi %mul3A_69, %add3A_329 : i32
      %mul3A_331 = arith.constant 64 : i32
      %mul3A_332 = arith.muli %add3A_330, %mul3A_331 : i32
      %add3A_333 = arith.constant 16 : i32
      %add3A_334 = arith.addi %mul3A_332, %add3A_333 : i32
      %swap3A_335 = arith.index_cast %add3A_334 : i32 to index
      %swap3A_336 = tpu.vector_load %arg6[%swap3A_335] {strides = array<i32>} : memref<8192xf32, #tpu.memory_space<vmem>>, vector<16xf32>,
      tpu.vector_store %arg6[%swap3A_335], %broadcast_in_dim3A_328 {strides = array<i32>} : memref<8192xf32, #tpu.memory_space<vmem>>, vector<16xf32>,
      %slice3A_337 = vector.extract_strided_slice %get3A_248 {offsets = [8], sizes = [1], strides = [1]} : vector<16xf32> to vector<1xf32>
      %squeeze3A_338 = vector.extract %slice3A_337[0] : f32 from vector<1xf32>
      %broadcast_in_dim3A_339 = vector.broadcast %squeeze3A_338 : f32 to vector<16xf32>
      %add3A_340 = arith.constant 8 : i32
      %add3A_341 = arith.addi %mul3A_69, %add3A_340 : i32
      %mul3A_342 = arith.constant 64 : i32
      %mul3A_343 = arith.muli %add3A_341, %mul3A_342 : i32
      %add3A_344 = arith.constant 16 : i32
      %add3A_345 = arith.addi %mul3A_343, %add3A_344 : i32
      %swap3A_346 = arith.index_cast %add3A_345 : i32 to index
      %swap3A_347 = tpu.vector_load %arg6[%swap3A_346] {strides = array<i32>} : memref<8192xf32, #tpu.memory_space<vmem>>, vector<16xf32>,
      tpu.vector_store %arg6[%swap3A_346], %broadcast_in_dim3A_339 {strides = array<i32>} : memref<8192xf32, #tpu.memory_space<vmem>>, vector<16xf32>,
      %slice3A_348 = vector.extract_strided_slice %get3A_248 {offsets = [9], sizes = [1], strides = [1]} : vector<16xf32> to vector<1xf32>
      %squeeze3A_349 = vector.extract %slice3A_348[0] : f32 from vector<1xf32>
      %broadcast_in_dim3A_350 = vector.broadcast %squeeze3A_349 : f32 to vector<16xf32>
      %add3A_351 = arith.constant 9 : i32
      %add3A_352 = arith.addi %mul3A_69, %add3A_351 : i32
      %mul3A_353 = arith.constant 64 : i32
      %mul3A_354 = arith.muli %add3A_352, %mul3A_353 : i32
      %add3A_355 = arith.constant 16 : i32
      %add3A_356 = arith.addi %mul3A_354, %add3A_355 : i32
      %swap3A_357 = arith.index_cast %add3A_356 : i32 to index
      %swap3A_358 = tpu.vector_load %arg6[%swap3A_357] {strides = array<i32>} : memref<8192xf32, #tpu.memory_space<vmem>>, vector<16xf32>,
      tpu.vector_store %arg6[%swap3A_357], %broadcast_in_dim3A_350 {strides = array<i32>} : memref<8192xf32, #tpu.memory_space<vmem>>, vector<16xf32>,
      %slice3A_359 = vector.extract_strided_slice %get3A_248 {offsets = [10], sizes = [1], strides = [1]} : vector<16xf32> to vector<1xf32>
      %squeeze3A_360 = vector.extract %slice3A_359[0] : f32 from vector<1xf32>
      %broadcast_in_dim3A_361 = vector.broadcast %squeeze3A_360 : f32 to vector<16xf32>
      %add3A_362 = arith.constant 10 : i32
      %add3A_363 = arith.addi %mul3A_69, %add3A_362 : i32
      %mul3A_364 = arith.constant 64 : i32
      %mul3A_365 = arith.muli %add3A_363, %mul3A_364 : i32
      %add3A_366 = arith.constant 16 : i32
      %add3A_367 = arith.addi %mul3A_365, %add3A_366 : i32
      %swap3A_368 = arith.index_cast %add3A_367 : i32 to index
      %swap3A_369 = tpu.vector_load %arg6[%swap3A_368] {strides = array<i32>} : memref<8192xf32, #tpu.memory_space<vmem>>, vector<16xf32>,
      tpu.vector_store %arg6[%swap3A_368], %broadcast_in_dim3A_361 {strides = array<i32>} : memref<8192xf32, #tpu.memory_space<vmem>>, vector<16xf32>,
      %slice3A_370 = vector.extract_strided_slice %get3A_248 {offsets = [11], sizes = [1], strides = [1]} : vector<16xf32> to vector<1xf32>
      %squeeze3A_371 = vector.extract %slice3A_370[0] : f32 from vector<1xf32>
      %broadcast_in_dim3A_372 = vector.broadcast %squeeze3A_371 : f32 to vector<16xf32>
      %add3A_373 = arith.constant 11 : i32
      %add3A_374 = arith.addi %mul3A_69, %add3A_373 : i32
      %mul3A_375 = arith.constant 64 : i32
      %mul3A_376 = arith.muli %add3A_374, %mul3A_375 : i32
      %add3A_377 = arith.constant 16 : i32
      %add3A_378 = arith.addi %mul3A_376, %add3A_377 : i32
      %swap3A_379 = arith.index_cast %add3A_378 : i32 to index
      %swap3A_380 = tpu.vector_load %arg6[%swap3A_379] {strides = array<i32>} : memref<8192xf32, #tpu.memory_space<vmem>>, vector<16xf32>,
      tpu.vector_store %arg6[%swap3A_379], %broadcast_in_dim3A_372 {strides = array<i32>} : memref<8192xf32, #tpu.memory_space<vmem>>, vector<16xf32>,
      %slice3A_381 = vector.extract_strided_slice %get3A_248 {offsets = [12], sizes = [1], strides = [1]} : vector<16xf32> to vector<1xf32>
      %squeeze3A_382 = vector.extract %slice3A_381[0] : f32 from vector<1xf32>
      %broadcast_in_dim3A_383 = vector.broadcast %squeeze3A_382 : f32 to vector<16xf32>
      %add3A_384 = arith.constant 12 : i32
      %add3A_385 = arith.addi %mul3A_69, %add3A_384 : i32
      %mul3A_386 = arith.constant 64 : i32
      %mul3A_387 = arith.muli %add3A_385, %mul3A_386 : i32
      %add3A_388 = arith.constant 16 : i32
      %add3A_389 = arith.addi %mul3A_387, %add3A_388 : i32
      %swap3A_390 = arith.index_cast %add3A_389 : i32 to index
      %swap3A_391 = tpu.vector_load %arg6[%swap3A_390] {strides = array<i32>} : memref<8192xf32, #tpu.memory_space<vmem>>, vector<16xf32>,
      tpu.vector_store %arg6[%swap3A_390], %broadcast_in_dim3A_383 {strides = array<i32>} : memref<8192xf32, #tpu.memory_space<vmem>>, vector<16xf32>,
      %slice3A_392 = vector.extract_strided_slice %get3A_248 {offsets = [13], sizes = [1], strides = [1]} : vector<16xf32> to vector<1xf32>
      %squeeze3A_393 = vector.extract %slice3A_392[0] : f32 from vector<1xf32>
      %broadcast_in_dim3A_394 = vector.broadcast %squeeze3A_393 : f32 to vector<16xf32>
      %add3A_395 = arith.constant 13 : i32
      %add3A_396 = arith.addi %mul3A_69, %add3A_395 : i32
      %mul3A_397 = arith.constant 64 : i32
      %mul3A_398 = arith.muli %add3A_396, %mul3A_397 : i32
      %add3A_399 = arith.constant 16 : i32
      %add3A_400 = arith.addi %mul3A_398, %add3A_399 : i32
      %swap3A_401 = arith.index_cast %add3A_400 : i32 to index
      %swap3A_402 = tpu.vector_load %arg6[%swap3A_401] {strides = array<i32>} : memref<8192xf32, #tpu.memory_space<vmem>>, vector<16xf32>,
      tpu.vector_store %arg6[%swap3A_401], %broadcast_in_dim3A_394 {strides = array<i32>} : memref<8192xf32, #tpu.memory_space<vmem>>, vector<16xf32>,
      %slice3A_403 = vector.extract_strided_slice %get3A_248 {offsets = [14], sizes = [1], strides = [1]} : vector<16xf32> to vector<1xf32>
      %squeeze3A_404 = vector.extract %slice3A_403[0] : f32 from vector<1xf32>
      %broadcast_in_dim3A_405 = vector.broadcast %squeeze3A_404 : f32 to vector<16xf32>
      %add3A_406 = arith.constant 14 : i32
      %add3A_407 = arith.addi %mul3A_69, %add3A_406 : i32
      %mul3A_408 = arith.constant 64 : i32
      %mul3A_409 = arith.muli %add3A_407, %mul3A_408 : i32
      %add3A_410 = arith.constant 16 : i32
      %add3A_411 = arith.addi %mul3A_409, %add3A_410 : i32
      %swap3A_412 = arith.index_cast %add3A_411 : i32 to index
      %swap3A_413 = tpu.vector_load %arg6[%swap3A_412] {strides = array<i32>} : memref<8192xf32, #tpu.memory_space<vmem>>, vector<16xf32>,
      tpu.vector_store %arg6[%swap3A_412], %broadcast_in_dim3A_405 {strides = array<i32>} : memref<8192xf32, #tpu.memory_space<vmem>>, vector<16xf32>,
      %slice3A_414 = vector.extract_strided_slice %get3A_248 {offsets = [15], sizes = [1], strides = [1]} : vector<16xf32> to vector<1xf32>
      %squeeze3A_415 = vector.extract %slice3A_414[0] : f32 from vector<1xf32>
      %broadcast_in_dim3A_416 = vector.broadcast %squeeze3A_415 : f32 to vector<16xf32>
      %add3A_417 = arith.constant 15 : i32
      %add3A_418 = arith.addi %mul3A_69, %add3A_417 : i32
      %mul3A_419 = arith.constant 64 : i32
      %mul3A_420 = arith.muli %add3A_418, %mul3A_419 : i32
      %add3A_421 = arith.constant 16 : i32
      %add3A_422 = arith.addi %mul3A_420, %add3A_421 : i32
      %swap3A_423 = arith.index_cast %add3A_422 : i32 to index
      %swap3A_424 = tpu.vector_load %arg6[%swap3A_423] {strides = array<i32>} : memref<8192xf32, #tpu.memory_space<vmem>>, vector<16xf32>,
      tpu.vector_store %arg6[%swap3A_423], %broadcast_in_dim3A_416 {strides = array<i32>} : memref<8192xf32, #tpu.memory_space<vmem>>, vector<16xf32>,
      %get3A_425 = arith.constant 2 : i32
      %get3A_426 = arith.index_cast %get3A_425 : i32 to index
      %get3A_427 = arith.index_cast %mul3A_69 : i32 to index
      %get3A_428 = tpu.vector_load %arg5[%get3A_426, %get3A_427] {strides = array<i32>} : memref<4x128xf32, #tpu.memory_space<vmem>>, vector<16xf32>,
      %slice3A_429 = vector.extract_strided_slice %get3A_428 {offsets = [0], sizes = [1], strides = [1]} : vector<16xf32> to vector<1xf32>
      %squeeze3A_430 = vector.extract %slice3A_429[0] : f32 from vector<1xf32>
      %broadcast_in_dim3A_431 = vector.broadcast %squeeze3A_430 : f32 to vector<16xf32>
      %add3A_432 = arith.constant 0 : i32
      %add3A_433 = arith.addi %mul3A_69, %add3A_432 : i32
      %mul3A_434 = arith.constant 64 : i32
      %mul3A_435 = arith.muli %add3A_433, %mul3A_434 : i32
      %add3A_436 = arith.constant 32 : i32
      %add3A_437 = arith.addi %mul3A_435, %add3A_436 : i32
      %swap3A_438 = arith.index_cast %add3A_437 : i32 to index
      %swap3A_439 = tpu.vector_load %arg6[%swap3A_438] {strides = array<i32>} : memref<8192xf32, #tpu.memory_space<vmem>>, vector<16xf32>,
      tpu.vector_store %arg6[%swap3A_438], %broadcast_in_dim3A_431 {strides = array<i32>} : memref<8192xf32, #tpu.memory_space<vmem>>, vector<16xf32>,
      %slice3A_440 = vector.extract_strided_slice %get3A_428 {offsets = [1], sizes = [1], strides = [1]} : vector<16xf32> to vector<1xf32>
      %squeeze3A_441 = vector.extract %slice3A_440[0] : f32 from vector<1xf32>
      %broadcast_in_dim3A_442 = vector.broadcast %squeeze3A_441 : f32 to vector<16xf32>
      %add3A_443 = arith.constant 1 : i32
      %add3A_444 = arith.addi %mul3A_69, %add3A_443 : i32
      %mul3A_445 = arith.constant 64 : i32
      %mul3A_446 = arith.muli %add3A_444, %mul3A_445 : i32
      %add3A_447 = arith.constant 32 : i32
      %add3A_448 = arith.addi %mul3A_446, %add3A_447 : i32
      %swap3A_449 = arith.index_cast %add3A_448 : i32 to index
      %swap3A_450 = tpu.vector_load %arg6[%swap3A_449] {strides = array<i32>} : memref<8192xf32, #tpu.memory_space<vmem>>, vector<16xf32>,
      tpu.vector_store %arg6[%swap3A_449], %broadcast_in_dim3A_442 {strides = array<i32>} : memref<8192xf32, #tpu.memory_space<vmem>>, vector<16xf32>,
      %slice3A_451 = vector.extract_strided_slice %get3A_428 {offsets = [2], sizes = [1], strides = [1]} : vector<16xf32> to vector<1xf32>
      %squeeze3A_452 = vector.extract %slice3A_451[0] : f32 from vector<1xf32>
      %broadcast_in_dim3A_453 = vector.broadcast %squeeze3A_452 : f32 to vector<16xf32>
      %add3A_454 = arith.constant 2 : i32
      %add3A_455 = arith.addi %mul3A_69, %add3A_454 : i32
      %mul3A_456 = arith.constant 64 : i32
      %mul3A_457 = arith.muli %add3A_455, %mul3A_456 : i32
      %add3A_458 = arith.constant 32 : i32
      %add3A_459 = arith.addi %mul3A_457, %add3A_458 : i32
      %swap3A_460 = arith.index_cast %add3A_459 : i32 to index
      %swap3A_461 = tpu.vector_load %arg6[%swap3A_460] {strides = array<i32>} : memref<8192xf32, #tpu.memory_space<vmem>>, vector<16xf32>,
      tpu.vector_store %arg6[%swap3A_460], %broadcast_in_dim3A_453 {strides = array<i32>} : memref<8192xf32, #tpu.memory_space<vmem>>, vector<16xf32>,
      %slice3A_462 = vector.extract_strided_slice %get3A_428 {offsets = [3], sizes = [1], strides = [1]} : vector<16xf32> to vector<1xf32>
      %squeeze3A_463 = vector.extract %slice3A_462[0] : f32 from vector<1xf32>
      %broadcast_in_dim3A_464 = vector.broadcast %squeeze3A_463 : f32 to vector<16xf32>
      %add3A_465 = arith.constant 3 : i32
      %add3A_466 = arith.addi %mul3A_69, %add3A_465 : i32
      %mul3A_467 = arith.constant 64 : i32
      %mul3A_468 = arith.muli %add3A_466, %mul3A_467 : i32
      %add3A_469 = arith.constant 32 : i32
      %add3A_470 = arith.addi %mul3A_468, %add3A_469 : i32
      %swap3A_471 = arith.index_cast %add3A_470 : i32 to index
      %swap3A_472 = tpu.vector_load %arg6[%swap3A_471] {strides = array<i32>} : memref<8192xf32, #tpu.memory_space<vmem>>, vector<16xf32>,
      tpu.vector_store %arg6[%swap3A_471], %broadcast_in_dim3A_464 {strides = array<i32>} : memref<8192xf32, #tpu.memory_space<vmem>>, vector<16xf32>,
      %slice3A_473 = vector.extract_strided_slice %get3A_428 {offsets = [4], sizes = [1], strides = [1]} : vector<16xf32> to vector<1xf32>
      %squeeze3A_474 = vector.extract %slice3A_473[0] : f32 from vector<1xf32>
      %broadcast_in_dim3A_475 = vector.broadcast %squeeze3A_474 : f32 to vector<16xf32>
      %add3A_476 = arith.constant 4 : i32
      %add3A_477 = arith.addi %mul3A_69, %add3A_476 : i32
      %mul3A_478 = arith.constant 64 : i32
      %mul3A_479 = arith.muli %add3A_477, %mul3A_478 : i32
      %add3A_480 = arith.constant 32 : i32
      %add3A_481 = arith.addi %mul3A_479, %add3A_480 : i32
      %swap3A_482 = arith.index_cast %add3A_481 : i32 to index
      %swap3A_483 = tpu.vector_load %arg6[%swap3A_482] {strides = array<i32>} : memref<8192xf32, #tpu.memory_space<vmem>>, vector<16xf32>,
      tpu.vector_store %arg6[%swap3A_482], %broadcast_in_dim3A_475 {strides = array<i32>} : memref<8192xf32, #tpu.memory_space<vmem>>, vector<16xf32>,
      %slice3A_484 = vector.extract_strided_slice %get3A_428 {offsets = [5], sizes = [1], strides = [1]} : vector<16xf32> to vector<1xf32>
      %squeeze3A_485 = vector.extract %slice3A_484[0] : f32 from vector<1xf32>
      %broadcast_in_dim3A_486 = vector.broadcast %squeeze3A_485 : f32 to vector<16xf32>
      %add3A_487 = arith.constant 5 : i32
      %add3A_488 = arith.addi %mul3A_69, %add3A_487 : i32
      %mul3A_489 = arith.constant 64 : i32
      %mul3A_490 = arith.muli %add3A_488, %mul3A_489 : i32
      %add3A_491 = arith.constant 32 : i32
      %add3A_492 = arith.addi %mul3A_490, %add3A_491 : i32
      %swap3A_493 = arith.index_cast %add3A_492 : i32 to index
      %swap3A_494 = tpu.vector_load %arg6[%swap3A_493] {strides = array<i32>} : memref<8192xf32, #tpu.memory_space<vmem>>, vector<16xf32>,
      tpu.vector_store %arg6[%swap3A_493], %broadcast_in_dim3A_486 {strides = array<i32>} : memref<8192xf32, #tpu.memory_space<vmem>>, vector<16xf32>,
      %slice3A_495 = vector.extract_strided_slice %get3A_428 {offsets = [6], sizes = [1], strides = [1]} : vector<16xf32> to vector<1xf32>
      %squeeze3A_496 = vector.extract %slice3A_495[0] : f32 from vector<1xf32>
      %broadcast_in_dim3A_497 = vector.broadcast %squeeze3A_496 : f32 to vector<16xf32>
      %add3A_498 = arith.constant 6 : i32
      %add3A_499 = arith.addi %mul3A_69, %add3A_498 : i32
      %mul3A_500 = arith.constant 64 : i32
      %mul3A_501 = arith.muli %add3A_499, %mul3A_500 : i32
      %add3A_502 = arith.constant 32 : i32
      %add3A_503 = arith.addi %mul3A_501, %add3A_502 : i32
      %swap3A_504 = arith.index_cast %add3A_503 : i32 to index
      %swap3A_505 = tpu.vector_load %arg6[%swap3A_504] {strides = array<i32>} : memref<8192xf32, #tpu.memory_space<vmem>>, vector<16xf32>,
      tpu.vector_store %arg6[%swap3A_504], %broadcast_in_dim3A_497 {strides = array<i32>} : memref<8192xf32, #tpu.memory_space<vmem>>, vector<16xf32>,
      %slice3A_506 = vector.extract_strided_slice %get3A_428 {offsets = [7], sizes = [1], strides = [1]} : vector<16xf32> to vector<1xf32>
      %squeeze3A_507 = vector.extract %slice3A_506[0] : f32 from vector<1xf32>
      %broadcast_in_dim3A_508 = vector.broadcast %squeeze3A_507 : f32 to vector<16xf32>
      %add3A_509 = arith.constant 7 : i32
      %add3A_510 = arith.addi %mul3A_69, %add3A_509 : i32
      %mul3A_511 = arith.constant 64 : i32
      %mul3A_512 = arith.muli %add3A_510, %mul3A_511 : i32
      %add3A_513 = arith.constant 32 : i32
      %add3A_514 = arith.addi %mul3A_512, %add3A_513 : i32
      %swap3A_515 = arith.index_cast %add3A_514 : i32 to index
      %swap3A_516 = tpu.vector_load %arg6[%swap3A_515] {strides = array<i32>} : memref<8192xf32, #tpu.memory_space<vmem>>, vector<16xf32>,
      tpu.vector_store %arg6[%swap3A_515], %broadcast_in_dim3A_508 {strides = array<i32>} : memref<8192xf32, #tpu.memory_space<vmem>>, vector<16xf32>,
      %slice3A_517 = vector.extract_strided_slice %get3A_428 {offsets = [8], sizes = [1], strides = [1]} : vector<16xf32> to vector<1xf32>
      %squeeze3A_518 = vector.extract %slice3A_517[0] : f32 from vector<1xf32>
      %broadcast_in_dim3A_519 = vector.broadcast %squeeze3A_518 : f32 to vector<16xf32>
      %add3A_520 = arith.constant 8 : i32
      %add3A_521 = arith.addi %mul3A_69, %add3A_520 : i32
      %mul3A_522 = arith.constant 64 : i32
      %mul3A_523 = arith.muli %add3A_521, %mul3A_522 : i32
      %add3A_524 = arith.constant 32 : i32
      %add3A_525 = arith.addi %mul3A_523, %add3A_524 : i32
      %swap3A_526 = arith.index_cast %add3A_525 : i32 to index
      %swap3A_527 = tpu.vector_load %arg6[%swap3A_526] {strides = array<i32>} : memref<8192xf32, #tpu.memory_space<vmem>>, vector<16xf32>,
      tpu.vector_store %arg6[%swap3A_526], %broadcast_in_dim3A_519 {strides = array<i32>} : memref<8192xf32, #tpu.memory_space<vmem>>, vector<16xf32>,
      %slice3A_528 = vector.extract_strided_slice %get3A_428 {offsets = [9], sizes = [1], strides = [1]} : vector<16xf32> to vector<1xf32>
      %squeeze3A_529 = vector.extract %slice3A_528[0] : f32 from vector<1xf32>
      %broadcast_in_dim3A_530 = vector.broadcast %squeeze3A_529 : f32 to vector<16xf32>
      %add3A_531 = arith.constant 9 : i32
      %add3A_532 = arith.addi %mul3A_69, %add3A_531 : i32
      %mul3A_533 = arith.constant 64 : i32
      %mul3A_534 = arith.muli %add3A_532, %mul3A_533 : i32
      %add3A_535 = arith.constant 32 : i32
      %add3A_536 = arith.addi %mul3A_534, %add3A_535 : i32
      %swap3A_537 = arith.index_cast %add3A_536 : i32 to index
      %swap3A_538 = tpu.vector_load %arg6[%swap3A_537] {strides = array<i32>} : memref<8192xf32, #tpu.memory_space<vmem>>, vector<16xf32>,
      tpu.vector_store %arg6[%swap3A_537], %broadcast_in_dim3A_530 {strides = array<i32>} : memref<8192xf32, #tpu.memory_space<vmem>>, vector<16xf32>,
      %slice3A_539 = vector.extract_strided_slice %get3A_428 {offsets = [10], sizes = [1], strides = [1]} : vector<16xf32> to vector<1xf32>
      %squeeze3A_540 = vector.extract %slice3A_539[0] : f32 from vector<1xf32>
      %broadcast_in_dim3A_541 = vector.broadcast %squeeze3A_540 : f32 to vector<16xf32>
      %add3A_542 = arith.constant 10 : i32
      %add3A_543 = arith.addi %mul3A_69, %add3A_542 : i32
      %mul3A_544 = arith.constant 64 : i32
      %mul3A_545 = arith.muli %add3A_543, %mul3A_544 : i32
      %add3A_546 = arith.constant 32 : i32
      %add3A_547 = arith.addi %mul3A_545, %add3A_546 : i32
      %swap3A_548 = arith.index_cast %add3A_547 : i32 to index
      %swap3A_549 = tpu.vector_load %arg6[%swap3A_548] {strides = array<i32>} : memref<8192xf32, #tpu.memory_space<vmem>>, vector<16xf32>,
      tpu.vector_store %arg6[%swap3A_548], %broadcast_in_dim3A_541 {strides = array<i32>} : memref<8192xf32, #tpu.memory_space<vmem>>, vector<16xf32>,
      %slice3A_550 = vector.extract_strided_slice %get3A_428 {offsets = [11], sizes = [1], strides = [1]} : vector<16xf32> to vector<1xf32>
      %squeeze3A_551 = vector.extract %slice3A_550[0] : f32 from vector<1xf32>
      %broadcast_in_dim3A_552 = vector.broadcast %squeeze3A_551 : f32 to vector<16xf32>
      %add3A_553 = arith.constant 11 : i32
      %add3A_554 = arith.addi %mul3A_69, %add3A_553 : i32
      %mul3A_555 = arith.constant 64 : i32
      %mul3A_556 = arith.muli %add3A_554, %mul3A_555 : i32
      %add3A_557 = arith.constant 32 : i32
      %add3A_558 = arith.addi %mul3A_556, %add3A_557 : i32
      %swap3A_559 = arith.index_cast %add3A_558 : i32 to index
      %swap3A_560 = tpu.vector_load %arg6[%swap3A_559] {strides = array<i32>} : memref<8192xf32, #tpu.memory_space<vmem>>, vector<16xf32>,
      tpu.vector_store %arg6[%swap3A_559], %broadcast_in_dim3A_552 {strides = array<i32>} : memref<8192xf32, #tpu.memory_space<vmem>>, vector<16xf32>,
      %slice3A_561 = vector.extract_strided_slice %get3A_428 {offsets = [12], sizes = [1], strides = [1]} : vector<16xf32> to vector<1xf32>
      %squeeze3A_562 = vector.extract %slice3A_561[0] : f32 from vector<1xf32>
      %broadcast_in_dim3A_563 = vector.broadcast %squeeze3A_562 : f32 to vector<16xf32>
      %add3A_564 = arith.constant 12 : i32
      %add3A_565 = arith.addi %mul3A_69, %add3A_564 : i32
      %mul3A_566 = arith.constant 64 : i32
      %mul3A_567 = arith.muli %add3A_565, %mul3A_566 : i32
      %add3A_568 = arith.constant 32 : i32
      %add3A_569 = arith.addi %mul3A_567, %add3A_568 : i32
      %swap3A_570 = arith.index_cast %add3A_569 : i32 to index
      %swap3A_571 = tpu.vector_load %arg6[%swap3A_570] {strides = array<i32>} : memref<8192xf32, #tpu.memory_space<vmem>>, vector<16xf32>,
      tpu.vector_store %arg6[%swap3A_570], %broadcast_in_dim3A_563 {strides = array<i32>} : memref<8192xf32, #tpu.memory_space<vmem>>, vector<16xf32>,
      %slice3A_572 = vector.extract_strided_slice %get3A_428 {offsets = [13], sizes = [1], strides = [1]} : vector<16xf32> to vector<1xf32>
      %squeeze3A_573 = vector.extract %slice3A_572[0] : f32 from vector<1xf32>
      %broadcast_in_dim3A_574 = vector.broadcast %squeeze3A_573 : f32 to vector<16xf32>
      %add3A_575 = arith.constant 13 : i32
      %add3A_576 = arith.addi %mul3A_69, %add3A_575 : i32
      %mul3A_577 = arith.constant 64 : i32
      %mul3A_578 = arith.muli %add3A_576, %mul3A_577 : i32
      %add3A_579 = arith.constant 32 : i32
      %add3A_580 = arith.addi %mul3A_578, %add3A_579 : i32
      %swap3A_581 = arith.index_cast %add3A_580 : i32 to index
      %swap3A_582 = tpu.vector_load %arg6[%swap3A_581] {strides = array<i32>} : memref<8192xf32, #tpu.memory_space<vmem>>, vector<16xf32>,
      tpu.vector_store %arg6[%swap3A_581], %broadcast_in_dim3A_574 {strides = array<i32>} : memref<8192xf32, #tpu.memory_space<vmem>>, vector<16xf32>,
      %slice3A_583 = vector.extract_strided_slice %get3A_428 {offsets = [14], sizes = [1], strides = [1]} : vector<16xf32> to vector<1xf32>
      %squeeze3A_584 = vector.extract %slice3A_583[0] : f32 from vector<1xf32>
      %broadcast_in_dim3A_585 = vector.broadcast %squeeze3A_584 : f32 to vector<16xf32>
      %add3A_586 = arith.constant 14 : i32
      %add3A_587 = arith.addi %mul3A_69, %add3A_586 : i32
      %mul3A_588 = arith.constant 64 : i32
      %mul3A_589 = arith.muli %add3A_587, %mul3A_588 : i32
      %add3A_590 = arith.constant 32 : i32
      %add3A_591 = arith.addi %mul3A_589, %add3A_590 : i32
      %swap3A_592 = arith.index_cast %add3A_591 : i32 to index
      %swap3A_593 = tpu.vector_load %arg6[%swap3A_592] {strides = array<i32>} : memref<8192xf32, #tpu.memory_space<vmem>>, vector<16xf32>,
      tpu.vector_store %arg6[%swap3A_592], %broadcast_in_dim3A_585 {strides = array<i32>} : memref<8192xf32, #tpu.memory_space<vmem>>, vector<16xf32>,
      %slice3A_594 = vector.extract_strided_slice %get3A_428 {offsets = [15], sizes = [1], strides = [1]} : vector<16xf32> to vector<1xf32>
      %squeeze3A_595 = vector.extract %slice3A_594[0] : f32 from vector<1xf32>
      %broadcast_in_dim3A_596 = vector.broadcast %squeeze3A_595 : f32 to vector<16xf32>
      %add3A_597 = arith.constant 15 : i32
      %add3A_598 = arith.addi %mul3A_69, %add3A_597 : i32
      %mul3A_599 = arith.constant 64 : i32
      %mul3A_600 = arith.muli %add3A_598, %mul3A_599 : i32
      %add3A_601 = arith.constant 32 : i32
      %add3A_602 = arith.addi %mul3A_600, %add3A_601 : i32
      %swap3A_603 = arith.index_cast %add3A_602 : i32 to index
      %swap3A_604 = tpu.vector_load %arg6[%swap3A_603] {strides = array<i32>} : memref<8192xf32, #tpu.memory_space<vmem>>, vector<16xf32>,
      tpu.vector_store %arg6[%swap3A_603], %broadcast_in_dim3A_596 {strides = array<i32>} : memref<8192xf32, #tpu.memory_space<vmem>>, vector<16xf32>,
      %get3A_605 = arith.constant 3 : i32
      %get3A_606 = arith.index_cast %get3A_605 : i32 to index
      %get3A_607 = arith.index_cast %mul3A_69 : i32 to index
      %get3A_608 = tpu.vector_load %arg5[%get3A_606, %get3A_607] {strides = array<i32>} : memref<4x128xf32, #tpu.memory_space<vmem>>, vector<16xf32>,
      %slice3A_609 = vector.extract_strided_slice %get3A_608 {offsets = [0], sizes = [1], strides = [1]} : vector<16xf32> to vector<1xf32>
      %squeeze3A_610 = vector.extract %slice3A_609[0] : f32 from vector<1xf32>
      %broadcast_in_dim3A_611 = vector.broadcast %squeeze3A_610 : f32 to vector<16xf32>
      %add3A_612 = arith.constant 0 : i32
      %add3A_613 = arith.addi %mul3A_69, %add3A_612 : i32
      %mul3A_614 = arith.constant 64 : i32
      %mul3A_615 = arith.muli %add3A_613, %mul3A_614 : i32
      %add3A_616 = arith.constant 48 : i32
      %add3A_617 = arith.addi %mul3A_615, %add3A_616 : i32
      %swap3A_618 = arith.index_cast %add3A_617 : i32 to index
      %swap3A_619 = tpu.vector_load %arg6[%swap3A_618] {strides = array<i32>} : memref<8192xf32, #tpu.memory_space<vmem>>, vector<16xf32>,
      tpu.vector_store %arg6[%swap3A_618], %broadcast_in_dim3A_611 {strides = array<i32>} : memref<8192xf32, #tpu.memory_space<vmem>>, vector<16xf32>,
      %slice3A_620 = vector.extract_strided_slice %get3A_608 {offsets = [1], sizes = [1], strides = [1]} : vector<16xf32> to vector<1xf32>
      %squeeze3A_621 = vector.extract %slice3A_620[0] : f32 from vector<1xf32>
      %broadcast_in_dim3A_622 = vector.broadcast %squeeze3A_621 : f32 to vector<16xf32>
      %add3A_623 = arith.constant 1 : i32
      %add3A_624 = arith.addi %mul3A_69, %add3A_623 : i32
      %mul3A_625 = arith.constant 64 : i32
      %mul3A_626 = arith.muli %add3A_624, %mul3A_625 : i32
      %add3A_627 = arith.constant 48 : i32
      %add3A_628 = arith.addi %mul3A_626, %add3A_627 : i32
      %swap3A_629 = arith.index_cast %add3A_628 : i32 to index
      %swap3A_630 = tpu.vector_load %arg6[%swap3A_629] {strides = array<i32>} : memref<8192xf32, #tpu.memory_space<vmem>>, vector<16xf32>,
      tpu.vector_store %arg6[%swap3A_629], %broadcast_in_dim3A_622 {strides = array<i32>} : memref<8192xf32, #tpu.memory_space<vmem>>, vector<16xf32>,
      %slice3A_631 = vector.extract_strided_slice %get3A_608 {offsets = [2], sizes = [1], strides = [1]} : vector<16xf32> to vector<1xf32>
      %squeeze3A_632 = vector.extract %slice3A_631[0] : f32 from vector<1xf32>
      %broadcast_in_dim3A_633 = vector.broadcast %squeeze3A_632 : f32 to vector<16xf32>
      %add3A_634 = arith.constant 2 : i32
      %add3A_635 = arith.addi %mul3A_69, %add3A_634 : i32
      %mul3A_636 = arith.constant 64 : i32
      %mul3A_637 = arith.muli %add3A_635, %mul3A_636 : i32
      %add3A_638 = arith.constant 48 : i32
      %add3A_639 = arith.addi %mul3A_637, %add3A_638 : i32
      %swap3A_640 = arith.index_cast %add3A_639 : i32 to index
      %swap3A_641 = tpu.vector_load %arg6[%swap3A_640] {strides = array<i32>} : memref<8192xf32, #tpu.memory_space<vmem>>, vector<16xf32>,
      tpu.vector_store %arg6[%swap3A_640], %broadcast_in_dim3A_633 {strides = array<i32>} : memref<8192xf32, #tpu.memory_space<vmem>>, vector<16xf32>,
      %slice3A_642 = vector.extract_strided_slice %get3A_608 {offsets = [3], sizes = [1], strides = [1]} : vector<16xf32> to vector<1xf32>
      %squeeze3A_643 = vector.extract %slice3A_642[0] : f32 from vector<1xf32>
      %broadcast_in_dim3A_644 = vector.broadcast %squeeze3A_643 : f32 to vector<16xf32>
      %add3A_645 = arith.constant 3 : i32
      %add3A_646 = arith.addi %mul3A_69, %add3A_645 : i32
      %mul3A_647 = arith.constant 64 : i32
      %mul3A_648 = arith.muli %add3A_646, %mul3A_647 : i32
      %add3A_649 = arith.constant 48 : i32
      %add3A_650 = arith.addi %mul3A_648, %add3A_649 : i32
      %swap3A_651 = arith.index_cast %add3A_650 : i32 to index
      %swap3A_652 = tpu.vector_load %arg6[%swap3A_651] {strides = array<i32>} : memref<8192xf32, #tpu.memory_space<vmem>>, vector<16xf32>,
      tpu.vector_store %arg6[%swap3A_651], %broadcast_in_dim3A_644 {strides = array<i32>} : memref<8192xf32, #tpu.memory_space<vmem>>, vector<16xf32>,
      %slice3A_653 = vector.extract_strided_slice %get3A_608 {offsets = [4], sizes = [1], strides = [1]} : vector<16xf32> to vector<1xf32>
      %squeeze3A_654 = vector.extract %slice3A_653[0] : f32 from vector<1xf32>
      %broadcast_in_dim3A_655 = vector.broadcast %squeeze3A_654 : f32 to vector<16xf32>
      %add3A_656 = arith.constant 4 : i32
      %add3A_657 = arith.addi %mul3A_69, %add3A_656 : i32
      %mul3A_658 = arith.constant 64 : i32
      %mul3A_659 = arith.muli %add3A_657, %mul3A_658 : i32
      %add3A_660 = arith.constant 48 : i32
      %add3A_661 = arith.addi %mul3A_659, %add3A_660 : i32
      %swap3A_662 = arith.index_cast %add3A_661 : i32 to index
      %swap3A_663 = tpu.vector_load %arg6[%swap3A_662] {strides = array<i32>} : memref<8192xf32, #tpu.memory_space<vmem>>, vector<16xf32>,
      tpu.vector_store %arg6[%swap3A_662], %broadcast_in_dim3A_655 {strides = array<i32>} : memref<8192xf32, #tpu.memory_space<vmem>>, vector<16xf32>,
      %slice3A_664 = vector.extract_strided_slice %get3A_608 {offsets = [5], sizes = [1], strides = [1]} : vector<16xf32> to vector<1xf32>
      %squeeze3A_665 = vector.extract %slice3A_664[0] : f32 from vector<1xf32>
      %broadcast_in_dim3A_666 = vector.broadcast %squeeze3A_665 : f32 to vector<16xf32>
      %add3A_667 = arith.constant 5 : i32
      %add3A_668 = arith.addi %mul3A_69, %add3A_667 : i32
      %mul3A_669 = arith.constant 64 : i32
      %mul3A_670 = arith.muli %add3A_668, %mul3A_669 : i32
      %add3A_671 = arith.constant 48 : i32
      %add3A_672 = arith.addi %mul3A_670, %add3A_671 : i32
      %swap3A_673 = arith.index_cast %add3A_672 : i32 to index
      %swap3A_674 = tpu.vector_load %arg6[%swap3A_673] {strides = array<i32>} : memref<8192xf32, #tpu.memory_space<vmem>>, vector<16xf32>,
      tpu.vector_store %arg6[%swap3A_673], %broadcast_in_dim3A_666 {strides = array<i32>} : memref<8192xf32, #tpu.memory_space<vmem>>, vector<16xf32>,
      %slice3A_675 = vector.extract_strided_slice %get3A_608 {offsets = [6], sizes = [1], strides = [1]} : vector<16xf32> to vector<1xf32>
      %squeeze3A_676 = vector.extract %slice3A_675[0] : f32 from vector<1xf32>
      %broadcast_in_dim3A_677 = vector.broadcast %squeeze3A_676 : f32 to vector<16xf32>
      %add3A_678 = arith.constant 6 : i32
      %add3A_679 = arith.addi %mul3A_69, %add3A_678 : i32
      %mul3A_680 = arith.constant 64 : i32
      %mul3A_681 = arith.muli %add3A_679, %mul3A_680 : i32
      %add3A_682 = arith.constant 48 : i32
      %add3A_683 = arith.addi %mul3A_681, %add3A_682 : i32
      %swap3A_684 = arith.index_cast %add3A_683 : i32 to index
      %swap3A_685 = tpu.vector_load %arg6[%swap3A_684] {strides = array<i32>} : memref<8192xf32, #tpu.memory_space<vmem>>, vector<16xf32>,
      tpu.vector_store %arg6[%swap3A_684], %broadcast_in_dim3A_677 {strides = array<i32>} : memref<8192xf32, #tpu.memory_space<vmem>>, vector<16xf32>,
      %slice3A_686 = vector.extract_strided_slice %get3A_608 {offsets = [7], sizes = [1], strides = [1]} : vector<16xf32> to vector<1xf32>
      %squeeze3A_687 = vector.extract %slice3A_686[0] : f32 from vector<1xf32>
      %broadcast_in_dim3A_688 = vector.broadcast %squeeze3A_687 : f32 to vector<16xf32>
      %add3A_689 = arith.constant 7 : i32
      %add3A_690 = arith.addi %mul3A_69, %add3A_689 : i32
      %mul3A_691 = arith.constant 64 : i32
      %mul3A_692 = arith.muli %add3A_690, %mul3A_691 : i32
      %add3A_693 = arith.constant 48 : i32
      %add3A_694 = arith.addi %mul3A_692, %add3A_693 : i32
      %swap3A_695 = arith.index_cast %add3A_694 : i32 to index
      %swap3A_696 = tpu.vector_load %arg6[%swap3A_695] {strides = array<i32>} : memref<8192xf32, #tpu.memory_space<vmem>>, vector<16xf32>,
      tpu.vector_store %arg6[%swap3A_695], %broadcast_in_dim3A_688 {strides = array<i32>} : memref<8192xf32, #tpu.memory_space<vmem>>, vector<16xf32>,
      %slice3A_697 = vector.extract_strided_slice %get3A_608 {offsets = [8], sizes = [1], strides = [1]} : vector<16xf32> to vector<1xf32>
      %squeeze3A_698 = vector.extract %slice3A_697[0] : f32 from vector<1xf32>
      %broadcast_in_dim3A_699 = vector.broadcast %squeeze3A_698 : f32 to vector<16xf32>
      %add3A_700 = arith.constant 8 : i32
      %add3A_701 = arith.addi %mul3A_69, %add3A_700 : i32
      %mul3A_702 = arith.constant 64 : i32
      %mul3A_703 = arith.muli %add3A_701, %mul3A_702 : i32
      %add3A_704 = arith.constant 48 : i32
      %add3A_705 = arith.addi %mul3A_703, %add3A_704 : i32
      %swap3A_706 = arith.index_cast %add3A_705 : i32 to index
      %swap3A_707 = tpu.vector_load %arg6[%swap3A_706] {strides = array<i32>} : memref<8192xf32, #tpu.memory_space<vmem>>, vector<16xf32>,
      tpu.vector_store %arg6[%swap3A_706], %broadcast_in_dim3A_699 {strides = array<i32>} : memref<8192xf32, #tpu.memory_space<vmem>>, vector<16xf32>,
      %slice3A_708 = vector.extract_strided_slice %get3A_608 {offsets = [9], sizes = [1], strides = [1]} : vector<16xf32> to vector<1xf32>
      %squeeze3A_709 = vector.extract %slice3A_708[0] : f32 from vector<1xf32>
      %broadcast_in_dim3A_710 = vector.broadcast %squeeze3A_709 : f32 to vector<16xf32>
      %add3A_711 = arith.constant 9 : i32
      %add3A_712 = arith.addi %mul3A_69, %add3A_711 : i32
      %mul3A_713 = arith.constant 64 : i32
      %mul3A_714 = arith.muli %add3A_712, %mul3A_713 : i32
      %add3A_715 = arith.constant 48 : i32
      %add3A_716 = arith.addi %mul3A_714, %add3A_715 : i32
      %swap3A_717 = arith.index_cast %add3A_716 : i32 to index
      %swap3A_718 = tpu.vector_load %arg6[%swap3A_717] {strides = array<i32>} : memref<8192xf32, #tpu.memory_space<vmem>>, vector<16xf32>,
      tpu.vector_store %arg6[%swap3A_717], %broadcast_in_dim3A_710 {strides = array<i32>} : memref<8192xf32, #tpu.memory_space<vmem>>, vector<16xf32>,
      %slice3A_719 = vector.extract_strided_slice %get3A_608 {offsets = [10], sizes = [1], strides = [1]} : vector<16xf32> to vector<1xf32>
      %squeeze3A_720 = vector.extract %slice3A_719[0] : f32 from vector<1xf32>
      %broadcast_in_dim3A_721 = vector.broadcast %squeeze3A_720 : f32 to vector<16xf32>
      %add3A_722 = arith.constant 10 : i32
      %add3A_723 = arith.addi %mul3A_69, %add3A_722 : i32
      %mul3A_724 = arith.constant 64 : i32
      %mul3A_725 = arith.muli %add3A_723, %mul3A_724 : i32
      %add3A_726 = arith.constant 48 : i32
      %add3A_727 = arith.addi %mul3A_725, %add3A_726 : i32
      %swap3A_728 = arith.index_cast %add3A_727 : i32 to index
      %swap3A_729 = tpu.vector_load %arg6[%swap3A_728] {strides = array<i32>} : memref<8192xf32, #tpu.memory_space<vmem>>, vector<16xf32>,
      tpu.vector_store %arg6[%swap3A_728], %broadcast_in_dim3A_721 {strides = array<i32>} : memref<8192xf32, #tpu.memory_space<vmem>>, vector<16xf32>,
      %slice3A_730 = vector.extract_strided_slice %get3A_608 {offsets = [11], sizes = [1], strides = [1]} : vector<16xf32> to vector<1xf32>
      %squeeze3A_731 = vector.extract %slice3A_730[0] : f32 from vector<1xf32>
      %broadcast_in_dim3A_732 = vector.broadcast %squeeze3A_731 : f32 to vector<16xf32>
      %add3A_733 = arith.constant 11 : i32
      %add3A_734 = arith.addi %mul3A_69, %add3A_733 : i32
      %mul3A_735 = arith.constant 64 : i32
      %mul3A_736 = arith.muli %add3A_734, %mul3A_735 : i32
      %add3A_737 = arith.constant 48 : i32
      %add3A_738 = arith.addi %mul3A_736, %add3A_737 : i32
      %swap3A_739 = arith.index_cast %add3A_738 : i32 to index
      %swap3A_740 = tpu.vector_load %arg6[%swap3A_739] {strides = array<i32>} : memref<8192xf32, #tpu.memory_space<vmem>>, vector<16xf32>,
      tpu.vector_store %arg6[%swap3A_739], %broadcast_in_dim3A_732 {strides = array<i32>} : memref<8192xf32, #tpu.memory_space<vmem>>, vector<16xf32>,
      %slice3A_741 = vector.extract_strided_slice %get3A_608 {offsets = [12], sizes = [1], strides = [1]} : vector<16xf32> to vector<1xf32>
      %squeeze3A_742 = vector.extract %slice3A_741[0] : f32 from vector<1xf32>
      %broadcast_in_dim3A_743 = vector.broadcast %squeeze3A_742 : f32 to vector<16xf32>
      %add3A_744 = arith.constant 12 : i32
      %add3A_745 = arith.addi %mul3A_69, %add3A_744 : i32
      %mul3A_746 = arith.constant 64 : i32
      %mul3A_747 = arith.muli %add3A_745, %mul3A_746 : i32
      %add3A_748 = arith.constant 48 : i32
      %add3A_749 = arith.addi %mul3A_747, %add3A_748 : i32
      %swap3A_750 = arith.index_cast %add3A_749 : i32 to index
      %swap3A_751 = tpu.vector_load %arg6[%swap3A_750] {strides = array<i32>} : memref<8192xf32, #tpu.memory_space<vmem>>, vector<16xf32>,
      tpu.vector_store %arg6[%swap3A_750], %broadcast_in_dim3A_743 {strides = array<i32>} : memref<8192xf32, #tpu.memory_space<vmem>>, vector<16xf32>,
      %slice3A_752 = vector.extract_strided_slice %get3A_608 {offsets = [13], sizes = [1], strides = [1]} : vector<16xf32> to vector<1xf32>
      %squeeze3A_753 = vector.extract %slice3A_752[0] : f32 from vector<1xf32>
      %broadcast_in_dim3A_754 = vector.broadcast %squeeze3A_753 : f32 to vector<16xf32>
      %add3A_755 = arith.constant 13 : i32
      %add3A_756 = arith.addi %mul3A_69, %add3A_755 : i32
      %mul3A_757 = arith.constant 64 : i32
      %mul3A_758 = arith.muli %add3A_756, %mul3A_757 : i32
      %add3A_759 = arith.constant 48 : i32
      %add3A_760 = arith.addi %mul3A_758, %add3A_759 : i32
      %swap3A_761 = arith.index_cast %add3A_760 : i32 to index
      %swap3A_762 = tpu.vector_load %arg6[%swap3A_761] {strides = array<i32>} : memref<8192xf32, #tpu.memory_space<vmem>>, vector<16xf32>,
      tpu.vector_store %arg6[%swap3A_761], %broadcast_in_dim3A_754 {strides = array<i32>} : memref<8192xf32, #tpu.memory_space<vmem>>, vector<16xf32>,
      %slice3A_763 = vector.extract_strided_slice %get3A_608 {offsets = [14], sizes = [1], strides = [1]} : vector<16xf32> to vector<1xf32>
      %squeeze3A_764 = vector.extract %slice3A_763[0] : f32 from vector<1xf32>
      %broadcast_in_dim3A_765 = vector.broadcast %squeeze3A_764 : f32 to vector<16xf32>
      %add3A_766 = arith.constant 14 : i32
      %add3A_767 = arith.addi %mul3A_69, %add3A_766 : i32
      %mul3A_768 = arith.constant 64 : i32
      %mul3A_769 = arith.muli %add3A_767, %mul3A_768 : i32
      %add3A_770 = arith.constant 48 : i32
      %add3A_771 = arith.addi %mul3A_769, %add3A_770 : i32
      %swap3A_772 = arith.index_cast %add3A_771 : i32 to index
      %swap3A_773 = tpu.vector_load %arg6[%swap3A_772] {strides = array<i32>} : memref<8192xf32, #tpu.memory_space<vmem>>, vector<16xf32>,
      tpu.vector_store %arg6[%swap3A_772], %broadcast_in_dim3A_765 {strides = array<i32>} : memref<8192xf32, #tpu.memory_space<vmem>>, vector<16xf32>,
      %slice3A_774 = vector.extract_strided_slice %get3A_608 {offsets = [15], sizes = [1], strides = [1]} : vector<16xf32> to vector<1xf32>
      %squeeze3A_775 = vector.extract %slice3A_774[0] : f32 from vector<1xf32>
      %broadcast_in_dim3A_776 = vector.broadcast %squeeze3A_775 : f32 to vector<16xf32>
      %add3A_777 = arith.constant 15 : i32
      %add3A_778 = arith.addi %mul3A_69, %add3A_777 : i32
      %mul3A_779 = arith.constant 64 : i32
      %mul3A_780 = arith.muli %add3A_778, %mul3A_779 : i32
      %add3A_781 = arith.constant 48 : i32
      %add3A_782 = arith.addi %mul3A_780, %add3A_781 : i32
      %swap3A_783 = arith.index_cast %add3A_782 : i32 to index
      %swap3A_784 = tpu.vector_load %arg6[%swap3A_783] {strides = array<i32>} : memref<8192xf32, #tpu.memory_space<vmem>>, vector<16xf32>,
      tpu.vector_store %arg6[%swap3A_783], %broadcast_in_dim3A_776 {strides = array<i32>} : memref<8192xf32, #tpu.memory_space<vmem>>, vector<16xf32>,
    }
    %scan3A_5 = arith.constant 8 : i32
    %iota3A = tpu.iota {dimensions = array<i32: 0>} : vector<16xi32>
    %add3A_6 = arith.constant 0 : i32
    %add3A_7 = vector.broadcast %add3A_6 : i32 to vector<16xi32>
    %add3A_8 = arith.addi %iota3A, %add3A_7 : vector<16xi32>
    %iota3A_9 = tpu.iota {dimensions = array<i32: 0>} : vector<16xi32>
    %add3A_10 = arith.constant 16 : i32
    %add3A_11 = vector.broadcast %add3A_10 : i32 to vector<16xi32>
    %add3A_12 = arith.addi %iota3A_9, %add3A_11 : vector<16xi32>
    %iota3A_13 = tpu.iota {dimensions = array<i32: 0>} : vector<16xi32>
    %add3A_14 = arith.constant 32 : i32
    %add3A_15 = vector.broadcast %add3A_14 : i32 to vector<16xi32>
    %add3A_16 = arith.addi %iota3A_13, %add3A_15 : vector<16xi32>
    %iota3A_17 = tpu.iota {dimensions = array<i32: 0>} : vector<16xi32>
    %add3A_18 = arith.constant 48 : i32
    %add3A_19 = vector.broadcast %add3A_18 : i32 to vector<16xi32>
    %add3A_20 = arith.addi %iota3A_17, %add3A_19 : vector<16xi32>
    %mul3A_21 = arith.constant 4 : i32
    %mul3A_22 = arith.muli %add3A, %mul3A_21 : i32
    %add3A_23 = arith.constant 0 : i32
    %add3A_24 = arith.addi %mul3A_22, %add3A_23 : i32
    %dma_start3A = arith.constant 0 : i32
    %dma_start3A_25 = arith.constant 0 : i32
    %dma_start3A_26 = tpu.memref_slice %arg3[%dma_start3A, %add3A_24, %dma_start3A_25] : memref<25x128x1024xi32, #tpu.memory_space<hbm>> -> memref<5x1x1024xi32, #tpu.memory_space<hbm>>
    %dma_start3A_27 = tpu.memref_squeeze %dma_start3A_26 : memref<5x1x1024xi32, #tpu.memory_space<hbm>> -> memref<5x1024xi32, #tpu.memory_space<hbm>>
    %dma_start3A_28 = arith.constant 0 : i32
    %dma_start3A_29 = arith.constant 0 : i32
    %dma_start3A_30 = tpu.memref_slice %arg3[%dma_start3A_28, %add3A_24, %dma_start3A_29] : memref<25x128x1024xi32, #tpu.memory_space<hbm>> -> memref<5x1x1024xi32, #tpu.memory_space<hbm>>
    %dma_start3A_31 = tpu.memref_squeeze %dma_start3A_30 : memref<5x1x1024xi32, #tpu.memory_space<hbm>> -> memref<5x1024xi32, #tpu.memory_space<hbm>>
    tpu.enqueue_dma source(%dma_start3A_31 : memref<5x1024xi32, #tpu.memory_space<hbm>>) target(%arg7 : memref<5x1024xi32, #tpu.memory_space<vmem>>) target_semaphore(%arg11 : memref<!tpu.dma_semaphore, #tpu.memory_space<semaphore_mem>>)
    %mul3A_32 = arith.constant 4 : i32
    %mul3A_33 = arith.muli %add3A, %mul3A_32 : i32
    %add3A_34 = arith.constant 0 : i32
    %add3A_35 = arith.addi %mul3A_33, %add3A_34 : i32
    %dma_start3A_36 = arith.constant 5 : i32
    %dma_start3A_37 = arith.constant 0 : i32
    %dma_start3A_38 = tpu.memref_slice %arg3[%dma_start3A_36, %add3A_35, %dma_start3A_37] : memref<25x128x1024xi32, #tpu.memory_space<hbm>> -> memref<5x1x1024xi32, #tpu.memory_space<hbm>>
    %dma_start3A_39 = tpu.memref_squeeze %dma_start3A_38 : memref<5x1x1024xi32, #tpu.memory_space<hbm>> -> memref<5x1024xi32, #tpu.memory_space<hbm>>
    %dma_start3A_40 = arith.constant 5 : i32
    %dma_start3A_41 = arith.constant 0 : i32
    %dma_start3A_42 = tpu.memref_slice %arg3[%dma_start3A_40, %add3A_35, %dma_start3A_41] : memref<25x128x1024xi32, #tpu.memory_space<hbm>> -> memref<5x1x1024xi32, #tpu.memory_space<hbm>>
    %dma_start3A_43 = tpu.memref_squeeze %dma_start3A_42 : memref<5x1x1024xi32, #tpu.memory_space<hbm>> -> memref<5x1024xi32, #tpu.memory_space<hbm>>
    tpu.enqueue_dma source(%dma_start3A_43 : memref<5x1024xi32, #tpu.memory_space<hbm>>) target(%arg8 : memref<5x1024xi32, #tpu.memory_space<vmem>>) target_semaphore(%arg12 : memref<!tpu.dma_semaphore, #tpu.memory_space<semaphore_mem>>)
    %scan3A_44 = arith.constant 0 : i32
    %scan3A_45 = arith.constant 0 : i32
    %scan3A_46 = arith.constant 10 : i32
    %scan3A_47 = arith.addi %scan3A_45, %scan3A_46 : i32
    %scan3A_48 = arith.constant 1 : i32
    scf.for %scan3A_67 = %scan3A_45 to %scan3A_47 step %scan3A_48  : i32 {
      %mul3A_68 = arith.constant 2 : i32
      %mul3A_69 = arith.muli %mul3A_68, %scan3A_67 : i32
      %add3A_70 = arith.constant 0 : i32
      %add3A_71 = arith.addi %mul3A_69, %add3A_70 : i32
      %dma_wait3A_72 = arith.constant 0 : i32
      %dma_wait3A_73 = arith.constant 0 : i32
      %dma_wait3A_74 = arith.constant 0 : i32
      %dma_wait3A_75 = tpu.memref_slice %arg3[%dma_wait3A_73, %dma_wait3A_72, %dma_wait3A_74] : memref<25x128x1024xi32, #tpu.memory_space<hbm>> -> memref<5x1x1024xi32, #tpu.memory_space<hbm>>
      %dma_wait3A_76 = tpu.memref_squeeze %dma_wait3A_75 : memref<5x1x1024xi32, #tpu.memory_space<hbm>> -> memref<5x1024xi32, #tpu.memory_space<hbm>>
      %dma_wait3A_77 = arith.constant 0 : i32
      %dma_wait3A_78 = arith.constant 0 : i32
      %dma_wait3A_79 = tpu.memref_slice %arg3[%dma_wait3A_77, %dma_wait3A_72, %dma_wait3A_78] : memref<25x128x1024xi32, #tpu.memory_space<hbm>> -> memref<5x1x1024xi32, #tpu.memory_space<hbm>>
      %dma_wait3A_80 = tpu.memref_squeeze %dma_wait3A_79 : memref<5x1x1024xi32, #tpu.memory_space<hbm>> -> memref<5x1024xi32, #tpu.memory_space<hbm>>
      tpu.wait_dma2 semaphore(%arg11 : memref<!tpu.dma_semaphore, #tpu.memory_space<semaphore_mem>>) src(%dma_wait3A_80 : memref<5x1024xi32, #tpu.memory_space<hbm>>) dst(%arg7 : memref<5x1024xi32, #tpu.memory_space<vmem>>)
      %ge3A = arith.constant 2 : i32
      %ge3A_81 = arith.cmpi sge, %add3A_71, %ge3A : i32
      %convert_element_type3A = arith.extui %ge3A_81 : i1 to i32
      %cond3A = arith.constant 0 : i32
      %cond3A_82 = arith.cmpi ne, %convert_element_type3A, %cond3A : i32
      scf.if %cond3A_82 {
        %dma_wait3A_240 = arith.constant 0 : i32
        %dma_wait3A_241 = arith.constant 0 : i32
        %dma_wait3A_242 = arith.constant 0 : i32
        %dma_wait3A_243 = tpu.memref_slice %arg4[%dma_wait3A_241, %dma_wait3A_240, %dma_wait3A_242] : memref<200x128x512xf32, #tpu.memory_space<hbm>> -> memref<40x1x512xf32, #tpu.memory_space<hbm>>
        %dma_wait3A_244 = tpu.memref_squeeze %dma_wait3A_243 : memref<40x1x512xf32, #tpu.memory_space<hbm>> -> memref<40x512xf32, #tpu.memory_space<hbm>>
        %dma_wait3A_245 = arith.constant 0 : i32
        %dma_wait3A_246 = arith.constant 0 : i32
        %dma_wait3A_247 = tpu.memref_slice %arg4[%dma_wait3A_245, %dma_wait3A_240, %dma_wait3A_246] : memref<200x128x512xf32, #tpu.memory_space<hbm>> -> memref<40x1x512xf32, #tpu.memory_space<hbm>>
        %dma_wait3A_248 = tpu.memref_squeeze %dma_wait3A_247 : memref<40x1x512xf32, #tpu.memory_space<hbm>> -> memref<40x512xf32, #tpu.memory_space<hbm>>
        tpu.wait_dma2 semaphore(%arg13 : memref<!tpu.dma_semaphore, #tpu.memory_space<semaphore_mem>>) src(%arg9 : memref<40x512xf32, #tpu.memory_space<vmem>>) dst(%dma_wait3A_248 : memref<40x512xf32, #tpu.memory_space<hbm>>)
      } else {
      }
      %parallel_loop3A = arith.constant 0 : i32
      %parallel_loop3A_83 = arith.constant 64 : i32
      %parallel_loop3A_84 = arith.constant 1 : i32
      scf.for %parallel_loop3A_240 = %parallel_loop3A to %parallel_loop3A_83 step %parallel_loop3A_84  : i32 {
        %parallel_loop3A_241 = arith.constant 16 : i32
        %parallel_loop3A_242 = arith.muli %parallel_loop3A_240, %parallel_loop3A_241 : i32
        %parallel_loop3A_243 = arith.constant 0 : i32
        %parallel_loop3A_244 = arith.index_cast %parallel_loop3A_243 : i32 to index
        %parallel_loop3A_245 = arith.index_cast %parallel_loop3A_242 : i32 to index
        %parallel_loop3A_246 = tpu.vector_load %arg7[%parallel_loop3A_244, %parallel_loop3A_245] {strides = array<i32>} : memref<5x1024xi32, #tpu.memory_space<vmem>>, vector<16xi32>,
        %parallel_loop3A_247 = arith.constant 64 : i32
        %parallel_loop3A_248 = vector.broadcast %parallel_loop3A_247 : i32 to vector<16xi32>
        %parallel_loop3A_249 = arith.muli %parallel_loop3A_246, %parallel_loop3A_248 : vector<16xi32>
        %parallel_loop3A_250 = arith.constant 8 : i32
        %parallel_loop3A_251 = arith.divsi %parallel_loop3A_240, %parallel_loop3A_250 : i32
        %parallel_loop3A_252 = arith.constant 0 : i32
        %parallel_loop3A_253 = arith.cmpi sgt, %parallel_loop3A_240, %parallel_loop3A_252 : i32
        %parallel_loop3A_254 = arith.extui %parallel_loop3A_253 : i1 to i32
        %parallel_loop3A_255 = arith.constant 0 : i32
        %parallel_loop3A_256 = arith.cmpi slt, %parallel_loop3A_240, %parallel_loop3A_255 : i32
        %parallel_loop3A_257 = arith.extui %parallel_loop3A_256 : i1 to i32
        %parallel_loop3A_258 = arith.subi %parallel_loop3A_254, %parallel_loop3A_257 : i32
        %parallel_loop3A_259 = arith.constant 0 : i32
        %parallel_loop3A_260 = arith.cmpi sgt, %parallel_loop3A_250, %parallel_loop3A_259 : i32
        %parallel_loop3A_261 = arith.extui %parallel_loop3A_260 : i1 to i32
        %parallel_loop3A_262 = arith.constant 0 : i32
        %parallel_loop3A_263 = arith.cmpi slt, %parallel_loop3A_250, %parallel_loop3A_262 : i32
        %parallel_loop3A_264 = arith.extui %parallel_loop3A_263 : i1 to i32
        %parallel_loop3A_265 = arith.subi %parallel_loop3A_261, %parallel_loop3A_264 : i32
        %parallel_loop3A_266 = arith.cmpi ne, %parallel_loop3A_258, %parallel_loop3A_265 : i32
        %parallel_loop3A_267 = arith.remsi %parallel_loop3A_240, %parallel_loop3A_250 : i32
        %parallel_loop3A_268 = arith.constant 0 : i32
        %parallel_loop3A_269 = arith.cmpi ne, %parallel_loop3A_267, %parallel_loop3A_268 : i32
        %parallel_loop3A_270 = arith.andi %parallel_loop3A_266, %parallel_loop3A_269 : i1
        %parallel_loop3A_271 = arith.constant 1 : i32
        %parallel_loop3A_272 = arith.subi %parallel_loop3A_251, %parallel_loop3A_271 : i32
        %parallel_loop3A_273 = arith.select %parallel_loop3A_270, %parallel_loop3A_272, %parallel_loop3A_251 : i32
        %parallel_loop3A_274 = arith.constant 0 : i32
        %parallel_loop3A_275 = arith.addi %parallel_loop3A_274, %parallel_loop3A_273 : i32
        %parallel_loop3A_276 = arith.constant 8 : i32
        %parallel_loop3A_277 = arith.constant 0 : i32
        %parallel_loop3A_278 = arith.cmpi eq, %parallel_loop3A_276, %parallel_loop3A_277 : i32
        %parallel_loop3A_279 = arith.constant 1 : i32
        %parallel_loop3A_280 = arith.select %parallel_loop3A_278, %parallel_loop3A_279, %parallel_loop3A_276 : i32
        %parallel_loop3A_281 = arith.remsi %parallel_loop3A_240, %parallel_loop3A_280 : i32
        %parallel_loop3A_282 = arith.constant 0 : i32
        %parallel_loop3A_283 = arith.cmpi ne, %parallel_loop3A_281, %parallel_loop3A_282 : i32
        %parallel_loop3A_284 = arith.constant 0 : i32
        %parallel_loop3A_285 = arith.cmpi slt, %parallel_loop3A_281, %parallel_loop3A_284 : i32
        %parallel_loop3A_286 = arith.constant 0 : i32
        %parallel_loop3A_287 = arith.cmpi slt, %parallel_loop3A_280, %parallel_loop3A_286 : i32
        %parallel_loop3A_288 = arith.xori %parallel_loop3A_285, %parallel_loop3A_287 : i1
        %parallel_loop3A_289 = arith.andi %parallel_loop3A_288, %parallel_loop3A_283 : i1
        %parallel_loop3A_290 = arith.addi %parallel_loop3A_281, %parallel_loop3A_280 : i32
        %parallel_loop3A_291 = arith.select %parallel_loop3A_289, %parallel_loop3A_290, %parallel_loop3A_281 : i32
        %parallel_loop3A_292 = arith.constant 16 : i32
        %parallel_loop3A_293 = arith.muli %parallel_loop3A_291, %parallel_loop3A_292 : i32
        %parallel_loop3A_294 = arith.addi %parallel_loop3A_249, %add3A_8 : vector<16xi32>
        %parallel_loop3A_295 = tpu.vector_load_idx %arg6[%parallel_loop3A_294] : memref<8192xf32, #tpu.memory_space<vmem>>[vector<16xi32>], vector<16xf32>,
        %parallel_loop3A_296 = arith.constant 0 : i32
        %parallel_loop3A_297 = arith.addi %parallel_loop3A_296, %parallel_loop3A_293 : i32
        %parallel_loop3A_298 = arith.index_cast %parallel_loop3A_275 : i32 to index
        %parallel_loop3A_299 = arith.index_cast %parallel_loop3A_297 : i32 to index
        %parallel_loop3A_300 = tpu.vector_load %arg9[%parallel_loop3A_298, %parallel_loop3A_299] {strides = array<i32>} : memref<40x512xf32, #tpu.memory_space<vmem>>, vector<16xf32>,
        tpu.vector_store %arg9[%parallel_loop3A_298, %parallel_loop3A_299], %parallel_loop3A_295 {strides = array<i32>} : memref<40x512xf32, #tpu.memory_space<vmem>>, vector<16xf32>,
        %parallel_loop3A_301 = arith.addi %parallel_loop3A_249, %add3A_12 : vector<16xi32>
        %parallel_loop3A_302 = tpu.vector_load_idx %arg6[%parallel_loop3A_301] : memref<8192xf32, #tpu.memory_space<vmem>>[vector<16xi32>], vector<16xf32>,
        %parallel_loop3A_303 = arith.constant 128 : i32
        %parallel_loop3A_304 = arith.addi %parallel_loop3A_303, %parallel_loop3A_293 : i32
        %parallel_loop3A_305 = arith.index_cast %parallel_loop3A_275 : i32 to index
        %parallel_loop3A_306 = arith.index_cast %parallel_loop3A_304 : i32 to index
        %parallel_loop3A_307 = tpu.vector_load %arg9[%parallel_loop3A_305, %parallel_loop3A_306] {strides = array<i32>} : memref<40x512xf32, #tpu.memory_space<vmem>>, vector<16xf32>,
        tpu.vector_store %arg9[%parallel_loop3A_305, %parallel_loop3A_306], %parallel_loop3A_302 {strides = array<i32>} : memref<40x512xf32, #tpu.memory_space<vmem>>, vector<16xf32>,
        %parallel_loop3A_308 = arith.addi %parallel_loop3A_249, %add3A_16 : vector<16xi32>
        %parallel_loop3A_309 = tpu.vector_load_idx %arg6[%parallel_loop3A_308] : memref<8192xf32, #tpu.memory_space<vmem>>[vector<16xi32>], vector<16xf32>,
        %parallel_loop3A_310 = arith.constant 256 : i32
        %parallel_loop3A_311 = arith.addi %parallel_loop3A_310, %parallel_loop3A_293 : i32
        %parallel_loop3A_312 = arith.index_cast %parallel_loop3A_275 : i32 to index
        %parallel_loop3A_313 = arith.index_cast %parallel_loop3A_311 : i32 to index
        %parallel_loop3A_314 = tpu.vector_load %arg9[%parallel_loop3A_312, %parallel_loop3A_313] {strides = array<i32>} : memref<40x512xf32, #tpu.memory_space<vmem>>, vector<16xf32>,
        tpu.vector_store %arg9[%parallel_loop3A_312, %parallel_loop3A_313], %parallel_loop3A_309 {strides = array<i32>} : memref<40x512xf32, #tpu.memory_space<vmem>>, vector<16xf32>,
        %parallel_loop3A_315 = arith.addi %parallel_loop3A_249, %add3A_20 : vector<16xi32>
        %parallel_loop3A_316 = tpu.vector_load_idx %arg6[%parallel_loop3A_315] : memref<8192xf32, #tpu.memory_space<vmem>>[vector<16xi32>], vector<16xf32>,
        %parallel_loop3A_317 = arith.constant 384 : i32
        %parallel_loop3A_318 = arith.addi %parallel_loop3A_317, %parallel_loop3A_293 : i32
        %parallel_loop3A_319 = arith.index_cast %parallel_loop3A_275 : i32 to index
        %parallel_loop3A_320 = arith.index_cast %parallel_loop3A_318 : i32 to index
        %parallel_loop3A_321 = tpu.vector_load %arg9[%parallel_loop3A_319, %parallel_loop3A_320] {strides = array<i32>} : memref<40x512xf32, #tpu.memory_space<vmem>>, vector<16xf32>,
        tpu.vector_store %arg9[%parallel_loop3A_319, %parallel_loop3A_320], %parallel_loop3A_316 {strides = array<i32>} : memref<40x512xf32, #tpu.memory_space<vmem>>, vector<16xf32>,
      } {sc.loop_unroll_factor = 8 : i64, sc.parallel_access}
      %parallel_loop3A_85 = arith.constant 0 : i32
      %parallel_loop3A_86 = arith.constant 64 : i32
      %parallel_loop3A_87 = arith.constant 1 : i32
      scf.for %parallel_loop3A_240 = %parallel_loop3A_85 to %parallel_loop3A_86 step %parallel_loop3A_87  : i32 {
        %parallel_loop3A_241 = arith.constant 16 : i32
        %parallel_loop3A_242 = arith.muli %parallel_loop3A_240, %parallel_loop3A_241 : i32
        %parallel_loop3A_243 = arith.constant 1 : i32
        %parallel_loop3A_244 = arith.index_cast %parallel_loop3A_243 : i32 to index
        %parallel_loop3A_245 = arith.index_cast %parallel_loop3A_242 : i32 to index
        %parallel_loop3A_246 = tpu.vector_load %arg7[%parallel_loop3A_244, %parallel_loop3A_245] {strides = array<i32>} : memref<5x1024xi32, #tpu.memory_space<vmem>>, vector<16xi32>,
        %parallel_loop3A_247 = arith.constant 64 : i32
        %parallel_loop3A_248 = vector.broadcast %parallel_loop3A_247 : i32 to vector<16xi32>
        %parallel_loop3A_249 = arith.muli %parallel_loop3A_246, %parallel_loop3A_248 : vector<16xi32>
        %parallel_loop3A_250 = arith.constant 8 : i32
        %parallel_loop3A_251 = arith.divsi %parallel_loop3A_240, %parallel_loop3A_250 : i32
        %parallel_loop3A_252 = arith.constant 0 : i32
        %parallel_loop3A_253 = arith.cmpi sgt, %parallel_loop3A_240, %parallel_loop3A_252 : i32
        %parallel_loop3A_254 = arith.extui %parallel_loop3A_253 : i1 to i32
        %parallel_loop3A_255 = arith.constant 0 : i32
        %parallel_loop3A_256 = arith.cmpi slt, %parallel_loop3A_240, %parallel_loop3A_255 : i32
        %parallel_loop3A_257 = arith.extui %parallel_loop3A_256 : i1 to i32
        %parallel_loop3A_258 = arith.subi %parallel_loop3A_254, %parallel_loop3A_257 : i32
        %parallel_loop3A_259 = arith.constant 0 : i32
        %parallel_loop3A_260 = arith.cmpi sgt, %parallel_loop3A_250, %parallel_loop3A_259 : i32
        %parallel_loop3A_261 = arith.extui %parallel_loop3A_260 : i1 to i32
        %parallel_loop3A_262 = arith.constant 0 : i32
        %parallel_loop3A_263 = arith.cmpi slt, %parallel_loop3A_250, %parallel_loop3A_262 : i32
        %parallel_loop3A_264 = arith.extui %parallel_loop3A_263 : i1 to i32
        %parallel_loop3A_265 = arith.subi %parallel_loop3A_261, %parallel_loop3A_264 : i32
        %parallel_loop3A_266 = arith.cmpi ne, %parallel_loop3A_258, %parallel_loop3A_265 : i32
        %parallel_loop3A_267 = arith.remsi %parallel_loop3A_240, %parallel_loop3A_250 : i32
        %parallel_loop3A_268 = arith.constant 0 : i32
        %parallel_loop3A_269 = arith.cmpi ne, %parallel_loop3A_267, %parallel_loop3A_268 : i32
        %parallel_loop3A_270 = arith.andi %parallel_loop3A_266, %parallel_loop3A_269 : i1
        %parallel_loop3A_271 = arith.constant 1 : i32
        %parallel_loop3A_272 = arith.subi %parallel_loop3A_251, %parallel_loop3A_271 : i32
        %parallel_loop3A_273 = arith.select %parallel_loop3A_270, %parallel_loop3A_272, %parallel_loop3A_251 : i32
        %parallel_loop3A_274 = arith.constant 8 : i32
        %parallel_loop3A_275 = arith.addi %parallel_loop3A_274, %parallel_loop3A_273 : i32
        %parallel_loop3A_276 = arith.constant 8 : i32
        %parallel_loop3A_277 = arith.constant 0 : i32
        %parallel_loop3A_278 = arith.cmpi eq, %parallel_loop3A_276, %parallel_loop3A_277 : i32
        %parallel_loop3A_279 = arith.constant 1 : i32
        %parallel_loop3A_280 = arith.select %parallel_loop3A_278, %parallel_loop3A_279, %parallel_loop3A_276 : i32
        %parallel_loop3A_281 = arith.remsi %parallel_loop3A_240, %parallel_loop3A_280 : i32
        %parallel_loop3A_282 = arith.constant 0 : i32
        %parallel_loop3A_283 = arith.cmpi ne, %parallel_loop3A_281, %parallel_loop3A_282 : i32
        %parallel_loop3A_284 = arith.constant 0 : i32
        %parallel_loop3A_285 = arith.cmpi slt, %parallel_loop3A_281, %parallel_loop3A_284 : i32
        %parallel_loop3A_286 = arith.constant 0 : i32
        %parallel_loop3A_287 = arith.cmpi slt, %parallel_loop3A_280, %parallel_loop3A_286 : i32
        %parallel_loop3A_288 = arith.xori %parallel_loop3A_285, %parallel_loop3A_287 : i1
        %parallel_loop3A_289 = arith.andi %parallel_loop3A_288, %parallel_loop3A_283 : i1
        %parallel_loop3A_290 = arith.addi %parallel_loop3A_281, %parallel_loop3A_280 : i32
        %parallel_loop3A_291 = arith.select %parallel_loop3A_289, %parallel_loop3A_290, %parallel_loop3A_281 : i32
        %parallel_loop3A_292 = arith.constant 16 : i32
        %parallel_loop3A_293 = arith.muli %parallel_loop3A_291, %parallel_loop3A_292 : i32
        %parallel_loop3A_294 = arith.addi %parallel_loop3A_249, %add3A_8 : vector<16xi32>
        %parallel_loop3A_295 = tpu.vector_load_idx %arg6[%parallel_loop3A_294] : memref<8192xf32, #tpu.memory_space<vmem>>[vector<16xi32>], vector<16xf32>,
        %parallel_loop3A_296 = arith.constant 0 : i32
        %parallel_loop3A_297 = arith.addi %parallel_loop3A_296, %parallel_loop3A_293 : i32
        %parallel_loop3A_298 = arith.index_cast %parallel_loop3A_275 : i32 to index
        %parallel_loop3A_299 = arith.index_cast %parallel_loop3A_297 : i32 to index
        %parallel_loop3A_300 = tpu.vector_load %arg9[%parallel_loop3A_298, %parallel_loop3A_299] {strides = array<i32>} : memref<40x512xf32, #tpu.memory_space<vmem>>, vector<16xf32>,
        tpu.vector_store %arg9[%parallel_loop3A_298, %parallel_loop3A_299], %parallel_loop3A_295 {strides = array<i32>} : memref<40x512xf32, #tpu.memory_space<vmem>>, vector<16xf32>,
        %parallel_loop3A_301 = arith.addi %parallel_loop3A_249, %add3A_12 : vector<16xi32>
        %parallel_loop3A_302 = tpu.vector_load_idx %arg6[%parallel_loop3A_301] : memref<8192xf32, #tpu.memory_space<vmem>>[vector<16xi32>], vector<16xf32>,
        %parallel_loop3A_303 = arith.constant 128 : i32
        %parallel_loop3A_304 = arith.addi %parallel_loop3A_303, %parallel_loop3A_293 : i32
        %parallel_loop3A_305 = arith.index_cast %parallel_loop3A_275 : i32 to index
        %parallel_loop3A_306 = arith.index_cast %parallel_loop3A_304 : i32 to index
        %parallel_loop3A_307 = tpu.vector_load %arg9[%parallel_loop3A_305, %parallel_loop3A_306] {strides = array<i32>} : memref<40x512xf32, #tpu.memory_space<vmem>>, vector<16xf32>,
        tpu.vector_store %arg9[%parallel_loop3A_305, %parallel_loop3A_306], %parallel_loop3A_302 {strides = array<i32>} : memref<40x512xf32, #tpu.memory_space<vmem>>, vector<16xf32>,
        %parallel_loop3A_308 = arith.addi %parallel_loop3A_249, %add3A_16 : vector<16xi32>
        %parallel_loop3A_309 = tpu.vector_load_idx %arg6[%parallel_loop3A_308] : memref<8192xf32, #tpu.memory_space<vmem>>[vector<16xi32>], vector<16xf32>,
        %parallel_loop3A_310 = arith.constant 256 : i32
        %parallel_loop3A_311 = arith.addi %parallel_loop3A_310, %parallel_loop3A_293 : i32
        %parallel_loop3A_312 = arith.index_cast %parallel_loop3A_275 : i32 to index
        %parallel_loop3A_313 = arith.index_cast %parallel_loop3A_311 : i32 to index
        %parallel_loop3A_314 = tpu.vector_load %arg9[%parallel_loop3A_312, %parallel_loop3A_313] {strides = array<i32>} : memref<40x512xf32, #tpu.memory_space<vmem>>, vector<16xf32>,
        tpu.vector_store %arg9[%parallel_loop3A_312, %parallel_loop3A_313], %parallel_loop3A_309 {strides = array<i32>} : memref<40x512xf32, #tpu.memory_space<vmem>>, vector<16xf32>,
        %parallel_loop3A_315 = arith.addi %parallel_loop3A_249, %add3A_20 : vector<16xi32>
        %parallel_loop3A_316 = tpu.vector_load_idx %arg6[%parallel_loop3A_315] : memref<8192xf32, #tpu.memory_space<vmem>>[vector<16xi32>], vector<16xf32>,
        %parallel_loop3A_317 = arith.constant 384 : i32
        %parallel_loop3A_318 = arith.addi %parallel_loop3A_317, %parallel_loop3A_293 : i32
        %parallel_loop3A_319 = arith.index_cast %parallel_loop3A_275 : i32 to index
        %parallel_loop3A_320 = arith.index_cast %parallel_loop3A_318 : i32 to index
        %parallel_loop3A_321 = tpu.vector_load %arg9[%parallel_loop3A_319, %parallel_loop3A_320] {strides = array<i32>} : memref<40x512xf32, #tpu.memory_space<vmem>>, vector<16xf32>,
        tpu.vector_store %arg9[%parallel_loop3A_319, %parallel_loop3A_320], %parallel_loop3A_316 {strides = array<i32>} : memref<40x512xf32, #tpu.memory_space<vmem>>, vector<16xf32>,
      } {sc.loop_unroll_factor = 8 : i64, sc.parallel_access}
      %parallel_loop3A_88 = arith.constant 0 : i32
      %parallel_loop3A_89 = arith.constant 64 : i32
      %parallel_loop3A_90 = arith.constant 1 : i32
      scf.for %parallel_loop3A_240 = %parallel_loop3A_88 to %parallel_loop3A_89 step %parallel_loop3A_90  : i32 {
        %parallel_loop3A_241 = arith.constant 16 : i32
        %parallel_loop3A_242 = arith.muli %parallel_loop3A_240, %parallel_loop3A_241 : i32
        %parallel_loop3A_243 = arith.constant 2 : i32
        %parallel_loop3A_244 = arith.index_cast %parallel_loop3A_243 : i32 to index
        %parallel_loop3A_245 = arith.index_cast %parallel_loop3A_242 : i32 to index
        %parallel_loop3A_246 = tpu.vector_load %arg7[%parallel_loop3A_244, %parallel_loop3A_245] {strides = array<i32>} : memref<5x1024xi32, #tpu.memory_space<vmem>>, vector<16xi32>,
        %parallel_loop3A_247 = arith.constant 64 : i32
        %parallel_loop3A_248 = vector.broadcast %parallel_loop3A_247 : i32 to vector<16xi32>
        %parallel_loop3A_249 = arith.muli %parallel_loop3A_246, %parallel_loop3A_248 : vector<16xi32>
        %parallel_loop3A_250 = arith.constant 8 : i32
        %parallel_loop3A_251 = arith.divsi %parallel_loop3A_240, %parallel_loop3A_250 : i32
        %parallel_loop3A_252 = arith.constant 0 : i32
        %parallel_loop3A_253 = arith.cmpi sgt, %parallel_loop3A_240, %parallel_loop3A_252 : i32
        %parallel_loop3A_254 = arith.extui %parallel_loop3A_253 : i1 to i32
        %parallel_loop3A_255 = arith.constant 0 : i32
        %parallel_loop3A_256 = arith.cmpi slt, %parallel_loop3A_240, %parallel_loop3A_255 : i32
        %parallel_loop3A_257 = arith.extui %parallel_loop3A_256 : i1 to i32
        %parallel_loop3A_258 = arith.subi %parallel_loop3A_254, %parallel_loop3A_257 : i32
        %parallel_loop3A_259 = arith.constant 0 : i32
        %parallel_loop3A_260 = arith.cmpi sgt, %parallel_loop3A_250, %parallel_loop3A_259 : i32
        %parallel_loop3A_261 = arith.extui %parallel_loop3A_260 : i1 to i32
        %parallel_loop3A_262 = arith.constant 0 : i32
        %parallel_loop3A_263 = arith.cmpi slt, %parallel_loop3A_250, %parallel_loop3A_262 : i32
        %parallel_loop3A_264 = arith.extui %parallel_loop3A_263 : i1 to i32
        %parallel_loop3A_265 = arith.subi %parallel_loop3A_261, %parallel_loop3A_264 : i32
        %parallel_loop3A_266 = arith.cmpi ne, %parallel_loop3A_258, %parallel_loop3A_265 : i32
        %parallel_loop3A_267 = arith.remsi %parallel_loop3A_240, %parallel_loop3A_250 : i32
        %parallel_loop3A_268 = arith.constant 0 : i32
        %parallel_loop3A_269 = arith.cmpi ne, %parallel_loop3A_267, %parallel_loop3A_268 : i32
        %parallel_loop3A_270 = arith.andi %parallel_loop3A_266, %parallel_loop3A_269 : i1
        %parallel_loop3A_271 = arith.constant 1 : i32
        %parallel_loop3A_272 = arith.subi %parallel_loop3A_251, %parallel_loop3A_271 : i32
        %parallel_loop3A_273 = arith.select %parallel_loop3A_270, %parallel_loop3A_272, %parallel_loop3A_251 : i32
        %parallel_loop3A_274 = arith.constant 16 : i32
        %parallel_loop3A_275 = arith.addi %parallel_loop3A_274, %parallel_loop3A_273 : i32
        %parallel_loop3A_276 = arith.constant 8 : i32
        %parallel_loop3A_277 = arith.constant 0 : i32
        %parallel_loop3A_278 = arith.cmpi eq, %parallel_loop3A_276, %parallel_loop3A_277 : i32
        %parallel_loop3A_279 = arith.constant 1 : i32
        %parallel_loop3A_280 = arith.select %parallel_loop3A_278, %parallel_loop3A_279, %parallel_loop3A_276 : i32
        %parallel_loop3A_281 = arith.remsi %parallel_loop3A_240, %parallel_loop3A_280 : i32
        %parallel_loop3A_282 = arith.constant 0 : i32
        %parallel_loop3A_283 = arith.cmpi ne, %parallel_loop3A_281, %parallel_loop3A_282 : i32
        %parallel_loop3A_284 = arith.constant 0 : i32
        %parallel_loop3A_285 = arith.cmpi slt, %parallel_loop3A_281, %parallel_loop3A_284 : i32
        %parallel_loop3A_286 = arith.constant 0 : i32
        %parallel_loop3A_287 = arith.cmpi slt, %parallel_loop3A_280, %parallel_loop3A_286 : i32
        %parallel_loop3A_288 = arith.xori %parallel_loop3A_285, %parallel_loop3A_287 : i1
        %parallel_loop3A_289 = arith.andi %parallel_loop3A_288, %parallel_loop3A_283 : i1
        %parallel_loop3A_290 = arith.addi %parallel_loop3A_281, %parallel_loop3A_280 : i32
        %parallel_loop3A_291 = arith.select %parallel_loop3A_289, %parallel_loop3A_290, %parallel_loop3A_281 : i32
        %parallel_loop3A_292 = arith.constant 16 : i32
        %parallel_loop3A_293 = arith.muli %parallel_loop3A_291, %parallel_loop3A_292 : i32
        %parallel_loop3A_294 = arith.addi %parallel_loop3A_249, %add3A_8 : vector<16xi32>
        %parallel_loop3A_295 = tpu.vector_load_idx %arg6[%parallel_loop3A_294] : memref<8192xf32, #tpu.memory_space<vmem>>[vector<16xi32>], vector<16xf32>,
        %parallel_loop3A_296 = arith.constant 0 : i32
        %parallel_loop3A_297 = arith.addi %parallel_loop3A_296, %parallel_loop3A_293 : i32
        %parallel_loop3A_298 = arith.index_cast %parallel_loop3A_275 : i32 to index
        %parallel_loop3A_299 = arith.index_cast %parallel_loop3A_297 : i32 to index
        %parallel_loop3A_300 = tpu.vector_load %arg9[%parallel_loop3A_298, %parallel_loop3A_299] {strides = array<i32>} : memref<40x512xf32, #tpu.memory_space<vmem>>, vector<16xf32>,
        tpu.vector_store %arg9[%parallel_loop3A_298, %parallel_loop3A_299], %parallel_loop3A_295 {strides = array<i32>} : memref<40x512xf32, #tpu.memory_space<vmem>>, vector<16xf32>,
        %parallel_loop3A_301 = arith.addi %parallel_loop3A_249, %add3A_12 : vector<16xi32>
        %parallel_loop3A_302 = tpu.vector_load_idx %arg6[%parallel_loop3A_301] : memref<8192xf32, #tpu.memory_space<vmem>>[vector<16xi32>], vector<16xf32>,
        %parallel_loop3A_303 = arith.constant 128 : i32
        %parallel_loop3A_304 = arith.addi %parallel_loop3A_303, %parallel_loop3A_293 : i32
        %parallel_loop3A_305 = arith.index_cast %parallel_loop3A_275 : i32 to index
        %parallel_loop3A_306 = arith.index_cast %parallel_loop3A_304 : i32 to index
        %parallel_loop3A_307 = tpu.vector_load %arg9[%parallel_loop3A_305, %parallel_loop3A_306] {strides = array<i32>} : memref<40x512xf32, #tpu.memory_space<vmem>>, vector<16xf32>,
        tpu.vector_store %arg9[%parallel_loop3A_305, %parallel_loop3A_306], %parallel_loop3A_302 {strides = array<i32>} : memref<40x512xf32, #tpu.memory_space<vmem>>, vector<16xf32>,
        %parallel_loop3A_308 = arith.addi %parallel_loop3A_249, %add3A_16 : vector<16xi32>
        %parallel_loop3A_309 = tpu.vector_load_idx %arg6[%parallel_loop3A_308] : memref<8192xf32, #tpu.memory_space<vmem>>[vector<16xi32>], vector<16xf32>,
        %parallel_loop3A_310 = arith.constant 256 : i32
        %parallel_loop3A_311 = arith.addi %parallel_loop3A_310, %parallel_loop3A_293 : i32
        %parallel_loop3A_312 = arith.index_cast %parallel_loop3A_275 : i32 to index
        %parallel_loop3A_313 = arith.index_cast %parallel_loop3A_311 : i32 to index
        %parallel_loop3A_314 = tpu.vector_load %arg9[%parallel_loop3A_312, %parallel_loop3A_313] {strides = array<i32>} : memref<40x512xf32, #tpu.memory_space<vmem>>, vector<16xf32>,
        tpu.vector_store %arg9[%parallel_loop3A_312, %parallel_loop3A_313], %parallel_loop3A_309 {strides = array<i32>} : memref<40x512xf32, #tpu.memory_space<vmem>>, vector<16xf32>,
        %parallel_loop3A_315 = arith.addi %parallel_loop3A_249, %add3A_20 : vector<16xi32>
        %parallel_loop3A_316 = tpu.vector_load_idx %arg6[%parallel_loop3A_315] : memref<8192xf32, #tpu.memory_space<vmem>>[vector<16xi32>], vector<16xf32>,
        %parallel_loop3A_317 = arith.constant 384 : i32
        %parallel_loop3A_318 = arith.addi %parallel_loop3A_317, %parallel_loop3A_293 : i32
        %parallel_loop3A_319 = arith.index_cast %parallel_loop3A_275 : i32 to index
        %parallel_loop3A_320 = arith.index_cast %parallel_loop3A_318 : i32 to index
        %parallel_loop3A_321 = tpu.vector_load %arg9[%parallel_loop3A_319, %parallel_loop3A_320] {strides = array<i32>} : memref<40x512xf32, #tpu.memory_space<vmem>>, vector<16xf32>,
        tpu.vector_store %arg9[%parallel_loop3A_319, %parallel_loop3A_320], %parallel_loop3A_316 {strides = array<i32>} : memref<40x512xf32, #tpu.memory_space<vmem>>, vector<16xf32>,
      } {sc.loop_unroll_factor = 8 : i64, sc.parallel_access}
      %parallel_loop3A_91 = arith.constant 0 : i32
      %parallel_loop3A_92 = arith.constant 64 : i32
      %parallel_loop3A_93 = arith.constant 1 : i32
      scf.for %parallel_loop3A_240 = %parallel_loop3A_91 to %parallel_loop3A_92 step %parallel_loop3A_93  : i32 {
        %parallel_loop3A_241 = arith.constant 16 : i32
        %parallel_loop3A_242 = arith.muli %parallel_loop3A_240, %parallel_loop3A_241 : i32
        %parallel_loop3A_243 = arith.constant 3 : i32
        %parallel_loop3A_244 = arith.index_cast %parallel_loop3A_243 : i32 to index
        %parallel_loop3A_245 = arith.index_cast %parallel_loop3A_242 : i32 to index
        %parallel_loop3A_246 = tpu.vector_load %arg7[%parallel_loop3A_244, %parallel_loop3A_245] {strides = array<i32>} : memref<5x1024xi32, #tpu.memory_space<vmem>>, vector<16xi32>,
        %parallel_loop3A_247 = arith.constant 64 : i32
        %parallel_loop3A_248 = vector.broadcast %parallel_loop3A_247 : i32 to vector<16xi32>
        %parallel_loop3A_249 = arith.muli %parallel_loop3A_246, %parallel_loop3A_248 : vector<16xi32>
        %parallel_loop3A_250 = arith.constant 8 : i32
        %parallel_loop3A_251 = arith.divsi %parallel_loop3A_240, %parallel_loop3A_250 : i32
        %parallel_loop3A_252 = arith.constant 0 : i32
        %parallel_loop3A_253 = arith.cmpi sgt, %parallel_loop3A_240, %parallel_loop3A_252 : i32
        %parallel_loop3A_254 = arith.extui %parallel_loop3A_253 : i1 to i32
        %parallel_loop3A_255 = arith.constant 0 : i32
        %parallel_loop3A_256 = arith.cmpi slt, %parallel_loop3A_240, %parallel_loop3A_255 : i32
        %parallel_loop3A_257 = arith.extui %parallel_loop3A_256 : i1 to i32
        %parallel_loop3A_258 = arith.subi %parallel_loop3A_254, %parallel_loop3A_257 : i32
        %parallel_loop3A_259 = arith.constant 0 : i32
        %parallel_loop3A_260 = arith.cmpi sgt, %parallel_loop3A_250, %parallel_loop3A_259 : i32
        %parallel_loop3A_261 = arith.extui %parallel_loop3A_260 : i1 to i32
        %parallel_loop3A_262 = arith.constant 0 : i32
        %parallel_loop3A_263 = arith.cmpi slt, %parallel_loop3A_250, %parallel_loop3A_262 : i32
        %parallel_loop3A_264 = arith.extui %parallel_loop3A_263 : i1 to i32
        %parallel_loop3A_265 = arith.subi %parallel_loop3A_261, %parallel_loop3A_264 : i32
        %parallel_loop3A_266 = arith.cmpi ne, %parallel_loop3A_258, %parallel_loop3A_265 : i32
        %parallel_loop3A_267 = arith.remsi %parallel_loop3A_240, %parallel_loop3A_250 : i32
        %parallel_loop3A_268 = arith.constant 0 : i32
        %parallel_loop3A_269 = arith.cmpi ne, %parallel_loop3A_267, %parallel_loop3A_268 : i32
        %parallel_loop3A_270 = arith.andi %parallel_loop3A_266, %parallel_loop3A_269 : i1
        %parallel_loop3A_271 = arith.constant 1 : i32
        %parallel_loop3A_272 = arith.subi %parallel_loop3A_251, %parallel_loop3A_271 : i32
        %parallel_loop3A_273 = arith.select %parallel_loop3A_270, %parallel_loop3A_272, %parallel_loop3A_251 : i32
        %parallel_loop3A_274 = arith.constant 24 : i32
        %parallel_loop3A_275 = arith.addi %parallel_loop3A_274, %parallel_loop3A_273 : i32
        %parallel_loop3A_276 = arith.constant 8 : i32
        %parallel_loop3A_277 = arith.constant 0 : i32
        %parallel_loop3A_278 = arith.cmpi eq, %parallel_loop3A_276, %parallel_loop3A_277 : i32
        %parallel_loop3A_279 = arith.constant 1 : i32
        %parallel_loop3A_280 = arith.select %parallel_loop3A_278, %parallel_loop3A_279, %parallel_loop3A_276 : i32
        %parallel_loop3A_281 = arith.remsi %parallel_loop3A_240, %parallel_loop3A_280 : i32
        %parallel_loop3A_282 = arith.constant 0 : i32
        %parallel_loop3A_283 = arith.cmpi ne, %parallel_loop3A_281, %parallel_loop3A_282 : i32
        %parallel_loop3A_284 = arith.constant 0 : i32
        %parallel_loop3A_285 = arith.cmpi slt, %parallel_loop3A_281, %parallel_loop3A_284 : i32
        %parallel_loop3A_286 = arith.constant 0 : i32
        %parallel_loop3A_287 = arith.cmpi slt, %parallel_loop3A_280, %parallel_loop3A_286 : i32
        %parallel_loop3A_288 = arith.xori %parallel_loop3A_285, %parallel_loop3A_287 : i1
        %parallel_loop3A_289 = arith.andi %parallel_loop3A_288, %parallel_loop3A_283 : i1
        %parallel_loop3A_290 = arith.addi %parallel_loop3A_281, %parallel_loop3A_280 : i32
        %parallel_loop3A_291 = arith.select %parallel_loop3A_289, %parallel_loop3A_290, %parallel_loop3A_281 : i32
        %parallel_loop3A_292 = arith.constant 16 : i32
        %parallel_loop3A_293 = arith.muli %parallel_loop3A_291, %parallel_loop3A_292 : i32
        %parallel_loop3A_294 = arith.addi %parallel_loop3A_249, %add3A_8 : vector<16xi32>
        %parallel_loop3A_295 = tpu.vector_load_idx %arg6[%parallel_loop3A_294] : memref<8192xf32, #tpu.memory_space<vmem>>[vector<16xi32>], vector<16xf32>,
        %parallel_loop3A_296 = arith.constant 0 : i32
        %parallel_loop3A_297 = arith.addi %parallel_loop3A_296, %parallel_loop3A_293 : i32
        %parallel_loop3A_298 = arith.index_cast %parallel_loop3A_275 : i32 to index
        %parallel_loop3A_299 = arith.index_cast %parallel_loop3A_297 : i32 to index
        %parallel_loop3A_300 = tpu.vector_load %arg9[%parallel_loop3A_298, %parallel_loop3A_299] {strides = array<i32>} : memref<40x512xf32, #tpu.memory_space<vmem>>, vector<16xf32>,
        tpu.vector_store %arg9[%parallel_loop3A_298, %parallel_loop3A_299], %parallel_loop3A_295 {strides = array<i32>} : memref<40x512xf32, #tpu.memory_space<vmem>>, vector<16xf32>,
        %parallel_loop3A_301 = arith.addi %parallel_loop3A_249, %add3A_12 : vector<16xi32>
        %parallel_loop3A_302 = tpu.vector_load_idx %arg6[%parallel_loop3A_301] : memref<8192xf32, #tpu.memory_space<vmem>>[vector<16xi32>], vector<16xf32>,
        %parallel_loop3A_303 = arith.constant 128 : i32
        %parallel_loop3A_304 = arith.addi %parallel_loop3A_303, %parallel_loop3A_293 : i32
        %parallel_loop3A_305 = arith.index_cast %parallel_loop3A_275 : i32 to index
        %parallel_loop3A_306 = arith.index_cast %parallel_loop3A_304 : i32 to index
        %parallel_loop3A_307 = tpu.vector_load %arg9[%parallel_loop3A_305, %parallel_loop3A_306] {strides = array<i32>} : memref<40x512xf32, #tpu.memory_space<vmem>>, vector<16xf32>,
        tpu.vector_store %arg9[%parallel_loop3A_305, %parallel_loop3A_306], %parallel_loop3A_302 {strides = array<i32>} : memref<40x512xf32, #tpu.memory_space<vmem>>, vector<16xf32>,
        %parallel_loop3A_308 = arith.addi %parallel_loop3A_249, %add3A_16 : vector<16xi32>
        %parallel_loop3A_309 = tpu.vector_load_idx %arg6[%parallel_loop3A_308] : memref<8192xf32, #tpu.memory_space<vmem>>[vector<16xi32>], vector<16xf32>,
        %parallel_loop3A_310 = arith.constant 256 : i32
        %parallel_loop3A_311 = arith.addi %parallel_loop3A_310, %parallel_loop3A_293 : i32
        %parallel_loop3A_312 = arith.index_cast %parallel_loop3A_275 : i32 to index
        %parallel_loop3A_313 = arith.index_cast %parallel_loop3A_311 : i32 to index
        %parallel_loop3A_314 = tpu.vector_load %arg9[%parallel_loop3A_312, %parallel_loop3A_313] {strides = array<i32>} : memref<40x512xf32, #tpu.memory_space<vmem>>, vector<16xf32>,
        tpu.vector_store %arg9[%parallel_loop3A_312, %parallel_loop3A_313], %parallel_loop3A_309 {strides = array<i32>} : memref<40x512xf32, #tpu.memory_space<vmem>>, vector<16xf32>,
        %parallel_loop3A_315 = arith.addi %parallel_loop3A_249, %add3A_20 : vector<16xi32>
        %parallel_loop3A_316 = tpu.vector_load_idx %arg6[%parallel_loop3A_315] : memref<8192xf32, #tpu.memory_space<vmem>>[vector<16xi32>], vector<16xf32>,
        %parallel_loop3A_317 = arith.constant 384 : i32
        %parallel_loop3A_318 = arith.addi %parallel_loop3A_317, %parallel_loop3A_293 : i32
        %parallel_loop3A_319 = arith.index_cast %parallel_loop3A_275 : i32 to index
        %parallel_loop3A_320 = arith.index_cast %parallel_loop3A_318 : i32 to index
        %parallel_loop3A_321 = tpu.vector_load %arg9[%parallel_loop3A_319, %parallel_loop3A_320] {strides = array<i32>} : memref<40x512xf32, #tpu.memory_space<vmem>>, vector<16xf32>,
        tpu.vector_store %arg9[%parallel_loop3A_319, %parallel_loop3A_320], %parallel_loop3A_316 {strides = array<i32>} : memref<40x512xf32, #tpu.memory_space<vmem>>, vector<16xf32>,
      } {sc.loop_unroll_factor = 8 : i64, sc.parallel_access}
      %parallel_loop3A_94 = arith.constant 0 : i32
      %parallel_loop3A_95 = arith.constant 64 : i32
      %parallel_loop3A_96 = arith.constant 1 : i32
      scf.for %parallel_loop3A_240 = %parallel_loop3A_94 to %parallel_loop3A_95 step %parallel_loop3A_96  : i32 {
        %parallel_loop3A_241 = arith.constant 16 : i32
        %parallel_loop3A_242 = arith.muli %parallel_loop3A_240, %parallel_loop3A_241 : i32
        %parallel_loop3A_243 = arith.constant 4 : i32
        %parallel_loop3A_244 = arith.index_cast %parallel_loop3A_243 : i32 to index
        %parallel_loop3A_245 = arith.index_cast %parallel_loop3A_242 : i32 to index
        %parallel_loop3A_246 = tpu.vector_load %arg7[%parallel_loop3A_244, %parallel_loop3A_245] {strides = array<i32>} : memref<5x1024xi32, #tpu.memory_space<vmem>>, vector<16xi32>,
        %parallel_loop3A_247 = arith.constant 64 : i32
        %parallel_loop3A_248 = vector.broadcast %parallel_loop3A_247 : i32 to vector<16xi32>
        %parallel_loop3A_249 = arith.muli %parallel_loop3A_246, %parallel_loop3A_248 : vector<16xi32>
        %parallel_loop3A_250 = arith.constant 8 : i32
        %parallel_loop3A_251 = arith.divsi %parallel_loop3A_240, %parallel_loop3A_250 : i32
        %parallel_loop3A_252 = arith.constant 0 : i32
        %parallel_loop3A_253 = arith.cmpi sgt, %parallel_loop3A_240, %parallel_loop3A_252 : i32
        %parallel_loop3A_254 = arith.extui %parallel_loop3A_253 : i1 to i32
        %parallel_loop3A_255 = arith.constant 0 : i32
        %parallel_loop3A_256 = arith.cmpi slt, %parallel_loop3A_240, %parallel_loop3A_255 : i32
        %parallel_loop3A_257 = arith.extui %parallel_loop3A_256 : i1 to i32
        %parallel_loop3A_258 = arith.subi %parallel_loop3A_254, %parallel_loop3A_257 : i32
        %parallel_loop3A_259 = arith.constant 0 : i32
        %parallel_loop3A_260 = arith.cmpi sgt, %parallel_loop3A_250, %parallel_loop3A_259 : i32
        %parallel_loop3A_261 = arith.extui %parallel_loop3A_260 : i1 to i32
        %parallel_loop3A_262 = arith.constant 0 : i32
        %parallel_loop3A_263 = arith.cmpi slt, %parallel_loop3A_250, %parallel_loop3A_262 : i32
        %parallel_loop3A_264 = arith.extui %parallel_loop3A_263 : i1 to i32
        %parallel_loop3A_265 = arith.subi %parallel_loop3A_261, %parallel_loop3A_264 : i32
        %parallel_loop3A_266 = arith.cmpi ne, %parallel_loop3A_258, %parallel_loop3A_265 : i32
        %parallel_loop3A_267 = arith.remsi %parallel_loop3A_240, %parallel_loop3A_250 : i32
        %parallel_loop3A_268 = arith.constant 0 : i32
        %parallel_loop3A_269 = arith.cmpi ne, %parallel_loop3A_267, %parallel_loop3A_268 : i32
        %parallel_loop3A_270 = arith.andi %parallel_loop3A_266, %parallel_loop3A_269 : i1
        %parallel_loop3A_271 = arith.constant 1 : i32
        %parallel_loop3A_272 = arith.subi %parallel_loop3A_251, %parallel_loop3A_271 : i32
        %parallel_loop3A_273 = arith.select %parallel_loop3A_270, %parallel_loop3A_272, %parallel_loop3A_251 : i32
        %parallel_loop3A_274 = arith.constant 32 : i32
        %parallel_loop3A_275 = arith.addi %parallel_loop3A_274, %parallel_loop3A_273 : i32
        %parallel_loop3A_276 = arith.constant 8 : i32
        %parallel_loop3A_277 = arith.constant 0 : i32
        %parallel_loop3A_278 = arith.cmpi eq, %parallel_loop3A_276, %parallel_loop3A_277 : i32
        %parallel_loop3A_279 = arith.constant 1 : i32
        %parallel_loop3A_280 = arith.select %parallel_loop3A_278, %parallel_loop3A_279, %parallel_loop3A_276 : i32
        %parallel_loop3A_281 = arith.remsi %parallel_loop3A_240, %parallel_loop3A_280 : i32
        %parallel_loop3A_282 = arith.constant 0 : i32
        %parallel_loop3A_283 = arith.cmpi ne, %parallel_loop3A_281, %parallel_loop3A_282 : i32
        %parallel_loop3A_284 = arith.constant 0 : i32
        %parallel_loop3A_285 = arith.cmpi slt, %parallel_loop3A_281, %parallel_loop3A_284 : i32
        %parallel_loop3A_286 = arith.constant 0 : i32
        %parallel_loop3A_287 = arith.cmpi slt, %parallel_loop3A_280, %parallel_loop3A_286 : i32
        %parallel_loop3A_288 = arith.xori %parallel_loop3A_285, %parallel_loop3A_287 : i1
        %parallel_loop3A_289 = arith.andi %parallel_loop3A_288, %parallel_loop3A_283 : i1
        %parallel_loop3A_290 = arith.addi %parallel_loop3A_281, %parallel_loop3A_280 : i32
        %parallel_loop3A_291 = arith.select %parallel_loop3A_289, %parallel_loop3A_290, %parallel_loop3A_281 : i32
        %parallel_loop3A_292 = arith.constant 16 : i32
        %parallel_loop3A_293 = arith.muli %parallel_loop3A_291, %parallel_loop3A_292 : i32
        %parallel_loop3A_294 = arith.addi %parallel_loop3A_249, %add3A_8 : vector<16xi32>
        %parallel_loop3A_295 = tpu.vector_load_idx %arg6[%parallel_loop3A_294] : memref<8192xf32, #tpu.memory_space<vmem>>[vector<16xi32>], vector<16xf32>,
        %parallel_loop3A_296 = arith.constant 0 : i32
        %parallel_loop3A_297 = arith.addi %parallel_loop3A_296, %parallel_loop3A_293 : i32
        %parallel_loop3A_298 = arith.index_cast %parallel_loop3A_275 : i32 to index
        %parallel_loop3A_299 = arith.index_cast %parallel_loop3A_297 : i32 to index
        %parallel_loop3A_300 = tpu.vector_load %arg9[%parallel_loop3A_298, %parallel_loop3A_299] {strides = array<i32>} : memref<40x512xf32, #tpu.memory_space<vmem>>, vector<16xf32>,
        tpu.vector_store %arg9[%parallel_loop3A_298, %parallel_loop3A_299], %parallel_loop3A_295 {strides = array<i32>} : memref<40x512xf32, #tpu.memory_space<vmem>>, vector<16xf32>,
        %parallel_loop3A_301 = arith.addi %parallel_loop3A_249, %add3A_12 : vector<16xi32>
        %parallel_loop3A_302 = tpu.vector_load_idx %arg6[%parallel_loop3A_301] : memref<8192xf32, #tpu.memory_space<vmem>>[vector<16xi32>], vector<16xf32>,
        %parallel_loop3A_303 = arith.constant 128 : i32
        %parallel_loop3A_304 = arith.addi %parallel_loop3A_303, %parallel_loop3A_293 : i32
        %parallel_loop3A_305 = arith.index_cast %parallel_loop3A_275 : i32 to index
        %parallel_loop3A_306 = arith.index_cast %parallel_loop3A_304 : i32 to index
        %parallel_loop3A_307 = tpu.vector_load %arg9[%parallel_loop3A_305, %parallel_loop3A_306] {strides = array<i32>} : memref<40x512xf32, #tpu.memory_space<vmem>>, vector<16xf32>,
        tpu.vector_store %arg9[%parallel_loop3A_305, %parallel_loop3A_306], %parallel_loop3A_302 {strides = array<i32>} : memref<40x512xf32, #tpu.memory_space<vmem>>, vector<16xf32>,
        %parallel_loop3A_308 = arith.addi %parallel_loop3A_249, %add3A_16 : vector<16xi32>
        %parallel_loop3A_309 = tpu.vector_load_idx %arg6[%parallel_loop3A_308] : memref<8192xf32, #tpu.memory_space<vmem>>[vector<16xi32>], vector<16xf32>,
        %parallel_loop3A_310 = arith.constant 256 : i32
        %parallel_loop3A_311 = arith.addi %parallel_loop3A_310, %parallel_loop3A_293 : i32
        %parallel_loop3A_312 = arith.index_cast %parallel_loop3A_275 : i32 to index
        %parallel_loop3A_313 = arith.index_cast %parallel_loop3A_311 : i32 to index
        %parallel_loop3A_314 = tpu.vector_load %arg9[%parallel_loop3A_312, %parallel_loop3A_313] {strides = array<i32>} : memref<40x512xf32, #tpu.memory_space<vmem>>, vector<16xf32>,
        tpu.vector_store %arg9[%parallel_loop3A_312, %parallel_loop3A_313], %parallel_loop3A_309 {strides = array<i32>} : memref<40x512xf32, #tpu.memory_space<vmem>>, vector<16xf32>,
        %parallel_loop3A_315 = arith.addi %parallel_loop3A_249, %add3A_20 : vector<16xi32>
        %parallel_loop3A_316 = tpu.vector_load_idx %arg6[%parallel_loop3A_315] : memref<8192xf32, #tpu.memory_space<vmem>>[vector<16xi32>], vector<16xf32>,
        %parallel_loop3A_317 = arith.constant 384 : i32
        %parallel_loop3A_318 = arith.addi %parallel_loop3A_317, %parallel_loop3A_293 : i32
        %parallel_loop3A_319 = arith.index_cast %parallel_loop3A_275 : i32 to index
        %parallel_loop3A_320 = arith.index_cast %parallel_loop3A_318 : i32 to index
        %parallel_loop3A_321 = tpu.vector_load %arg9[%parallel_loop3A_319, %parallel_loop3A_320] {strides = array<i32>} : memref<40x512xf32, #tpu.memory_space<vmem>>, vector<16xf32>,
        tpu.vector_store %arg9[%parallel_loop3A_319, %parallel_loop3A_320], %parallel_loop3A_316 {strides = array<i32>} : memref<40x512xf32, #tpu.memory_space<vmem>>, vector<16xf32>,
      } {sc.loop_unroll_factor = 8 : i64, sc.parallel_access}
      %mul3A_97 = arith.constant 4 : i32
      %mul3A_98 = arith.muli %add3A, %mul3A_97 : i32
      %jit3A = arith.constant 5 : i32
      %div3A = arith.divsi %add3A_71, %jit3A : i32
      %sign3A = arith.constant 0 : i32
      %sign3A_99 = arith.cmpi sgt, %add3A_71, %sign3A : i32
      %sign3A_100 = arith.extui %sign3A_99 : i1 to i32
      %sign3A_101 = arith.constant 0 : i32
      %sign3A_102 = arith.cmpi slt, %add3A_71, %sign3A_101 : i32
      %sign3A_103 = arith.extui %sign3A_102 : i1 to i32
      %sign3A_104 = arith.subi %sign3A_100, %sign3A_103 : i32
      %sign3A_105 = arith.constant 0 : i32
      %sign3A_106 = arith.cmpi sgt, %jit3A, %sign3A_105 : i32
      %sign3A_107 = arith.extui %sign3A_106 : i1 to i32
      %sign3A_108 = arith.constant 0 : i32
      %sign3A_109 = arith.cmpi slt, %jit3A, %sign3A_108 : i32
      %sign3A_110 = arith.extui %sign3A_109 : i1 to i32
      %sign3A_111 = arith.subi %sign3A_107, %sign3A_110 : i32
      %ne3A = arith.cmpi ne, %sign3A_104, %sign3A_111 : i32
      %rem3A = arith.remsi %add3A_71, %jit3A : i32
      %ne3A_112 = arith.constant 0 : i32
      %ne3A_113 = arith.cmpi ne, %rem3A, %ne3A_112 : i32
      %and3A = arith.andi %ne3A, %ne3A_113 : i1
      %sub3A = arith.constant 1 : i32
      %sub3A_114 = arith.subi %div3A, %sub3A : i32
      %select_n3A = arith.select %and3A, %sub3A_114, %div3A : i32
      %add3A_115 = arith.addi %mul3A_98, %select_n3A : i32
      %jit3A_116 = arith.constant 5 : i32
      %eq3A = arith.constant 0 : i32
      %eq3A_117 = arith.cmpi eq, %jit3A_116, %eq3A : i32
      %jit3A_118 = arith.constant 1 : i32
      %select_n3A_119 = arith.select %eq3A_117, %jit3A_118, %jit3A_116 : i32
      %rem3A_120 = arith.remsi %add3A_71, %select_n3A_119 : i32
      %ne3A_121 = arith.constant 0 : i32
      %ne3A_122 = arith.cmpi ne, %rem3A_120, %ne3A_121 : i32
      %lt3A = arith.constant 0 : i32
      %lt3A_123 = arith.cmpi slt, %rem3A_120, %lt3A : i32
      %lt3A_124 = arith.constant 0 : i32
      %lt3A_125 = arith.cmpi slt, %select_n3A_119, %lt3A_124 : i32
      %ne3A_126 = arith.xori %lt3A_123, %lt3A_125 : i1
      %and3A_127 = arith.andi %ne3A_126, %ne3A_122 : i1
      %add3A_128 = arith.addi %rem3A_120, %select_n3A_119 : i32
      %select_n3A_129 = arith.select %and3A_127, %add3A_128, %rem3A_120 : i32
      %mul3A_130 = arith.constant 5 : i32
      %mul3A_131 = arith.muli %select_n3A_129, %mul3A_130 : i32
      %mul3A_132 = arith.constant 8 : i32
      %mul3A_133 = arith.muli %mul3A_132, %mul3A_131 : i32
      %dma_start3A_134 = arith.constant 0 : i32
      %dma_start3A_135 = tpu.memref_slice %arg4[%mul3A_133, %add3A_115, %dma_start3A_134] : memref<200x128x512xf32, #tpu.memory_space<hbm>> -> memref<40x1x512xf32, #tpu.memory_space<hbm>>
      %dma_start3A_136 = tpu.memref_squeeze %dma_start3A_135 : memref<40x1x512xf32, #tpu.memory_space<hbm>> -> memref<40x512xf32, #tpu.memory_space<hbm>>
      %dma_start3A_137 = arith.constant 0 : i32
      %dma_start3A_138 = tpu.memref_slice %arg4[%mul3A_133, %add3A_115, %dma_start3A_137] : memref<200x128x512xf32, #tpu.memory_space<hbm>> -> memref<40x1x512xf32, #tpu.memory_space<hbm>>
      %dma_start3A_139 = tpu.memref_squeeze %dma_start3A_138 : memref<40x1x512xf32, #tpu.memory_space<hbm>> -> memref<40x512xf32, #tpu.memory_space<hbm>>
      tpu.enqueue_dma source(%arg9 : memref<40x512xf32, #tpu.memory_space<vmem>>) target(%dma_start3A_139 : memref<40x512xf32, #tpu.memory_space<hbm>>) target_semaphore(%arg13 : memref<!tpu.dma_semaphore, #tpu.memory_space<semaphore_mem>>)
      %add3A_140 = arith.constant 2 : i32
      %add3A_141 = arith.addi %add3A_71, %add3A_140 : i32
      %lt3A_142 = arith.constant 20 : i32
      %lt3A_143 = arith.cmpi slt, %add3A_141, %lt3A_142 : i32
      %convert_element_type3A_144 = arith.extui %lt3A_143 : i1 to i32
      %cond3A_145 = arith.constant 0 : i32
      %cond3A_146 = arith.cmpi ne, %convert_element_type3A_144, %cond3A_145 : i32
      scf.if %cond3A_146 {
        %add3A_240 = arith.constant 2 : i32
        %add3A_241 = arith.addi %add3A_71, %add3A_240 : i32
        %mul3A_242 = arith.constant 4 : i32
        %mul3A_243 = arith.muli %add3A, %mul3A_242 : i32
        %jit3A_244 = arith.constant 5 : i32
        %div3A_245 = arith.divsi %add3A_241, %jit3A_244 : i32
        %sign3A_246 = arith.constant 0 : i32
        %sign3A_247 = arith.cmpi sgt, %add3A_241, %sign3A_246 : i32
        %sign3A_248 = arith.extui %sign3A_247 : i1 to i32
        %sign3A_249 = arith.constant 0 : i32
        %sign3A_250 = arith.cmpi slt, %add3A_241, %sign3A_249 : i32
        %sign3A_251 = arith.extui %sign3A_250 : i1 to i32
        %sign3A_252 = arith.subi %sign3A_248, %sign3A_251 : i32
        %sign3A_253 = arith.constant 0 : i32
        %sign3A_254 = arith.cmpi sgt, %jit3A_244, %sign3A_253 : i32
        %sign3A_255 = arith.extui %sign3A_254 : i1 to i32
        %sign3A_256 = arith.constant 0 : i32
        %sign3A_257 = arith.cmpi slt, %jit3A_244, %sign3A_256 : i32
        %sign3A_258 = arith.extui %sign3A_257 : i1 to i32
        %sign3A_259 = arith.subi %sign3A_255, %sign3A_258 : i32
        %ne3A_260 = arith.cmpi ne, %sign3A_252, %sign3A_259 : i32
        %rem3A_261 = arith.remsi %add3A_241, %jit3A_244 : i32
        %ne3A_262 = arith.constant 0 : i32
        %ne3A_263 = arith.cmpi ne, %rem3A_261, %ne3A_262 : i32
        %and3A_264 = arith.andi %ne3A_260, %ne3A_263 : i1
        %sub3A_265 = arith.constant 1 : i32
        %sub3A_266 = arith.subi %div3A_245, %sub3A_265 : i32
        %select_n3A_267 = arith.select %and3A_264, %sub3A_266, %div3A_245 : i32
        %add3A_268 = arith.addi %mul3A_243, %select_n3A_267 : i32
        %jit3A_269 = arith.constant 5 : i32
        %eq3A_270 = arith.constant 0 : i32
        %eq3A_271 = arith.cmpi eq, %jit3A_269, %eq3A_270 : i32
        %jit3A_272 = arith.constant 1 : i32
        %select_n3A_273 = arith.select %eq3A_271, %jit3A_272, %jit3A_269 : i32
        %rem3A_274 = arith.remsi %add3A_241, %select_n3A_273 : i32
        %ne3A_275 = arith.constant 0 : i32
        %ne3A_276 = arith.cmpi ne, %rem3A_274, %ne3A_275 : i32
        %lt3A_277 = arith.constant 0 : i32
        %lt3A_278 = arith.cmpi slt, %rem3A_274, %lt3A_277 : i32
        %lt3A_279 = arith.constant 0 : i32
        %lt3A_280 = arith.cmpi slt, %select_n3A_273, %lt3A_279 : i32
        %ne3A_281 = arith.xori %lt3A_278, %lt3A_280 : i1
        %and3A_282 = arith.andi %ne3A_281, %ne3A_276 : i1
        %add3A_283 = arith.addi %rem3A_274, %select_n3A_273 : i32
        %select_n3A_284 = arith.select %and3A_282, %add3A_283, %rem3A_274 : i32
        %mul3A_285 = arith.constant 5 : i32
        %mul3A_286 = arith.muli %select_n3A_284, %mul3A_285 : i32
        %dma_start3A_287 = arith.constant 0 : i32
        %dma_start3A_288 = tpu.memref_slice %arg3[%mul3A_286, %add3A_268, %dma_start3A_287] : memref<25x128x1024xi32, #tpu.memory_space<hbm>> -> memref<5x1x1024xi32, #tpu.memory_space<hbm>>
        %dma_start3A_289 = tpu.memref_squeeze %dma_start3A_288 : memref<5x1x1024xi32, #tpu.memory_space<hbm>> -> memref<5x1024xi32, #tpu.memory_space<hbm>>
        %dma_start3A_290 = arith.constant 0 : i32
        %dma_start3A_291 = tpu.memref_slice %arg3[%mul3A_286, %add3A_268, %dma_start3A_290] : memref<25x128x1024xi32, #tpu.memory_space<hbm>> -> memref<5x1x1024xi32, #tpu.memory_space<hbm>>
        %dma_start3A_292 = tpu.memref_squeeze %dma_start3A_291 : memref<5x1x1024xi32, #tpu.memory_space<hbm>> -> memref<5x1024xi32, #tpu.memory_space<hbm>>
        tpu.enqueue_dma source(%dma_start3A_292 : memref<5x1024xi32, #tpu.memory_space<hbm>>) target(%arg7 : memref<5x1024xi32, #tpu.memory_space<vmem>>) target_semaphore(%arg11 : memref<!tpu.dma_semaphore, #tpu.memory_space<semaphore_mem>>)
      } else {
      }
      %mul3A_147 = arith.constant 2 : i32
      %mul3A_148 = arith.muli %mul3A_147, %scan3A_67 : i32
      %add3A_149 = arith.constant 1 : i32
      %add3A_150 = arith.addi %mul3A_148, %add3A_149 : i32
      %dma_wait3A_151 = arith.constant 0 : i32
      %dma_wait3A_152 = arith.constant 0 : i32
      %dma_wait3A_153 = arith.constant 0 : i32
      %dma_wait3A_154 = tpu.memref_slice %arg3[%dma_wait3A_152, %dma_wait3A_151, %dma_wait3A_153] : memref<25x128x1024xi32, #tpu.memory_space<hbm>> -> memref<5x1x1024xi32, #tpu.memory_space<hbm>>
      %dma_wait3A_155 = tpu.memref_squeeze %dma_wait3A_154 : memref<5x1x1024xi32, #tpu.memory_space<hbm>> -> memref<5x1024xi32, #tpu.memory_space<hbm>>
      %dma_wait3A_156 = arith.constant 0 : i32
      %dma_wait3A_157 = arith.constant 0 : i32
      %dma_wait3A_158 = tpu.memref_slice %arg3[%dma_wait3A_156, %dma_wait3A_151, %dma_wait3A_157] : memref<25x128x1024xi32, #tpu.memory_space<hbm>> -> memref<5x1x1024xi32, #tpu.memory_space<hbm>>
      %dma_wait3A_159 = tpu.memref_squeeze %dma_wait3A_158 : memref<5x1x1024xi32, #tpu.memory_space<hbm>> -> memref<5x1024xi32, #tpu.memory_space<hbm>>
      tpu.wait_dma2 semaphore(%arg12 : memref<!tpu.dma_semaphore, #tpu.memory_space<semaphore_mem>>) src(%dma_wait3A_159 : memref<5x1024xi32, #tpu.memory_space<hbm>>) dst(%arg8 : memref<5x1024xi32, #tpu.memory_space<vmem>>)
      %ge3A_160 = arith.constant 2 : i32
      %ge3A_161 = arith.cmpi sge, %add3A_150, %ge3A_160 : i32
      %convert_element_type3A_162 = arith.extui %ge3A_161 : i1 to i32
      %cond3A_163 = arith.constant 0 : i32
      %cond3A_164 = arith.cmpi ne, %convert_element_type3A_162, %cond3A_163 : i32
      scf.if %cond3A_164 {
        %dma_wait3A_240 = arith.constant 0 : i32
        %dma_wait3A_241 = arith.constant 0 : i32
        %dma_wait3A_242 = arith.constant 0 : i32
        %dma_wait3A_243 = tpu.memref_slice %arg4[%dma_wait3A_241, %dma_wait3A_240, %dma_wait3A_242] : memref<200x128x512xf32, #tpu.memory_space<hbm>> -> memref<40x1x512xf32, #tpu.memory_space<hbm>>
        %dma_wait3A_244 = tpu.memref_squeeze %dma_wait3A_243 : memref<40x1x512xf32, #tpu.memory_space<hbm>> -> memref<40x512xf32, #tpu.memory_space<hbm>>
        %dma_wait3A_245 = arith.constant 0 : i32
        %dma_wait3A_246 = arith.constant 0 : i32
        %dma_wait3A_247 = tpu.memref_slice %arg4[%dma_wait3A_245, %dma_wait3A_240, %dma_wait3A_246] : memref<200x128x512xf32, #tpu.memory_space<hbm>> -> memref<40x1x512xf32, #tpu.memory_space<hbm>>
        %dma_wait3A_248 = tpu.memref_squeeze %dma_wait3A_247 : memref<40x1x512xf32, #tpu.memory_space<hbm>> -> memref<40x512xf32, #tpu.memory_space<hbm>>
        tpu.wait_dma2 semaphore(%arg14 : memref<!tpu.dma_semaphore, #tpu.memory_space<semaphore_mem>>) src(%arg10 : memref<40x512xf32, #tpu.memory_space<vmem>>) dst(%dma_wait3A_248 : memref<40x512xf32, #tpu.memory_space<hbm>>)
      } else {
      }
      %parallel_loop3A_165 = arith.constant 0 : i32
      %parallel_loop3A_166 = arith.constant 64 : i32
      %parallel_loop3A_167 = arith.constant 1 : i32
      scf.for %parallel_loop3A_240 = %parallel_loop3A_165 to %parallel_loop3A_166 step %parallel_loop3A_167  : i32 {
        %parallel_loop3A_241 = arith.constant 16 : i32
        %parallel_loop3A_242 = arith.muli %parallel_loop3A_240, %parallel_loop3A_241 : i32
        %parallel_loop3A_243 = arith.constant 0 : i32
        %parallel_loop3A_244 = arith.index_cast %parallel_loop3A_243 : i32 to index
        %parallel_loop3A_245 = arith.index_cast %parallel_loop3A_242 : i32 to index
        %parallel_loop3A_246 = tpu.vector_load %arg8[%parallel_loop3A_244, %parallel_loop3A_245] {strides = array<i32>} : memref<5x1024xi32, #tpu.memory_space<vmem>>, vector<16xi32>,
        %parallel_loop3A_247 = arith.constant 64 : i32
        %parallel_loop3A_248 = vector.broadcast %parallel_loop3A_247 : i32 to vector<16xi32>
        %parallel_loop3A_249 = arith.muli %parallel_loop3A_246, %parallel_loop3A_248 : vector<16xi32>
        %parallel_loop3A_250 = arith.constant 8 : i32
        %parallel_loop3A_251 = arith.divsi %parallel_loop3A_240, %parallel_loop3A_250 : i32
        %parallel_loop3A_252 = arith.constant 0 : i32
        %parallel_loop3A_253 = arith.cmpi sgt, %parallel_loop3A_240, %parallel_loop3A_252 : i32
        %parallel_loop3A_254 = arith.extui %parallel_loop3A_253 : i1 to i32
        %parallel_loop3A_255 = arith.constant 0 : i32
        %parallel_loop3A_256 = arith.cmpi slt, %parallel_loop3A_240, %parallel_loop3A_255 : i32
        %parallel_loop3A_257 = arith.extui %parallel_loop3A_256 : i1 to i32
        %parallel_loop3A_258 = arith.subi %parallel_loop3A_254, %parallel_loop3A_257 : i32
        %parallel_loop3A_259 = arith.constant 0 : i32
        %parallel_loop3A_260 = arith.cmpi sgt, %parallel_loop3A_250, %parallel_loop3A_259 : i32
        %parallel_loop3A_261 = arith.extui %parallel_loop3A_260 : i1 to i32
        %parallel_loop3A_262 = arith.constant 0 : i32
        %parallel_loop3A_263 = arith.cmpi slt, %parallel_loop3A_250, %parallel_loop3A_262 : i32
        %parallel_loop3A_264 = arith.extui %parallel_loop3A_263 : i1 to i32
        %parallel_loop3A_265 = arith.subi %parallel_loop3A_261, %parallel_loop3A_264 : i32
        %parallel_loop3A_266 = arith.cmpi ne, %parallel_loop3A_258, %parallel_loop3A_265 : i32
        %parallel_loop3A_267 = arith.remsi %parallel_loop3A_240, %parallel_loop3A_250 : i32
        %parallel_loop3A_268 = arith.constant 0 : i32
        %parallel_loop3A_269 = arith.cmpi ne, %parallel_loop3A_267, %parallel_loop3A_268 : i32
        %parallel_loop3A_270 = arith.andi %parallel_loop3A_266, %parallel_loop3A_269 : i1
        %parallel_loop3A_271 = arith.constant 1 : i32
        %parallel_loop3A_272 = arith.subi %parallel_loop3A_251, %parallel_loop3A_271 : i32
        %parallel_loop3A_273 = arith.select %parallel_loop3A_270, %parallel_loop3A_272, %parallel_loop3A_251 : i32
        %parallel_loop3A_274 = arith.constant 0 : i32
        %parallel_loop3A_275 = arith.addi %parallel_loop3A_274, %parallel_loop3A_273 : i32
        %parallel_loop3A_276 = arith.constant 8 : i32
        %parallel_loop3A_277 = arith.constant 0 : i32
        %parallel_loop3A_278 = arith.cmpi eq, %parallel_loop3A_276, %parallel_loop3A_277 : i32
        %parallel_loop3A_279 = arith.constant 1 : i32
        %parallel_loop3A_280 = arith.select %parallel_loop3A_278, %parallel_loop3A_279, %parallel_loop3A_276 : i32
        %parallel_loop3A_281 = arith.remsi %parallel_loop3A_240, %parallel_loop3A_280 : i32
        %parallel_loop3A_282 = arith.constant 0 : i32
        %parallel_loop3A_283 = arith.cmpi ne, %parallel_loop3A_281, %parallel_loop3A_282 : i32
        %parallel_loop3A_284 = arith.constant 0 : i32
        %parallel_loop3A_285 = arith.cmpi slt, %parallel_loop3A_281, %parallel_loop3A_284 : i32
        %parallel_loop3A_286 = arith.constant 0 : i32
        %parallel_loop3A_287 = arith.cmpi slt, %parallel_loop3A_280, %parallel_loop3A_286 : i32
        %parallel_loop3A_288 = arith.xori %parallel_loop3A_285, %parallel_loop3A_287 : i1
        %parallel_loop3A_289 = arith.andi %parallel_loop3A_288, %parallel_loop3A_283 : i1
        %parallel_loop3A_290 = arith.addi %parallel_loop3A_281, %parallel_loop3A_280 : i32
        %parallel_loop3A_291 = arith.select %parallel_loop3A_289, %parallel_loop3A_290, %parallel_loop3A_281 : i32
        %parallel_loop3A_292 = arith.constant 16 : i32
        %parallel_loop3A_293 = arith.muli %parallel_loop3A_291, %parallel_loop3A_292 : i32
        %parallel_loop3A_294 = arith.addi %parallel_loop3A_249, %add3A_8 : vector<16xi32>
        %parallel_loop3A_295 = tpu.vector_load_idx %arg6[%parallel_loop3A_294] : memref<8192xf32, #tpu.memory_space<vmem>>[vector<16xi32>], vector<16xf32>,
        %parallel_loop3A_296 = arith.constant 0 : i32
        %parallel_loop3A_297 = arith.addi %parallel_loop3A_296, %parallel_loop3A_293 : i32
        %parallel_loop3A_298 = arith.index_cast %parallel_loop3A_275 : i32 to index
        %parallel_loop3A_299 = arith.index_cast %parallel_loop3A_297 : i32 to index
        %parallel_loop3A_300 = tpu.vector_load %arg10[%parallel_loop3A_298, %parallel_loop3A_299] {strides = array<i32>} : memref<40x512xf32, #tpu.memory_space<vmem>>, vector<16xf32>,
        tpu.vector_store %arg10[%parallel_loop3A_298, %parallel_loop3A_299], %parallel_loop3A_295 {strides = array<i32>} : memref<40x512xf32, #tpu.memory_space<vmem>>, vector<16xf32>,
        %parallel_loop3A_301 = arith.addi %parallel_loop3A_249, %add3A_12 : vector<16xi32>
        %parallel_loop3A_302 = tpu.vector_load_idx %arg6[%parallel_loop3A_301] : memref<8192xf32, #tpu.memory_space<vmem>>[vector<16xi32>], vector<16xf32>,
        %parallel_loop3A_303 = arith.constant 128 : i32
        %parallel_loop3A_304 = arith.addi %parallel_loop3A_303, %parallel_loop3A_293 : i32
        %parallel_loop3A_305 = arith.index_cast %parallel_loop3A_275 : i32 to index
        %parallel_loop3A_306 = arith.index_cast %parallel_loop3A_304 : i32 to index
        %parallel_loop3A_307 = tpu.vector_load %arg10[%parallel_loop3A_305, %parallel_loop3A_306] {strides = array<i32>} : memref<40x512xf32, #tpu.memory_space<vmem>>, vector<16xf32>,
        tpu.vector_store %arg10[%parallel_loop3A_305, %parallel_loop3A_306], %parallel_loop3A_302 {strides = array<i32>} : memref<40x512xf32, #tpu.memory_space<vmem>>, vector<16xf32>,
        %parallel_loop3A_308 = arith.addi %parallel_loop3A_249, %add3A_16 : vector<16xi32>
        %parallel_loop3A_309 = tpu.vector_load_idx %arg6[%parallel_loop3A_308] : memref<8192xf32, #tpu.memory_space<vmem>>[vector<16xi32>], vector<16xf32>,
        %parallel_loop3A_310 = arith.constant 256 : i32
        %parallel_loop3A_311 = arith.addi %parallel_loop3A_310, %parallel_loop3A_293 : i32
        %parallel_loop3A_312 = arith.index_cast %parallel_loop3A_275 : i32 to index
        %parallel_loop3A_313 = arith.index_cast %parallel_loop3A_311 : i32 to index
        %parallel_loop3A_314 = tpu.vector_load %arg10[%parallel_loop3A_312, %parallel_loop3A_313] {strides = array<i32>} : memref<40x512xf32, #tpu.memory_space<vmem>>, vector<16xf32>,
        tpu.vector_store %arg10[%parallel_loop3A_312, %parallel_loop3A_313], %parallel_loop3A_309 {strides = array<i32>} : memref<40x512xf32, #tpu.memory_space<vmem>>, vector<16xf32>,
        %parallel_loop3A_315 = arith.addi %parallel_loop3A_249, %add3A_20 : vector<16xi32>
        %parallel_loop3A_316 = tpu.vector_load_idx %arg6[%parallel_loop3A_315] : memref<8192xf32, #tpu.memory_space<vmem>>[vector<16xi32>], vector<16xf32>,
        %parallel_loop3A_317 = arith.constant 384 : i32
        %parallel_loop3A_318 = arith.addi %parallel_loop3A_317, %parallel_loop3A_293 : i32
        %parallel_loop3A_319 = arith.index_cast %parallel_loop3A_275 : i32 to index
        %parallel_loop3A_320 = arith.index_cast %parallel_loop3A_318 : i32 to index
        %parallel_loop3A_321 = tpu.vector_load %arg10[%parallel_loop3A_319, %parallel_loop3A_320] {strides = array<i32>} : memref<40x512xf32, #tpu.memory_space<vmem>>, vector<16xf32>,
        tpu.vector_store %arg10[%parallel_loop3A_319, %parallel_loop3A_320], %parallel_loop3A_316 {strides = array<i32>} : memref<40x512xf32, #tpu.memory_space<vmem>>, vector<16xf32>,
      } {sc.loop_unroll_factor = 8 : i64, sc.parallel_access}
      %parallel_loop3A_168 = arith.constant 0 : i32
      %parallel_loop3A_169 = arith.constant 64 : i32
      %parallel_loop3A_170 = arith.constant 1 : i32
      scf.for %parallel_loop3A_240 = %parallel_loop3A_168 to %parallel_loop3A_169 step %parallel_loop3A_170  : i32 {
        %parallel_loop3A_241 = arith.constant 16 : i32
        %parallel_loop3A_242 = arith.muli %parallel_loop3A_240, %parallel_loop3A_241 : i32
        %parallel_loop3A_243 = arith.constant 1 : i32
        %parallel_loop3A_244 = arith.index_cast %parallel_loop3A_243 : i32 to index
        %parallel_loop3A_245 = arith.index_cast %parallel_loop3A_242 : i32 to index
        %parallel_loop3A_246 = tpu.vector_load %arg8[%parallel_loop3A_244, %parallel_loop3A_245] {strides = array<i32>} : memref<5x1024xi32, #tpu.memory_space<vmem>>, vector<16xi32>,
        %parallel_loop3A_247 = arith.constant 64 : i32
        %parallel_loop3A_248 = vector.broadcast %parallel_loop3A_247 : i32 to vector<16xi32>
        %parallel_loop3A_249 = arith.muli %parallel_loop3A_246, %parallel_loop3A_248 : vector<16xi32>
        %parallel_loop3A_250 = arith.constant 8 : i32
        %parallel_loop3A_251 = arith.divsi %parallel_loop3A_240, %parallel_loop3A_250 : i32
        %parallel_loop3A_252 = arith.constant 0 : i32
        %parallel_loop3A_253 = arith.cmpi sgt, %parallel_loop3A_240, %parallel_loop3A_252 : i32
        %parallel_loop3A_254 = arith.extui %parallel_loop3A_253 : i1 to i32
        %parallel_loop3A_255 = arith.constant 0 : i32
        %parallel_loop3A_256 = arith.cmpi slt, %parallel_loop3A_240, %parallel_loop3A_255 : i32
        %parallel_loop3A_257 = arith.extui %parallel_loop3A_256 : i1 to i32
        %parallel_loop3A_258 = arith.subi %parallel_loop3A_254, %parallel_loop3A_257 : i32
        %parallel_loop3A_259 = arith.constant 0 : i32
        %parallel_loop3A_260 = arith.cmpi sgt, %parallel_loop3A_250, %parallel_loop3A_259 : i32
        %parallel_loop3A_261 = arith.extui %parallel_loop3A_260 : i1 to i32
        %parallel_loop3A_262 = arith.constant 0 : i32
        %parallel_loop3A_263 = arith.cmpi slt, %parallel_loop3A_250, %parallel_loop3A_262 : i32
        %parallel_loop3A_264 = arith.extui %parallel_loop3A_263 : i1 to i32
        %parallel_loop3A_265 = arith.subi %parallel_loop3A_261, %parallel_loop3A_264 : i32
        %parallel_loop3A_266 = arith.cmpi ne, %parallel_loop3A_258, %parallel_loop3A_265 : i32
        %parallel_loop3A_267 = arith.remsi %parallel_loop3A_240, %parallel_loop3A_250 : i32
        %parallel_loop3A_268 = arith.constant 0 : i32
        %parallel_loop3A_269 = arith.cmpi ne, %parallel_loop3A_267, %parallel_loop3A_268 : i32
        %parallel_loop3A_270 = arith.andi %parallel_loop3A_266, %parallel_loop3A_269 : i1
        %parallel_loop3A_271 = arith.constant 1 : i32
        %parallel_loop3A_272 = arith.subi %parallel_loop3A_251, %parallel_loop3A_271 : i32
        %parallel_loop3A_273 = arith.select %parallel_loop3A_270, %parallel_loop3A_272, %parallel_loop3A_251 : i32
        %parallel_loop3A_274 = arith.constant 8 : i32
        %parallel_loop3A_275 = arith.addi %parallel_loop3A_274, %parallel_loop3A_273 : i32
        %parallel_loop3A_276 = arith.constant 8 : i32
        %parallel_loop3A_277 = arith.constant 0 : i32
        %parallel_loop3A_278 = arith.cmpi eq, %parallel_loop3A_276, %parallel_loop3A_277 : i32
        %parallel_loop3A_279 = arith.constant 1 : i32
        %parallel_loop3A_280 = arith.select %parallel_loop3A_278, %parallel_loop3A_279, %parallel_loop3A_276 : i32
        %parallel_loop3A_281 = arith.remsi %parallel_loop3A_240, %parallel_loop3A_280 : i32
        %parallel_loop3A_282 = arith.constant 0 : i32
        %parallel_loop3A_283 = arith.cmpi ne, %parallel_loop3A_281, %parallel_loop3A_282 : i32
        %parallel_loop3A_284 = arith.constant 0 : i32
        %parallel_loop3A_285 = arith.cmpi slt, %parallel_loop3A_281, %parallel_loop3A_284 : i32
        %parallel_loop3A_286 = arith.constant 0 : i32
        %parallel_loop3A_287 = arith.cmpi slt, %parallel_loop3A_280, %parallel_loop3A_286 : i32
        %parallel_loop3A_288 = arith.xori %parallel_loop3A_285, %parallel_loop3A_287 : i1
        %parallel_loop3A_289 = arith.andi %parallel_loop3A_288, %parallel_loop3A_283 : i1
        %parallel_loop3A_290 = arith.addi %parallel_loop3A_281, %parallel_loop3A_280 : i32
        %parallel_loop3A_291 = arith.select %parallel_loop3A_289, %parallel_loop3A_290, %parallel_loop3A_281 : i32
        %parallel_loop3A_292 = arith.constant 16 : i32
        %parallel_loop3A_293 = arith.muli %parallel_loop3A_291, %parallel_loop3A_292 : i32
        %parallel_loop3A_294 = arith.addi %parallel_loop3A_249, %add3A_8 : vector<16xi32>
        %parallel_loop3A_295 = tpu.vector_load_idx %arg6[%parallel_loop3A_294] : memref<8192xf32, #tpu.memory_space<vmem>>[vector<16xi32>], vector<16xf32>,
        %parallel_loop3A_296 = arith.constant 0 : i32
        %parallel_loop3A_297 = arith.addi %parallel_loop3A_296, %parallel_loop3A_293 : i32
        %parallel_loop3A_298 = arith.index_cast %parallel_loop3A_275 : i32 to index
        %parallel_loop3A_299 = arith.index_cast %parallel_loop3A_297 : i32 to index
        %parallel_loop3A_300 = tpu.vector_load %arg10[%parallel_loop3A_298, %parallel_loop3A_299] {strides = array<i32>} : memref<40x512xf32, #tpu.memory_space<vmem>>, vector<16xf32>,
        tpu.vector_store %arg10[%parallel_loop3A_298, %parallel_loop3A_299], %parallel_loop3A_295 {strides = array<i32>} : memref<40x512xf32, #tpu.memory_space<vmem>>, vector<16xf32>,
        %parallel_loop3A_301 = arith.addi %parallel_loop3A_249, %add3A_12 : vector<16xi32>
        %parallel_loop3A_302 = tpu.vector_load_idx %arg6[%parallel_loop3A_301] : memref<8192xf32, #tpu.memory_space<vmem>>[vector<16xi32>], vector<16xf32>,
        %parallel_loop3A_303 = arith.constant 128 : i32
        %parallel_loop3A_304 = arith.addi %parallel_loop3A_303, %parallel_loop3A_293 : i32
        %parallel_loop3A_305 = arith.index_cast %parallel_loop3A_275 : i32 to index
        %parallel_loop3A_306 = arith.index_cast %parallel_loop3A_304 : i32 to index
        %parallel_loop3A_307 = tpu.vector_load %arg10[%parallel_loop3A_305, %parallel_loop3A_306] {strides = array<i32>} : memref<40x512xf32, #tpu.memory_space<vmem>>, vector<16xf32>,
        tpu.vector_store %arg10[%parallel_loop3A_305, %parallel_loop3A_306], %parallel_loop3A_302 {strides = array<i32>} : memref<40x512xf32, #tpu.memory_space<vmem>>, vector<16xf32>,
        %parallel_loop3A_308 = arith.addi %parallel_loop3A_249, %add3A_16 : vector<16xi32>
        %parallel_loop3A_309 = tpu.vector_load_idx %arg6[%parallel_loop3A_308] : memref<8192xf32, #tpu.memory_space<vmem>>[vector<16xi32>], vector<16xf32>,
        %parallel_loop3A_310 = arith.constant 256 : i32
        %parallel_loop3A_311 = arith.addi %parallel_loop3A_310, %parallel_loop3A_293 : i32
        %parallel_loop3A_312 = arith.index_cast %parallel_loop3A_275 : i32 to index
        %parallel_loop3A_313 = arith.index_cast %parallel_loop3A_311 : i32 to index
        %parallel_loop3A_314 = tpu.vector_load %arg10[%parallel_loop3A_312, %parallel_loop3A_313] {strides = array<i32>} : memref<40x512xf32, #tpu.memory_space<vmem>>, vector<16xf32>,
        tpu.vector_store %arg10[%parallel_loop3A_312, %parallel_loop3A_313], %parallel_loop3A_309 {strides = array<i32>} : memref<40x512xf32, #tpu.memory_space<vmem>>, vector<16xf32>,
        %parallel_loop3A_315 = arith.addi %parallel_loop3A_249, %add3A_20 : vector<16xi32>
        %parallel_loop3A_316 = tpu.vector_load_idx %arg6[%parallel_loop3A_315] : memref<8192xf32, #tpu.memory_space<vmem>>[vector<16xi32>], vector<16xf32>,
        %parallel_loop3A_317 = arith.constant 384 : i32
        %parallel_loop3A_318 = arith.addi %parallel_loop3A_317, %parallel_loop3A_293 : i32
        %parallel_loop3A_319 = arith.index_cast %parallel_loop3A_275 : i32 to index
        %parallel_loop3A_320 = arith.index_cast %parallel_loop3A_318 : i32 to index
        %parallel_loop3A_321 = tpu.vector_load %arg10[%parallel_loop3A_319, %parallel_loop3A_320] {strides = array<i32>} : memref<40x512xf32, #tpu.memory_space<vmem>>, vector<16xf32>,
        tpu.vector_store %arg10[%parallel_loop3A_319, %parallel_loop3A_320], %parallel_loop3A_316 {strides = array<i32>} : memref<40x512xf32, #tpu.memory_space<vmem>>, vector<16xf32>,
      } {sc.loop_unroll_factor = 8 : i64, sc.parallel_access}
      %parallel_loop3A_171 = arith.constant 0 : i32
      %parallel_loop3A_172 = arith.constant 64 : i32
      %parallel_loop3A_173 = arith.constant 1 : i32
      scf.for %parallel_loop3A_240 = %parallel_loop3A_171 to %parallel_loop3A_172 step %parallel_loop3A_173  : i32 {
        %parallel_loop3A_241 = arith.constant 16 : i32
        %parallel_loop3A_242 = arith.muli %parallel_loop3A_240, %parallel_loop3A_241 : i32
        %parallel_loop3A_243 = arith.constant 2 : i32
        %parallel_loop3A_244 = arith.index_cast %parallel_loop3A_243 : i32 to index
        %parallel_loop3A_245 = arith.index_cast %parallel_loop3A_242 : i32 to index
        %parallel_loop3A_246 = tpu.vector_load %arg8[%parallel_loop3A_244, %parallel_loop3A_245] {strides = array<i32>} : memref<5x1024xi32, #tpu.memory_space<vmem>>, vector<16xi32>,
        %parallel_loop3A_247 = arith.constant 64 : i32
        %parallel_loop3A_248 = vector.broadcast %parallel_loop3A_247 : i32 to vector<16xi32>
        %parallel_loop3A_249 = arith.muli %parallel_loop3A_246, %parallel_loop3A_248 : vector<16xi32>
        %parallel_loop3A_250 = arith.constant 8 : i32
        %parallel_loop3A_251 = arith.divsi %parallel_loop3A_240, %parallel_loop3A_250 : i32
        %parallel_loop3A_252 = arith.constant 0 : i32
        %parallel_loop3A_253 = arith.cmpi sgt, %parallel_loop3A_240, %parallel_loop3A_252 : i32
        %parallel_loop3A_254 = arith.extui %parallel_loop3A_253 : i1 to i32
        %parallel_loop3A_255 = arith.constant 0 : i32
        %parallel_loop3A_256 = arith.cmpi slt, %parallel_loop3A_240, %parallel_loop3A_255 : i32
        %parallel_loop3A_257 = arith.extui %parallel_loop3A_256 : i1 to i32
        %parallel_loop3A_258 = arith.subi %parallel_loop3A_254, %parallel_loop3A_257 : i32
        %parallel_loop3A_259 = arith.constant 0 : i32
        %parallel_loop3A_260 = arith.cmpi sgt, %parallel_loop3A_250, %parallel_loop3A_259 : i32
        %parallel_loop3A_261 = arith.extui %parallel_loop3A_260 : i1 to i32
        %parallel_loop3A_262 = arith.constant 0 : i32
        %parallel_loop3A_263 = arith.cmpi slt, %parallel_loop3A_250, %parallel_loop3A_262 : i32
        %parallel_loop3A_264 = arith.extui %parallel_loop3A_263 : i1 to i32
        %parallel_loop3A_265 = arith.subi %parallel_loop3A_261, %parallel_loop3A_264 : i32
        %parallel_loop3A_266 = arith.cmpi ne, %parallel_loop3A_258, %parallel_loop3A_265 : i32
        %parallel_loop3A_267 = arith.remsi %parallel_loop3A_240, %parallel_loop3A_250 : i32
        %parallel_loop3A_268 = arith.constant 0 : i32
        %parallel_loop3A_269 = arith.cmpi ne, %parallel_loop3A_267, %parallel_loop3A_268 : i32
        %parallel_loop3A_270 = arith.andi %parallel_loop3A_266, %parallel_loop3A_269 : i1
        %parallel_loop3A_271 = arith.constant 1 : i32
        %parallel_loop3A_272 = arith.subi %parallel_loop3A_251, %parallel_loop3A_271 : i32
        %parallel_loop3A_273 = arith.select %parallel_loop3A_270, %parallel_loop3A_272, %parallel_loop3A_251 : i32
        %parallel_loop3A_274 = arith.constant 16 : i32
        %parallel_loop3A_275 = arith.addi %parallel_loop3A_274, %parallel_loop3A_273 : i32
        %parallel_loop3A_276 = arith.constant 8 : i32
        %parallel_loop3A_277 = arith.constant 0 : i32
        %parallel_loop3A_278 = arith.cmpi eq, %parallel_loop3A_276, %parallel_loop3A_277 : i32
        %parallel_loop3A_279 = arith.constant 1 : i32
        %parallel_loop3A_280 = arith.select %parallel_loop3A_278, %parallel_loop3A_279, %parallel_loop3A_276 : i32
        %parallel_loop3A_281 = arith.remsi %parallel_loop3A_240, %parallel_loop3A_280 : i32
        %parallel_loop3A_282 = arith.constant 0 : i32
        %parallel_loop3A_283 = arith.cmpi ne, %parallel_loop3A_281, %parallel_loop3A_282 : i32
        %parallel_loop3A_284 = arith.constant 0 : i32
        %parallel_loop3A_285 = arith.cmpi slt, %parallel_loop3A_281, %parallel_loop3A_284 : i32
        %parallel_loop3A_286 = arith.constant 0 : i32
        %parallel_loop3A_287 = arith.cmpi slt, %parallel_loop3A_280, %parallel_loop3A_286 : i32
        %parallel_loop3A_288 = arith.xori %parallel_loop3A_285, %parallel_loop3A_287 : i1
        %parallel_loop3A_289 = arith.andi %parallel_loop3A_288, %parallel_loop3A_283 : i1
        %parallel_loop3A_290 = arith.addi %parallel_loop3A_281, %parallel_loop3A_280 : i32
        %parallel_loop3A_291 = arith.select %parallel_loop3A_289, %parallel_loop3A_290, %parallel_loop3A_281 : i32
        %parallel_loop3A_292 = arith.constant 16 : i32
        %parallel_loop3A_293 = arith.muli %parallel_loop3A_291, %parallel_loop3A_292 : i32
        %parallel_loop3A_294 = arith.addi %parallel_loop3A_249, %add3A_8 : vector<16xi32>
        %parallel_loop3A_295 = tpu.vector_load_idx %arg6[%parallel_loop3A_294] : memref<8192xf32, #tpu.memory_space<vmem>>[vector<16xi32>], vector<16xf32>,
        %parallel_loop3A_296 = arith.constant 0 : i32
        %parallel_loop3A_297 = arith.addi %parallel_loop3A_296, %parallel_loop3A_293 : i32
        %parallel_loop3A_298 = arith.index_cast %parallel_loop3A_275 : i32 to index
        %parallel_loop3A_299 = arith.index_cast %parallel_loop3A_297 : i32 to index
        %parallel_loop3A_300 = tpu.vector_load %arg10[%parallel_loop3A_298, %parallel_loop3A_299] {strides = array<i32>} : memref<40x512xf32, #tpu.memory_space<vmem>>, vector<16xf32>,
        tpu.vector_store %arg10[%parallel_loop3A_298, %parallel_loop3A_299], %parallel_loop3A_295 {strides = array<i32>} : memref<40x512xf32, #tpu.memory_space<vmem>>, vector<16xf32>,
        %parallel_loop3A_301 = arith.addi %parallel_loop3A_249, %add3A_12 : vector<16xi32>
        %parallel_loop3A_302 = tpu.vector_load_idx %arg6[%parallel_loop3A_301] : memref<8192xf32, #tpu.memory_space<vmem>>[vector<16xi32>], vector<16xf32>,
        %parallel_loop3A_303 = arith.constant 128 : i32
        %parallel_loop3A_304 = arith.addi %parallel_loop3A_303, %parallel_loop3A_293 : i32
        %parallel_loop3A_305 = arith.index_cast %parallel_loop3A_275 : i32 to index
        %parallel_loop3A_306 = arith.index_cast %parallel_loop3A_304 : i32 to index
        %parallel_loop3A_307 = tpu.vector_load %arg10[%parallel_loop3A_305, %parallel_loop3A_306] {strides = array<i32>} : memref<40x512xf32, #tpu.memory_space<vmem>>, vector<16xf32>,
        tpu.vector_store %arg10[%parallel_loop3A_305, %parallel_loop3A_306], %parallel_loop3A_302 {strides = array<i32>} : memref<40x512xf32, #tpu.memory_space<vmem>>, vector<16xf32>,
        %parallel_loop3A_308 = arith.addi %parallel_loop3A_249, %add3A_16 : vector<16xi32>
        %parallel_loop3A_309 = tpu.vector_load_idx %arg6[%parallel_loop3A_308] : memref<8192xf32, #tpu.memory_space<vmem>>[vector<16xi32>], vector<16xf32>,
        %parallel_loop3A_310 = arith.constant 256 : i32
        %parallel_loop3A_311 = arith.addi %parallel_loop3A_310, %parallel_loop3A_293 : i32
        %parallel_loop3A_312 = arith.index_cast %parallel_loop3A_275 : i32 to index
        %parallel_loop3A_313 = arith.index_cast %parallel_loop3A_311 : i32 to index
        %parallel_loop3A_314 = tpu.vector_load %arg10[%parallel_loop3A_312, %parallel_loop3A_313] {strides = array<i32>} : memref<40x512xf32, #tpu.memory_space<vmem>>, vector<16xf32>,
        tpu.vector_store %arg10[%parallel_loop3A_312, %parallel_loop3A_313], %parallel_loop3A_309 {strides = array<i32>} : memref<40x512xf32, #tpu.memory_space<vmem>>, vector<16xf32>,
        %parallel_loop3A_315 = arith.addi %parallel_loop3A_249, %add3A_20 : vector<16xi32>
        %parallel_loop3A_316 = tpu.vector_load_idx %arg6[%parallel_loop3A_315] : memref<8192xf32, #tpu.memory_space<vmem>>[vector<16xi32>], vector<16xf32>,
        %parallel_loop3A_317 = arith.constant 384 : i32
        %parallel_loop3A_318 = arith.addi %parallel_loop3A_317, %parallel_loop3A_293 : i32
        %parallel_loop3A_319 = arith.index_cast %parallel_loop3A_275 : i32 to index
        %parallel_loop3A_320 = arith.index_cast %parallel_loop3A_318 : i32 to index
        %parallel_loop3A_321 = tpu.vector_load %arg10[%parallel_loop3A_319, %parallel_loop3A_320] {strides = array<i32>} : memref<40x512xf32, #tpu.memory_space<vmem>>, vector<16xf32>,
        tpu.vector_store %arg10[%parallel_loop3A_319, %parallel_loop3A_320], %parallel_loop3A_316 {strides = array<i32>} : memref<40x512xf32, #tpu.memory_space<vmem>>, vector<16xf32>,
      } {sc.loop_unroll_factor = 8 : i64, sc.parallel_access}
      %parallel_loop3A_174 = arith.constant 0 : i32
      %parallel_loop3A_175 = arith.constant 64 : i32
      %parallel_loop3A_176 = arith.constant 1 : i32
      scf.for %parallel_loop3A_240 = %parallel_loop3A_174 to %parallel_loop3A_175 step %parallel_loop3A_176  : i32 {
        %parallel_loop3A_241 = arith.constant 16 : i32
        %parallel_loop3A_242 = arith.muli %parallel_loop3A_240, %parallel_loop3A_241 : i32
        %parallel_loop3A_243 = arith.constant 3 : i32
        %parallel_loop3A_244 = arith.index_cast %parallel_loop3A_243 : i32 to index
        %parallel_loop3A_245 = arith.index_cast %parallel_loop3A_242 : i32 to index
        %parallel_loop3A_246 = tpu.vector_load %arg8[%parallel_loop3A_244, %parallel_loop3A_245] {strides = array<i32>} : memref<5x1024xi32, #tpu.memory_space<vmem>>, vector<16xi32>,
        %parallel_loop3A_247 = arith.constant 64 : i32
        %parallel_loop3A_248 = vector.broadcast %parallel_loop3A_247 : i32 to vector<16xi32>
        %parallel_loop3A_249 = arith.muli %parallel_loop3A_246, %parallel_loop3A_248 : vector<16xi32>
        %parallel_loop3A_250 = arith.constant 8 : i32
        %parallel_loop3A_251 = arith.divsi %parallel_loop3A_240, %parallel_loop3A_250 : i32
        %parallel_loop3A_252 = arith.constant 0 : i32
        %parallel_loop3A_253 = arith.cmpi sgt, %parallel_loop3A_240, %parallel_loop3A_252 : i32
        %parallel_loop3A_254 = arith.extui %parallel_loop3A_253 : i1 to i32
        %parallel_loop3A_255 = arith.constant 0 : i32
        %parallel_loop3A_256 = arith.cmpi slt, %parallel_loop3A_240, %parallel_loop3A_255 : i32
        %parallel_loop3A_257 = arith.extui %parallel_loop3A_256 : i1 to i32
        %parallel_loop3A_258 = arith.subi %parallel_loop3A_254, %parallel_loop3A_257 : i32
        %parallel_loop3A_259 = arith.constant 0 : i32
        %parallel_loop3A_260 = arith.cmpi sgt, %parallel_loop3A_250, %parallel_loop3A_259 : i32
        %parallel_loop3A_261 = arith.extui %parallel_loop3A_260 : i1 to i32
        %parallel_loop3A_262 = arith.constant 0 : i32
        %parallel_loop3A_263 = arith.cmpi slt, %parallel_loop3A_250, %parallel_loop3A_262 : i32
        %parallel_loop3A_264 = arith.extui %parallel_loop3A_263 : i1 to i32
        %parallel_loop3A_265 = arith.subi %parallel_loop3A_261, %parallel_loop3A_264 : i32
        %parallel_loop3A_266 = arith.cmpi ne, %parallel_loop3A_258, %parallel_loop3A_265 : i32
        %parallel_loop3A_267 = arith.remsi %parallel_loop3A_240, %parallel_loop3A_250 : i32
        %parallel_loop3A_268 = arith.constant 0 : i32
        %parallel_loop3A_269 = arith.cmpi ne, %parallel_loop3A_267, %parallel_loop3A_268 : i32
        %parallel_loop3A_270 = arith.andi %parallel_loop3A_266, %parallel_loop3A_269 : i1
        %parallel_loop3A_271 = arith.constant 1 : i32
        %parallel_loop3A_272 = arith.subi %parallel_loop3A_251, %parallel_loop3A_271 : i32
        %parallel_loop3A_273 = arith.select %parallel_loop3A_270, %parallel_loop3A_272, %parallel_loop3A_251 : i32
        %parallel_loop3A_274 = arith.constant 24 : i32
        %parallel_loop3A_275 = arith.addi %parallel_loop3A_274, %parallel_loop3A_273 : i32
        %parallel_loop3A_276 = arith.constant 8 : i32
        %parallel_loop3A_277 = arith.constant 0 : i32
        %parallel_loop3A_278 = arith.cmpi eq, %parallel_loop3A_276, %parallel_loop3A_277 : i32
        %parallel_loop3A_279 = arith.constant 1 : i32
        %parallel_loop3A_280 = arith.select %parallel_loop3A_278, %parallel_loop3A_279, %parallel_loop3A_276 : i32
        %parallel_loop3A_281 = arith.remsi %parallel_loop3A_240, %parallel_loop3A_280 : i32
        %parallel_loop3A_282 = arith.constant 0 : i32
        %parallel_loop3A_283 = arith.cmpi ne, %parallel_loop3A_281, %parallel_loop3A_282 : i32
        %parallel_loop3A_284 = arith.constant 0 : i32
        %parallel_loop3A_285 = arith.cmpi slt, %parallel_loop3A_281, %parallel_loop3A_284 : i32
        %parallel_loop3A_286 = arith.constant 0 : i32
        %parallel_loop3A_287 = arith.cmpi slt, %parallel_loop3A_280, %parallel_loop3A_286 : i32
        %parallel_loop3A_288 = arith.xori %parallel_loop3A_285, %parallel_loop3A_287 : i1
        %parallel_loop3A_289 = arith.andi %parallel_loop3A_288, %parallel_loop3A_283 : i1
        %parallel_loop3A_290 = arith.addi %parallel_loop3A_281, %parallel_loop3A_280 : i32
        %parallel_loop3A_291 = arith.select %parallel_loop3A_289, %parallel_loop3A_290, %parallel_loop3A_281 : i32
        %parallel_loop3A_292 = arith.constant 16 : i32
        %parallel_loop3A_293 = arith.muli %parallel_loop3A_291, %parallel_loop3A_292 : i32
        %parallel_loop3A_294 = arith.addi %parallel_loop3A_249, %add3A_8 : vector<16xi32>
        %parallel_loop3A_295 = tpu.vector_load_idx %arg6[%parallel_loop3A_294] : memref<8192xf32, #tpu.memory_space<vmem>>[vector<16xi32>], vector<16xf32>,
        %parallel_loop3A_296 = arith.constant 0 : i32
        %parallel_loop3A_297 = arith.addi %parallel_loop3A_296, %parallel_loop3A_293 : i32
        %parallel_loop3A_298 = arith.index_cast %parallel_loop3A_275 : i32 to index
        %parallel_loop3A_299 = arith.index_cast %parallel_loop3A_297 : i32 to index
        %parallel_loop3A_300 = tpu.vector_load %arg10[%parallel_loop3A_298, %parallel_loop3A_299] {strides = array<i32>} : memref<40x512xf32, #tpu.memory_space<vmem>>, vector<16xf32>,
        tpu.vector_store %arg10[%parallel_loop3A_298, %parallel_loop3A_299], %parallel_loop3A_295 {strides = array<i32>} : memref<40x512xf32, #tpu.memory_space<vmem>>, vector<16xf32>,
        %parallel_loop3A_301 = arith.addi %parallel_loop3A_249, %add3A_12 : vector<16xi32>
        %parallel_loop3A_302 = tpu.vector_load_idx %arg6[%parallel_loop3A_301] : memref<8192xf32, #tpu.memory_space<vmem>>[vector<16xi32>], vector<16xf32>,
        %parallel_loop3A_303 = arith.constant 128 : i32
        %parallel_loop3A_304 = arith.addi %parallel_loop3A_303, %parallel_loop3A_293 : i32
        %parallel_loop3A_305 = arith.index_cast %parallel_loop3A_275 : i32 to index
        %parallel_loop3A_306 = arith.index_cast %parallel_loop3A_304 : i32 to index
        %parallel_loop3A_307 = tpu.vector_load %arg10[%parallel_loop3A_305, %parallel_loop3A_306] {strides = array<i32>} : memref<40x512xf32, #tpu.memory_space<vmem>>, vector<16xf32>,
        tpu.vector_store %arg10[%parallel_loop3A_305, %parallel_loop3A_306], %parallel_loop3A_302 {strides = array<i32>} : memref<40x512xf32, #tpu.memory_space<vmem>>, vector<16xf32>,
        %parallel_loop3A_308 = arith.addi %parallel_loop3A_249, %add3A_16 : vector<16xi32>
        %parallel_loop3A_309 = tpu.vector_load_idx %arg6[%parallel_loop3A_308] : memref<8192xf32, #tpu.memory_space<vmem>>[vector<16xi32>], vector<16xf32>,
        %parallel_loop3A_310 = arith.constant 256 : i32
        %parallel_loop3A_311 = arith.addi %parallel_loop3A_310, %parallel_loop3A_293 : i32
        %parallel_loop3A_312 = arith.index_cast %parallel_loop3A_275 : i32 to index
        %parallel_loop3A_313 = arith.index_cast %parallel_loop3A_311 : i32 to index
        %parallel_loop3A_314 = tpu.vector_load %arg10[%parallel_loop3A_312, %parallel_loop3A_313] {strides = array<i32>} : memref<40x512xf32, #tpu.memory_space<vmem>>, vector<16xf32>,
        tpu.vector_store %arg10[%parallel_loop3A_312, %parallel_loop3A_313], %parallel_loop3A_309 {strides = array<i32>} : memref<40x512xf32, #tpu.memory_space<vmem>>, vector<16xf32>,
        %parallel_loop3A_315 = arith.addi %parallel_loop3A_249, %add3A_20 : vector<16xi32>
        %parallel_loop3A_316 = tpu.vector_load_idx %arg6[%parallel_loop3A_315] : memref<8192xf32, #tpu.memory_space<vmem>>[vector<16xi32>], vector<16xf32>,
        %parallel_loop3A_317 = arith.constant 384 : i32
        %parallel_loop3A_318 = arith.addi %parallel_loop3A_317, %parallel_loop3A_293 : i32
        %parallel_loop3A_319 = arith.index_cast %parallel_loop3A_275 : i32 to index
        %parallel_loop3A_320 = arith.index_cast %parallel_loop3A_318 : i32 to index
        %parallel_loop3A_321 = tpu.vector_load %arg10[%parallel_loop3A_319, %parallel_loop3A_320] {strides = array<i32>} : memref<40x512xf32, #tpu.memory_space<vmem>>, vector<16xf32>,
        tpu.vector_store %arg10[%parallel_loop3A_319, %parallel_loop3A_320], %parallel_loop3A_316 {strides = array<i32>} : memref<40x512xf32, #tpu.memory_space<vmem>>, vector<16xf32>,
      } {sc.loop_unroll_factor = 8 : i64, sc.parallel_access}
      %parallel_loop3A_177 = arith.constant 0 : i32
      %parallel_loop3A_178 = arith.constant 64 : i32
      %parallel_loop3A_179 = arith.constant 1 : i32
      scf.for %parallel_loop3A_240 = %parallel_loop3A_177 to %parallel_loop3A_178 step %parallel_loop3A_179  : i32 {
        %parallel_loop3A_241 = arith.constant 16 : i32
        %parallel_loop3A_242 = arith.muli %parallel_loop3A_240, %parallel_loop3A_241 : i32
        %parallel_loop3A_243 = arith.constant 4 : i32
        %parallel_loop3A_244 = arith.index_cast %parallel_loop3A_243 : i32 to index
        %parallel_loop3A_245 = arith.index_cast %parallel_loop3A_242 : i32 to index
        %parallel_loop3A_246 = tpu.vector_load %arg8[%parallel_loop3A_244, %parallel_loop3A_245] {strides = array<i32>} : memref<5x1024xi32, #tpu.memory_space<vmem>>, vector<16xi32>,
        %parallel_loop3A_247 = arith.constant 64 : i32
        %parallel_loop3A_248 = vector.broadcast %parallel_loop3A_247 : i32 to vector<16xi32>
        %parallel_loop3A_249 = arith.muli %parallel_loop3A_246, %parallel_loop3A_248 : vector<16xi32>
        %parallel_loop3A_250 = arith.constant 8 : i32
        %parallel_loop3A_251 = arith.divsi %parallel_loop3A_240, %parallel_loop3A_250 : i32
        %parallel_loop3A_252 = arith.constant 0 : i32
        %parallel_loop3A_253 = arith.cmpi sgt, %parallel_loop3A_240, %parallel_loop3A_252 : i32
        %parallel_loop3A_254 = arith.extui %parallel_loop3A_253 : i1 to i32
        %parallel_loop3A_255 = arith.constant 0 : i32
        %parallel_loop3A_256 = arith.cmpi slt, %parallel_loop3A_240, %parallel_loop3A_255 : i32
        %parallel_loop3A_257 = arith.extui %parallel_loop3A_256 : i1 to i32
        %parallel_loop3A_258 = arith.subi %parallel_loop3A_254, %parallel_loop3A_257 : i32
        %parallel_loop3A_259 = arith.constant 0 : i32
        %parallel_loop3A_260 = arith.cmpi sgt, %parallel_loop3A_250, %parallel_loop3A_259 : i32
        %parallel_loop3A_261 = arith.extui %parallel_loop3A_260 : i1 to i32
        %parallel_loop3A_262 = arith.constant 0 : i32
        %parallel_loop3A_263 = arith.cmpi slt, %parallel_loop3A_250, %parallel_loop3A_262 : i32
        %parallel_loop3A_264 = arith.extui %parallel_loop3A_263 : i1 to i32
        %parallel_loop3A_265 = arith.subi %parallel_loop3A_261, %parallel_loop3A_264 : i32
        %parallel_loop3A_266 = arith.cmpi ne, %parallel_loop3A_258, %parallel_loop3A_265 : i32
        %parallel_loop3A_267 = arith.remsi %parallel_loop3A_240, %parallel_loop3A_250 : i32
        %parallel_loop3A_268 = arith.constant 0 : i32
        %parallel_loop3A_269 = arith.cmpi ne, %parallel_loop3A_267, %parallel_loop3A_268 : i32
        %parallel_loop3A_270 = arith.andi %parallel_loop3A_266, %parallel_loop3A_269 : i1
        %parallel_loop3A_271 = arith.constant 1 : i32
        %parallel_loop3A_272 = arith.subi %parallel_loop3A_251, %parallel_loop3A_271 : i32
        %parallel_loop3A_273 = arith.select %parallel_loop3A_270, %parallel_loop3A_272, %parallel_loop3A_251 : i32
        %parallel_loop3A_274 = arith.constant 32 : i32
        %parallel_loop3A_275 = arith.addi %parallel_loop3A_274, %parallel_loop3A_273 : i32
        %parallel_loop3A_276 = arith.constant 8 : i32
        %parallel_loop3A_277 = arith.constant 0 : i32
        %parallel_loop3A_278 = arith.cmpi eq, %parallel_loop3A_276, %parallel_loop3A_277 : i32
        %parallel_loop3A_279 = arith.constant 1 : i32
        %parallel_loop3A_280 = arith.select %parallel_loop3A_278, %parallel_loop3A_279, %parallel_loop3A_276 : i32
        %parallel_loop3A_281 = arith.remsi %parallel_loop3A_240, %parallel_loop3A_280 : i32
        %parallel_loop3A_282 = arith.constant 0 : i32
        %parallel_loop3A_283 = arith.cmpi ne, %parallel_loop3A_281, %parallel_loop3A_282 : i32
        %parallel_loop3A_284 = arith.constant 0 : i32
        %parallel_loop3A_285 = arith.cmpi slt, %parallel_loop3A_281, %parallel_loop3A_284 : i32
        %parallel_loop3A_286 = arith.constant 0 : i32
        %parallel_loop3A_287 = arith.cmpi slt, %parallel_loop3A_280, %parallel_loop3A_286 : i32
        %parallel_loop3A_288 = arith.xori %parallel_loop3A_285, %parallel_loop3A_287 : i1
        %parallel_loop3A_289 = arith.andi %parallel_loop3A_288, %parallel_loop3A_283 : i1
        %parallel_loop3A_290 = arith.addi %parallel_loop3A_281, %parallel_loop3A_280 : i32
        %parallel_loop3A_291 = arith.select %parallel_loop3A_289, %parallel_loop3A_290, %parallel_loop3A_281 : i32
        %parallel_loop3A_292 = arith.constant 16 : i32
        %parallel_loop3A_293 = arith.muli %parallel_loop3A_291, %parallel_loop3A_292 : i32
        %parallel_loop3A_294 = arith.addi %parallel_loop3A_249, %add3A_8 : vector<16xi32>
        %parallel_loop3A_295 = tpu.vector_load_idx %arg6[%parallel_loop3A_294] : memref<8192xf32, #tpu.memory_space<vmem>>[vector<16xi32>], vector<16xf32>,
        %parallel_loop3A_296 = arith.constant 0 : i32
        %parallel_loop3A_297 = arith.addi %parallel_loop3A_296, %parallel_loop3A_293 : i32
        %parallel_loop3A_298 = arith.index_cast %parallel_loop3A_275 : i32 to index
        %parallel_loop3A_299 = arith.index_cast %parallel_loop3A_297 : i32 to index
        %parallel_loop3A_300 = tpu.vector_load %arg10[%parallel_loop3A_298, %parallel_loop3A_299] {strides = array<i32>} : memref<40x512xf32, #tpu.memory_space<vmem>>, vector<16xf32>,
        tpu.vector_store %arg10[%parallel_loop3A_298, %parallel_loop3A_299], %parallel_loop3A_295 {strides = array<i32>} : memref<40x512xf32, #tpu.memory_space<vmem>>, vector<16xf32>,
        %parallel_loop3A_301 = arith.addi %parallel_loop3A_249, %add3A_12 : vector<16xi32>
        %parallel_loop3A_302 = tpu.vector_load_idx %arg6[%parallel_loop3A_301] : memref<8192xf32, #tpu.memory_space<vmem>>[vector<16xi32>], vector<16xf32>,
        %parallel_loop3A_303 = arith.constant 128 : i32
        %parallel_loop3A_304 = arith.addi %parallel_loop3A_303, %parallel_loop3A_293 : i32
        %parallel_loop3A_305 = arith.index_cast %parallel_loop3A_275 : i32 to index
        %parallel_loop3A_306 = arith.index_cast %parallel_loop3A_304 : i32 to index
        %parallel_loop3A_307 = tpu.vector_load %arg10[%parallel_loop3A_305, %parallel_loop3A_306] {strides = array<i32>} : memref<40x512xf32, #tpu.memory_space<vmem>>, vector<16xf32>,
        tpu.vector_store %arg10[%parallel_loop3A_305, %parallel_loop3A_306], %parallel_loop3A_302 {strides = array<i32>} : memref<40x512xf32, #tpu.memory_space<vmem>>, vector<16xf32>,
        %parallel_loop3A_308 = arith.addi %parallel_loop3A_249, %add3A_16 : vector<16xi32>
        %parallel_loop3A_309 = tpu.vector_load_idx %arg6[%parallel_loop3A_308] : memref<8192xf32, #tpu.memory_space<vmem>>[vector<16xi32>], vector<16xf32>,
        %parallel_loop3A_310 = arith.constant 256 : i32
        %parallel_loop3A_311 = arith.addi %parallel_loop3A_310, %parallel_loop3A_293 : i32
        %parallel_loop3A_312 = arith.index_cast %parallel_loop3A_275 : i32 to index
        %parallel_loop3A_313 = arith.index_cast %parallel_loop3A_311 : i32 to index
        %parallel_loop3A_314 = tpu.vector_load %arg10[%parallel_loop3A_312, %parallel_loop3A_313] {strides = array<i32>} : memref<40x512xf32, #tpu.memory_space<vmem>>, vector<16xf32>,
        tpu.vector_store %arg10[%parallel_loop3A_312, %parallel_loop3A_313], %parallel_loop3A_309 {strides = array<i32>} : memref<40x512xf32, #tpu.memory_space<vmem>>, vector<16xf32>,
        %parallel_loop3A_315 = arith.addi %parallel_loop3A_249, %add3A_20 : vector<16xi32>
        %parallel_loop3A_316 = tpu.vector_load_idx %arg6[%parallel_loop3A_315] : memref<8192xf32, #tpu.memory_space<vmem>>[vector<16xi32>], vector<16xf32>,
        %parallel_loop3A_317 = arith.constant 384 : i32
        %parallel_loop3A_318 = arith.addi %parallel_loop3A_317, %parallel_loop3A_293 : i32
        %parallel_loop3A_319 = arith.index_cast %parallel_loop3A_275 : i32 to index
        %parallel_loop3A_320 = arith.index_cast %parallel_loop3A_318 : i32 to index
        %parallel_loop3A_321 = tpu.vector_load %arg10[%parallel_loop3A_319, %parallel_loop3A_320] {strides = array<i32>} : memref<40x512xf32, #tpu.memory_space<vmem>>, vector<16xf32>,
        tpu.vector_store %arg10[%parallel_loop3A_319, %parallel_loop3A_320], %parallel_loop3A_316 {strides = array<i32>} : memref<40x512xf32, #tpu.memory_space<vmem>>, vector<16xf32>,
      } {sc.loop_unroll_factor = 8 : i64, sc.parallel_access}
      %mul3A_180 = arith.constant 4 : i32
      %mul3A_181 = arith.muli %add3A, %mul3A_180 : i32
      %jit3A_182 = arith.constant 5 : i32
      %div3A_183 = arith.divsi %add3A_150, %jit3A_182 : i32
      %sign3A_184 = arith.constant 0 : i32
      %sign3A_185 = arith.cmpi sgt, %add3A_150, %sign3A_184 : i32
      %sign3A_186 = arith.extui %sign3A_185 : i1 to i32
      %sign3A_187 = arith.constant 0 : i32
      %sign3A_188 = arith.cmpi slt, %add3A_150, %sign3A_187 : i32
      %sign3A_189 = arith.extui %sign3A_188 : i1 to i32
      %sign3A_190 = arith.subi %sign3A_186, %sign3A_189 : i32
      %sign3A_191 = arith.constant 0 : i32
      %sign3A_192 = arith.cmpi sgt, %jit3A_182, %sign3A_191 : i32
      %sign3A_193 = arith.extui %sign3A_192 : i1 to i32
      %sign3A_194 = arith.constant 0 : i32
      %sign3A_195 = arith.cmpi slt, %jit3A_182, %sign3A_194 : i32
      %sign3A_196 = arith.extui %sign3A_195 : i1 to i32
      %sign3A_197 = arith.subi %sign3A_193, %sign3A_196 : i32
      %ne3A_198 = arith.cmpi ne, %sign3A_190, %sign3A_197 : i32
      %rem3A_199 = arith.remsi %add3A_150, %jit3A_182 : i32
      %ne3A_200 = arith.constant 0 : i32
      %ne3A_201 = arith.cmpi ne, %rem3A_199, %ne3A_200 : i32
      %and3A_202 = arith.andi %ne3A_198, %ne3A_201 : i1
      %sub3A_203 = arith.constant 1 : i32
      %sub3A_204 = arith.subi %div3A_183, %sub3A_203 : i32
      %select_n3A_205 = arith.select %and3A_202, %sub3A_204, %div3A_183 : i32
      %add3A_206 = arith.addi %mul3A_181, %select_n3A_205 : i32
      %jit3A_207 = arith.constant 5 : i32
      %eq3A_208 = arith.constant 0 : i32
      %eq3A_209 = arith.cmpi eq, %jit3A_207, %eq3A_208 : i32
      %jit3A_210 = arith.constant 1 : i32
      %select_n3A_211 = arith.select %eq3A_209, %jit3A_210, %jit3A_207 : i32
      %rem3A_212 = arith.remsi %add3A_150, %select_n3A_211 : i32
      %ne3A_213 = arith.constant 0 : i32
      %ne3A_214 = arith.cmpi ne, %rem3A_212, %ne3A_213 : i32
      %lt3A_215 = arith.constant 0 : i32
      %lt3A_216 = arith.cmpi slt, %rem3A_212, %lt3A_215 : i32
      %lt3A_217 = arith.constant 0 : i32
      %lt3A_218 = arith.cmpi slt, %select_n3A_211, %lt3A_217 : i32
      %ne3A_219 = arith.xori %lt3A_216, %lt3A_218 : i1
      %and3A_220 = arith.andi %ne3A_219, %ne3A_214 : i1
      %add3A_221 = arith.addi %rem3A_212, %select_n3A_211 : i32
      %select_n3A_222 = arith.select %and3A_220, %add3A_221, %rem3A_212 : i32
      %mul3A_223 = arith.constant 5 : i32
      %mul3A_224 = arith.muli %select_n3A_222, %mul3A_223 : i32
      %mul3A_225 = arith.constant 8 : i32
      %mul3A_226 = arith.muli %mul3A_225, %mul3A_224 : i32
      %dma_start3A_227 = arith.constant 0 : i32
      %dma_start3A_228 = tpu.memref_slice %arg4[%mul3A_226, %add3A_206, %dma_start3A_227] : memref<200x128x512xf32, #tpu.memory_space<hbm>> -> memref<40x1x512xf32, #tpu.memory_space<hbm>>
      %dma_start3A_229 = tpu.memref_squeeze %dma_start3A_228 : memref<40x1x512xf32, #tpu.memory_space<hbm>> -> memref<40x512xf32, #tpu.memory_space<hbm>>
      %dma_start3A_230 = arith.constant 0 : i32
      %dma_start3A_231 = tpu.memref_slice %arg4[%mul3A_226, %add3A_206, %dma_start3A_230] : memref<200x128x512xf32, #tpu.memory_space<hbm>> -> memref<40x1x512xf32, #tpu.memory_space<hbm>>
      %dma_start3A_232 = tpu.memref_squeeze %dma_start3A_231 : memref<40x1x512xf32, #tpu.memory_space<hbm>> -> memref<40x512xf32, #tpu.memory_space<hbm>>
      tpu.enqueue_dma source(%arg10 : memref<40x512xf32, #tpu.memory_space<vmem>>) target(%dma_start3A_232 : memref<40x512xf32, #tpu.memory_space<hbm>>) target_semaphore(%arg14 : memref<!tpu.dma_semaphore, #tpu.memory_space<semaphore_mem>>)
      %add3A_233 = arith.constant 2 : i32
      %add3A_234 = arith.addi %add3A_150, %add3A_233 : i32
      %lt3A_235 = arith.constant 20 : i32
      %lt3A_236 = arith.cmpi slt, %add3A_234, %lt3A_235 : i32
      %convert_element_type3A_237 = arith.extui %lt3A_236 : i1 to i32
      %cond3A_238 = arith.constant 0 : i32
      %cond3A_239 = arith.cmpi ne, %convert_element_type3A_237, %cond3A_238 : i32
      scf.if %cond3A_239 {
        %add3A_240 = arith.constant 2 : i32
        %add3A_241 = arith.addi %add3A_150, %add3A_240 : i32
        %mul3A_242 = arith.constant 4 : i32
        %mul3A_243 = arith.muli %add3A, %mul3A_242 : i32
        %jit3A_244 = arith.constant 5 : i32
        %div3A_245 = arith.divsi %add3A_241, %jit3A_244 : i32
        %sign3A_246 = arith.constant 0 : i32
        %sign3A_247 = arith.cmpi sgt, %add3A_241, %sign3A_246 : i32
        %sign3A_248 = arith.extui %sign3A_247 : i1 to i32
        %sign3A_249 = arith.constant 0 : i32
        %sign3A_250 = arith.cmpi slt, %add3A_241, %sign3A_249 : i32
        %sign3A_251 = arith.extui %sign3A_250 : i1 to i32
        %sign3A_252 = arith.subi %sign3A_248, %sign3A_251 : i32
        %sign3A_253 = arith.constant 0 : i32
        %sign3A_254 = arith.cmpi sgt, %jit3A_244, %sign3A_253 : i32
        %sign3A_255 = arith.extui %sign3A_254 : i1 to i32
        %sign3A_256 = arith.constant 0 : i32
        %sign3A_257 = arith.cmpi slt, %jit3A_244, %sign3A_256 : i32
        %sign3A_258 = arith.extui %sign3A_257 : i1 to i32
        %sign3A_259 = arith.subi %sign3A_255, %sign3A_258 : i32
        %ne3A_260 = arith.cmpi ne, %sign3A_252, %sign3A_259 : i32
        %rem3A_261 = arith.remsi %add3A_241, %jit3A_244 : i32
        %ne3A_262 = arith.constant 0 : i32
        %ne3A_263 = arith.cmpi ne, %rem3A_261, %ne3A_262 : i32
        %and3A_264 = arith.andi %ne3A_260, %ne3A_263 : i1
        %sub3A_265 = arith.constant 1 : i32
        %sub3A_266 = arith.subi %div3A_245, %sub3A_265 : i32
        %select_n3A_267 = arith.select %and3A_264, %sub3A_266, %div3A_245 : i32
        %add3A_268 = arith.addi %mul3A_243, %select_n3A_267 : i32
        %jit3A_269 = arith.constant 5 : i32
        %eq3A_270 = arith.constant 0 : i32
        %eq3A_271 = arith.cmpi eq, %jit3A_269, %eq3A_270 : i32
        %jit3A_272 = arith.constant 1 : i32
        %select_n3A_273 = arith.select %eq3A_271, %jit3A_272, %jit3A_269 : i32
        %rem3A_274 = arith.remsi %add3A_241, %select_n3A_273 : i32
        %ne3A_275 = arith.constant 0 : i32
        %ne3A_276 = arith.cmpi ne, %rem3A_274, %ne3A_275 : i32
        %lt3A_277 = arith.constant 0 : i32
        %lt3A_278 = arith.cmpi slt, %rem3A_274, %lt3A_277 : i32
        %lt3A_279 = arith.constant 0 : i32
        %lt3A_280 = arith.cmpi slt, %select_n3A_273, %lt3A_279 : i32
        %ne3A_281 = arith.xori %lt3A_278, %lt3A_280 : i1
        %and3A_282 = arith.andi %ne3A_281, %ne3A_276 : i1
        %add3A_283 = arith.addi %rem3A_274, %select_n3A_273 : i32
        %select_n3A_284 = arith.select %and3A_282, %add3A_283, %rem3A_274 : i32
        %mul3A_285 = arith.constant 5 : i32
        %mul3A_286 = arith.muli %select_n3A_284, %mul3A_285 : i32
        %dma_start3A_287 = arith.constant 0 : i32
        %dma_start3A_288 = tpu.memref_slice %arg3[%mul3A_286, %add3A_268, %dma_start3A_287] : memref<25x128x1024xi32, #tpu.memory_space<hbm>> -> memref<5x1x1024xi32, #tpu.memory_space<hbm>>
        %dma_start3A_289 = tpu.memref_squeeze %dma_start3A_288 : memref<5x1x1024xi32, #tpu.memory_space<hbm>> -> memref<5x1024xi32, #tpu.memory_space<hbm>>
        %dma_start3A_290 = arith.constant 0 : i32
        %dma_start3A_291 = tpu.memref_slice %arg3[%mul3A_286, %add3A_268, %dma_start3A_290] : memref<25x128x1024xi32, #tpu.memory_space<hbm>> -> memref<5x1x1024xi32, #tpu.memory_space<hbm>>
        %dma_start3A_292 = tpu.memref_squeeze %dma_start3A_291 : memref<5x1x1024xi32, #tpu.memory_space<hbm>> -> memref<5x1024xi32, #tpu.memory_space<hbm>>
        tpu.enqueue_dma source(%dma_start3A_292 : memref<5x1024xi32, #tpu.memory_space<hbm>>) target(%arg8 : memref<5x1024xi32, #tpu.memory_space<vmem>>) target_semaphore(%arg12 : memref<!tpu.dma_semaphore, #tpu.memory_space<semaphore_mem>>)
      } else {
      }
    }
    %scan3A_49 = arith.constant 10 : i32
    %dma_wait3A = arith.constant 0 : i32
    %dma_wait3A_50 = arith.constant 0 : i32
    %dma_wait3A_51 = arith.constant 0 : i32
    %dma_wait3A_52 = tpu.memref_slice %arg4[%dma_wait3A_50, %dma_wait3A, %dma_wait3A_51] : memref<200x128x512xf32, #tpu.memory_space<hbm>> -> memref<40x1x512xf32, #tpu.memory_space<hbm>>
    %dma_wait3A_53 = tpu.memref_squeeze %dma_wait3A_52 : memref<40x1x512xf32, #tpu.memory_space<hbm>> -> memref<40x512xf32, #tpu.memory_space<hbm>>
    %dma_wait3A_54 = arith.constant 0 : i32
    %dma_wait3A_55 = arith.constant 0 : i32
    %dma_wait3A_56 = tpu.memref_slice %arg4[%dma_wait3A_54, %dma_wait3A, %dma_wait3A_55] : memref<200x128x512xf32, #tpu.memory_space<hbm>> -> memref<40x1x512xf32, #tpu.memory_space<hbm>>
    %dma_wait3A_57 = tpu.memref_squeeze %dma_wait3A_56 : memref<40x1x512xf32, #tpu.memory_space<hbm>> -> memref<40x512xf32, #tpu.memory_space<hbm>>
    tpu.wait_dma2 semaphore(%arg13 : memref<!tpu.dma_semaphore, #tpu.memory_space<semaphore_mem>>) src(%arg9 : memref<40x512xf32, #tpu.memory_space<vmem>>) dst(%dma_wait3A_57 : memref<40x512xf32, #tpu.memory_space<hbm>>)
    %dma_wait3A_58 = arith.constant 0 : i32
    %dma_wait3A_59 = arith.constant 0 : i32
    %dma_wait3A_60 = arith.constant 0 : i32
    %dma_wait3A_61 = tpu.memref_slice %arg4[%dma_wait3A_59, %dma_wait3A_58, %dma_wait3A_60] : memref<200x128x512xf32, #tpu.memory_space<hbm>> -> memref<40x1x512xf32, #tpu.memory_space<hbm>>
    %dma_wait3A_62 = tpu.memref_squeeze %dma_wait3A_61 : memref<40x1x512xf32, #tpu.memory_space<hbm>> -> memref<40x512xf32, #tpu.memory_space<hbm>>
    %dma_wait3A_63 = arith.constant 0 : i32
    %dma_wait3A_64 = arith.constant 0 : i32
    %dma_wait3A_65 = tpu.memref_slice %arg4[%dma_wait3A_63, %dma_wait3A_58, %dma_wait3A_64] : memref<200x128x512xf32, #tpu.memory_space<hbm>> -> memref<40x1x512xf32, #tpu.memory_space<hbm>>
    %dma_wait3A_66 = tpu.memref_squeeze %dma_wait3A_65 : memref<40x1x512xf32, #tpu.memory_space<hbm>> -> memref<40x512xf32, #tpu.memory_space<hbm>>
    tpu.wait_dma2 semaphore(%arg14 : memref<!tpu.dma_semaphore, #tpu.memory_space<semaphore_mem>>) src(%arg10 : memref<40x512xf32, #tpu.memory_space<vmem>>) dst(%dma_wait3A_66 : memref<40x512xf32, #tpu.memory_space<hbm>>)
    return
  }
}

module attributes {stable_mosaic.version = 14 : i64} {
  func.func @body(%arg0: memref<128x4xf32, #tpu.memory_space<vmem>>, %arg1: memref<4x4xf32, #tpu.memory_space<vmem>>, %arg2: memref<4x1xf32, #tpu.memory_space<vmem>>, %arg3: memref<4x128xf32, #tpu.memory_space<vmem>>) attributes {dimension_semantics = [], scalar_prefetch = 0 : i64, scratch_operands = 0 : i64, tpu.core_type = #tpu.core_type<tc>} {
    %get3A = arith.constant 0 : index
    %get3A_0 = arith.constant 0 : index
    %get3A_1 = vector.load %arg1[%get3A, %get3A_0] : memref<4x4xf32, #tpu.memory_space<vmem>>, vector<4x4xf32>
    %get3A_2 = arith.constant 0 : index
    %get3A_3 = arith.constant 0 : index
    %get3A_4 = vector.load %arg0[%get3A_2, %get3A_3] : memref<128x4xf32, #tpu.memory_space<vmem>>, vector<128x4xf32>
    %dot_general3A = arith.constant dense<0.000000e+00> : vector<4x128xf32>
    %dot_general3A_5 = tpu.matmul %get3A_1, %get3A_4, %dot_general3A {dimension_numbers = #tpu.dot_dimension_numbers<[1], [1], [0], [0], [0, 0, 1, 0], [], []>, transpose_lhs_hint = false} : vector<4x4xf32>, vector<128x4xf32>, vector<4x128xf32> -> vector<4x128xf32>
    %get3A_6 = arith.constant 0 : index
    %get3A_7 = arith.constant 0 : index
    %get3A_8 = vector.load %arg2[%get3A_6, %get3A_7] : memref<4x1xf32, #tpu.memory_space<vmem>>, vector<4x1xf32>
    %add3A = vector.broadcast %get3A_8 : vector<4x1xf32> to vector<4x128xf32>
    %add3A_9 = arith.addf %dot_general3A_5, %add3A : vector<4x128xf32>
    %swap3A = arith.constant 0 : index
    %swap3A_10 = arith.constant 0 : index
    %swap3A_11 = vector.load %arg3[%swap3A, %swap3A_10] : memref<4x128xf32, #tpu.memory_space<vmem>>, vector<4x128xf32>
    tpu.vector_store %arg3[%swap3A, %swap3A_10], %add3A_9 {strides = array<i32>} : memref<4x128xf32, #tpu.memory_space<vmem>>, vector<4x128xf32>,
    return
  }
}

</mosaic_0001>

<sc_bundles>
// kernel: kernel.4.cloned.1.call-start
scs
__scs_entry_jumppad:
0x0: {  	(pc) =	sbr.rel $0x88, $3  }
0x1: {  	(tag) =	ssettag $0x0;
	lr =	simm.s32 $0x1  }
0x2: {  	[smem:$0x3F9D] =	sst lr;
	_ =	strace $0xD0000000  }
0x3: {  	_ = 	snop  }
0x4: {  	_ = 	snop  }
0x5: {  	_ = 	snop  }
0x6: {  	_ = 	snop  }
0x7: {  	_ = 	snop  }
__scs_overlays_trampoline_lowered:
0x8: {  	[smem:$0x3FAC] =	sst s0  }
0x9: {  	[smem:$0x3FAD] =	sst s1  }
0xa: {  	[smem:$0x3FAE] =	sst s2  }
0xb: {  	[smem:$0x3FAF] =	sst s3  }
0xc: {  	[smem:$0x3FB0] =	sst s4  }
0xd: {  	[smem:$0x3FB1] =	sst s5  }
0xe: {  	[smem:$0x3FB2] =	sst s6  }
0xf: {  	[smem:$0x3FB3] =	sst s7  }
0x10: {  	[smem:$0x3FB4] =	sst s8  }
0x11: {  	[smem:$0x3FB5] =	sst s9;
	s0 =	simm.s32 @!p0 $0x0  }
0x12: {  	s1 =	sld [smem:$0x3F9B];
	s0 =	simm.s32 @p0 $0x1  }
0x13: {  	[smem:$0x3FB6] =	sst s0;
	s0 =	simm.s32 @!p1 $0x0  }
0x14: {  	s2 =	sld [smem:$0x3F9A];
	s0 =	simm.s32 @p1 $0x1  }
0x15: {  	[smem:$0x3FB7] =	sst s0;
	s0 =	simm.s32 @!p2 $0x0  }
0x16: {  	s3 =	sld [smem:$0x3FDB];
	s0 =	simm.s32 @p2 $0x1  }
0x17: {  	s4 =	simm.s32 $0x1BF5;
	[smem:$0x3FB9] =	sst s0  }
0x18: {  	s0 =	sld [smem:$0x3F9C];
	_ =	swait.ge [sflag:s4], $0x0  }
0x19: {  	s7 =	sld [smem:$0x3F9D]  }
0x1a: {  	s8 =	sadd.s32 $0xFFFFE003, lr  }
0x1b: {  	s9 =	sadd.s32 $0xFFFFFEF7, lr;
	s5 =	simm.s32 $0xFFFFFFFF;
	p2 =	slt.u32 s8, $0xFFFFF086  }
0x1c: {  	p1 =	slt.u32 s9, $0xF7A;
	s5 =	simm.s32 @!p2 $0x0  }
0x1d: {  	s5 =	simm.s32 @p1 $0x1;
	p0 =	seq.s32 s7, s2  }
0x1e: {  	s7 =	smul.u32 @!p0 $0xF7A, s2;
	p2 =	seq.s32 @!p0 s5, $0x0  }
0x1f: {  	s9 =	smul.u32 $0xF7A, s1;
	s8 =	simm.s32 @!p0 $0x1BF5;
	p2 =	por !p2, p0  }
0x20: {  	[sflag:s8] =	ssyncset.s32 @!p0 $0xFFFFF086;
	s6 =	sadd.s32 @!p0 s3, s7;
	s7 =	simm.s32 @!p0 $0x108  }
0x21: {  	s3 =	sadd.s32 s3, s9;
	s6 =	sadd.s32 @!p0 $0x88, s6;
	s7 =	simm.s32 @p2 $0x1082  }
0x22: {  	[simem:s7], [sflag:s8] =	dma.local @!p0 [hbm:s6], $0xF7A  }
0x23: {  	s9 =	sor.u32 $0xD0000000, s2;
	s6 =	simm.s32 $0x108;
	_ =	swait.ge @!p0 [sflag:s8], $0x0  }
0x24: {  	s3 =	sadd.s32 $0x88, s3;
	s6 =	simm.s32 @!p1 $0x1082;
	[sflag:s4] =	ssyncset.s32 $0xFFFFF086  }
0x25: {  	[simem:s6], [sflag:s4] =	dma.local [hbm:s3], $0xF7A  }
0x26: {  	[smem:$0x3F9D] =	sst s1;
	(tag) =	ssettag s2;
	_ =	strace s9  }
0x27: {  	s1 =	sld [smem:$0x3FAD]  }
0x28: {  	s2 =	sld [smem:$0x3FAE]  }
0x29: {  	s4 =	sld [smem:$0x3FB0]  }
0x2a: {  	p0 =	seq.s32 s5, $0x0;
	s5 =	sld [smem:$0x3FB1]  }
0x2b: {  	s6 =	sld [smem:$0x3FB2]  }
0x2c: {  	s7 =	sld [smem:$0x3FB3]  }
0x2d: {  	s3 =	simm.s32 $0x108;
	s8 =	sld [smem:$0x3FB4]  }
0x2e: {  	s3 =	simm.s32 @!p0 $0x1082;
	s9 =	sld [smem:$0x3FB5]  }
0x2f: {  	lr =	sadd.s32 s0, s3;
	s0 =	sld [smem:$0x3FAC]  }
0x30: {  	s3 =	sld [smem:$0x3FAF]  }
0x31: {  	[smem:$0x3FB8] =	sst s10  }
0x32: {  	s10 =	sld [smem:$0x3FB6];
	_ =	sdelay $0x3  }
0x33: {  	p0 =	seq.s32 s10, $0x1;
	s10 =	sld [smem:$0x3FB8];
	_ =	sdelay $0x3  }
0x34: {  	[smem:$0x3FB8] =	sst s10  }
0x35: {  	s10 =	sld [smem:$0x3FB7];
	_ =	sdelay $0x3  }
0x36: {  	p1 =	seq.s32 s10, $0x1;
	s10 =	sld [smem:$0x3FB8];
	_ =	sdelay $0x3  }
0x37: {  	[smem:$0x3FB8] =	sst s10  }
0x38: {  	s10 =	sld [smem:$0x3FB9]  }
0x39: {  	_ = 	snop;
	(pc) =	sbr.ind lr, $3  }
0x3a: {  	_ = 	snop  }
0x3b: {  	_ = 	snop  }
0x3c: {  	p2 =	seq.s32 s10, $0x1;
	s10 =	sld [smem:$0x3FB8]  }
0x3d: {  	_ =	shalt  }
0x3e: {  	_ =	shalt  }
0x3f: {  	_ =	shalt  }
0x40: {  	_ =	shalt  }
0x41: {  	_ =	shalt  }
0x42: {  	_ =	shalt  }
0x43: {  	_ =	shalt  }
0x44: {  	_ =	shalt  }
0x45: {  	_ =	shalt  }
0x46: {  	_ =	shalt  }
0x47: {  	_ =	shalt  }
0x48: {  	_ =	shalt  }
0x49: {  	_ =	shalt  }
0x4a: {  	_ =	shalt  }
0x4b: {  	_ =	shalt  }
0x4c: {  	_ =	shalt  }
0x4d: {  	_ =	shalt  }
0x4e: {  	_ =	shalt  }
0x4f: {  	_ =	shalt  }
0x50: {  	_ =	shalt  }
0x51: {  	_ =	shalt  }
0x52: {  	_ =	shalt  }
0x53: {  	_ =	shalt  }
0x54: {  	_ =	shalt  }
0x55: {  	_ =	shalt  }
0x56: {  	_ =	shalt  }
0x57: {  	_ =	shalt  }
0x58: {  	_ =	shalt  }
0x59: {  	_ =	shalt  }
0x5a: {  	_ =	shalt  }
0x5b: {  	_ =	shalt  }
0x5c: {  	_ =	shalt  }
0x5d: {  	_ =	shalt  }
0x5e: {  	_ =	shalt  }
0x5f: {  	_ =	shalt  }
0x60: {  	_ =	shalt  }
0x61: {  	_ =	shalt  }
0x62: {  	_ =	shalt  }
0x63: {  	_ =	shalt  }
0x64: {  	_ =	shalt  }
0x65: {  	_ =	shalt  }
0x66: {  	_ =	shalt  }
0x67: {  	_ =	shalt  }
0x68: {  	_ =	shalt  }
0x69: {  	_ =	shalt  }
0x6a: {  	_ =	shalt  }
0x6b: {  	_ =	shalt  }
0x6c: {  	_ =	shalt  }
0x6d: {  	_ =	shalt  }
0x6e: {  	_ =	shalt  }
0x6f: {  	_ =	shalt  }
0x70: {  	_ =	shalt  }
0x71: {  	_ =	shalt  }
0x72: {  	_ =	shalt  }
0x73: {  	_ =	shalt  }
0x74: {  	_ =	shalt  }
0x75: {  	_ =	shalt  }
0x76: {  	_ =	shalt  }
0x77: {  	_ =	shalt  }
0x78: {  	_ =	shalt  }
0x79: {  	_ =	shalt  }
0x7a: {  	_ =	shalt  }
0x7b: {  	_ =	shalt  }
0x7c: {  	_ =	shalt  }
0x7d: {  	_ =	shalt  }
0x7e: {  	_ =	shalt  }
0x7f: {  	_ =	shalt  }
0x80: {  	_ =	shalt  }
0x81: {  	_ =	shalt  }
0x82: {  	_ =	shalt  }
0x83: {  	_ =	shalt  }
0x84: {  	_ =	shalt  }
0x85: {  	_ =	shalt  }
0x86: {  	_ =	shalt  }
0x87: {  	_ =	shalt  }
.Lfunc_end0:
.L_simem_size_0:
called_computation_lowered:
.L_overlay_start_0:
0x88: {  	s2 =	sld [smem:$0x3FD9]  }
0x89: {  	s3 =	sld [smem:$0x3FFE];
	_ =	sdelay $0x1  }
0x8a: {  	s1 =	srdreg.scid  }
0x8b: {  	s0 =	sand.u32 $0x1, s1  }
0x8c: {  	s17 =	sshll.u32 s0, $0xA;
	s2 =	sadd.s32 s3, s2  }
0x8d: {  	s2 =	sadd.s32 s2, s17  }
0x8e: {  	[smem:$0x3FC4] =	sst s2  }
0x8f: {  	_ = 	snop  }
0x90: {  	s2 =	sld [smem:$0x3FC9]  }
0x91: {  	s18 =	sld [smem:$0x3FD0];
	(tm) =	ssettm $0x1  }
0x92: {  	s4 =	sld [smem:$0x3FFB];
	_ =	sdelay $0x3  }
0x93: {  	_ =	strace s4  }
0x94: {  	s4 =	sld [smem:$0x3FFC];
	_ =	sdelay $0x3  }
0x95: {  	_ =	strace s4  }
0x96: {  	s4 =	sld [smem:$0x3FFD];
	_ =	sdelay $0x3  }
0x97: {  	_ =	strace s4  }
0x98: {  	_ =	strace $0x8FFFFFFF  }
0x99: {  	s19 =	sld [smem:$0x3FDB];
	_ =	sdelay $0x1  }
0x9a: {  	s5 =	simm.s32 $_scs_section_size  }
0x9b: {  	s6 =	simm.s32 $_size__tile_overlayer_lowered;
	s7 =	simm.s32 $_tile_overlayer_lowered  }
0x9c: {  	s22 =	simm.s32 $0x1BFF;
	s21 =	sshll.u32 s7, $0x1;
	s4 =	sadd.s32 s5, s19  }
0x9d: {  	s8 =	simm.s32 $0x0;
	s20 =	sshll.u32 s6, $0x1;
	s6 =	sadd.s32 s21, s4  }
0x9e: {  	[timem:s8], [sflag:s22] =	dma.local [hbm:s6], s20  }
0x9f: {  	_ =	swait.ge [sflag:s22], s20  }
0xa0: {  	s5 =	ssub.s32 $0x0, s20;
	[sflag:s22] =	ssyncset.done $0x0  }
0xa1: {  	[sflag:s22] =	ssyncadd.s32 s5;
	_ =	sdelay $0x1  }
0xa2: {  	s23 =	simm.s32 $0x1B8B  }
0xa3: {  	_ =	swait.ge [sflag:s23], $0x1  }
0xa4: {  	[sflag:s23] =	ssyncset.done $0x0  }
0xa5: {  	s25 =	simm.s32 $0x1B8E;
	s24 =	sld [smem:$0x3FFE];
	[sflag:s23] =	ssyncadd.s32 $0xFFFFFFFF  }
0xa6: {  	s26 =	simm.s32 $execute0_lowered;
	[smem:$0x3FD2] =	sst s25  }
0xa7: {  	s6 =	sshll.u32 s26, $0x1;
	_ =	strace $0x80000046;
	[dreg:$0x1] =	wrdreg $0xFFFFFFFF  }
0xa8: {  	s28 =	simm.s32 $_size_execute0_lowered;
	s4 =	sadd.s32 s4, s6;
	[dreg:$0x0] =	wrdreg $0x0  }
0xa9: {  	s6 =	sshll.u32 s28, $0x1;
	[dreg:$0x2] =	wrdreg s4  }
0xaa: {  	[dreg:$0x3] =	wrdreg s6  }
0xab: {  	[dreg:$0x4] =	wrdreg $0xC0  }
0xac: {  	_ =	task [dreg:s8], $0x5FFFF  }
0xad: {  	[dreg:$0x1] =	wrdreg $0xFFFFFFFF  }
0xae: {  	[dreg:$0x0] =	wrdreg $0x60  }
0xaf: {  	[dreg:$0x2] =	wrdreg s24  }
0xb0: {  	[dreg:$0x3] =	wrdreg s2  }
0xb1: {  	[dreg:$0x4] =	wrdreg s18  }
0xb2: {  	[dreg:$0x5] =	wrdreg $0x9  }
0xb3: {  	_ =	task.clear_ibuf [dreg:s8], $0x6FFFF;
	_ =	strace $0x90000046  }
0xb4: {  	s29 =	simm.s32 $0x9;
	_ =	strace $0x80000048  }
0xb5: {  	_ =	swait.ge [sflag:s29], $0x1  }
0xb6: {  	[sflag:s29] =	ssyncadd.s32 $0xFFFFFFFF  }
0xb7: {  	_ =	strace $0x90000048  }
0xb8: {  	_ =	sfence  }
0xb9: {  	s30 =	sld [smem:$0x0];
	_ =	sdelay $0x2  }
0xba: {  	s31 =	sshll.u32 s1, $0xD;
	s1 =	sshrl.u32 s1, $0x2  }
0xbb: {  	s3 =	sand.u32 $0x4000, s31;
	s1 =	sadd.s32 s1, s30  }
0xbc: {  	s0 =	sor.u32 s3, s0;
	s1 =	sshll.u32 s1, $0x11  }
0xbd: {  	s0 =	sor.u32 s1, s0  }
0xbe: {  	s0 =	sadd.s32 $0x8F2B, s0  }
0xbf: {  	[sflag:s0] =	ssyncadd.remote.s32 $0x1  }
0xc0: {  	_ =	sfence.sel $0xFFFF  }
0xc1: {  	[dreg:$0x0] =	wrdreg $0xFFFFFFFF;
	(pc) =	sbr.abs _section_cstart, $3  }
0xc2: {  	[dreg:$0x1] =	wrdreg $0xFFFFFFFF  }
0xc3: {  	_ =	task.clear_ibuf [dreg:s8], $0x2FFFF;
	_ =	strace $0x9FFFFFFF  }
0xc4: {  	(tm) =	ssettm $0x7FFFFFFF  }
0xc5: {  	_ =	shalt  }
tec
execute0_lowered:
.L_overlay_start_1:
0x0: {  	(tag) =	ssettag $0x1  }
0x1: {  	s0 =	rddreg [dreg:$0x0]  }
0x2: {  	s1 =	srdreg.scid;
	s2 =	rddreg [dreg:$0x1]  }
0x3: {  	s4 =	stileid.u32;
	s3 =	rddreg [dreg:$0x2]  }
0x4: {  	s10 =	simm.s32 $0x5;
	s11 =	simm.s32 $0x400;
	s12 =	simm.s32 $0x20000  }
0x5: {  	s13 =	simm.s32 $0x2200;
	s14 =	simm.s32 $0x3600;
	s15 =	simm.s32 $0x1  }
0x6: {  	s16 =	simm.s32 $0x200;
	s17 =	simm.s32 $0x10000;
	s18 =	simm.s32 $0x4A00  }
0x7: {  	s19 =	simm.s32 $0x2;
	s20 =	simm.s32 $0x9A00;
	s21 =	simm.s32 $0x3  }
0x8: {  	s22 =	simm.s32 $0x4;
	s23 =	simm.s32 $0x0;
	s1 =	sand.u32 $0x1, s1  }
.Ltmp0:
0x9: {  	s5 =	sshll.u32 s4, $0x3;
	s6 =	sshll.u32 s1, $0x2;
	(pc) =	sbr.rel .LBB2_1-.Ltmp0, $4  }
0xa: {  	s4 =	simm.s32 $0x0;
	s1 =	ssub.s32 $0x2, s1;
	s5 =	sor.u32 s6, s5  }
0xb: {  	s7 =	sadd.s32 $0x800, s0;
	s8 =	sshrl.u32 s1, $0x1;
	s6 =	sshll.u32 s5, $0x7  }
0xc: {  	v0 =	vlaneseq.u32;
	[smem:$0x7FF] =	sst s4;
	s31 =	ssub.s32 s1, s8;
	s6 =	sadd.s32 s2, s6  }
0xd: {  	v1 =	vor.u32 $0x10, v0;
	v2 =	vor.u32 $0x20, v0;
	v3 =	vor.u32 $0x30, v0;
	_ =	strace $0x80000047;
	s9 =	smax.u32 s31, $0x1;
	s8 =	sadd.s32 $0x14000, s6  }
.LBB2_26:
0xe: {  	s23 =	sadd.s32 $0x1, s23  }
0xf: {  	_ =	swait.ge [sflag:s21], $0x5000;
	p0 =	sne.s32 s23, s9  }
.Ltmp1:
0x10: {  	[sflag:s21] =	ssyncset.done $0x0;
	(pc) =	sbr.rel @!p0 .LBB2_27-.Ltmp1, $4  }
0x11: {  	[sflag:s21] =	ssyncadd.s32 $0xFFFFB000  }
0x12: {  	_ =	swait.ge [sflag:s22], $0x5000  }
0x13: {  	[sflag:s22] =	ssyncset.done $0x0  }
0x14: {  	[sflag:s22] =	ssyncadd.s32 $0xFFFFB000  }
.LBB2_1:
0x15: {  	[tilespmem:s4], [sflag:$0x5] =	stream.linear.gather [hbm4b:s7+s4], $0x200, $0x38;
	[tilespmem:$0xEA00] =	vst v63  }
0x16: {  	_ =	swait.ge [sflag:s10], $0x200  }
0x17: {  	[sflag:s10] =	ssyncset.done $0x0  }
0x18: {  	s0 =	simm.s32 $0xFFFFFE00;
	s1 =	simm.s32 $0x400;
	[sflag:s10] =	ssyncadd.s32 $0xFFFFFE00  }
.LBB2_2:
0x19: {  	s24 =	sshra.s32 s0, $0x2  }
0x1a: {  	v4 =	vld [tilespmem:s24+$0x80];
	_ =	sdelay $0x4  }
0x1b: {  	v5 =	vbroadcast v4, $0x0  }
0x1c: {  	v6 =	vbroadcast v4, $0x1  }
0x1d: {  	[tilespmem:s1+$0xFFFFFE00] =	vst v5;
	v5 =	vbroadcast v4, $0x2  }
0x1e: {  	v37 =	vbroadcast v4, $0x3;
	[tilespmem:s1+$0xFFFFFE40] =	vst v6  }
0x1f: {  	[tilespmem:s1+$0xFFFFFE80] =	vst v5;
	v5 =	vbroadcast v4, $0x4  }
0x20: {  	v38 =	vbroadcast v4, $0x5;
	[tilespmem:s1+$0xFFFFFEC0] =	vst v37  }
0x21: {  	[tilespmem:s1+$0xFFFFFF00] =	vst v5;
	v5 =	vbroadcast v4, $0x6  }
0x22: {  	v39 =	vbroadcast v4, $0x7;
	[tilespmem:s1+$0xFFFFFF40] =	vst v38  }
0x23: {  	[tilespmem:s1+$0xFFFFFF80] =	vst v5;
	v5 =	vbroadcast v4, $0x8  }
0x24: {  	v40 =	vbroadcast v4, $0x9;
	[tilespmem:s1+$0xFFFFFFC0] =	vst v39  }
0x25: {  	[tilespmem:s1+$0x0] =	vst v5;
	v5 =	vbroadcast v4, $0xA  }
0x26: {  	v41 =	vbroadcast v4, $0xB;
	[tilespmem:s1+$0x40] =	vst v40  }
0x27: {  	[tilespmem:s1+$0x80] =	vst v5;
	v5 =	vbroadcast v4, $0xC  }
0x28: {  	v42 =	vbroadcast v4, $0xD;
	[tilespmem:s1+$0xC0] =	vst v41  }
0x29: {  	[tilespmem:s1+$0x100] =	vst v5;
	v5 =	vbroadcast v4, $0xE  }
0x2a: {  	[tilespmem:s1+$0x140] =	vst v42;
	v4 =	vbroadcast v4, $0xF  }
0x2b: {  	[tilespmem:s1+$0x180] =	vst v5  }
0x2c: {  	[tilespmem:s1+$0x1C0] =	vst v4  }
0x2d: {  	v4 =	vld [tilespmem:s24+$0x100];
	_ =	sdelay $0x4  }
0x2e: {  	v5 =	vbroadcast v4, $0x0  }
0x2f: {  	v43 =	vbroadcast v4, $0x1  }
0x30: {  	[tilespmem:s1+$0xFFFFFE10] =	vst v5;
	v5 =	vbroadcast v4, $0x2  }
0x31: {  	v44 =	vbroadcast v4, $0x3;
	[tilespmem:s1+$0xFFFFFE50] =	vst v43  }
0x32: {  	[tilespmem:s1+$0xFFFFFE90] =	vst v5;
	v5 =	vbroadcast v4, $0x4  }
0x33: {  	v45 =	vbroadcast v4, $0x5;
	[tilespmem:s1+$0xFFFFFED0] =	vst v44  }
0x34: {  	[tilespmem:s1+$0xFFFFFF10] =	vst v5;
	v5 =	vbroadcast v4, $0x6  }
0x35: {  	v46 =	vbroadcast v4, $0x7;
	[tilespmem:s1+$0xFFFFFF50] =	vst v45  }
0x36: {  	[tilespmem:s1+$0xFFFFFF90] =	vst v5;
	v5 =	vbroadcast v4, $0x8  }
0x37: {  	v47 =	vbroadcast v4, $0x9;
	[tilespmem:s1+$0xFFFFFFD0] =	vst v46  }
0x38: {  	[tilespmem:s1+$0x10] =	vst v5;
	v5 =	vbroadcast v4, $0xA  }
0x39: {  	v48 =	vbroadcast v4, $0xB;
	[tilespmem:s1+$0x50] =	vst v47  }
0x3a: {  	[tilespmem:s1+$0x90] =	vst v5;
	v5 =	vbroadcast v4, $0xC  }
0x3b: {  	v49 =	vbroadcast v4, $0xD;
	[tilespmem:s1+$0xD0] =	vst v48  }
0x3c: {  	[tilespmem:s1+$0x110] =	vst v5;
	v5 =	vbroadcast v4, $0xE  }
0x3d: {  	[tilespmem:s1+$0x150] =	vst v49;
	v4 =	vbroadcast v4, $0xF  }
0x3e: {  	[tilespmem:s1+$0x190] =	vst v5  }
0x3f: {  	[tilespmem:s1+$0x1D0] =	vst v4  }
0x40: {  	v4 =	vld [tilespmem:s24+$0x180];
	_ =	sdelay $0x4  }
0x41: {  	v5 =	vbroadcast v4, $0x0  }
0x42: {  	v50 =	vbroadcast v4, $0x1  }
0x43: {  	[tilespmem:s1+$0xFFFFFE20] =	vst v5;
	v5 =	vbroadcast v4, $0x2  }
0x44: {  	v51 =	vbroadcast v4, $0x3;
	[tilespmem:s1+$0xFFFFFE60] =	vst v50  }
0x45: {  	[tilespmem:s1+$0xFFFFFEA0] =	vst v5;
	v5 =	vbroadcast v4, $0x4  }
0x46: {  	v52 =	vbroadcast v4, $0x5;
	[tilespmem:s1+$0xFFFFFEE0] =	vst v51  }
0x47: {  	[tilespmem:s1+$0xFFFFFF20] =	vst v5;
	v5 =	vbroadcast v4, $0x6  }
0x48: {  	v53 =	vbroadcast v4, $0x7;
	[tilespmem:s1+$0xFFFFFF60] =	vst v52  }
0x49: {  	[tilespmem:s1+$0xFFFFFFA0] =	vst v5;
	v5 =	vbroadcast v4, $0x8  }
0x4a: {  	v54 =	vbroadcast v4, $0x9;
	[tilespmem:s1+$0xFFFFFFE0] =	vst v53  }
0x4b: {  	[tilespmem:s1+$0x20] =	vst v5;
	v5 =	vbroadcast v4, $0xA  }
0x4c: {  	v55 =	vbroadcast v4, $0xB;
	[tilespmem:s1+$0x60] =	vst v54  }
0x4d: {  	[tilespmem:s1+$0xA0] =	vst v5;
	v5 =	vbroadcast v4, $0xC  }
0x4e: {  	v56 =	vbroadcast v4, $0xD;
	[tilespmem:s1+$0xE0] =	vst v55  }
0x4f: {  	[tilespmem:s1+$0x120] =	vst v5;
	v5 =	vbroadcast v4, $0xE  }
0x50: {  	[tilespmem:s1+$0x160] =	vst v56;
	v4 =	vbroadcast v4, $0xF  }
0x51: {  	[tilespmem:s1+$0x1A0] =	vst v5  }
0x52: {  	[tilespmem:s1+$0x1E0] =	vst v4  }
0x53: {  	v4 =	vld [tilespmem:s24+$0x200];
	_ =	sdelay $0x4  }
0x54: {  	v5 =	vbroadcast v4, $0x0  }
0x55: {  	v57 =	vbroadcast v4, $0x1  }
0x56: {  	[tilespmem:s1+$0xFFFFFE30] =	vst v5;
	v5 =	vbroadcast v4, $0x2  }
0x57: {  	v58 =	vbroadcast v4, $0x3;
	[tilespmem:s1+$0xFFFFFE70] =	vst v57  }
0x58: {  	[tilespmem:s1+$0xFFFFFEB0] =	vst v5;
	v5 =	vbroadcast v4, $0x4  }
0x59: {  	v59 =	vbroadcast v4, $0x5;
	[tilespmem:s1+$0xFFFFFEF0] =	vst v58  }
0x5a: {  	[tilespmem:s1+$0xFFFFFF30] =	vst v5;
	v5 =	vbroadcast v4, $0x6  }
0x5b: {  	v60 =	vbroadcast v4, $0x7;
	[tilespmem:s1+$0xFFFFFF70] =	vst v59  }
0x5c: {  	[tilespmem:s1+$0xFFFFFFB0] =	vst v5;
	v5 =	vbroadcast v4, $0x8  }
0x5d: {  	v61 =	vbroadcast v4, $0x9;
	[tilespmem:s1+$0xFFFFFFF0] =	vst v60  }
0x5e: {  	[tilespmem:s1+$0x30] =	vst v5;
	v5 =	vbroadcast v4, $0xA  }
0x5f: {  	v62 =	vbroadcast v4, $0xB;
	[tilespmem:s1+$0x70] =	vst v61  }
0x60: {  	p0 =	sne.s32 s0, $0xFFFFFFC0;
	[tilespmem:s1+$0xB0] =	vst v5;
	v5 =	vbroadcast v4, $0xC  }
.Ltmp2:
0x61: {  	v63 =	vbroadcast v4, $0xD;
	[tilespmem:s1+$0xF0] =	vst v62;
	(pc) =	sbr.rel @p0 .LBB2_2-.Ltmp2, $4  }
0x62: {  	[tilespmem:s1+$0x130] =	vst v5;
	v5 =	vbroadcast v4, $0xE  }
0x63: {  	[tilespmem:s1+$0x170] =	vst v63;
	v4 =	vbroadcast v4, $0xF  }
0x64: {  	[tilespmem:s1+$0x1B0] =	vst v5  }
0x65: {  	s0 =	sadd.s32 $0x40, s0;
	[tilespmem:s1+$0x1F0] =	vst v4;
	s1 =	sadd.s32 $0x400, s1  }
0x66: {  	[tilespmem:s13], [sflag:$0x1] =	stream.strided.gather [hbm4b:s6+s11], $0x1400, s12, s11, $0x38;
	[tilespmem:$0xEA00] =	vst v63  }
0x67: {  	s24 =	simm.s32 $0x0  }
0x68: {  	[tilespmem:s14], [sflag:$0x2] =	stream.strided.gather [hbm4b:s8+s11], $0x1400, s12, s11, $0x38;
	[tilespmem:$0xEA00] =	vst v63  }
.LBB2_4:
0x69: {  	_ =	swait.ge [sflag:s15], $0x1400  }
0x6a: {  	p1 =	seq.s32 s24, $0x0;
	[sflag:s15] =	ssyncset.done $0x0  }
0x6b: {  	s0 =	simm.s32 @!p1 $0x3;
	[sflag:s15] =	ssyncadd.s32 $0xFFFFEC00  }
0x6c: {  	_ =	swait.ge @!p1 [sflag:s0], $0x5000  }
0x6d: {  	[sflag:s0] =	ssyncset.done @!p1 $0x0  }
0x6e: {  	s25 =	simm.s32 $0x2240;
	[sflag:s0] =	ssyncadd.s32 @!p1 $0xFFFFB000  }
0x6f: {  	v4 =	vld [tilespmem:s25+$0x30]  }
0x70: {  	v5 =	vld [tilespmem:s25+$0xFFFFFFD0]  }
0x71: {  	v6 =	vld [tilespmem:s25+$0xFFFFFFE0]  }
0x72: {  	v7 =	vld [tilespmem:s25+$0xFFFFFFF0]  }
0x73: {  	v8 =	vld [tilespmem:s25+$0x0]  }
0x74: {  	v9 =	vld [tilespmem:s25+$0x10];
	v4 =	vshll.u32 v4, $0x6  }
0x75: {  	v10 =	vld [tilespmem:s25+$0x20];
	v5 =	vshll.u32 v5, $0x6;
	v11 =	vor.u32 v0, v4  }
0x76: {  	s26 =	simm.s32 $0x22C0;
	v13 =	vld [tilespmem:s25+$0xFFFFFFC0];
	v6 =	vshll.u32 v6, $0x6;
	v12 =	vor.u32 v0, v5  }
0x77: {  	v46 =	vld [tilespmem:s26+$0xFFFFFFF0];
	v7 =	vshll.u32 v7, $0x6;
	v14 =	vor.u32 v0, v6  }
0x78: {  	v47 =	vld [tilespmem:s26+$0x0];
	v8 =	vshll.u32 v8, $0x6;
	v15 =	vor.u32 v0, v7  }
0x79: {  	v51 =	vld [tilespmem:s26+$0x20];
	v9 =	vshll.u32 v9, $0x6;
	v16 =	vor.u32 v0, v8  }
0x7a: {  	v10 =	vshll.u32 v10, $0x6;
	v17 =	vor.u32 v0, v9;
	v11 =	vld.idx.msk [tilespmem:v11+s16+$0x0], $0xffff  }
0x7b: {  	v13 =	vshll.u32 v13, $0x6;
	v18 =	vor.u32 v0, v10;
	v12 =	vld.idx.msk [tilespmem:v12+s16+$0x0], $0xffff  }
0x7c: {  	v20 =	vor.u32 v0, v13;
	v14 =	vld.idx.msk [tilespmem:v14+s16+$0x0], $0xffff  }
0x7d: {  	v19 =	vor.u32 v1, v4;
	v15 =	vld.idx.msk [tilespmem:v15+s16+$0x0], $0xffff  }
0x7e: {  	v21 =	vor.u32 v1, v5;
	v16 =	vld.idx.msk [tilespmem:v16+s16+$0x0], $0xffff  }
0x7f: {  	s28 =	simm.s32 $0x4B00;
	v22 =	vor.u32 v1, v6;
	v17 =	vld.idx.msk [tilespmem:v17+s16+$0x0], $0xffff  }
0x80: {  	v23 =	vor.u32 v1, v7;
	v18 =	vld.idx.msk [tilespmem:v18+s16+$0x0], $0xffff;
	[tilespmem:s28+$0xFFFFFF70] =	vst v11  }
0x81: {  	v24 =	vor.u32 v1, v9;
	[tilespmem:s28+$0xFFFFFF10] =	vst v12;
	v12 =	vld.idx.msk [tilespmem:v20+s16+$0x0], $0xffff  }
0x82: {  	v11 =	vor.u32 v1, v8;
	[tilespmem:s28+$0xFFFFFF20] =	vst v14;
	v19 =	vld.idx.msk [tilespmem:v19+s16+$0x0], $0xffff  }
0x83: {  	v38 =	vor.u32 v1, v10;
	[tilespmem:s28+$0xFFFFFF30] =	vst v15;
	v14 =	vld.idx.msk [tilespmem:v21+s16+$0x0], $0xffff  }
0x84: {  	v36 =	vor.u32 v2, v4;
	[tilespmem:s28+$0xFFFFFF40] =	vst v16;
	v15 =	vld.idx.msk [tilespmem:v22+s16+$0x0], $0xffff  }
0x85: {  	v39 =	vor.u32 v2, v5;
	[tilespmem:s28+$0xFFFFFF50] =	vst v17;
	v16 =	vld.idx.msk [tilespmem:v23+s16+$0x0], $0xffff  }
0x86: {  	v17 =	vor.u32 v2, v6;
	[tilespmem:s28+$0xFFFFFF60] =	vst v18;
	v24 =	vld.idx.msk [tilespmem:v24+s16+$0x0], $0xffff  }
0x87: {  	v37 =	vor.u32 v1, v13;
	v11 =	vld.idx.msk [tilespmem:v11+s16+$0x0], $0xffff;
	[tilespmem:s28+$0xFFFFFFF0] =	vst v19  }
0x88: {  	v40 =	vor.u32 v2, v7;
	[tilespmem:s28+$0xFFFFFF90] =	vst v14;
	v14 =	vld.idx.msk [tilespmem:v38+s16+$0x0], $0xffff  }
0x89: {  	v41 =	vor.u32 v2, v8;
	[tilespmem:s28+$0xFFFFFF00] =	vst v12;
	v12 =	vld.idx.msk [tilespmem:v36+s16+$0x0], $0xffff  }
0x8a: {  	v44 =	vor.u32 v2, v9;
	[tilespmem:s28+$0xFFFFFFA0] =	vst v15;
	v15 =	vld.idx.msk [tilespmem:v39+s16+$0x0], $0xffff  }
0x8b: {  	[tilespmem:s28+$0xFFFFFFB0] =	vst v16;
	v16 =	vld.idx.msk [tilespmem:v17+s16+$0x0], $0xffff;
	v17 =	vor.u32 v2, v10  }
0x8c: {  	v4 =	vor.u32 v3, v4;
	v42 =	vld.idx.msk [tilespmem:v37+s16+$0x0], $0xffff;
	[tilespmem:s28+$0xFFFFFFD0] =	vst v24  }
0x8d: {  	v43 =	vor.u32 v2, v13;
	[tilespmem:s28+$0xFFFFFFC0] =	vst v11;
	v11 =	vld.idx.msk [tilespmem:v40+s16+$0x0], $0xffff  }
0x8e: {  	v5 =	vor.u32 v3, v5;
	v45 =	vld.idx.msk [tilespmem:v41+s16+$0x0], $0xffff;
	[tilespmem:s28+$0xFFFFFFE0] =	vst v14  }
0x8f: {  	v14 =	vld.idx.msk [tilespmem:v44+s16+$0x0], $0xffff;
	[tilespmem:s28+$0x70] =	vst v12  }
0x90: {  	v6 =	vor.u32 v3, v6;
	[tilespmem:s28+$0x10] =	vst v15;
	v15 =	vld.idx.msk [tilespmem:v17+s16+$0x0], $0xffff  }
0x91: {  	[tilespmem:s28+$0xFFFFFF80] =	vst v42;
	v12 =	vld.idx.msk [tilespmem:v4+s16+$0x0], $0xffff  }
0x92: {  	v4 =	vor.u32 v3, v7;
	v7 =	vld.idx.msk [tilespmem:v43+s16+$0x0], $0xffff  }
0x93: {  	[tilespmem:s28+$0x20] =	vst v16;
	v16 =	vld.idx.msk [tilespmem:v5+s16+$0x0], $0xffff  }
0x94: {  	v54 =	vshll.u32 v51, $0x6;
	v5 =	vld [tilespmem:s26+$0xFFFFFFD0]  }
0x95: {  	v56 =	vor.u32 v0, v54;
	[tilespmem:s28+$0x30] =	vst v11;
	v11 =	vld.idx.msk [tilespmem:v6+s16+$0x0], $0xffff  }
0x96: {  	v6 =	vld [tilespmem:s26+$0xFFFFFFE0]  }
0x97: {  	v8 =	vor.u32 v3, v8;
	v17 =	vld.idx.msk [tilespmem:v4+s16+$0x0], $0xffff  }
0x98: {  	v9 =	vor.u32 v3, v9;
	v4 =	vld [tilespmem:s26+$0x30]  }
0x99: {  	v48 =	vld [tilespmem:s26+$0x10];
	v10 =	vor.u32 v3, v10;
	[tilespmem:s28+$0x40] =	vst v45  }
0x9a: {  	v13 =	vor.u32 v3, v13;
	v24 =	vld.idx.msk [tilespmem:v56+s16+$0x0], $0xffff;
	[tilespmem:s28+$0x50] =	vst v14;
	v50 =	vshll.u32 v5, $0x6  }
0x9b: {  	[tilespmem:s28+$0x0] =	vst v7;
	v7 =	vld [tilespmem:s26+$0xFFFFFFC0];
	v25 =	vor.u32 v0, v50;
	v26 =	vshll.u32 v6, $0x6  }
0x9c: {  	v8 =	vld.idx.msk [tilespmem:v8+s16+$0x0], $0xffff;
	[tilespmem:s28+$0x60] =	vst v15;
	v15 =	vshll.u32 v47, $0x6;
	v14 =	vor.u32 v0, v26  }
0x9d: {  	v49 =	vshll.u32 v4, $0x6;
	v4 =	vld.idx.msk [tilespmem:v9+s16+$0x0], $0xffff;
	v9 =	vor.u32 v0, v15  }
0x9e: {  	s29 =	simm.s32 $0x4D00;
	v18 =	vshll.u32 v46, $0x6;
	v5 =	vld.idx.msk [tilespmem:v10+s16+$0x0], $0xffff;
	v52 =	vor.u32 v0, v49  }
0x9f: {  	v53 =	vshll.u32 v48, $0x6;
	[tilespmem:s29+$0xFFFFFF60] =	vst v24;
	v6 =	vld.idx.msk [tilespmem:v13+s16+$0x0], $0xffff;
	v13 =	vor.u32 v0, v18  }
0xa0: {  	v10 =	vor.u32 v0, v53;
	[tilespmem:s28+$0xF0] =	vst v12;
	v7 =	vshll.u32 v7, $0x6;
	v12 =	vld.idx.msk [tilespmem:v25+s16+$0x0], $0xffff  }
0xa1: {  	[tilespmem:s28+$0xA0] =	vst v11;
	v11 =	vor.u32 v0, v7;
	v14 =	vld.idx.msk [tilespmem:v14+s16+$0x0], $0xffff  }
0xa2: {  	[tilespmem:s28+$0xB0] =	vst v17;
	v17 =	vor.u32 v1, v50;
	v9 =	vld.idx.msk [tilespmem:v9+s16+$0x0], $0xffff  }
0xa3: {  	[tilespmem:s28+$0xC0] =	vst v8;
	v8 =	vor.u32 v1, v26;
	v55 =	vld.idx.msk [tilespmem:v52+s16+$0x0], $0xffff  }
0xa4: {  	[tilespmem:s28+$0x90] =	vst v16;
	v16 =	vor.u32 v1, v49;
	v13 =	vld.idx.msk [tilespmem:v13+s16+$0x0], $0xffff  }
0xa5: {  	v57 =	vor.u32 v1, v18;
	v10 =	vld.idx.msk [tilespmem:v10+s16+$0x0], $0xffff;
	[tilespmem:s29+$0xFFFFFF10] =	vst v12  }
0xa6: {  	v58 =	vor.u32 v1, v15;
	v11 =	vld.idx.msk [tilespmem:v11+s16+$0x0], $0xffff;
	[tilespmem:s29+$0xFFFFFF20] =	vst v14  }
0xa7: {  	v14 =	vld.idx.msk [tilespmem:v17+s16+$0x0], $0xffff;
	v17 =	vor.u32 v1, v7;
	[tilespmem:s29+$0xFFFFFF40] =	vst v9  }
0xa8: {  	v8 =	vld.idx.msk [tilespmem:v8+s16+$0x0], $0xffff;
	v9 =	vor.u32 v1, v54;
	[tilespmem:s29+$0xFFFFFF70] =	vst v55  }
0xa9: {  	[tilespmem:s29+$0xFFFFFF30] =	vst v13;
	v12 =	vld.idx.msk [tilespmem:v16+s16+$0x0], $0xffff;
	v16 =	vor.u32 v1, v53  }
0xaa: {  	[tilespmem:s29+$0xFFFFFF50] =	vst v10;
	v13 =	vor.u32 v2, v49;
	v25 =	vld.idx.msk [tilespmem:v57+s16+$0x0], $0xffff  }
0xab: {  	v10 =	vor.u32 v2, v50;
	v23 =	vld.idx.msk [tilespmem:v58+s16+$0x0], $0xffff;
	[tilespmem:s29+$0xFFFFFF00] =	vst v11  }
0xac: {  	v59 =	vor.u32 v2, v26;
	v17 =	vld.idx.msk [tilespmem:v17+s16+$0x0], $0xffff;
	[tilespmem:s29+$0xFFFFFF90] =	vst v14  }
0xad: {  	v14 =	vor.u32 v2, v7;
	[tilespmem:s29+$0xFFFFFFA0] =	vst v8;
	v8 =	vld.idx.msk [tilespmem:v9+s16+$0x0], $0xffff  }
0xae: {  	v61 =	vor.u32 v2, v54;
	v16 =	vld.idx.msk [tilespmem:v16+s16+$0x0], $0xffff;
	[tilespmem:s29+$0xFFFFFFF0] =	vst v12  }
0xaf: {  	[tilespmem:s29+$0xFFFFFFB0] =	vst v25;
	v12 =	vor.u32 v2, v18;
	v11 =	vld.idx.msk [tilespmem:v13+s16+$0x0], $0xffff  }
0xb0: {  	v10 =	vld.idx.msk [tilespmem:v10+s16+$0x0], $0xffff;
	[tilespmem:s29+$0xFFFFFFC0] =	vst v23;
	v13 =	vor.u32 v2, v15  }
0xb1: {  	v9 =	vor.u32 v3, v49;
	v24 =	vld.idx.msk [tilespmem:v59+s16+$0x0], $0xffff;
	[tilespmem:s29+$0xFFFFFF80] =	vst v17  }
0xb2: {  	v60 =	vor.u32 v2, v53;
	v63 =	vld.idx.msk [tilespmem:v14+s16+$0x0], $0xffff;
	[tilespmem:s29+$0xFFFFFFE0] =	vst v8  }
0xb3: {  	v14 =	vld.idx.msk [tilespmem:v61+s16+$0x0], $0xffff;
	[tilespmem:s29+$0xFFFFFFD0] =	vst v16;
	v16 =	vor.u32 v3, v50  }
0xb4: {  	v12 =	vld.idx.msk [tilespmem:v12+s16+$0x0], $0xffff;
	[tilespmem:s29+$0x70] =	vst v11;
	v11 =	vor.u32 v3, v26  }
0xb5: {  	v17 =	vor.u32 v3, v18;
	v62 =	vld.idx.msk [tilespmem:v13+s16+$0x0], $0xffff  }
0xb6: {  	v15 =	vor.u32 v3, v15;
	[tilespmem:s29+$0x10] =	vst v10;
	v9 =	vld.idx.msk [tilespmem:v9+s16+$0x0], $0xffff  }
0xb7: {  	[tilespmem:s29+$0x20] =	vst v24;
	v13 =	vld.idx.msk [tilespmem:v60+s16+$0x0], $0xffff  }
0xb8: {  	[tilespmem:s29+$0x0] =	vst v63;
	v10 =	vld.idx.msk [tilespmem:v16+s16+$0x0], $0xffff  }
0xb9: {  	[tilespmem:s29+$0x30] =	vst v12;
	v11 =	vld.idx.msk [tilespmem:v11+s16+$0x0], $0xffff  }
0xba: {  	s30 =	simm.s32 $0x2670;
	s31 =	simm.s32 $0x8;
	v7 =	vor.u32 v3, v7;
	[tilespmem:s29+$0x40] =	vst v62;
	v12 =	vld.idx.msk [tilespmem:v17+s16+$0x0], $0xffff  }
0xbb: {  	s1 =	simm.s32 $0x2340;
	s25 =	sshll.u32 s24, $0x1;
	s26 =	simm.s32 $0x5BF0;
	v8 =	vor.u32 v3, v54;
	[tilespmem:s29+$0xF0] =	vst v9;
	v9 =	vor.u32 v3, v53;
	v15 =	vld.idx.msk [tilespmem:v15+s16+$0x0], $0xffff  }
.LBB2_5:
0xbc: {  	v16 =	vld [tilespmem:s1+$0x30];
	s31 =	sadd.s32 $0x8, s31;
	[tilespmem:s29+$0x50] =	vst v13  }
0xbd: {  	v13 =	vld [tilespmem:s1+$0xFFFFFFD0];
	p0 =	slt.u32 s31, $0x38;
	[tilespmem:s29+$0x60] =	vst v14  }
0xbe: {  	v14 =	vld [tilespmem:s1+$0xFFFFFFE0];
	[tilespmem:s28+$0x80] =	vst v6  }
0xbf: {  	v6 =	vld [tilespmem:s1+$0xFFFFFFF0];
	[tilespmem:s29+$0x90] =	vst v10  }
0xc0: {  	v10 =	vld [tilespmem:s1+$0x0];
	[tilespmem:s29+$0xA0] =	vst v11  }
0xc1: {  	v11 =	vld [tilespmem:s1+$0x10];
	v16 =	vshll.u32 v16, $0x6;
	[tilespmem:s29+$0xB0] =	vst v12  }
0xc2: {  	v12 =	vshll.u32 v13, $0x6;
	v13 =	vld [tilespmem:s1+$0x20];
	v17 =	vor.u32 v0, v16;
	[tilespmem:s29+$0xC0] =	vst v15  }
0xc3: {  	v15 =	vld [tilespmem:s1+$0xFFFFFFC0];
	v18 =	vor.u32 v0, v12;
	v19 =	vor.u32 v1, v12;
	v14 =	vshll.u32 v14, $0x6;
	[tilespmem:s28+$0xD0] =	vst v4  }
0xc4: {  	v20 =	vor.u32 v0, v14;
	v21 =	vor.u32 v1, v14;
	v22 =	vshll.u32 v6, $0x6;
	v6 =	vld.idx.msk [tilespmem:v7+s16+$0x0], $0xffff;
	[tilespmem:s28+$0xE0] =	vst v5;
	s28 =	smov.u32 s29  }
0xc5: {  	v7 =	vor.u32 v0, v22;
	v23 =	vor.u32 v1, v22;
	v10 =	vshll.u32 v10, $0x6;
	v4 =	vld.idx.msk [tilespmem:v9+s16+$0x0], $0xffff  }
0xc6: {  	v9 =	vor.u32 v0, v10;
	v24 =	vor.u32 v1, v10;
	v11 =	vshll.u32 v11, $0x6;
	v5 =	vld.idx.msk [tilespmem:v8+s16+$0x0], $0xffff  }
0xc7: {  	v8 =	vor.u32 v0, v11;
	v25 =	vor.u32 v1, v11;
	v13 =	vshll.u32 v13, $0x6;
	v17 =	vld.idx.msk [tilespmem:v17+s16+$0x0], $0xffff  }
0xc8: {  	v15 =	vshll.u32 v15, $0x6;
	v18 =	vld.idx.msk [tilespmem:v18+s16+$0x0], $0xffff;
	v26 =	vor.u32 v0, v13;
	v27 =	vor.u32 v1, v13  }
0xc9: {  	v30 =	vor.u32 v1, v16;
	v28 =	vor.u32 v0, v15;
	v29 =	vor.u32 v1, v15;
	v20 =	vld.idx.msk [tilespmem:v20+s16+$0x0], $0xffff  }
0xca: {  	v32 =	vor.u32 v2, v12;
	v33 =	vor.u32 v2, v14;
	v31 =	vor.u32 v2, v15;
	v34 =	vld.idx.msk [tilespmem:v7+s16+$0x0], $0xffff  }
0xcb: {  	v35 =	vor.u32 v2, v22;
	v37 =	vor.u32 v2, v10;
	v38 =	vor.u32 v2, v11;
	v36 =	vld.idx.msk [tilespmem:v9+s16+$0x0], $0xffff  }
0xcc: {  	v12 =	vor.u32 v3, v12;
	s29 =	sadd.s32 $0x200, s29;
	v39 =	vor.u32 v2, v13;
	v7 =	vor.u32 v3, v15;
	v15 =	vld.idx.msk [tilespmem:v8+s16+$0x0], $0xffff  }
0xcd: {  	v40 =	vor.u32 v3, v14;
	v22 =	vor.u32 v3, v22;
	v14 =	vld.idx.msk [tilespmem:v26+s16+$0x0], $0xffff;
	[tilespmem:s29+$0xFFFFFF70] =	vst v17  }
0xce: {  	v9 =	vor.u32 v3, v11;
	v17 =	vor.u32 v3, v10;
	[tilespmem:s29+$0xFFFFFF10] =	vst v18;
	v10 =	vld.idx.msk [tilespmem:v30+s16+$0x0], $0xffff  }
0xcf: {  	v8 =	vor.u32 v3, v13;
	v11 =	vld.idx.msk [tilespmem:v28+s16+$0x0], $0xffff;
	[tilespmem:s29+$0xFFFFFF20] =	vst v20  }
0xd0: {  	v18 =	vor.u32 v2, v16;
	v13 =	vld.idx.msk [tilespmem:v19+s16+$0x0], $0xffff;
	[tilespmem:s29+$0xFFFFFF30] =	vst v34  }
0xd1: {  	v19 =	vld.idx.msk [tilespmem:v21+s16+$0x0], $0xffff;
	[tilespmem:s29+$0xFFFFFF40] =	vst v36  }
0xd2: {  	v20 =	vld.idx.msk [tilespmem:v23+s16+$0x0], $0xffff;
	[tilespmem:s29+$0xFFFFFF50] =	vst v15  }
0xd3: {  	v15 =	vld.idx.msk [tilespmem:v24+s16+$0x0], $0xffff;
	[tilespmem:s29+$0xFFFFFF60] =	vst v14  }
0xd4: {  	v14 =	vld.idx.msk [tilespmem:v25+s16+$0x0], $0xffff;
	[tilespmem:s29+$0xFFFFFFF0] =	vst v10  }
0xd5: {  	[tilespmem:s29+$0xFFFFFF00] =	vst v11;
	v10 =	vld.idx.msk [tilespmem:v18+s16+$0x0], $0xffff  }
0xd6: {  	v11 =	vld.idx.msk [tilespmem:v29+s16+$0x0], $0xffff;
	[tilespmem:s29+$0xFFFFFF90] =	vst v13  }
0xd7: {  	v16 =	vor.u32 v3, v16;
	[tilespmem:s29+$0xFFFFFFA0] =	vst v19;
	v13 =	vld.idx.msk [tilespmem:v27+s16+$0x0], $0xffff  }
0xd8: {  	v18 =	vld.idx.msk [tilespmem:v32+s16+$0x0], $0xffff;
	[tilespmem:s29+$0xFFFFFFB0] =	vst v20  }
0xd9: {  	v19 =	vld.idx.msk [tilespmem:v33+s16+$0x0], $0xffff;
	[tilespmem:s29+$0xFFFFFFC0] =	vst v15  }
0xda: {  	v15 =	vld.idx.msk [tilespmem:v35+s16+$0x0], $0xffff;
	[tilespmem:s29+$0xFFFFFFD0] =	vst v14  }
0xdb: {  	v20 =	vld.idx.msk [tilespmem:v37+s16+$0x0], $0xffff;
	[tilespmem:s29+$0x70] =	vst v10  }
0xdc: {  	[tilespmem:s29+$0xFFFFFF80] =	vst v11;
	v16 =	vld.idx.msk [tilespmem:v16+s16+$0x0], $0xffff  }
0xdd: {  	v21 =	vld.idx.msk [tilespmem:v31+s16+$0x0], $0xffff;
	[tilespmem:s29+$0xFFFFFFE0] =	vst v13  }
0xde: {  	[tilespmem:s29+$0x10] =	vst v18;
	v13 =	vld.idx.msk [tilespmem:v38+s16+$0x0], $0xffff  }
.Ltmp3:
0xdf: {  	[tilespmem:s29+$0x20] =	vst v19;
	v14 =	vld.idx.msk [tilespmem:v39+s16+$0x0], $0xffff;
	(pc) =	sbr.rel @p0 .LBB2_5-.Ltmp3, $4  }
0xe0: {  	v10 =	vld.idx.msk [tilespmem:v12+s16+$0x0], $0xffff;
	[tilespmem:s29+$0x30] =	vst v15  }
0xe1: {  	v11 =	vld.idx.msk [tilespmem:v40+s16+$0x0], $0xffff;
	[tilespmem:s29+$0x40] =	vst v20  }
0xe2: {  	v12 =	vld.idx.msk [tilespmem:v22+s16+$0x0], $0xffff;
	[tilespmem:s29+$0xF0] =	vst v16  }
0xe3: {  	s1 =	sadd.s32 $0x80, s1;
	[tilespmem:s29+$0x0] =	vst v21;
	v15 =	vld.idx.msk [tilespmem:v17+s16+$0x0], $0xffff  }
0xe4: {  	[tilespmem:s29+$0x50] =	vst v13  }
0xe5: {  	[tilespmem:s29+$0x60] =	vst v14  }
0xe6: {  	[tilespmem:s28+$0x80] =	vst v6  }
0xe7: {  	[tilespmem:s28+$0xD0] =	vst v4  }
0xe8: {  	v6 =	vld.idx.msk [tilespmem:v7+s16+$0x0], $0xffff;
	[tilespmem:s28+$0xE0] =	vst v5  }
0xe9: {  	[tilespmem:s29+$0x90] =	vst v10;
	v7 =	vld.idx.msk [tilespmem:v9+s16+$0x0], $0xffff  }
0xea: {  	v8 =	vld.idx.msk [tilespmem:v8+s16+$0x0], $0xffff;
	[tilespmem:s29+$0xA0] =	vst v11  }
0xeb: {  	[tilespmem:s29+$0xB0] =	vst v12  }
0xec: {  	[tilespmem:s29+$0xC0] =	vst v15  }
0xed: {  	[tilespmem:s29+$0x80] =	vst v6  }
0xee: {  	[tilespmem:s29+$0xD0] =	vst v7  }
0xef: {  	[tilespmem:s29+$0xE0] =	vst v8  }
0xf0: {  	v4 =	vld [tilespmem:s30+$0x0]  }
0xf1: {  	v5 =	vld [tilespmem:s30+$0xFFFFFFA0]  }
0xf2: {  	v6 =	vld [tilespmem:s30+$0xFFFFFFB0]  }
0xf3: {  	v7 =	vld [tilespmem:s30+$0xFFFFFFC0]  }
0xf4: {  	v8 =	vld [tilespmem:s30+$0xFFFFFFD0]  }
0xf5: {  	v9 =	vld [tilespmem:s30+$0xFFFFFFE0];
	v4 =	vshll.u32 v4, $0x6  }
0xf6: {  	v10 =	vld [tilespmem:s30+$0xFFFFFFF0];
	v5 =	vshll.u32 v5, $0x6;
	v11 =	vor.u32 v0, v4  }
0xf7: {  	s0 =	simm.s32 $0x26F0;
	v13 =	vld [tilespmem:s30+$0xFFFFFF90];
	v6 =	vshll.u32 v6, $0x6;
	v12 =	vor.u32 v0, v5  }
0xf8: {  	v46 =	vld [tilespmem:s0+$0xFFFFFFC0];
	v7 =	vshll.u32 v7, $0x6;
	v14 =	vor.u32 v0, v6  }
0xf9: {  	v47 =	vld [tilespmem:s0+$0xFFFFFFD0];
	v8 =	vshll.u32 v8, $0x6;
	v15 =	vor.u32 v0, v7  }
0xfa: {  	v51 =	vld [tilespmem:s0+$0xFFFFFFF0];
	v9 =	vshll.u32 v9, $0x6;
	v16 =	vor.u32 v0, v8  }
0xfb: {  	v10 =	vshll.u32 v10, $0x6;
	v17 =	vor.u32 v0, v9;
	v11 =	vld.idx.msk [tilespmem:v11+s16+$0x0], $0xffff  }
0xfc: {  	v13 =	vshll.u32 v13, $0x6;
	v18 =	vor.u32 v0, v10;
	v12 =	vld.idx.msk [tilespmem:v12+s16+$0x0], $0xffff  }
0xfd: {  	v20 =	vor.u32 v0, v13;
	v14 =	vld.idx.msk [tilespmem:v14+s16+$0x0], $0xffff  }
0xfe: {  	v19 =	vor.u32 v1, v4;
	v15 =	vld.idx.msk [tilespmem:v15+s16+$0x0], $0xffff  }
0xff: {  	v21 =	vor.u32 v1, v5;
	v16 =	vld.idx.msk [tilespmem:v16+s16+$0x0], $0xffff  }
0x100: {  	v22 =	vor.u32 v1, v6;
	v17 =	vld.idx.msk [tilespmem:v17+s16+$0x0], $0xffff  }
0x101: {  	v23 =	vor.u32 v1, v7;
	v18 =	vld.idx.msk [tilespmem:v18+s16+$0x0], $0xffff;
	[tilespmem:s26+$0xFFFFFE80] =	vst v11  }
0x102: {  	v24 =	vor.u32 v1, v9;
	[tilespmem:s26+$0xFFFFFE20] =	vst v12;
	v12 =	vld.idx.msk [tilespmem:v20+s16+$0x0], $0xffff  }
0x103: {  	v11 =	vor.u32 v1, v8;
	[tilespmem:s26+$0xFFFFFE30] =	vst v14;
	v19 =	vld.idx.msk [tilespmem:v19+s16+$0x0], $0xffff  }
0x104: {  	v38 =	vor.u32 v1, v10;
	[tilespmem:s26+$0xFFFFFE40] =	vst v15;
	v14 =	vld.idx.msk [tilespmem:v21+s16+$0x0], $0xffff  }
0x105: {  	v36 =	vor.u32 v2, v4;
	[tilespmem:s26+$0xFFFFFE50] =	vst v16;
	v15 =	vld.idx.msk [tilespmem:v22+s16+$0x0], $0xffff  }
0x106: {  	v39 =	vor.u32 v2, v5;
	[tilespmem:s26+$0xFFFFFE60] =	vst v17;
	v16 =	vld.idx.msk [tilespmem:v23+s16+$0x0], $0xffff  }
0x107: {  	v17 =	vor.u32 v2, v6;
	[tilespmem:s26+$0xFFFFFE70] =	vst v18;
	v24 =	vld.idx.msk [tilespmem:v24+s16+$0x0], $0xffff  }
0x108: {  	v37 =	vor.u32 v1, v13;
	v11 =	vld.idx.msk [tilespmem:v11+s16+$0x0], $0xffff;
	[tilespmem:s26+$0xFFFFFF00] =	vst v19  }
0x109: {  	v40 =	vor.u32 v2, v7;
	[tilespmem:s26+$0xFFFFFEA0] =	vst v14;
	v14 =	vld.idx.msk [tilespmem:v38+s16+$0x0], $0xffff  }
0x10a: {  	v41 =	vor.u32 v2, v8;
	[tilespmem:s26+$0xFFFFFE10] =	vst v12;
	v12 =	vld.idx.msk [tilespmem:v36+s16+$0x0], $0xffff  }
0x10b: {  	v44 =	vor.u32 v2, v9;
	[tilespmem:s26+$0xFFFFFEB0] =	vst v15;
	v15 =	vld.idx.msk [tilespmem:v39+s16+$0x0], $0xffff  }
0x10c: {  	[tilespmem:s26+$0xFFFFFEC0] =	vst v16;
	v16 =	vld.idx.msk [tilespmem:v17+s16+$0x0], $0xffff;
	v17 =	vor.u32 v2, v10  }
0x10d: {  	v4 =	vor.u32 v3, v4;
	v42 =	vld.idx.msk [tilespmem:v37+s16+$0x0], $0xffff;
	[tilespmem:s26+$0xFFFFFEE0] =	vst v24  }
0x10e: {  	v43 =	vor.u32 v2, v13;
	[tilespmem:s26+$0xFFFFFED0] =	vst v11;
	v11 =	vld.idx.msk [tilespmem:v40+s16+$0x0], $0xffff  }
0x10f: {  	v5 =	vor.u32 v3, v5;
	v45 =	vld.idx.msk [tilespmem:v41+s16+$0x0], $0xffff;
	[tilespmem:s26+$0xFFFFFEF0] =	vst v14  }
0x110: {  	v14 =	vld.idx.msk [tilespmem:v44+s16+$0x0], $0xffff;
	[tilespmem:s26+$0xFFFFFF80] =	vst v12  }
0x111: {  	v6 =	vor.u32 v3, v6;
	[tilespmem:s26+$0xFFFFFF20] =	vst v15;
	v15 =	vld.idx.msk [tilespmem:v17+s16+$0x0], $0xffff  }
0x112: {  	[tilespmem:s26+$0xFFFFFE90] =	vst v42;
	v12 =	vld.idx.msk [tilespmem:v4+s16+$0x0], $0xffff  }
0x113: {  	v4 =	vor.u32 v3, v7;
	v7 =	vld.idx.msk [tilespmem:v43+s16+$0x0], $0xffff  }
0x114: {  	[tilespmem:s26+$0xFFFFFF30] =	vst v16;
	v16 =	vld.idx.msk [tilespmem:v5+s16+$0x0], $0xffff  }
0x115: {  	v54 =	vshll.u32 v51, $0x6;
	v5 =	vld [tilespmem:s0+$0xFFFFFFA0]  }
0x116: {  	v56 =	vor.u32 v0, v54;
	[tilespmem:s26+$0xFFFFFF40] =	vst v11;
	v11 =	vld.idx.msk [tilespmem:v6+s16+$0x0], $0xffff  }
0x117: {  	v6 =	vld [tilespmem:s0+$0xFFFFFFB0]  }
0x118: {  	v8 =	vor.u32 v3, v8;
	v17 =	vld.idx.msk [tilespmem:v4+s16+$0x0], $0xffff  }
0x119: {  	v9 =	vor.u32 v3, v9;
	v4 =	vld [tilespmem:s0+$0x0]  }
0x11a: {  	v48 =	vld [tilespmem:s0+$0xFFFFFFE0];
	v10 =	vor.u32 v3, v10;
	[tilespmem:s26+$0xFFFFFF50] =	vst v45  }
0x11b: {  	v13 =	vor.u32 v3, v13;
	v24 =	vld.idx.msk [tilespmem:v56+s16+$0x0], $0xffff;
	[tilespmem:s26+$0xFFFFFF60] =	vst v14;
	v50 =	vshll.u32 v5, $0x6  }
0x11c: {  	[tilespmem:s26+$0xFFFFFF10] =	vst v7;
	v7 =	vld [tilespmem:s0+$0xFFFFFF90];
	v25 =	vor.u32 v0, v50;
	v26 =	vshll.u32 v6, $0x6  }
0x11d: {  	v8 =	vld.idx.msk [tilespmem:v8+s16+$0x0], $0xffff;
	[tilespmem:s26+$0xFFFFFF70] =	vst v15;
	v15 =	vshll.u32 v47, $0x6;
	v14 =	vor.u32 v0, v26  }
0x11e: {  	v49 =	vshll.u32 v4, $0x6;
	v4 =	vld.idx.msk [tilespmem:v9+s16+$0x0], $0xffff;
	v9 =	vor.u32 v0, v15  }
0x11f: {  	s29 =	simm.s32 $0x5DF0;
	v18 =	vshll.u32 v46, $0x6;
	v5 =	vld.idx.msk [tilespmem:v10+s16+$0x0], $0xffff;
	v52 =	vor.u32 v0, v49  }
0x120: {  	v53 =	vshll.u32 v48, $0x6;
	[tilespmem:s29+$0xFFFFFE70] =	vst v24;
	v6 =	vld.idx.msk [tilespmem:v13+s16+$0x0], $0xffff;
	v13 =	vor.u32 v0, v18  }
0x121: {  	v10 =	vor.u32 v0, v53;
	[tilespmem:s26+$0x0] =	vst v12;
	v7 =	vshll.u32 v7, $0x6;
	v12 =	vld.idx.msk [tilespmem:v25+s16+$0x0], $0xffff  }
0x122: {  	[tilespmem:s26+$0xFFFFFFB0] =	vst v11;
	v11 =	vor.u32 v0, v7;
	v14 =	vld.idx.msk [tilespmem:v14+s16+$0x0], $0xffff  }
0x123: {  	[tilespmem:s26+$0xFFFFFFC0] =	vst v17;
	v17 =	vor.u32 v1, v50;
	v9 =	vld.idx.msk [tilespmem:v9+s16+$0x0], $0xffff  }
0x124: {  	[tilespmem:s26+$0xFFFFFFD0] =	vst v8;
	v8 =	vor.u32 v1, v26;
	v55 =	vld.idx.msk [tilespmem:v52+s16+$0x0], $0xffff  }
0x125: {  	[tilespmem:s26+$0xFFFFFFA0] =	vst v16;
	v16 =	vor.u32 v1, v49;
	v13 =	vld.idx.msk [tilespmem:v13+s16+$0x0], $0xffff  }
0x126: {  	v57 =	vor.u32 v1, v18;
	v10 =	vld.idx.msk [tilespmem:v10+s16+$0x0], $0xffff;
	[tilespmem:s29+$0xFFFFFE20] =	vst v12  }
0x127: {  	v58 =	vor.u32 v1, v15;
	v11 =	vld.idx.msk [tilespmem:v11+s16+$0x0], $0xffff;
	[tilespmem:s29+$0xFFFFFE30] =	vst v14  }
0x128: {  	v14 =	vld.idx.msk [tilespmem:v17+s16+$0x0], $0xffff;
	v17 =	vor.u32 v1, v7;
	[tilespmem:s29+$0xFFFFFE50] =	vst v9  }
0x129: {  	v8 =	vld.idx.msk [tilespmem:v8+s16+$0x0], $0xffff;
	v9 =	vor.u32 v1, v54;
	[tilespmem:s29+$0xFFFFFE80] =	vst v55  }
0x12a: {  	[tilespmem:s29+$0xFFFFFE40] =	vst v13;
	v12 =	vld.idx.msk [tilespmem:v16+s16+$0x0], $0xffff;
	v16 =	vor.u32 v1, v53  }
0x12b: {  	[tilespmem:s29+$0xFFFFFE60] =	vst v10;
	v13 =	vor.u32 v2, v49;
	v25 =	vld.idx.msk [tilespmem:v57+s16+$0x0], $0xffff  }
0x12c: {  	v10 =	vor.u32 v2, v50;
	v23 =	vld.idx.msk [tilespmem:v58+s16+$0x0], $0xffff;
	[tilespmem:s29+$0xFFFFFE10] =	vst v11  }
0x12d: {  	v59 =	vor.u32 v2, v26;
	v17 =	vld.idx.msk [tilespmem:v17+s16+$0x0], $0xffff;
	[tilespmem:s29+$0xFFFFFEA0] =	vst v14  }
0x12e: {  	v14 =	vor.u32 v2, v7;
	[tilespmem:s29+$0xFFFFFEB0] =	vst v8;
	v8 =	vld.idx.msk [tilespmem:v9+s16+$0x0], $0xffff  }
0x12f: {  	v61 =	vor.u32 v2, v54;
	v16 =	vld.idx.msk [tilespmem:v16+s16+$0x0], $0xffff;
	[tilespmem:s29+$0xFFFFFF00] =	vst v12  }
0x130: {  	[tilespmem:s29+$0xFFFFFEC0] =	vst v25;
	v12 =	vor.u32 v2, v18;
	v11 =	vld.idx.msk [tilespmem:v13+s16+$0x0], $0xffff  }
0x131: {  	v10 =	vld.idx.msk [tilespmem:v10+s16+$0x0], $0xffff;
	[tilespmem:s29+$0xFFFFFED0] =	vst v23;
	v13 =	vor.u32 v2, v15  }
0x132: {  	v9 =	vor.u32 v3, v49;
	v24 =	vld.idx.msk [tilespmem:v59+s16+$0x0], $0xffff;
	[tilespmem:s29+$0xFFFFFE90] =	vst v17  }
0x133: {  	v60 =	vor.u32 v2, v53;
	v63 =	vld.idx.msk [tilespmem:v14+s16+$0x0], $0xffff;
	[tilespmem:s29+$0xFFFFFEF0] =	vst v8  }
0x134: {  	v14 =	vld.idx.msk [tilespmem:v61+s16+$0x0], $0xffff;
	[tilespmem:s29+$0xFFFFFEE0] =	vst v16;
	v16 =	vor.u32 v3, v50  }
0x135: {  	v12 =	vld.idx.msk [tilespmem:v12+s16+$0x0], $0xffff;
	[tilespmem:s29+$0xFFFFFF80] =	vst v11;
	v11 =	vor.u32 v3, v26  }
0x136: {  	v17 =	vor.u32 v3, v18;
	v62 =	vld.idx.msk [tilespmem:v13+s16+$0x0], $0xffff  }
0x137: {  	v15 =	vor.u32 v3, v15;
	[tilespmem:s29+$0xFFFFFF20] =	vst v10;
	v9 =	vld.idx.msk [tilespmem:v9+s16+$0x0], $0xffff  }
0x138: {  	[tilespmem:s29+$0xFFFFFF30] =	vst v24;
	v13 =	vld.idx.msk [tilespmem:v60+s16+$0x0], $0xffff  }
0x139: {  	[tilespmem:s29+$0xFFFFFF10] =	vst v63;
	v10 =	vld.idx.msk [tilespmem:v16+s16+$0x0], $0xffff  }
0x13a: {  	[tilespmem:s29+$0xFFFFFF40] =	vst v12;
	v11 =	vld.idx.msk [tilespmem:v11+s16+$0x0], $0xffff  }
0x13b: {  	s28 =	simm.s32 $0x6BF0;
	v7 =	vor.u32 v3, v7;
	[tilespmem:s29+$0xFFFFFF50] =	vst v62;
	v12 =	vld.idx.msk [tilespmem:v17+s16+$0x0], $0xffff  }
0x13c: {  	s31 =	simm.s32 $0x8;
	s1 =	simm.s32 $0x2770;
	s30 =	simm.s32 $0x2A70;
	v8 =	vor.u32 v3, v54;
	[tilespmem:s29+$0x0] =	vst v9;
	v9 =	vor.u32 v3, v53;
	v15 =	vld.idx.msk [tilespmem:v15+s16+$0x0], $0xffff  }
.LBB2_7:
0x13d: {  	v16 =	vld [tilespmem:s1+$0x0];
	s31 =	sadd.s32 $0x8, s31;
	[tilespmem:s29+$0xFFFFFF60] =	vst v13  }
0x13e: {  	v13 =	vld [tilespmem:s1+$0xFFFFFFA0];
	p0 =	slt.u32 s31, $0x38;
	[tilespmem:s29+$0xFFFFFF70] =	vst v14  }
0x13f: {  	v14 =	vld [tilespmem:s1+$0xFFFFFFB0];
	[tilespmem:s26+$0xFFFFFF90] =	vst v6  }
0x140: {  	v6 =	vld [tilespmem:s1+$0xFFFFFFC0];
	[tilespmem:s29+$0xFFFFFFA0] =	vst v10  }
0x141: {  	v10 =	vld [tilespmem:s1+$0xFFFFFFD0];
	[tilespmem:s29+$0xFFFFFFB0] =	vst v11  }
0x142: {  	v11 =	vld [tilespmem:s1+$0xFFFFFFE0];
	v16 =	vshll.u32 v16, $0x6;
	[tilespmem:s29+$0xFFFFFFC0] =	vst v12  }
0x143: {  	v12 =	vshll.u32 v13, $0x6;
	v13 =	vld [tilespmem:s1+$0xFFFFFFF0];
	v17 =	vor.u32 v0, v16;
	[tilespmem:s29+$0xFFFFFFD0] =	vst v15  }
0x144: {  	v15 =	vld [tilespmem:s1+$0xFFFFFF90];
	v18 =	vor.u32 v0, v12;
	v19 =	vor.u32 v1, v12;
	v14 =	vshll.u32 v14, $0x6;
	[tilespmem:s26+$0xFFFFFFE0] =	vst v4  }
0x145: {  	v20 =	vor.u32 v0, v14;
	v21 =	vor.u32 v1, v14;
	v22 =	vshll.u32 v6, $0x6;
	v6 =	vld.idx.msk [tilespmem:v7+s16+$0x0], $0xffff;
	[tilespmem:s26+$0xFFFFFFF0] =	vst v5;
	s26 =	smov.u32 s29  }
0x146: {  	v7 =	vor.u32 v0, v22;
	v23 =	vor.u32 v1, v22;
	v10 =	vshll.u32 v10, $0x6;
	v4 =	vld.idx.msk [tilespmem:v9+s16+$0x0], $0xffff  }
0x147: {  	v9 =	vor.u32 v0, v10;
	v24 =	vor.u32 v1, v10;
	v11 =	vshll.u32 v11, $0x6;
	v5 =	vld.idx.msk [tilespmem:v8+s16+$0x0], $0xffff  }
0x148: {  	v8 =	vor.u32 v0, v11;
	v25 =	vor.u32 v1, v11;
	v13 =	vshll.u32 v13, $0x6;
	v17 =	vld.idx.msk [tilespmem:v17+s16+$0x0], $0xffff  }
0x149: {  	v15 =	vshll.u32 v15, $0x6;
	v18 =	vld.idx.msk [tilespmem:v18+s16+$0x0], $0xffff;
	v26 =	vor.u32 v0, v13;
	v27 =	vor.u32 v1, v13  }
0x14a: {  	v30 =	vor.u32 v1, v16;
	v28 =	vor.u32 v0, v15;
	v29 =	vor.u32 v1, v15;
	v20 =	vld.idx.msk [tilespmem:v20+s16+$0x0], $0xffff  }
0x14b: {  	v32 =	vor.u32 v2, v12;
	v33 =	vor.u32 v2, v14;
	v31 =	vor.u32 v2, v15;
	v34 =	vld.idx.msk [tilespmem:v7+s16+$0x0], $0xffff  }
0x14c: {  	v35 =	vor.u32 v2, v22;
	v37 =	vor.u32 v2, v10;
	v38 =	vor.u32 v2, v11;
	v36 =	vld.idx.msk [tilespmem:v9+s16+$0x0], $0xffff  }
0x14d: {  	v12 =	vor.u32 v3, v12;
	s29 =	sadd.s32 $0x200, s29;
	v39 =	vor.u32 v2, v13;
	v7 =	vor.u32 v3, v15;
	v15 =	vld.idx.msk [tilespmem:v8+s16+$0x0], $0xffff  }
0x14e: {  	v40 =	vor.u32 v3, v14;
	v22 =	vor.u32 v3, v22;
	v14 =	vld.idx.msk [tilespmem:v26+s16+$0x0], $0xffff;
	[tilespmem:s29+$0xFFFFFE80] =	vst v17  }
0x14f: {  	v9 =	vor.u32 v3, v11;
	v17 =	vor.u32 v3, v10;
	[tilespmem:s29+$0xFFFFFE20] =	vst v18;
	v10 =	vld.idx.msk [tilespmem:v30+s16+$0x0], $0xffff  }
0x150: {  	v8 =	vor.u32 v3, v13;
	v11 =	vld.idx.msk [tilespmem:v28+s16+$0x0], $0xffff;
	[tilespmem:s29+$0xFFFFFE30] =	vst v20  }
0x151: {  	v18 =	vor.u32 v2, v16;
	v13 =	vld.idx.msk [tilespmem:v19+s16+$0x0], $0xffff;
	[tilespmem:s29+$0xFFFFFE40] =	vst v34  }
0x152: {  	v19 =	vld.idx.msk [tilespmem:v21+s16+$0x0], $0xffff;
	[tilespmem:s29+$0xFFFFFE50] =	vst v36  }
0x153: {  	v20 =	vld.idx.msk [tilespmem:v23+s16+$0x0], $0xffff;
	[tilespmem:s29+$0xFFFFFE60] =	vst v15  }
0x154: {  	v15 =	vld.idx.msk [tilespmem:v24+s16+$0x0], $0xffff;
	[tilespmem:s29+$0xFFFFFE70] =	vst v14  }
0x155: {  	v14 =	vld.idx.msk [tilespmem:v25+s16+$0x0], $0xffff;
	[tilespmem:s29+$0xFFFFFF00] =	vst v10  }
0x156: {  	[tilespmem:s29+$0xFFFFFE10] =	vst v11;
	v10 =	vld.idx.msk [tilespmem:v18+s16+$0x0], $0xffff  }
0x157: {  	v11 =	vld.idx.msk [tilespmem:v29+s16+$0x0], $0xffff;
	[tilespmem:s29+$0xFFFFFEA0] =	vst v13  }
0x158: {  	v16 =	vor.u32 v3, v16;
	[tilespmem:s29+$0xFFFFFEB0] =	vst v19;
	v13 =	vld.idx.msk [tilespmem:v27+s16+$0x0], $0xffff  }
0x159: {  	v18 =	vld.idx.msk [tilespmem:v32+s16+$0x0], $0xffff;
	[tilespmem:s29+$0xFFFFFEC0] =	vst v20  }
0x15a: {  	v19 =	vld.idx.msk [tilespmem:v33+s16+$0x0], $0xffff;
	[tilespmem:s29+$0xFFFFFED0] =	vst v15  }
0x15b: {  	v15 =	vld.idx.msk [tilespmem:v35+s16+$0x0], $0xffff;
	[tilespmem:s29+$0xFFFFFEE0] =	vst v14  }
0x15c: {  	v20 =	vld.idx.msk [tilespmem:v37+s16+$0x0], $0xffff;
	[tilespmem:s29+$0xFFFFFF80] =	vst v10  }
0x15d: {  	[tilespmem:s29+$0xFFFFFE90] =	vst v11;
	v16 =	vld.idx.msk [tilespmem:v16+s16+$0x0], $0xffff  }
0x15e: {  	v21 =	vld.idx.msk [tilespmem:v31+s16+$0x0], $0xffff;
	[tilespmem:s29+$0xFFFFFEF0] =	vst v13  }
0x15f: {  	[tilespmem:s29+$0xFFFFFF20] =	vst v18;
	v13 =	vld.idx.msk [tilespmem:v38+s16+$0x0], $0xffff  }
.Ltmp4:
0x160: {  	[tilespmem:s29+$0xFFFFFF30] =	vst v19;
	v14 =	vld.idx.msk [tilespmem:v39+s16+$0x0], $0xffff;
	(pc) =	sbr.rel @p0 .LBB2_7-.Ltmp4, $4  }
0x161: {  	v10 =	vld.idx.msk [tilespmem:v12+s16+$0x0], $0xffff;
	[tilespmem:s29+$0xFFFFFF40] =	vst v15  }
0x162: {  	v11 =	vld.idx.msk [tilespmem:v40+s16+$0x0], $0xffff;
	[tilespmem:s29+$0xFFFFFF50] =	vst v20  }
0x163: {  	v12 =	vld.idx.msk [tilespmem:v22+s16+$0x0], $0xffff;
	[tilespmem:s29+$0x0] =	vst v16  }
0x164: {  	s1 =	sadd.s32 $0x80, s1;
	[tilespmem:s29+$0xFFFFFF10] =	vst v21;
	v15 =	vld.idx.msk [tilespmem:v17+s16+$0x0], $0xffff  }
0x165: {  	[tilespmem:s29+$0xFFFFFF60] =	vst v13  }
0x166: {  	[tilespmem:s29+$0xFFFFFF70] =	vst v14  }
0x167: {  	[tilespmem:s26+$0xFFFFFF90] =	vst v6  }
0x168: {  	[tilespmem:s26+$0xFFFFFFE0] =	vst v4  }
0x169: {  	v6 =	vld.idx.msk [tilespmem:v7+s16+$0x0], $0xffff;
	[tilespmem:s26+$0xFFFFFFF0] =	vst v5  }
0x16a: {  	[tilespmem:s29+$0xFFFFFFA0] =	vst v10;
	v7 =	vld.idx.msk [tilespmem:v9+s16+$0x0], $0xffff  }
0x16b: {  	v8 =	vld.idx.msk [tilespmem:v8+s16+$0x0], $0xffff;
	[tilespmem:s29+$0xFFFFFFB0] =	vst v11  }
0x16c: {  	[tilespmem:s29+$0xFFFFFFC0] =	vst v12  }
0x16d: {  	[tilespmem:s29+$0xFFFFFFD0] =	vst v15  }
0x16e: {  	[tilespmem:s29+$0xFFFFFF90] =	vst v6  }
0x16f: {  	[tilespmem:s29+$0xFFFFFFE0] =	vst v7  }
0x170: {  	[tilespmem:s29+$0xFFFFFFF0] =	vst v8  }
0x171: {  	v4 =	vld [tilespmem:s30+$0x0]  }
0x172: {  	v5 =	vld [tilespmem:s30+$0xFFFFFFA0]  }
0x173: {  	v6 =	vld [tilespmem:s30+$0xFFFFFFB0]  }
0x174: {  	v7 =	vld [tilespmem:s30+$0xFFFFFFC0]  }
0x175: {  	v8 =	vld [tilespmem:s30+$0xFFFFFFD0]  }
0x176: {  	v9 =	vld [tilespmem:s30+$0xFFFFFFE0];
	v4 =	vshll.u32 v4, $0x6  }
0x177: {  	v10 =	vld [tilespmem:s30+$0xFFFFFFF0];
	v5 =	vshll.u32 v5, $0x6;
	v11 =	vor.u32 v0, v4  }
0x178: {  	s0 =	simm.s32 $0x2AF0;
	v13 =	vld [tilespmem:s30+$0xFFFFFF90];
	v6 =	vshll.u32 v6, $0x6;
	v12 =	vor.u32 v0, v5  }
0x179: {  	v46 =	vld [tilespmem:s0+$0xFFFFFFC0];
	v7 =	vshll.u32 v7, $0x6;
	v14 =	vor.u32 v0, v6  }
0x17a: {  	v47 =	vld [tilespmem:s0+$0xFFFFFFD0];
	v8 =	vshll.u32 v8, $0x6;
	v15 =	vor.u32 v0, v7  }
0x17b: {  	v51 =	vld [tilespmem:s0+$0xFFFFFFF0];
	v9 =	vshll.u32 v9, $0x6;
	v16 =	vor.u32 v0, v8  }
0x17c: {  	v10 =	vshll.u32 v10, $0x6;
	v17 =	vor.u32 v0, v9;
	v11 =	vld.idx.msk [tilespmem:v11+s16+$0x0], $0xffff  }
0x17d: {  	v13 =	vshll.u32 v13, $0x6;
	v18 =	vor.u32 v0, v10;
	v12 =	vld.idx.msk [tilespmem:v12+s16+$0x0], $0xffff  }
0x17e: {  	v20 =	vor.u32 v0, v13;
	v14 =	vld.idx.msk [tilespmem:v14+s16+$0x0], $0xffff  }
0x17f: {  	v19 =	vor.u32 v1, v4;
	v15 =	vld.idx.msk [tilespmem:v15+s16+$0x0], $0xffff  }
0x180: {  	v21 =	vor.u32 v1, v5;
	v16 =	vld.idx.msk [tilespmem:v16+s16+$0x0], $0xffff  }
0x181: {  	v22 =	vor.u32 v1, v6;
	v17 =	vld.idx.msk [tilespmem:v17+s16+$0x0], $0xffff  }
0x182: {  	v23 =	vor.u32 v1, v7;
	v18 =	vld.idx.msk [tilespmem:v18+s16+$0x0], $0xffff;
	[tilespmem:s28+$0xFFFFFE80] =	vst v11  }
0x183: {  	v24 =	vor.u32 v1, v9;
	[tilespmem:s28+$0xFFFFFE20] =	vst v12;
	v12 =	vld.idx.msk [tilespmem:v20+s16+$0x0], $0xffff  }
0x184: {  	v11 =	vor.u32 v1, v8;
	[tilespmem:s28+$0xFFFFFE30] =	vst v14;
	v19 =	vld.idx.msk [tilespmem:v19+s16+$0x0], $0xffff  }
0x185: {  	v38 =	vor.u32 v1, v10;
	[tilespmem:s28+$0xFFFFFE40] =	vst v15;
	v14 =	vld.idx.msk [tilespmem:v21+s16+$0x0], $0xffff  }
0x186: {  	v36 =	vor.u32 v2, v4;
	[tilespmem:s28+$0xFFFFFE50] =	vst v16;
	v15 =	vld.idx.msk [tilespmem:v22+s16+$0x0], $0xffff  }
0x187: {  	v39 =	vor.u32 v2, v5;
	[tilespmem:s28+$0xFFFFFE60] =	vst v17;
	v16 =	vld.idx.msk [tilespmem:v23+s16+$0x0], $0xffff  }
0x188: {  	v17 =	vor.u32 v2, v6;
	[tilespmem:s28+$0xFFFFFE70] =	vst v18;
	v24 =	vld.idx.msk [tilespmem:v24+s16+$0x0], $0xffff  }
0x189: {  	v37 =	vor.u32 v1, v13;
	v11 =	vld.idx.msk [tilespmem:v11+s16+$0x0], $0xffff;
	[tilespmem:s28+$0xFFFFFF00] =	vst v19  }
0x18a: {  	v40 =	vor.u32 v2, v7;
	[tilespmem:s28+$0xFFFFFEA0] =	vst v14;
	v14 =	vld.idx.msk [tilespmem:v38+s16+$0x0], $0xffff  }
0x18b: {  	v41 =	vor.u32 v2, v8;
	[tilespmem:s28+$0xFFFFFE10] =	vst v12;
	v12 =	vld.idx.msk [tilespmem:v36+s16+$0x0], $0xffff  }
0x18c: {  	v44 =	vor.u32 v2, v9;
	[tilespmem:s28+$0xFFFFFEB0] =	vst v15;
	v15 =	vld.idx.msk [tilespmem:v39+s16+$0x0], $0xffff  }
0x18d: {  	[tilespmem:s28+$0xFFFFFEC0] =	vst v16;
	v16 =	vld.idx.msk [tilespmem:v17+s16+$0x0], $0xffff;
	v17 =	vor.u32 v2, v10  }
0x18e: {  	v4 =	vor.u32 v3, v4;
	v42 =	vld.idx.msk [tilespmem:v37+s16+$0x0], $0xffff;
	[tilespmem:s28+$0xFFFFFEE0] =	vst v24  }
0x18f: {  	v43 =	vor.u32 v2, v13;
	[tilespmem:s28+$0xFFFFFED0] =	vst v11;
	v11 =	vld.idx.msk [tilespmem:v40+s16+$0x0], $0xffff  }
0x190: {  	v5 =	vor.u32 v3, v5;
	v45 =	vld.idx.msk [tilespmem:v41+s16+$0x0], $0xffff;
	[tilespmem:s28+$0xFFFFFEF0] =	vst v14  }
0x191: {  	v14 =	vld.idx.msk [tilespmem:v44+s16+$0x0], $0xffff;
	[tilespmem:s28+$0xFFFFFF80] =	vst v12  }
0x192: {  	v6 =	vor.u32 v3, v6;
	[tilespmem:s28+$0xFFFFFF20] =	vst v15;
	v15 =	vld.idx.msk [tilespmem:v17+s16+$0x0], $0xffff  }
0x193: {  	[tilespmem:s28+$0xFFFFFE90] =	vst v42;
	v12 =	vld.idx.msk [tilespmem:v4+s16+$0x0], $0xffff  }
0x194: {  	v4 =	vor.u32 v3, v7;
	v7 =	vld.idx.msk [tilespmem:v43+s16+$0x0], $0xffff  }
0x195: {  	[tilespmem:s28+$0xFFFFFF30] =	vst v16;
	v16 =	vld.idx.msk [tilespmem:v5+s16+$0x0], $0xffff  }
0x196: {  	v54 =	vshll.u32 v51, $0x6;
	v5 =	vld [tilespmem:s0+$0xFFFFFFA0]  }
0x197: {  	v56 =	vor.u32 v0, v54;
	[tilespmem:s28+$0xFFFFFF40] =	vst v11;
	v11 =	vld.idx.msk [tilespmem:v6+s16+$0x0], $0xffff  }
0x198: {  	v6 =	vld [tilespmem:s0+$0xFFFFFFB0]  }
0x199: {  	v8 =	vor.u32 v3, v8;
	v17 =	vld.idx.msk [tilespmem:v4+s16+$0x0], $0xffff  }
0x19a: {  	v9 =	vor.u32 v3, v9;
	v4 =	vld [tilespmem:s0+$0x0]  }
0x19b: {  	v48 =	vld [tilespmem:s0+$0xFFFFFFE0];
	v10 =	vor.u32 v3, v10;
	[tilespmem:s28+$0xFFFFFF50] =	vst v45  }
0x19c: {  	v13 =	vor.u32 v3, v13;
	v24 =	vld.idx.msk [tilespmem:v56+s16+$0x0], $0xffff;
	[tilespmem:s28+$0xFFFFFF60] =	vst v14;
	v50 =	vshll.u32 v5, $0x6  }
0x19d: {  	[tilespmem:s28+$0xFFFFFF10] =	vst v7;
	v7 =	vld [tilespmem:s0+$0xFFFFFF90];
	v25 =	vor.u32 v0, v50;
	v26 =	vshll.u32 v6, $0x6  }
0x19e: {  	v8 =	vld.idx.msk [tilespmem:v8+s16+$0x0], $0xffff;
	[tilespmem:s28+$0xFFFFFF70] =	vst v15;
	v15 =	vshll.u32 v47, $0x6;
	v14 =	vor.u32 v0, v26  }
0x19f: {  	v49 =	vshll.u32 v4, $0x6;
	v4 =	vld.idx.msk [tilespmem:v9+s16+$0x0], $0xffff;
	v9 =	vor.u32 v0, v15  }
0x1a0: {  	s26 =	simm.s32 $0x6DF0;
	v18 =	vshll.u32 v46, $0x6;
	v5 =	vld.idx.msk [tilespmem:v10+s16+$0x0], $0xffff;
	v52 =	vor.u32 v0, v49  }
0x1a1: {  	v53 =	vshll.u32 v48, $0x6;
	[tilespmem:s26+$0xFFFFFE70] =	vst v24;
	v6 =	vld.idx.msk [tilespmem:v13+s16+$0x0], $0xffff;
	v13 =	vor.u32 v0, v18  }
0x1a2: {  	v10 =	vor.u32 v0, v53;
	[tilespmem:s28+$0x0] =	vst v12;
	v7 =	vshll.u32 v7, $0x6;
	v12 =	vld.idx.msk [tilespmem:v25+s16+$0x0], $0xffff  }
0x1a3: {  	[tilespmem:s28+$0xFFFFFFB0] =	vst v11;
	v11 =	vor.u32 v0, v7;
	v14 =	vld.idx.msk [tilespmem:v14+s16+$0x0], $0xffff  }
0x1a4: {  	[tilespmem:s28+$0xFFFFFFC0] =	vst v17;
	v17 =	vor.u32 v1, v50;
	v9 =	vld.idx.msk [tilespmem:v9+s16+$0x0], $0xffff  }
0x1a5: {  	[tilespmem:s28+$0xFFFFFFD0] =	vst v8;
	v8 =	vor.u32 v1, v26;
	v55 =	vld.idx.msk [tilespmem:v52+s16+$0x0], $0xffff  }
0x1a6: {  	[tilespmem:s28+$0xFFFFFFA0] =	vst v16;
	v16 =	vor.u32 v1, v49;
	v13 =	vld.idx.msk [tilespmem:v13+s16+$0x0], $0xffff  }
0x1a7: {  	v57 =	vor.u32 v1, v18;
	v10 =	vld.idx.msk [tilespmem:v10+s16+$0x0], $0xffff;
	[tilespmem:s26+$0xFFFFFE20] =	vst v12  }
0x1a8: {  	v58 =	vor.u32 v1, v15;
	v11 =	vld.idx.msk [tilespmem:v11+s16+$0x0], $0xffff;
	[tilespmem:s26+$0xFFFFFE30] =	vst v14  }
0x1a9: {  	v14 =	vld.idx.msk [tilespmem:v17+s16+$0x0], $0xffff;
	v17 =	vor.u32 v1, v7;
	[tilespmem:s26+$0xFFFFFE50] =	vst v9  }
0x1aa: {  	v8 =	vld.idx.msk [tilespmem:v8+s16+$0x0], $0xffff;
	v9 =	vor.u32 v1, v54;
	[tilespmem:s26+$0xFFFFFE80] =	vst v55  }
0x1ab: {  	[tilespmem:s26+$0xFFFFFE40] =	vst v13;
	v12 =	vld.idx.msk [tilespmem:v16+s16+$0x0], $0xffff;
	v16 =	vor.u32 v1, v53  }
0x1ac: {  	[tilespmem:s26+$0xFFFFFE60] =	vst v10;
	v13 =	vor.u32 v2, v49;
	v25 =	vld.idx.msk [tilespmem:v57+s16+$0x0], $0xffff  }
0x1ad: {  	v10 =	vor.u32 v2, v50;
	v23 =	vld.idx.msk [tilespmem:v58+s16+$0x0], $0xffff;
	[tilespmem:s26+$0xFFFFFE10] =	vst v11  }
0x1ae: {  	v59 =	vor.u32 v2, v26;
	v17 =	vld.idx.msk [tilespmem:v17+s16+$0x0], $0xffff;
	[tilespmem:s26+$0xFFFFFEA0] =	vst v14  }
0x1af: {  	v14 =	vor.u32 v2, v7;
	[tilespmem:s26+$0xFFFFFEB0] =	vst v8;
	v8 =	vld.idx.msk [tilespmem:v9+s16+$0x0], $0xffff  }
0x1b0: {  	v61 =	vor.u32 v2, v54;
	v16 =	vld.idx.msk [tilespmem:v16+s16+$0x0], $0xffff;
	[tilespmem:s26+$0xFFFFFF00] =	vst v12  }
0x1b1: {  	[tilespmem:s26+$0xFFFFFEC0] =	vst v25;
	v12 =	vor.u32 v2, v18;
	v11 =	vld.idx.msk [tilespmem:v13+s16+$0x0], $0xffff  }
0x1b2: {  	v10 =	vld.idx.msk [tilespmem:v10+s16+$0x0], $0xffff;
	[tilespmem:s26+$0xFFFFFED0] =	vst v23;
	v13 =	vor.u32 v2, v15  }
0x1b3: {  	v9 =	vor.u32 v3, v49;
	v24 =	vld.idx.msk [tilespmem:v59+s16+$0x0], $0xffff;
	[tilespmem:s26+$0xFFFFFE90] =	vst v17  }
0x1b4: {  	v60 =	vor.u32 v2, v53;
	v63 =	vld.idx.msk [tilespmem:v14+s16+$0x0], $0xffff;
	[tilespmem:s26+$0xFFFFFEF0] =	vst v8  }
0x1b5: {  	v14 =	vld.idx.msk [tilespmem:v61+s16+$0x0], $0xffff;
	[tilespmem:s26+$0xFFFFFEE0] =	vst v16;
	v16 =	vor.u32 v3, v50  }
0x1b6: {  	v12 =	vld.idx.msk [tilespmem:v12+s16+$0x0], $0xffff;
	[tilespmem:s26+$0xFFFFFF80] =	vst v11;
	v11 =	vor.u32 v3, v26  }
0x1b7: {  	v17 =	vor.u32 v3, v18;
	v62 =	vld.idx.msk [tilespmem:v13+s16+$0x0], $0xffff  }
0x1b8: {  	v15 =	vor.u32 v3, v15;
	[tilespmem:s26+$0xFFFFFF20] =	vst v10;
	v9 =	vld.idx.msk [tilespmem:v9+s16+$0x0], $0xffff  }
0x1b9: {  	[tilespmem:s26+$0xFFFFFF30] =	vst v24;
	v13 =	vld.idx.msk [tilespmem:v60+s16+$0x0], $0xffff  }
0x1ba: {  	[tilespmem:s26+$0xFFFFFF10] =	vst v63;
	v10 =	vld.idx.msk [tilespmem:v16+s16+$0x0], $0xffff  }
0x1bb: {  	[tilespmem:s26+$0xFFFFFF40] =	vst v12;
	v11 =	vld.idx.msk [tilespmem:v11+s16+$0x0], $0xffff  }
0x1bc: {  	s31 =	simm.s32 $0x8;
	v7 =	vor.u32 v3, v7;
	[tilespmem:s26+$0xFFFFFF50] =	vst v62;
	v12 =	vld.idx.msk [tilespmem:v17+s16+$0x0], $0xffff  }
0x1bd: {  	s1 =	simm.s32 $0x2B70;
	s29 =	simm.s32 $0x7BF0;
	s30 =	simm.s32 $0x2E70;
	v8 =	vor.u32 v3, v54;
	[tilespmem:s26+$0x0] =	vst v9;
	v9 =	vor.u32 v3, v53;
	v15 =	vld.idx.msk [tilespmem:v15+s16+$0x0], $0xffff  }
.LBB2_9:
0x1be: {  	v16 =	vld [tilespmem:s1+$0x0];
	s31 =	sadd.s32 $0x8, s31;
	[tilespmem:s26+$0xFFFFFF60] =	vst v13  }
0x1bf: {  	v13 =	vld [tilespmem:s1+$0xFFFFFFA0];
	p0 =	slt.u32 s31, $0x38;
	[tilespmem:s26+$0xFFFFFF70] =	vst v14  }
0x1c0: {  	v14 =	vld [tilespmem:s1+$0xFFFFFFB0];
	[tilespmem:s28+$0xFFFFFF90] =	vst v6  }
0x1c1: {  	v6 =	vld [tilespmem:s1+$0xFFFFFFC0];
	[tilespmem:s26+$0xFFFFFFA0] =	vst v10  }
0x1c2: {  	v10 =	vld [tilespmem:s1+$0xFFFFFFD0];
	[tilespmem:s26+$0xFFFFFFB0] =	vst v11  }
0x1c3: {  	v11 =	vld [tilespmem:s1+$0xFFFFFFE0];
	v16 =	vshll.u32 v16, $0x6;
	[tilespmem:s26+$0xFFFFFFC0] =	vst v12  }
0x1c4: {  	v12 =	vshll.u32 v13, $0x6;
	v13 =	vld [tilespmem:s1+$0xFFFFFFF0];
	v17 =	vor.u32 v0, v16;
	[tilespmem:s26+$0xFFFFFFD0] =	vst v15  }
0x1c5: {  	v15 =	vld [tilespmem:s1+$0xFFFFFF90];
	v18 =	vor.u32 v0, v12;
	v19 =	vor.u32 v1, v12;
	v14 =	vshll.u32 v14, $0x6;
	[tilespmem:s28+$0xFFFFFFE0] =	vst v4  }
0x1c6: {  	v20 =	vor.u32 v0, v14;
	v21 =	vor.u32 v1, v14;
	v22 =	vshll.u32 v6, $0x6;
	v6 =	vld.idx.msk [tilespmem:v7+s16+$0x0], $0xffff;
	[tilespmem:s28+$0xFFFFFFF0] =	vst v5;
	s28 =	smov.u32 s26  }
0x1c7: {  	v7 =	vor.u32 v0, v22;
	v23 =	vor.u32 v1, v22;
	v10 =	vshll.u32 v10, $0x6;
	v4 =	vld.idx.msk [tilespmem:v9+s16+$0x0], $0xffff  }
0x1c8: {  	v9 =	vor.u32 v0, v10;
	v24 =	vor.u32 v1, v10;
	v11 =	vshll.u32 v11, $0x6;
	v5 =	vld.idx.msk [tilespmem:v8+s16+$0x0], $0xffff  }
0x1c9: {  	v8 =	vor.u32 v0, v11;
	v25 =	vor.u32 v1, v11;
	v13 =	vshll.u32 v13, $0x6;
	v17 =	vld.idx.msk [tilespmem:v17+s16+$0x0], $0xffff  }
0x1ca: {  	v15 =	vshll.u32 v15, $0x6;
	v18 =	vld.idx.msk [tilespmem:v18+s16+$0x0], $0xffff;
	v26 =	vor.u32 v0, v13;
	v27 =	vor.u32 v1, v13  }
0x1cb: {  	v30 =	vor.u32 v1, v16;
	v28 =	vor.u32 v0, v15;
	v29 =	vor.u32 v1, v15;
	v20 =	vld.idx.msk [tilespmem:v20+s16+$0x0], $0xffff  }
0x1cc: {  	v32 =	vor.u32 v2, v12;
	v33 =	vor.u32 v2, v14;
	v31 =	vor.u32 v2, v15;
	v34 =	vld.idx.msk [tilespmem:v7+s16+$0x0], $0xffff  }
0x1cd: {  	v35 =	vor.u32 v2, v22;
	v37 =	vor.u32 v2, v10;
	v38 =	vor.u32 v2, v11;
	v36 =	vld.idx.msk [tilespmem:v9+s16+$0x0], $0xffff  }
0x1ce: {  	v12 =	vor.u32 v3, v12;
	s26 =	sadd.s32 $0x200, s26;
	v39 =	vor.u32 v2, v13;
	v7 =	vor.u32 v3, v15;
	v15 =	vld.idx.msk [tilespmem:v8+s16+$0x0], $0xffff  }
0x1cf: {  	v40 =	vor.u32 v3, v14;
	v22 =	vor.u32 v3, v22;
	v14 =	vld.idx.msk [tilespmem:v26+s16+$0x0], $0xffff;
	[tilespmem:s26+$0xFFFFFE80] =	vst v17  }
0x1d0: {  	v9 =	vor.u32 v3, v11;
	v17 =	vor.u32 v3, v10;
	[tilespmem:s26+$0xFFFFFE20] =	vst v18;
	v10 =	vld.idx.msk [tilespmem:v30+s16+$0x0], $0xffff  }
0x1d1: {  	v8 =	vor.u32 v3, v13;
	v11 =	vld.idx.msk [tilespmem:v28+s16+$0x0], $0xffff;
	[tilespmem:s26+$0xFFFFFE30] =	vst v20  }
0x1d2: {  	v18 =	vor.u32 v2, v16;
	v13 =	vld.idx.msk [tilespmem:v19+s16+$0x0], $0xffff;
	[tilespmem:s26+$0xFFFFFE40] =	vst v34  }
0x1d3: {  	v19 =	vld.idx.msk [tilespmem:v21+s16+$0x0], $0xffff;
	[tilespmem:s26+$0xFFFFFE50] =	vst v36  }
0x1d4: {  	v20 =	vld.idx.msk [tilespmem:v23+s16+$0x0], $0xffff;
	[tilespmem:s26+$0xFFFFFE60] =	vst v15  }
0x1d5: {  	v15 =	vld.idx.msk [tilespmem:v24+s16+$0x0], $0xffff;
	[tilespmem:s26+$0xFFFFFE70] =	vst v14  }
0x1d6: {  	v14 =	vld.idx.msk [tilespmem:v25+s16+$0x0], $0xffff;
	[tilespmem:s26+$0xFFFFFF00] =	vst v10  }
0x1d7: {  	[tilespmem:s26+$0xFFFFFE10] =	vst v11;
	v10 =	vld.idx.msk [tilespmem:v18+s16+$0x0], $0xffff  }
0x1d8: {  	v11 =	vld.idx.msk [tilespmem:v29+s16+$0x0], $0xffff;
	[tilespmem:s26+$0xFFFFFEA0] =	vst v13  }
0x1d9: {  	v16 =	vor.u32 v3, v16;
	[tilespmem:s26+$0xFFFFFEB0] =	vst v19;
	v13 =	vld.idx.msk [tilespmem:v27+s16+$0x0], $0xffff  }
0x1da: {  	v18 =	vld.idx.msk [tilespmem:v32+s16+$0x0], $0xffff;
	[tilespmem:s26+$0xFFFFFEC0] =	vst v20  }
0x1db: {  	v19 =	vld.idx.msk [tilespmem:v33+s16+$0x0], $0xffff;
	[tilespmem:s26+$0xFFFFFED0] =	vst v15  }
0x1dc: {  	v15 =	vld.idx.msk [tilespmem:v35+s16+$0x0], $0xffff;
	[tilespmem:s26+$0xFFFFFEE0] =	vst v14  }
0x1dd: {  	v20 =	vld.idx.msk [tilespmem:v37+s16+$0x0], $0xffff;
	[tilespmem:s26+$0xFFFFFF80] =	vst v10  }
0x1de: {  	[tilespmem:s26+$0xFFFFFE90] =	vst v11;
	v16 =	vld.idx.msk [tilespmem:v16+s16+$0x0], $0xffff  }
0x1df: {  	v21 =	vld.idx.msk [tilespmem:v31+s16+$0x0], $0xffff;
	[tilespmem:s26+$0xFFFFFEF0] =	vst v13  }
0x1e0: {  	[tilespmem:s26+$0xFFFFFF20] =	vst v18;
	v13 =	vld.idx.msk [tilespmem:v38+s16+$0x0], $0xffff  }
.Ltmp5:
0x1e1: {  	[tilespmem:s26+$0xFFFFFF30] =	vst v19;
	v14 =	vld.idx.msk [tilespmem:v39+s16+$0x0], $0xffff;
	(pc) =	sbr.rel @p0 .LBB2_9-.Ltmp5, $4  }
0x1e2: {  	v10 =	vld.idx.msk [tilespmem:v12+s16+$0x0], $0xffff;
	[tilespmem:s26+$0xFFFFFF40] =	vst v15  }
0x1e3: {  	v11 =	vld.idx.msk [tilespmem:v40+s16+$0x0], $0xffff;
	[tilespmem:s26+$0xFFFFFF50] =	vst v20  }
0x1e4: {  	v12 =	vld.idx.msk [tilespmem:v22+s16+$0x0], $0xffff;
	[tilespmem:s26+$0x0] =	vst v16  }
0x1e5: {  	s1 =	sadd.s32 $0x80, s1;
	[tilespmem:s26+$0xFFFFFF10] =	vst v21;
	v15 =	vld.idx.msk [tilespmem:v17+s16+$0x0], $0xffff  }
0x1e6: {  	[tilespmem:s26+$0xFFFFFF60] =	vst v13  }
0x1e7: {  	[tilespmem:s26+$0xFFFFFF70] =	vst v14  }
0x1e8: {  	[tilespmem:s28+$0xFFFFFF90] =	vst v6  }
0x1e9: {  	[tilespmem:s28+$0xFFFFFFE0] =	vst v4  }
0x1ea: {  	v6 =	vld.idx.msk [tilespmem:v7+s16+$0x0], $0xffff;
	[tilespmem:s28+$0xFFFFFFF0] =	vst v5  }
0x1eb: {  	[tilespmem:s26+$0xFFFFFFA0] =	vst v10;
	v7 =	vld.idx.msk [tilespmem:v9+s16+$0x0], $0xffff  }
0x1ec: {  	v8 =	vld.idx.msk [tilespmem:v8+s16+$0x0], $0xffff;
	[tilespmem:s26+$0xFFFFFFB0] =	vst v11  }
0x1ed: {  	[tilespmem:s26+$0xFFFFFFC0] =	vst v12  }
0x1ee: {  	[tilespmem:s26+$0xFFFFFFD0] =	vst v15  }
0x1ef: {  	[tilespmem:s26+$0xFFFFFF90] =	vst v6  }
0x1f0: {  	[tilespmem:s26+$0xFFFFFFE0] =	vst v7  }
0x1f1: {  	[tilespmem:s26+$0xFFFFFFF0] =	vst v8  }
0x1f2: {  	v4 =	vld [tilespmem:s30+$0x0]  }
0x1f3: {  	v5 =	vld [tilespmem:s30+$0xFFFFFFA0]  }
0x1f4: {  	v6 =	vld [tilespmem:s30+$0xFFFFFFB0]  }
0x1f5: {  	v7 =	vld [tilespmem:s30+$0xFFFFFFC0]  }
0x1f6: {  	v8 =	vld [tilespmem:s30+$0xFFFFFFD0]  }
0x1f7: {  	v9 =	vld [tilespmem:s30+$0xFFFFFFE0];
	v4 =	vshll.u32 v4, $0x6  }
0x1f8: {  	v10 =	vld [tilespmem:s30+$0xFFFFFFF0];
	v5 =	vshll.u32 v5, $0x6;
	v11 =	vor.u32 v0, v4  }
0x1f9: {  	s0 =	simm.s32 $0x2EF0;
	v13 =	vld [tilespmem:s30+$0xFFFFFF90];
	v6 =	vshll.u32 v6, $0x6;
	v12 =	vor.u32 v0, v5  }
0x1fa: {  	v46 =	vld [tilespmem:s0+$0xFFFFFFC0];
	v7 =	vshll.u32 v7, $0x6;
	v14 =	vor.u32 v0, v6  }
0x1fb: {  	v47 =	vld [tilespmem:s0+$0xFFFFFFD0];
	v8 =	vshll.u32 v8, $0x6;
	v15 =	vor.u32 v0, v7  }
0x1fc: {  	v51 =	vld [tilespmem:s0+$0xFFFFFFF0];
	v9 =	vshll.u32 v9, $0x6;
	v16 =	vor.u32 v0, v8  }
0x1fd: {  	v10 =	vshll.u32 v10, $0x6;
	v17 =	vor.u32 v0, v9;
	v11 =	vld.idx.msk [tilespmem:v11+s16+$0x0], $0xffff  }
0x1fe: {  	v13 =	vshll.u32 v13, $0x6;
	v18 =	vor.u32 v0, v10;
	v12 =	vld.idx.msk [tilespmem:v12+s16+$0x0], $0xffff  }
0x1ff: {  	v20 =	vor.u32 v0, v13;
	v14 =	vld.idx.msk [tilespmem:v14+s16+$0x0], $0xffff  }
0x200: {  	v19 =	vor.u32 v1, v4;
	v15 =	vld.idx.msk [tilespmem:v15+s16+$0x0], $0xffff  }
0x201: {  	v21 =	vor.u32 v1, v5;
	v16 =	vld.idx.msk [tilespmem:v16+s16+$0x0], $0xffff  }
0x202: {  	v22 =	vor.u32 v1, v6;
	v17 =	vld.idx.msk [tilespmem:v17+s16+$0x0], $0xffff  }
0x203: {  	v23 =	vor.u32 v1, v7;
	v18 =	vld.idx.msk [tilespmem:v18+s16+$0x0], $0xffff;
	[tilespmem:s29+$0xFFFFFE80] =	vst v11  }
0x204: {  	v24 =	vor.u32 v1, v9;
	[tilespmem:s29+$0xFFFFFE20] =	vst v12;
	v12 =	vld.idx.msk [tilespmem:v20+s16+$0x0], $0xffff  }
0x205: {  	v11 =	vor.u32 v1, v8;
	[tilespmem:s29+$0xFFFFFE30] =	vst v14;
	v19 =	vld.idx.msk [tilespmem:v19+s16+$0x0], $0xffff  }
0x206: {  	v38 =	vor.u32 v1, v10;
	[tilespmem:s29+$0xFFFFFE40] =	vst v15;
	v14 =	vld.idx.msk [tilespmem:v21+s16+$0x0], $0xffff  }
0x207: {  	v36 =	vor.u32 v2, v4;
	[tilespmem:s29+$0xFFFFFE50] =	vst v16;
	v15 =	vld.idx.msk [tilespmem:v22+s16+$0x0], $0xffff  }
0x208: {  	v39 =	vor.u32 v2, v5;
	[tilespmem:s29+$0xFFFFFE60] =	vst v17;
	v16 =	vld.idx.msk [tilespmem:v23+s16+$0x0], $0xffff  }
0x209: {  	v17 =	vor.u32 v2, v6;
	[tilespmem:s29+$0xFFFFFE70] =	vst v18;
	v24 =	vld.idx.msk [tilespmem:v24+s16+$0x0], $0xffff  }
0x20a: {  	v37 =	vor.u32 v1, v13;
	v11 =	vld.idx.msk [tilespmem:v11+s16+$0x0], $0xffff;
	[tilespmem:s29+$0xFFFFFF00] =	vst v19  }
0x20b: {  	v40 =	vor.u32 v2, v7;
	[tilespmem:s29+$0xFFFFFEA0] =	vst v14;
	v14 =	vld.idx.msk [tilespmem:v38+s16+$0x0], $0xffff  }
0x20c: {  	v41 =	vor.u32 v2, v8;
	[tilespmem:s29+$0xFFFFFE10] =	vst v12;
	v12 =	vld.idx.msk [tilespmem:v36+s16+$0x0], $0xffff  }
0x20d: {  	v44 =	vor.u32 v2, v9;
	[tilespmem:s29+$0xFFFFFEB0] =	vst v15;
	v15 =	vld.idx.msk [tilespmem:v39+s16+$0x0], $0xffff  }
0x20e: {  	[tilespmem:s29+$0xFFFFFEC0] =	vst v16;
	v16 =	vld.idx.msk [tilespmem:v17+s16+$0x0], $0xffff;
	v17 =	vor.u32 v2, v10  }
0x20f: {  	v4 =	vor.u32 v3, v4;
	v42 =	vld.idx.msk [tilespmem:v37+s16+$0x0], $0xffff;
	[tilespmem:s29+$0xFFFFFEE0] =	vst v24  }
0x210: {  	v43 =	vor.u32 v2, v13;
	[tilespmem:s29+$0xFFFFFED0] =	vst v11;
	v11 =	vld.idx.msk [tilespmem:v40+s16+$0x0], $0xffff  }
0x211: {  	v5 =	vor.u32 v3, v5;
	v45 =	vld.idx.msk [tilespmem:v41+s16+$0x0], $0xffff;
	[tilespmem:s29+$0xFFFFFEF0] =	vst v14  }
0x212: {  	v14 =	vld.idx.msk [tilespmem:v44+s16+$0x0], $0xffff;
	[tilespmem:s29+$0xFFFFFF80] =	vst v12  }
0x213: {  	v6 =	vor.u32 v3, v6;
	[tilespmem:s29+$0xFFFFFF20] =	vst v15;
	v15 =	vld.idx.msk [tilespmem:v17+s16+$0x0], $0xffff  }
0x214: {  	[tilespmem:s29+$0xFFFFFE90] =	vst v42;
	v12 =	vld.idx.msk [tilespmem:v4+s16+$0x0], $0xffff  }
0x215: {  	v4 =	vor.u32 v3, v7;
	v7 =	vld.idx.msk [tilespmem:v43+s16+$0x0], $0xffff  }
0x216: {  	[tilespmem:s29+$0xFFFFFF30] =	vst v16;
	v16 =	vld.idx.msk [tilespmem:v5+s16+$0x0], $0xffff  }
0x217: {  	v54 =	vshll.u32 v51, $0x6;
	v5 =	vld [tilespmem:s0+$0xFFFFFFA0]  }
0x218: {  	v56 =	vor.u32 v0, v54;
	[tilespmem:s29+$0xFFFFFF40] =	vst v11;
	v11 =	vld.idx.msk [tilespmem:v6+s16+$0x0], $0xffff  }
0x219: {  	v6 =	vld [tilespmem:s0+$0xFFFFFFB0]  }
0x21a: {  	v8 =	vor.u32 v3, v8;
	v17 =	vld.idx.msk [tilespmem:v4+s16+$0x0], $0xffff  }
0x21b: {  	v9 =	vor.u32 v3, v9;
	v4 =	vld [tilespmem:s0+$0x0]  }
0x21c: {  	v48 =	vld [tilespmem:s0+$0xFFFFFFE0];
	v10 =	vor.u32 v3, v10;
	[tilespmem:s29+$0xFFFFFF50] =	vst v45  }
0x21d: {  	v13 =	vor.u32 v3, v13;
	v24 =	vld.idx.msk [tilespmem:v56+s16+$0x0], $0xffff;
	[tilespmem:s29+$0xFFFFFF60] =	vst v14;
	v50 =	vshll.u32 v5, $0x6  }
0x21e: {  	[tilespmem:s29+$0xFFFFFF10] =	vst v7;
	v7 =	vld [tilespmem:s0+$0xFFFFFF90];
	v25 =	vor.u32 v0, v50;
	v26 =	vshll.u32 v6, $0x6  }
0x21f: {  	v8 =	vld.idx.msk [tilespmem:v8+s16+$0x0], $0xffff;
	[tilespmem:s29+$0xFFFFFF70] =	vst v15;
	v15 =	vshll.u32 v47, $0x6;
	v14 =	vor.u32 v0, v26  }
0x220: {  	v49 =	vshll.u32 v4, $0x6;
	v4 =	vld.idx.msk [tilespmem:v9+s16+$0x0], $0xffff;
	v9 =	vor.u32 v0, v15  }
0x221: {  	s28 =	simm.s32 $0x7DF0;
	v18 =	vshll.u32 v46, $0x6;
	v5 =	vld.idx.msk [tilespmem:v10+s16+$0x0], $0xffff;
	v52 =	vor.u32 v0, v49  }
0x222: {  	v53 =	vshll.u32 v48, $0x6;
	[tilespmem:s28+$0xFFFFFE70] =	vst v24;
	v6 =	vld.idx.msk [tilespmem:v13+s16+$0x0], $0xffff;
	v13 =	vor.u32 v0, v18  }
0x223: {  	v10 =	vor.u32 v0, v53;
	[tilespmem:s29+$0x0] =	vst v12;
	v7 =	vshll.u32 v7, $0x6;
	v12 =	vld.idx.msk [tilespmem:v25+s16+$0x0], $0xffff  }
0x224: {  	[tilespmem:s29+$0xFFFFFFB0] =	vst v11;
	v11 =	vor.u32 v0, v7;
	v14 =	vld.idx.msk [tilespmem:v14+s16+$0x0], $0xffff  }
0x225: {  	[tilespmem:s29+$0xFFFFFFC0] =	vst v17;
	v17 =	vor.u32 v1, v50;
	v9 =	vld.idx.msk [tilespmem:v9+s16+$0x0], $0xffff  }
0x226: {  	[tilespmem:s29+$0xFFFFFFD0] =	vst v8;
	v8 =	vor.u32 v1, v26;
	v55 =	vld.idx.msk [tilespmem:v52+s16+$0x0], $0xffff  }
0x227: {  	[tilespmem:s29+$0xFFFFFFA0] =	vst v16;
	v16 =	vor.u32 v1, v49;
	v13 =	vld.idx.msk [tilespmem:v13+s16+$0x0], $0xffff  }
0x228: {  	v57 =	vor.u32 v1, v18;
	v10 =	vld.idx.msk [tilespmem:v10+s16+$0x0], $0xffff;
	[tilespmem:s28+$0xFFFFFE20] =	vst v12  }
0x229: {  	v58 =	vor.u32 v1, v15;
	v11 =	vld.idx.msk [tilespmem:v11+s16+$0x0], $0xffff;
	[tilespmem:s28+$0xFFFFFE30] =	vst v14  }
0x22a: {  	v14 =	vld.idx.msk [tilespmem:v17+s16+$0x0], $0xffff;
	v17 =	vor.u32 v1, v7;
	[tilespmem:s28+$0xFFFFFE50] =	vst v9  }
0x22b: {  	v8 =	vld.idx.msk [tilespmem:v8+s16+$0x0], $0xffff;
	v9 =	vor.u32 v1, v54;
	[tilespmem:s28+$0xFFFFFE80] =	vst v55  }
0x22c: {  	[tilespmem:s28+$0xFFFFFE40] =	vst v13;
	v12 =	vld.idx.msk [tilespmem:v16+s16+$0x0], $0xffff;
	v16 =	vor.u32 v1, v53  }
0x22d: {  	[tilespmem:s28+$0xFFFFFE60] =	vst v10;
	v13 =	vor.u32 v2, v49;
	v25 =	vld.idx.msk [tilespmem:v57+s16+$0x0], $0xffff  }
0x22e: {  	v10 =	vor.u32 v2, v50;
	v23 =	vld.idx.msk [tilespmem:v58+s16+$0x0], $0xffff;
	[tilespmem:s28+$0xFFFFFE10] =	vst v11  }
0x22f: {  	v59 =	vor.u32 v2, v26;
	v17 =	vld.idx.msk [tilespmem:v17+s16+$0x0], $0xffff;
	[tilespmem:s28+$0xFFFFFEA0] =	vst v14  }
0x230: {  	v14 =	vor.u32 v2, v7;
	[tilespmem:s28+$0xFFFFFEB0] =	vst v8;
	v8 =	vld.idx.msk [tilespmem:v9+s16+$0x0], $0xffff  }
0x231: {  	v61 =	vor.u32 v2, v54;
	v16 =	vld.idx.msk [tilespmem:v16+s16+$0x0], $0xffff;
	[tilespmem:s28+$0xFFFFFF00] =	vst v12  }
0x232: {  	[tilespmem:s28+$0xFFFFFEC0] =	vst v25;
	v12 =	vor.u32 v2, v18;
	v11 =	vld.idx.msk [tilespmem:v13+s16+$0x0], $0xffff  }
0x233: {  	v10 =	vld.idx.msk [tilespmem:v10+s16+$0x0], $0xffff;
	[tilespmem:s28+$0xFFFFFED0] =	vst v23;
	v13 =	vor.u32 v2, v15  }
0x234: {  	v9 =	vor.u32 v3, v49;
	v24 =	vld.idx.msk [tilespmem:v59+s16+$0x0], $0xffff;
	[tilespmem:s28+$0xFFFFFE90] =	vst v17  }
0x235: {  	v60 =	vor.u32 v2, v53;
	v63 =	vld.idx.msk [tilespmem:v14+s16+$0x0], $0xffff;
	[tilespmem:s28+$0xFFFFFEF0] =	vst v8  }
0x236: {  	v14 =	vld.idx.msk [tilespmem:v61+s16+$0x0], $0xffff;
	[tilespmem:s28+$0xFFFFFEE0] =	vst v16;
	v16 =	vor.u32 v3, v50  }
0x237: {  	v12 =	vld.idx.msk [tilespmem:v12+s16+$0x0], $0xffff;
	[tilespmem:s28+$0xFFFFFF80] =	vst v11;
	v11 =	vor.u32 v3, v26  }
0x238: {  	v17 =	vor.u32 v3, v18;
	v62 =	vld.idx.msk [tilespmem:v13+s16+$0x0], $0xffff  }
0x239: {  	v15 =	vor.u32 v3, v15;
	[tilespmem:s28+$0xFFFFFF20] =	vst v10;
	v9 =	vld.idx.msk [tilespmem:v9+s16+$0x0], $0xffff  }
0x23a: {  	[tilespmem:s28+$0xFFFFFF30] =	vst v24;
	v13 =	vld.idx.msk [tilespmem:v60+s16+$0x0], $0xffff  }
0x23b: {  	[tilespmem:s28+$0xFFFFFF10] =	vst v63;
	v10 =	vld.idx.msk [tilespmem:v16+s16+$0x0], $0xffff  }
0x23c: {  	[tilespmem:s28+$0xFFFFFF40] =	vst v12;
	v11 =	vld.idx.msk [tilespmem:v11+s16+$0x0], $0xffff  }
0x23d: {  	s31 =	simm.s32 $0x8;
	v7 =	vor.u32 v3, v7;
	[tilespmem:s28+$0xFFFFFF50] =	vst v62;
	v12 =	vld.idx.msk [tilespmem:v17+s16+$0x0], $0xffff  }
0x23e: {  	s1 =	simm.s32 $0x2F70;
	s26 =	simm.s32 $0x8BF0;
	s30 =	simm.s32 $0x3270;
	v8 =	vor.u32 v3, v54;
	[tilespmem:s28+$0x0] =	vst v9;
	v9 =	vor.u32 v3, v53;
	v15 =	vld.idx.msk [tilespmem:v15+s16+$0x0], $0xffff  }
.LBB2_11:
0x23f: {  	v16 =	vld [tilespmem:s1+$0x0];
	s31 =	sadd.s32 $0x8, s31;
	[tilespmem:s28+$0xFFFFFF60] =	vst v13  }
0x240: {  	v13 =	vld [tilespmem:s1+$0xFFFFFFA0];
	p0 =	slt.u32 s31, $0x38;
	[tilespmem:s28+$0xFFFFFF70] =	vst v14  }
0x241: {  	v14 =	vld [tilespmem:s1+$0xFFFFFFB0];
	[tilespmem:s29+$0xFFFFFF90] =	vst v6  }
0x242: {  	v6 =	vld [tilespmem:s1+$0xFFFFFFC0];
	[tilespmem:s28+$0xFFFFFFA0] =	vst v10  }
0x243: {  	v10 =	vld [tilespmem:s1+$0xFFFFFFD0];
	[tilespmem:s28+$0xFFFFFFB0] =	vst v11  }
0x244: {  	v11 =	vld [tilespmem:s1+$0xFFFFFFE0];
	v16 =	vshll.u32 v16, $0x6;
	[tilespmem:s28+$0xFFFFFFC0] =	vst v12  }
0x245: {  	v12 =	vshll.u32 v13, $0x6;
	v13 =	vld [tilespmem:s1+$0xFFFFFFF0];
	v17 =	vor.u32 v0, v16;
	[tilespmem:s28+$0xFFFFFFD0] =	vst v15  }
0x246: {  	v15 =	vld [tilespmem:s1+$0xFFFFFF90];
	v18 =	vor.u32 v0, v12;
	v19 =	vor.u32 v1, v12;
	v14 =	vshll.u32 v14, $0x6;
	[tilespmem:s29+$0xFFFFFFE0] =	vst v4  }
0x247: {  	v20 =	vor.u32 v0, v14;
	v21 =	vor.u32 v1, v14;
	v22 =	vshll.u32 v6, $0x6;
	v6 =	vld.idx.msk [tilespmem:v7+s16+$0x0], $0xffff;
	[tilespmem:s29+$0xFFFFFFF0] =	vst v5;
	s29 =	smov.u32 s28  }
0x248: {  	v7 =	vor.u32 v0, v22;
	v23 =	vor.u32 v1, v22;
	v10 =	vshll.u32 v10, $0x6;
	v4 =	vld.idx.msk [tilespmem:v9+s16+$0x0], $0xffff  }
0x249: {  	v9 =	vor.u32 v0, v10;
	v24 =	vor.u32 v1, v10;
	v11 =	vshll.u32 v11, $0x6;
	v5 =	vld.idx.msk [tilespmem:v8+s16+$0x0], $0xffff  }
0x24a: {  	v8 =	vor.u32 v0, v11;
	v25 =	vor.u32 v1, v11;
	v13 =	vshll.u32 v13, $0x6;
	v17 =	vld.idx.msk [tilespmem:v17+s16+$0x0], $0xffff  }
0x24b: {  	v15 =	vshll.u32 v15, $0x6;
	v18 =	vld.idx.msk [tilespmem:v18+s16+$0x0], $0xffff;
	v26 =	vor.u32 v0, v13;
	v27 =	vor.u32 v1, v13  }
0x24c: {  	v30 =	vor.u32 v1, v16;
	v28 =	vor.u32 v0, v15;
	v29 =	vor.u32 v1, v15;
	v20 =	vld.idx.msk [tilespmem:v20+s16+$0x0], $0xffff  }
0x24d: {  	v32 =	vor.u32 v2, v12;
	v33 =	vor.u32 v2, v14;
	v31 =	vor.u32 v2, v15;
	v34 =	vld.idx.msk [tilespmem:v7+s16+$0x0], $0xffff  }
0x24e: {  	v35 =	vor.u32 v2, v22;
	v37 =	vor.u32 v2, v10;
	v38 =	vor.u32 v2, v11;
	v36 =	vld.idx.msk [tilespmem:v9+s16+$0x0], $0xffff  }
0x24f: {  	v12 =	vor.u32 v3, v12;
	s28 =	sadd.s32 $0x200, s28;
	v39 =	vor.u32 v2, v13;
	v7 =	vor.u32 v3, v15;
	v15 =	vld.idx.msk [tilespmem:v8+s16+$0x0], $0xffff  }
0x250: {  	v40 =	vor.u32 v3, v14;
	v22 =	vor.u32 v3, v22;
	v14 =	vld.idx.msk [tilespmem:v26+s16+$0x0], $0xffff;
	[tilespmem:s28+$0xFFFFFE80] =	vst v17  }
0x251: {  	v9 =	vor.u32 v3, v11;
	v17 =	vor.u32 v3, v10;
	[tilespmem:s28+$0xFFFFFE20] =	vst v18;
	v10 =	vld.idx.msk [tilespmem:v30+s16+$0x0], $0xffff  }
0x252: {  	v8 =	vor.u32 v3, v13;
	v11 =	vld.idx.msk [tilespmem:v28+s16+$0x0], $0xffff;
	[tilespmem:s28+$0xFFFFFE30] =	vst v20  }
0x253: {  	v18 =	vor.u32 v2, v16;
	v13 =	vld.idx.msk [tilespmem:v19+s16+$0x0], $0xffff;
	[tilespmem:s28+$0xFFFFFE40] =	vst v34  }
0x254: {  	v19 =	vld.idx.msk [tilespmem:v21+s16+$0x0], $0xffff;
	[tilespmem:s28+$0xFFFFFE50] =	vst v36  }
0x255: {  	v20 =	vld.idx.msk [tilespmem:v23+s16+$0x0], $0xffff;
	[tilespmem:s28+$0xFFFFFE60] =	vst v15  }
0x256: {  	v15 =	vld.idx.msk [tilespmem:v24+s16+$0x0], $0xffff;
	[tilespmem:s28+$0xFFFFFE70] =	vst v14  }
0x257: {  	v14 =	vld.idx.msk [tilespmem:v25+s16+$0x0], $0xffff;
	[tilespmem:s28+$0xFFFFFF00] =	vst v10  }
0x258: {  	[tilespmem:s28+$0xFFFFFE10] =	vst v11;
	v10 =	vld.idx.msk [tilespmem:v18+s16+$0x0], $0xffff  }
0x259: {  	v11 =	vld.idx.msk [tilespmem:v29+s16+$0x0], $0xffff;
	[tilespmem:s28+$0xFFFFFEA0] =	vst v13  }
0x25a: {  	v16 =	vor.u32 v3, v16;
	[tilespmem:s28+$0xFFFFFEB0] =	vst v19;
	v13 =	vld.idx.msk [tilespmem:v27+s16+$0x0], $0xffff  }
0x25b: {  	v18 =	vld.idx.msk [tilespmem:v32+s16+$0x0], $0xffff;
	[tilespmem:s28+$0xFFFFFEC0] =	vst v20  }
0x25c: {  	v19 =	vld.idx.msk [tilespmem:v33+s16+$0x0], $0xffff;
	[tilespmem:s28+$0xFFFFFED0] =	vst v15  }
0x25d: {  	v15 =	vld.idx.msk [tilespmem:v35+s16+$0x0], $0xffff;
	[tilespmem:s28+$0xFFFFFEE0] =	vst v14  }
0x25e: {  	v20 =	vld.idx.msk [tilespmem:v37+s16+$0x0], $0xffff;
	[tilespmem:s28+$0xFFFFFF80] =	vst v10  }
0x25f: {  	[tilespmem:s28+$0xFFFFFE90] =	vst v11;
	v16 =	vld.idx.msk [tilespmem:v16+s16+$0x0], $0xffff  }
0x260: {  	v21 =	vld.idx.msk [tilespmem:v31+s16+$0x0], $0xffff;
	[tilespmem:s28+$0xFFFFFEF0] =	vst v13  }
0x261: {  	[tilespmem:s28+$0xFFFFFF20] =	vst v18;
	v13 =	vld.idx.msk [tilespmem:v38+s16+$0x0], $0xffff  }
.Ltmp6:
0x262: {  	[tilespmem:s28+$0xFFFFFF30] =	vst v19;
	v14 =	vld.idx.msk [tilespmem:v39+s16+$0x0], $0xffff;
	(pc) =	sbr.rel @p0 .LBB2_11-.Ltmp6, $4  }
0x263: {  	v10 =	vld.idx.msk [tilespmem:v12+s16+$0x0], $0xffff;
	[tilespmem:s28+$0xFFFFFF40] =	vst v15  }
0x264: {  	v11 =	vld.idx.msk [tilespmem:v40+s16+$0x0], $0xffff;
	[tilespmem:s28+$0xFFFFFF50] =	vst v20  }
0x265: {  	v12 =	vld.idx.msk [tilespmem:v22+s16+$0x0], $0xffff;
	[tilespmem:s28+$0x0] =	vst v16  }
0x266: {  	s1 =	sadd.s32 $0x80, s1;
	[tilespmem:s28+$0xFFFFFF10] =	vst v21;
	v15 =	vld.idx.msk [tilespmem:v17+s16+$0x0], $0xffff  }
0x267: {  	[tilespmem:s28+$0xFFFFFF60] =	vst v13  }
0x268: {  	[tilespmem:s28+$0xFFFFFF70] =	vst v14  }
0x269: {  	[tilespmem:s29+$0xFFFFFF90] =	vst v6  }
0x26a: {  	[tilespmem:s29+$0xFFFFFFE0] =	vst v4  }
0x26b: {  	v6 =	vld.idx.msk [tilespmem:v7+s16+$0x0], $0xffff;
	[tilespmem:s29+$0xFFFFFFF0] =	vst v5  }
0x26c: {  	[tilespmem:s28+$0xFFFFFFA0] =	vst v10;
	v7 =	vld.idx.msk [tilespmem:v9+s16+$0x0], $0xffff  }
0x26d: {  	v8 =	vld.idx.msk [tilespmem:v8+s16+$0x0], $0xffff;
	[tilespmem:s28+$0xFFFFFFB0] =	vst v11  }
0x26e: {  	[tilespmem:s28+$0xFFFFFFC0] =	vst v12  }
0x26f: {  	[tilespmem:s28+$0xFFFFFFD0] =	vst v15  }
0x270: {  	[tilespmem:s28+$0xFFFFFF90] =	vst v6  }
0x271: {  	[tilespmem:s28+$0xFFFFFFE0] =	vst v7  }
0x272: {  	[tilespmem:s28+$0xFFFFFFF0] =	vst v8  }
0x273: {  	v4 =	vld [tilespmem:s30+$0x0]  }
0x274: {  	v5 =	vld [tilespmem:s30+$0xFFFFFFA0]  }
0x275: {  	v6 =	vld [tilespmem:s30+$0xFFFFFFB0]  }
0x276: {  	v7 =	vld [tilespmem:s30+$0xFFFFFFC0]  }
0x277: {  	v8 =	vld [tilespmem:s30+$0xFFFFFFD0]  }
0x278: {  	v9 =	vld [tilespmem:s30+$0xFFFFFFE0]  }
0x279: {  	v10 =	vld [tilespmem:s30+$0xFFFFFFF0];
	v4 =	vshll.u32 v4, $0x6  }
0x27a: {  	s0 =	simm.s32 $0x32F0;
	v13 =	vld [tilespmem:s30+$0xFFFFFF90];
	v5 =	vshll.u32 v5, $0x6;
	v11 =	vor.u32 v0, v4  }
0x27b: {  	v45 =	vld [tilespmem:s0+$0xFFFFFFC0];
	v6 =	vshll.u32 v6, $0x6;
	v12 =	vor.u32 v0, v5  }
0x27c: {  	v46 =	vld [tilespmem:s0+$0xFFFFFFD0];
	v7 =	vshll.u32 v7, $0x6;
	v14 =	vor.u32 v0, v6  }
0x27d: {  	v47 =	vld [tilespmem:s0+$0xFFFFFFE0];
	v8 =	vshll.u32 v8, $0x6;
	v15 =	vor.u32 v0, v7  }
0x27e: {  	v50 =	vld [tilespmem:s0+$0xFFFFFFF0];
	v9 =	vshll.u32 v9, $0x6;
	v16 =	vor.u32 v0, v8  }
0x27f: {  	v10 =	vshll.u32 v10, $0x6;
	v17 =	vor.u32 v0, v9;
	v11 =	vld.idx.msk [tilespmem:v11+s16+$0x0], $0xffff  }
0x280: {  	v13 =	vshll.u32 v13, $0x6;
	v18 =	vor.u32 v0, v10;
	v12 =	vld.idx.msk [tilespmem:v12+s16+$0x0], $0xffff  }
0x281: {  	v20 =	vor.u32 v0, v13;
	v14 =	vld.idx.msk [tilespmem:v14+s16+$0x0], $0xffff  }
0x282: {  	v19 =	vor.u32 v1, v4;
	v15 =	vld.idx.msk [tilespmem:v15+s16+$0x0], $0xffff  }
0x283: {  	v21 =	vor.u32 v1, v5;
	v16 =	vld.idx.msk [tilespmem:v16+s16+$0x0], $0xffff  }
0x284: {  	v22 =	vor.u32 v1, v6;
	v17 =	vld.idx.msk [tilespmem:v17+s16+$0x0], $0xffff  }
0x285: {  	v23 =	vor.u32 v1, v7;
	v18 =	vld.idx.msk [tilespmem:v18+s16+$0x0], $0xffff;
	[tilespmem:s26+$0xFFFFFE80] =	vst v11  }
0x286: {  	v24 =	vor.u32 v1, v9;
	[tilespmem:s26+$0xFFFFFE20] =	vst v12;
	v12 =	vld.idx.msk [tilespmem:v20+s16+$0x0], $0xffff  }
0x287: {  	v11 =	vor.u32 v1, v8;
	[tilespmem:s26+$0xFFFFFE30] =	vst v14;
	v19 =	vld.idx.msk [tilespmem:v19+s16+$0x0], $0xffff  }
0x288: {  	v37 =	vor.u32 v1, v10;
	[tilespmem:s26+$0xFFFFFE40] =	vst v15;
	v14 =	vld.idx.msk [tilespmem:v21+s16+$0x0], $0xffff  }
0x289: {  	v35 =	vor.u32 v2, v4;
	[tilespmem:s26+$0xFFFFFE50] =	vst v16;
	v15 =	vld.idx.msk [tilespmem:v22+s16+$0x0], $0xffff  }
0x28a: {  	v38 =	vor.u32 v2, v5;
	[tilespmem:s26+$0xFFFFFE60] =	vst v17;
	v16 =	vld.idx.msk [tilespmem:v23+s16+$0x0], $0xffff  }
0x28b: {  	v17 =	vor.u32 v2, v6;
	[tilespmem:s26+$0xFFFFFE70] =	vst v18;
	v24 =	vld.idx.msk [tilespmem:v24+s16+$0x0], $0xffff  }
0x28c: {  	v36 =	vor.u32 v1, v13;
	v11 =	vld.idx.msk [tilespmem:v11+s16+$0x0], $0xffff;
	[tilespmem:s26+$0xFFFFFF00] =	vst v19  }
0x28d: {  	v39 =	vor.u32 v2, v7;
	[tilespmem:s26+$0xFFFFFEA0] =	vst v14;
	v14 =	vld.idx.msk [tilespmem:v37+s16+$0x0], $0xffff  }
0x28e: {  	v40 =	vor.u32 v2, v8;
	[tilespmem:s26+$0xFFFFFE10] =	vst v12;
	v12 =	vld.idx.msk [tilespmem:v35+s16+$0x0], $0xffff  }
0x28f: {  	v43 =	vor.u32 v2, v9;
	[tilespmem:s26+$0xFFFFFEB0] =	vst v15;
	v15 =	vld.idx.msk [tilespmem:v38+s16+$0x0], $0xffff  }
0x290: {  	[tilespmem:s26+$0xFFFFFEC0] =	vst v16;
	v16 =	vld.idx.msk [tilespmem:v17+s16+$0x0], $0xffff;
	v17 =	vor.u32 v2, v10  }
0x291: {  	v4 =	vor.u32 v3, v4;
	v41 =	vld.idx.msk [tilespmem:v36+s16+$0x0], $0xffff;
	[tilespmem:s26+$0xFFFFFEE0] =	vst v24  }
0x292: {  	v42 =	vor.u32 v2, v13;
	[tilespmem:s26+$0xFFFFFED0] =	vst v11;
	v11 =	vld.idx.msk [tilespmem:v39+s16+$0x0], $0xffff  }
0x293: {  	v5 =	vor.u32 v3, v5;
	v44 =	vld.idx.msk [tilespmem:v40+s16+$0x0], $0xffff;
	[tilespmem:s26+$0xFFFFFEF0] =	vst v14  }
0x294: {  	v14 =	vld.idx.msk [tilespmem:v43+s16+$0x0], $0xffff;
	[tilespmem:s26+$0xFFFFFF80] =	vst v12  }
0x295: {  	v6 =	vor.u32 v3, v6;
	[tilespmem:s26+$0xFFFFFF20] =	vst v15;
	v15 =	vld.idx.msk [tilespmem:v17+s16+$0x0], $0xffff  }
0x296: {  	[tilespmem:s26+$0xFFFFFE90] =	vst v41;
	v12 =	vld.idx.msk [tilespmem:v4+s16+$0x0], $0xffff  }
0x297: {  	v4 =	vor.u32 v3, v7;
	v7 =	vld.idx.msk [tilespmem:v42+s16+$0x0], $0xffff  }
0x298: {  	v53 =	vshll.u32 v50, $0x6;
	[tilespmem:s26+$0xFFFFFF30] =	vst v16;
	v16 =	vld.idx.msk [tilespmem:v5+s16+$0x0], $0xffff  }
0x299: {  	v55 =	vor.u32 v0, v53;
	v5 =	vld [tilespmem:s0+$0xFFFFFFA0]  }
0x29a: {  	[tilespmem:s26+$0xFFFFFF40] =	vst v11;
	v11 =	vld.idx.msk [tilespmem:v6+s16+$0x0], $0xffff  }
0x29b: {  	v9 =	vor.u32 v3, v9;
	v6 =	vld [tilespmem:s0+$0xFFFFFFB0]  }
0x29c: {  	v17 =	vld.idx.msk [tilespmem:v4+s16+$0x0], $0xffff  }
0x29d: {  	v8 =	vor.u32 v3, v8;
	[tilespmem:s26+$0xFFFFFF60] =	vst v14;
	v4 =	vld [tilespmem:s0+$0x0]  }
0x29e: {  	v13 =	vor.u32 v3, v13;
	v24 =	vld.idx.msk [tilespmem:v55+s16+$0x0], $0xffff;
	[tilespmem:s26+$0xFFFFFF70] =	vst v15  }
0x29f: {  	v10 =	vor.u32 v3, v10;
	v15 =	vshll.u32 v46, $0x6;
	[tilespmem:s26+$0xFFFFFF10] =	vst v7;
	v7 =	vld [tilespmem:s0+$0xFFFFFF90]  }
0x2a0: {  	v49 =	vshll.u32 v5, $0x6;
	v5 =	vld.idx.msk [tilespmem:v9+s16+$0x0], $0xffff;
	v9 =	vor.u32 v0, v15  }
0x2a1: {  	[tilespmem:s26+$0xFFFFFF50] =	vst v44;
	v25 =	vor.u32 v0, v49;
	v26 =	vshll.u32 v6, $0x6  }
0x2a2: {  	v8 =	vld.idx.msk [tilespmem:v8+s16+$0x0], $0xffff;
	v14 =	vor.u32 v0, v26;
	v48 =	vshll.u32 v4, $0x6  }
0x2a3: {  	s28 =	simm.s32 $0x8DF0;
	v18 =	vshll.u32 v45, $0x6;
	v6 =	vld.idx.msk [tilespmem:v13+s16+$0x0], $0xffff;
	v51 =	vor.u32 v0, v48  }
0x2a4: {  	v52 =	vshll.u32 v47, $0x6;
	[tilespmem:s28+$0xFFFFFE70] =	vst v24;
	v13 =	vor.u32 v0, v18;
	v4 =	vld.idx.msk [tilespmem:v10+s16+$0x0], $0xffff  }
0x2a5: {  	[tilespmem:s26+$0x0] =	vst v12;
	v10 =	vor.u32 v0, v52;
	v7 =	vshll.u32 v7, $0x6;
	v9 =	vld.idx.msk [tilespmem:v9+s16+$0x0], $0xffff  }
0x2a6: {  	[tilespmem:s26+$0xFFFFFFB0] =	vst v11;
	v12 =	vld.idx.msk [tilespmem:v25+s16+$0x0], $0xffff;
	v11 =	vor.u32 v0, v7  }
0x2a7: {  	[tilespmem:s26+$0xFFFFFFC0] =	vst v17;
	v17 =	vor.u32 v1, v49;
	v14 =	vld.idx.msk [tilespmem:v14+s16+$0x0], $0xffff  }
0x2a8: {  	[tilespmem:s26+$0xFFFFFFD0] =	vst v8;
	v8 =	vor.u32 v1, v26;
	v54 =	vld.idx.msk [tilespmem:v51+s16+$0x0], $0xffff  }
0x2a9: {  	[tilespmem:s26+$0xFFFFFFA0] =	vst v16;
	v16 =	vor.u32 v1, v48;
	v13 =	vld.idx.msk [tilespmem:v13+s16+$0x0], $0xffff  }
0x2aa: {  	v57 =	vor.u32 v1, v15;
	v10 =	vld.idx.msk [tilespmem:v10+s16+$0x0], $0xffff;
	[tilespmem:s28+$0xFFFFFE50] =	vst v9  }
0x2ab: {  	v56 =	vor.u32 v1, v18;
	[tilespmem:s28+$0xFFFFFE20] =	vst v12;
	v11 =	vld.idx.msk [tilespmem:v11+s16+$0x0], $0xffff  }
0x2ac: {  	[tilespmem:s28+$0xFFFFFE30] =	vst v14;
	v14 =	vld.idx.msk [tilespmem:v17+s16+$0x0], $0xffff;
	v17 =	vor.u32 v1, v7  }
0x2ad: {  	v9 =	vor.u32 v1, v53;
	v8 =	vld.idx.msk [tilespmem:v8+s16+$0x0], $0xffff;
	[tilespmem:s28+$0xFFFFFE80] =	vst v54  }
0x2ae: {  	[tilespmem:s28+$0xFFFFFE40] =	vst v13;
	v12 =	vld.idx.msk [tilespmem:v16+s16+$0x0], $0xffff;
	v16 =	vor.u32 v1, v52  }
0x2af: {  	v23 =	vld.idx.msk [tilespmem:v57+s16+$0x0], $0xffff;
	[tilespmem:s28+$0xFFFFFE60] =	vst v10;
	v10 =	vor.u32 v2, v49  }
0x2b0: {  	v13 =	vor.u32 v2, v48;
	v25 =	vld.idx.msk [tilespmem:v56+s16+$0x0], $0xffff;
	[tilespmem:s28+$0xFFFFFE10] =	vst v11  }
0x2b1: {  	v58 =	vor.u32 v2, v26;
	v17 =	vld.idx.msk [tilespmem:v17+s16+$0x0], $0xffff;
	[tilespmem:s28+$0xFFFFFEA0] =	vst v14  }
0x2b2: {  	v14 =	vor.u32 v2, v7;
	[tilespmem:s28+$0xFFFFFEB0] =	vst v8;
	v8 =	vld.idx.msk [tilespmem:v9+s16+$0x0], $0xffff  }
0x2b3: {  	v60 =	vor.u32 v2, v53;
	v16 =	vld.idx.msk [tilespmem:v16+s16+$0x0], $0xffff  }
0x2b4: {  	v10 =	vld.idx.msk [tilespmem:v10+s16+$0x0], $0xffff;
	[tilespmem:s28+$0xFFFFFF00] =	vst v12;
	v12 =	vor.u32 v2, v18  }
0x2b5: {  	[tilespmem:s28+$0xFFFFFEC0] =	vst v25;
	v11 =	vld.idx.msk [tilespmem:v13+s16+$0x0], $0xffff;
	v13 =	vor.u32 v2, v15  }
0x2b6: {  	v9 =	vor.u32 v3, v48;
	v24 =	vld.idx.msk [tilespmem:v58+s16+$0x0], $0xffff;
	[tilespmem:s28+$0xFFFFFE90] =	vst v17  }
0x2b7: {  	v59 =	vor.u32 v2, v52;
	v62 =	vld.idx.msk [tilespmem:v14+s16+$0x0], $0xffff;
	[tilespmem:s28+$0xFFFFFEF0] =	vst v8  }
0x2b8: {  	v63 =	vor.u32 v3, v15;
	v15 =	vld.idx.msk [tilespmem:v60+s16+$0x0], $0xffff;
	[tilespmem:s28+$0xFFFFFEE0] =	vst v16;
	v16 =	vor.u32 v3, v49  }
0x2b9: {  	v61 =	vor.u32 v3, v26;
	[tilespmem:s28+$0xFFFFFED0] =	vst v23;
	v12 =	vld.idx.msk [tilespmem:v12+s16+$0x0], $0xffff  }
0x2ba: {  	v17 =	vor.u32 v3, v18;
	v13 =	vld.idx.msk [tilespmem:v13+s16+$0x0], $0xffff;
	[tilespmem:s28+$0xFFFFFF80] =	vst v11  }
0x2bb: {  	[tilespmem:s28+$0xFFFFFF20] =	vst v10;
	v9 =	vld.idx.msk [tilespmem:v9+s16+$0x0], $0xffff  }
0x2bc: {  	[tilespmem:s28+$0xFFFFFF30] =	vst v24;
	v14 =	vld.idx.msk [tilespmem:v59+s16+$0x0], $0xffff  }
0x2bd: {  	[tilespmem:s28+$0xFFFFFF10] =	vst v62;
	v11 =	vld.idx.msk [tilespmem:v16+s16+$0x0], $0xffff  }
0x2be: {  	[tilespmem:s28+$0xFFFFFF40] =	vst v12;
	v12 =	vld.idx.msk [tilespmem:v61+s16+$0x0], $0xffff  }
0x2bf: {  	v7 =	vor.u32 v3, v7;
	[tilespmem:s28+$0xFFFFFF50] =	vst v13;
	v10 =	vld.idx.msk [tilespmem:v17+s16+$0x0], $0xffff  }
0x2c0: {  	s29 =	simm.s32 $0x8;
	s1 =	simm.s32 $0x3370;
	v8 =	vor.u32 v3, v53;
	[tilespmem:s28+$0x0] =	vst v9;
	v9 =	vor.u32 v3, v52;
	v13 =	vld.idx.msk [tilespmem:v63+s16+$0x0], $0xffff  }
.LBB2_13:
0x2c1: {  	v16 =	vld [tilespmem:s1+$0x0];
	s29 =	sadd.s32 $0x8, s29;
	[tilespmem:s28+$0xFFFFFF60] =	vst v14  }
0x2c2: {  	v14 =	vld [tilespmem:s1+$0xFFFFFFA0];
	p0 =	slt.u32 s29, $0x38;
	[tilespmem:s28+$0xFFFFFF70] =	vst v15  }
0x2c3: {  	v15 =	vld [tilespmem:s1+$0xFFFFFFB0];
	[tilespmem:s26+$0xFFFFFF90] =	vst v6  }
0x2c4: {  	v6 =	vld [tilespmem:s1+$0xFFFFFFC0];
	[tilespmem:s28+$0xFFFFFFA0] =	vst v11  }
0x2c5: {  	v11 =	vld [tilespmem:s1+$0xFFFFFFD0];
	[tilespmem:s28+$0xFFFFFFB0] =	vst v12  }
0x2c6: {  	v12 =	vld [tilespmem:s1+$0xFFFFFFE0];
	v16 =	vshll.u32 v16, $0x6;
	[tilespmem:s28+$0xFFFFFFC0] =	vst v10  }
0x2c7: {  	v10 =	vshll.u32 v14, $0x6;
	v14 =	vld [tilespmem:s1+$0xFFFFFFF0];
	v17 =	vor.u32 v0, v16;
	[tilespmem:s28+$0xFFFFFFD0] =	vst v13  }
0x2c8: {  	v13 =	vld [tilespmem:s1+$0xFFFFFF90];
	v18 =	vor.u32 v0, v10;
	v19 =	vor.u32 v1, v10;
	v15 =	vshll.u32 v15, $0x6;
	[tilespmem:s26+$0xFFFFFFE0] =	vst v5  }
0x2c9: {  	v20 =	vor.u32 v0, v15;
	v21 =	vor.u32 v1, v15;
	v22 =	vshll.u32 v6, $0x6;
	v6 =	vld.idx.msk [tilespmem:v7+s16+$0x0], $0xffff;
	[tilespmem:s26+$0xFFFFFFF0] =	vst v4;
	s26 =	smov.u32 s28  }
0x2ca: {  	v7 =	vor.u32 v0, v22;
	v23 =	vor.u32 v1, v22;
	v11 =	vshll.u32 v11, $0x6;
	v5 =	vld.idx.msk [tilespmem:v9+s16+$0x0], $0xffff  }
0x2cb: {  	v9 =	vor.u32 v0, v11;
	v24 =	vor.u32 v1, v11;
	v12 =	vshll.u32 v12, $0x6;
	v4 =	vld.idx.msk [tilespmem:v8+s16+$0x0], $0xffff  }
0x2cc: {  	v8 =	vor.u32 v0, v12;
	v25 =	vor.u32 v1, v12;
	v14 =	vshll.u32 v14, $0x6;
	v17 =	vld.idx.msk [tilespmem:v17+s16+$0x0], $0xffff  }
0x2cd: {  	v13 =	vshll.u32 v13, $0x6;
	v18 =	vld.idx.msk [tilespmem:v18+s16+$0x0], $0xffff;
	v26 =	vor.u32 v0, v14;
	v27 =	vor.u32 v1, v14  }
0x2ce: {  	v30 =	vor.u32 v1, v16;
	v28 =	vor.u32 v0, v13;
	v29 =	vor.u32 v1, v13;
	v20 =	vld.idx.msk [tilespmem:v20+s16+$0x0], $0xffff  }
0x2cf: {  	v32 =	vor.u32 v2, v10;
	v33 =	vor.u32 v2, v15;
	v31 =	vor.u32 v2, v13;
	v34 =	vld.idx.msk [tilespmem:v7+s16+$0x0], $0xffff  }
0x2d0: {  	v35 =	vor.u32 v2, v22;
	v37 =	vor.u32 v2, v11;
	v38 =	vor.u32 v2, v12;
	v36 =	vld.idx.msk [tilespmem:v9+s16+$0x0], $0xffff  }
0x2d1: {  	v10 =	vor.u32 v3, v10;
	s28 =	sadd.s32 $0x200, s28;
	v39 =	vor.u32 v2, v14;
	v7 =	vor.u32 v3, v13;
	v13 =	vld.idx.msk [tilespmem:v8+s16+$0x0], $0xffff  }
0x2d2: {  	v40 =	vor.u32 v3, v15;
	v22 =	vor.u32 v3, v22;
	v15 =	vld.idx.msk [tilespmem:v26+s16+$0x0], $0xffff;
	[tilespmem:s28+$0xFFFFFE80] =	vst v17  }
0x2d3: {  	v9 =	vor.u32 v3, v12;
	v17 =	vor.u32 v3, v11;
	[tilespmem:s28+$0xFFFFFE20] =	vst v18;
	v11 =	vld.idx.msk [tilespmem:v30+s16+$0x0], $0xffff  }
0x2d4: {  	v8 =	vor.u32 v3, v14;
	v12 =	vld.idx.msk [tilespmem:v28+s16+$0x0], $0xffff;
	[tilespmem:s28+$0xFFFFFE30] =	vst v20  }
0x2d5: {  	v18 =	vor.u32 v2, v16;
	v14 =	vld.idx.msk [tilespmem:v19+s16+$0x0], $0xffff;
	[tilespmem:s28+$0xFFFFFE40] =	vst v34  }
0x2d6: {  	v19 =	vld.idx.msk [tilespmem:v21+s16+$0x0], $0xffff;
	[tilespmem:s28+$0xFFFFFE50] =	vst v36  }
0x2d7: {  	v20 =	vld.idx.msk [tilespmem:v23+s16+$0x0], $0xffff;
	[tilespmem:s28+$0xFFFFFE60] =	vst v13  }
0x2d8: {  	v13 =	vld.idx.msk [tilespmem:v24+s16+$0x0], $0xffff;
	[tilespmem:s28+$0xFFFFFE70] =	vst v15  }
0x2d9: {  	v15 =	vld.idx.msk [tilespmem:v25+s16+$0x0], $0xffff;
	[tilespmem:s28+$0xFFFFFF00] =	vst v11  }
0x2da: {  	[tilespmem:s28+$0xFFFFFE10] =	vst v12;
	v11 =	vld.idx.msk [tilespmem:v18+s16+$0x0], $0xffff  }
0x2db: {  	v12 =	vld.idx.msk [tilespmem:v29+s16+$0x0], $0xffff;
	[tilespmem:s28+$0xFFFFFEA0] =	vst v14  }
0x2dc: {  	v16 =	vor.u32 v3, v16;
	[tilespmem:s28+$0xFFFFFEB0] =	vst v19;
	v14 =	vld.idx.msk [tilespmem:v27+s16+$0x0], $0xffff  }
0x2dd: {  	v18 =	vld.idx.msk [tilespmem:v32+s16+$0x0], $0xffff;
	[tilespmem:s28+$0xFFFFFEC0] =	vst v20  }
0x2de: {  	v19 =	vld.idx.msk [tilespmem:v33+s16+$0x0], $0xffff;
	[tilespmem:s28+$0xFFFFFED0] =	vst v13  }
0x2df: {  	v13 =	vld.idx.msk [tilespmem:v35+s16+$0x0], $0xffff;
	[tilespmem:s28+$0xFFFFFEE0] =	vst v15  }
0x2e0: {  	v20 =	vld.idx.msk [tilespmem:v37+s16+$0x0], $0xffff;
	[tilespmem:s28+$0xFFFFFF80] =	vst v11  }
0x2e1: {  	[tilespmem:s28+$0xFFFFFE90] =	vst v12;
	v16 =	vld.idx.msk [tilespmem:v16+s16+$0x0], $0xffff  }
0x2e2: {  	v21 =	vld.idx.msk [tilespmem:v31+s16+$0x0], $0xffff;
	[tilespmem:s28+$0xFFFFFEF0] =	vst v14  }
0x2e3: {  	[tilespmem:s28+$0xFFFFFF20] =	vst v18;
	v14 =	vld.idx.msk [tilespmem:v38+s16+$0x0], $0xffff  }
.Ltmp7:
0x2e4: {  	[tilespmem:s28+$0xFFFFFF30] =	vst v19;
	v15 =	vld.idx.msk [tilespmem:v39+s16+$0x0], $0xffff;
	(pc) =	sbr.rel @p0 .LBB2_13-.Ltmp7, $4  }
0x2e5: {  	v11 =	vld.idx.msk [tilespmem:v10+s16+$0x0], $0xffff;
	[tilespmem:s28+$0xFFFFFF40] =	vst v13  }
0x2e6: {  	v12 =	vld.idx.msk [tilespmem:v40+s16+$0x0], $0xffff;
	[tilespmem:s28+$0xFFFFFF50] =	vst v20  }
0x2e7: {  	v10 =	vld.idx.msk [tilespmem:v22+s16+$0x0], $0xffff;
	[tilespmem:s28+$0x0] =	vst v16  }
0x2e8: {  	s1 =	sadd.s32 $0x80, s1;
	[tilespmem:s28+$0xFFFFFF10] =	vst v21;
	v13 =	vld.idx.msk [tilespmem:v17+s16+$0x0], $0xffff  }
0x2e9: {  	[tilespmem:s28+$0xFFFFFF60] =	vst v14  }
0x2ea: {  	[tilespmem:s28+$0xFFFFFF70] =	vst v15;
	s0 =	smulhi.u32 $0x66666667, s25  }
0x2eb: {  	[tilespmem:s26+$0xFFFFFF90] =	vst v6  }
0x2ec: {  	[tilespmem:s26+$0xFFFFFFE0] =	vst v5;
	s0 =	sshrl.u32 s0, $0x1  }
0x2ed: {  	v6 =	vld.idx.msk [tilespmem:v7+s16+$0x0], $0xffff;
	[tilespmem:s26+$0xFFFFFFF0] =	vst v4;
	s1 =	smul.u32 $0x5, s0  }
0x2ee: {  	[tilespmem:s28+$0xFFFFFFA0] =	vst v11;
	v7 =	vld.idx.msk [tilespmem:v9+s16+$0x0], $0xffff  }
0x2ef: {  	p0 =	seq.s32 s24, $0x9;
	v8 =	vld.idx.msk [tilespmem:v8+s16+$0x0], $0xffff;
	[tilespmem:s28+$0xFFFFFFB0] =	vst v12;
	s1 =	ssub.s32 s25, s1  }
0x2f0: {  	s29 =	sadd.s32 @!p0 $0x2, s25;
	[tilespmem:s28+$0xFFFFFFC0] =	vst v10;
	s0 =	sadd.s32 s5, s0;
	s1 =	smul.u32 $0x280000, s1  }
0x2f1: {  	s26 =	smulhi.u32 @!p0 $0x66666667, s29;
	[tilespmem:s28+$0xFFFFFFD0] =	vst v13;
	s0 =	sshll.u32 s0, $0x9  }
0x2f2: {  	[tilespmem:s28+$0xFFFFFF90] =	vst v6;
	s0 =	sadd.s32 s1, s0  }
0x2f3: {  	[tilespmem:s28+$0xFFFFFFE0] =	vst v7;
	s1 =	sshrl.u32 @!p0 s26, $0x1;
	s0 =	sshrl.u32 s0, $0x3  }
0x2f4: {  	[tilespmem:s28+$0xFFFFFFF0] =	vst v8;
	s26 =	smul.u32 @!p0 $0x5, s1;
	s0 =	sadd.s32 s3, s0  }
0x2f5: {  	[hbm4b:s0+s16] =	stream.strided.scatter [tilespmem:s18], [sflag:$0x3], $0x5000, s17, s16, $0x38;
	[tilespmem:$0xEA00] =	vst v63  }
0x2f6: {  	s0 =	ssub.s32 @!p0 s29, s26  }
0x2f7: {  	s1 =	sadd.s32 @!p0 s5, s1;
	s0 =	smul.u32 @!p0 $0xA0000, s0  }
0x2f8: {  	s1 =	sshll.u32 @!p0 s1, $0xA  }
0x2f9: {  	s0 =	sadd.s32 @!p0 s0, s1  }
0x2fa: {  	s28 =	simm.s32 @!p0 $0x2200;
	s0 =	sshrl.u32 @!p0 s0, $0x3  }
0x2fb: {  	s26 =	simm.s32 @!p0 $0x20000;
	s1 =	simm.s32 @!p0 $0x400;
	s0 =	sadd.s32 @!p0 s2, s0  }
0x2fc: {  	[tilespmem:s28], [sflag:$0x1] =	stream.strided.gather @!p0 [hbm4b:s0+s1], $0x1400, s26, s1, $0x38;
	[tilespmem:$0xEA00] =	vst v63  }
0x2fd: {  	_ =	swait.ge [sflag:s19], $0x1400  }
0x2fe: {  	[sflag:s19] =	ssyncset.done $0x0  }
0x2ff: {  	s0 =	simm.s32 @!p1 $0x4;
	[sflag:s19] =	ssyncadd.s32 $0xFFFFEC00  }
0x300: {  	_ =	swait.ge @!p1 [sflag:s0], $0x5000  }
0x301: {  	[sflag:s0] =	ssyncset.done @!p1 $0x0  }
0x302: {  	s1 =	simm.s32 $0x3640;
	[sflag:s0] =	ssyncadd.s32 @!p1 $0xFFFFB000  }
0x303: {  	v4 =	vld [tilespmem:s1+$0x30]  }
0x304: {  	v5 =	vld [tilespmem:s1+$0xFFFFFFD0]  }
0x305: {  	v6 =	vld [tilespmem:s1+$0xFFFFFFE0]  }
0x306: {  	v7 =	vld [tilespmem:s1+$0xFFFFFFF0]  }
0x307: {  	v8 =	vld [tilespmem:s1+$0x0]  }
0x308: {  	v9 =	vld [tilespmem:s1+$0x10];
	v4 =	vshll.u32 v4, $0x6  }
0x309: {  	v10 =	vld [tilespmem:s1+$0x20];
	v5 =	vshll.u32 v5, $0x6;
	v11 =	vor.u32 v0, v4  }
0x30a: {  	s26 =	simm.s32 $0x36C0;
	v13 =	vld [tilespmem:s1+$0xFFFFFFC0];
	v6 =	vshll.u32 v6, $0x6;
	v12 =	vor.u32 v0, v5  }
0x30b: {  	v46 =	vld [tilespmem:s26+$0xFFFFFFF0];
	v7 =	vshll.u32 v7, $0x6;
	v14 =	vor.u32 v0, v6  }
0x30c: {  	v47 =	vld [tilespmem:s26+$0x0];
	v8 =	vshll.u32 v8, $0x6;
	v15 =	vor.u32 v0, v7  }
0x30d: {  	v51 =	vld [tilespmem:s26+$0x20];
	v9 =	vshll.u32 v9, $0x6;
	v16 =	vor.u32 v0, v8  }
0x30e: {  	v10 =	vshll.u32 v10, $0x6;
	v17 =	vor.u32 v0, v9;
	v11 =	vld.idx.msk [tilespmem:v11+s16+$0x0], $0xffff  }
0x30f: {  	v13 =	vshll.u32 v13, $0x6;
	v18 =	vor.u32 v0, v10;
	v12 =	vld.idx.msk [tilespmem:v12+s16+$0x0], $0xffff  }
0x310: {  	v20 =	vor.u32 v0, v13;
	v14 =	vld.idx.msk [tilespmem:v14+s16+$0x0], $0xffff  }
0x311: {  	v19 =	vor.u32 v1, v4;
	v15 =	vld.idx.msk [tilespmem:v15+s16+$0x0], $0xffff  }
0x312: {  	v21 =	vor.u32 v1, v5;
	v16 =	vld.idx.msk [tilespmem:v16+s16+$0x0], $0xffff  }
0x313: {  	s29 =	simm.s32 $0x9B00;
	v22 =	vor.u32 v1, v6;
	v17 =	vld.idx.msk [tilespmem:v17+s16+$0x0], $0xffff  }
0x314: {  	v23 =	vor.u32 v1, v7;
	v18 =	vld.idx.msk [tilespmem:v18+s16+$0x0], $0xffff;
	[tilespmem:s29+$0xFFFFFF70] =	vst v11  }
0x315: {  	v24 =	vor.u32 v1, v9;
	[tilespmem:s29+$0xFFFFFF10] =	vst v12;
	v12 =	vld.idx.msk [tilespmem:v20+s16+$0x0], $0xffff  }
0x316: {  	v11 =	vor.u32 v1, v8;
	[tilespmem:s29+$0xFFFFFF20] =	vst v14;
	v19 =	vld.idx.msk [tilespmem:v19+s16+$0x0], $0xffff  }
0x317: {  	v38 =	vor.u32 v1, v10;
	[tilespmem:s29+$0xFFFFFF30] =	vst v15;
	v14 =	vld.idx.msk [tilespmem:v21+s16+$0x0], $0xffff  }
0x318: {  	v36 =	vor.u32 v2, v4;
	[tilespmem:s29+$0xFFFFFF40] =	vst v16;
	v15 =	vld.idx.msk [tilespmem:v22+s16+$0x0], $0xffff  }
0x319: {  	v39 =	vor.u32 v2, v5;
	[tilespmem:s29+$0xFFFFFF50] =	vst v17;
	v16 =	vld.idx.msk [tilespmem:v23+s16+$0x0], $0xffff  }
0x31a: {  	v17 =	vor.u32 v2, v6;
	[tilespmem:s29+$0xFFFFFF60] =	vst v18;
	v24 =	vld.idx.msk [tilespmem:v24+s16+$0x0], $0xffff  }
0x31b: {  	v37 =	vor.u32 v1, v13;
	v11 =	vld.idx.msk [tilespmem:v11+s16+$0x0], $0xffff;
	[tilespmem:s29+$0xFFFFFFF0] =	vst v19  }
0x31c: {  	v40 =	vor.u32 v2, v7;
	[tilespmem:s29+$0xFFFFFF90] =	vst v14;
	v14 =	vld.idx.msk [tilespmem:v38+s16+$0x0], $0xffff  }
0x31d: {  	v41 =	vor.u32 v2, v8;
	[tilespmem:s29+$0xFFFFFF00] =	vst v12;
	v12 =	vld.idx.msk [tilespmem:v36+s16+$0x0], $0xffff  }
0x31e: {  	v44 =	vor.u32 v2, v9;
	[tilespmem:s29+$0xFFFFFFA0] =	vst v15;
	v15 =	vld.idx.msk [tilespmem:v39+s16+$0x0], $0xffff  }
0x31f: {  	[tilespmem:s29+$0xFFFFFFB0] =	vst v16;
	v16 =	vld.idx.msk [tilespmem:v17+s16+$0x0], $0xffff;
	v17 =	vor.u32 v2, v10  }
0x320: {  	v4 =	vor.u32 v3, v4;
	v42 =	vld.idx.msk [tilespmem:v37+s16+$0x0], $0xffff;
	[tilespmem:s29+$0xFFFFFFD0] =	vst v24  }
0x321: {  	v43 =	vor.u32 v2, v13;
	[tilespmem:s29+$0xFFFFFFC0] =	vst v11;
	v11 =	vld.idx.msk [tilespmem:v40+s16+$0x0], $0xffff  }
0x322: {  	v5 =	vor.u32 v3, v5;
	v45 =	vld.idx.msk [tilespmem:v41+s16+$0x0], $0xffff;
	[tilespmem:s29+$0xFFFFFFE0] =	vst v14  }
0x323: {  	v14 =	vld.idx.msk [tilespmem:v44+s16+$0x0], $0xffff;
	[tilespmem:s29+$0x70] =	vst v12  }
0x324: {  	v6 =	vor.u32 v3, v6;
	[tilespmem:s29+$0x10] =	vst v15;
	v15 =	vld.idx.msk [tilespmem:v17+s16+$0x0], $0xffff  }
0x325: {  	[tilespmem:s29+$0xFFFFFF80] =	vst v42;
	v12 =	vld.idx.msk [tilespmem:v4+s16+$0x0], $0xffff  }
0x326: {  	v4 =	vor.u32 v3, v7;
	v7 =	vld.idx.msk [tilespmem:v43+s16+$0x0], $0xffff  }
0x327: {  	[tilespmem:s29+$0x20] =	vst v16;
	v16 =	vld.idx.msk [tilespmem:v5+s16+$0x0], $0xffff  }
0x328: {  	v54 =	vshll.u32 v51, $0x6;
	v5 =	vld [tilespmem:s26+$0xFFFFFFD0]  }
0x329: {  	v56 =	vor.u32 v0, v54;
	[tilespmem:s29+$0x30] =	vst v11;
	v11 =	vld.idx.msk [tilespmem:v6+s16+$0x0], $0xffff  }
0x32a: {  	v6 =	vld [tilespmem:s26+$0xFFFFFFE0]  }
0x32b: {  	v8 =	vor.u32 v3, v8;
	v17 =	vld.idx.msk [tilespmem:v4+s16+$0x0], $0xffff  }
0x32c: {  	v9 =	vor.u32 v3, v9;
	v4 =	vld [tilespmem:s26+$0x30]  }
0x32d: {  	v48 =	vld [tilespmem:s26+$0x10];
	v10 =	vor.u32 v3, v10;
	[tilespmem:s29+$0x40] =	vst v45  }
0x32e: {  	v13 =	vor.u32 v3, v13;
	v24 =	vld.idx.msk [tilespmem:v56+s16+$0x0], $0xffff;
	[tilespmem:s29+$0x50] =	vst v14;
	v50 =	vshll.u32 v5, $0x6  }
0x32f: {  	[tilespmem:s29+$0x0] =	vst v7;
	v7 =	vld [tilespmem:s26+$0xFFFFFFC0];
	v25 =	vor.u32 v0, v50;
	v26 =	vshll.u32 v6, $0x6  }
0x330: {  	v8 =	vld.idx.msk [tilespmem:v8+s16+$0x0], $0xffff;
	[tilespmem:s29+$0x60] =	vst v15;
	v15 =	vshll.u32 v47, $0x6;
	v14 =	vor.u32 v0, v26  }
0x331: {  	v49 =	vshll.u32 v4, $0x6;
	v4 =	vld.idx.msk [tilespmem:v9+s16+$0x0], $0xffff;
	v9 =	vor.u32 v0, v15  }
0x332: {  	s30 =	simm.s32 $0x9D00;
	v18 =	vshll.u32 v46, $0x6;
	v5 =	vld.idx.msk [tilespmem:v10+s16+$0x0], $0xffff;
	v52 =	vor.u32 v0, v49  }
0x333: {  	v53 =	vshll.u32 v48, $0x6;
	[tilespmem:s30+$0xFFFFFF60] =	vst v24;
	v6 =	vld.idx.msk [tilespmem:v13+s16+$0x0], $0xffff;
	v13 =	vor.u32 v0, v18  }
0x334: {  	v10 =	vor.u32 v0, v53;
	[tilespmem:s29+$0xF0] =	vst v12;
	v7 =	vshll.u32 v7, $0x6;
	v12 =	vld.idx.msk [tilespmem:v25+s16+$0x0], $0xffff  }
0x335: {  	[tilespmem:s29+$0xA0] =	vst v11;
	v11 =	vor.u32 v0, v7;
	v14 =	vld.idx.msk [tilespmem:v14+s16+$0x0], $0xffff  }
0x336: {  	[tilespmem:s29+$0xB0] =	vst v17;
	v17 =	vor.u32 v1, v50;
	v9 =	vld.idx.msk [tilespmem:v9+s16+$0x0], $0xffff  }
0x337: {  	[tilespmem:s29+$0xC0] =	vst v8;
	v8 =	vor.u32 v1, v26;
	v55 =	vld.idx.msk [tilespmem:v52+s16+$0x0], $0xffff  }
0x338: {  	[tilespmem:s29+$0x90] =	vst v16;
	v16 =	vor.u32 v1, v49;
	v13 =	vld.idx.msk [tilespmem:v13+s16+$0x0], $0xffff  }
0x339: {  	v57 =	vor.u32 v1, v18;
	v10 =	vld.idx.msk [tilespmem:v10+s16+$0x0], $0xffff;
	[tilespmem:s30+$0xFFFFFF10] =	vst v12  }
0x33a: {  	v58 =	vor.u32 v1, v15;
	v11 =	vld.idx.msk [tilespmem:v11+s16+$0x0], $0xffff;
	[tilespmem:s30+$0xFFFFFF20] =	vst v14  }
0x33b: {  	v14 =	vld.idx.msk [tilespmem:v17+s16+$0x0], $0xffff;
	v17 =	vor.u32 v1, v7;
	[tilespmem:s30+$0xFFFFFF40] =	vst v9  }
0x33c: {  	v8 =	vld.idx.msk [tilespmem:v8+s16+$0x0], $0xffff;
	v9 =	vor.u32 v1, v54;
	[tilespmem:s30+$0xFFFFFF70] =	vst v55  }
0x33d: {  	[tilespmem:s30+$0xFFFFFF30] =	vst v13;
	v12 =	vld.idx.msk [tilespmem:v16+s16+$0x0], $0xffff;
	v16 =	vor.u32 v1, v53  }
0x33e: {  	[tilespmem:s30+$0xFFFFFF50] =	vst v10;
	v13 =	vor.u32 v2, v49;
	v25 =	vld.idx.msk [tilespmem:v57+s16+$0x0], $0xffff  }
0x33f: {  	v10 =	vor.u32 v2, v50;
	v23 =	vld.idx.msk [tilespmem:v58+s16+$0x0], $0xffff;
	[tilespmem:s30+$0xFFFFFF00] =	vst v11  }
0x340: {  	v59 =	vor.u32 v2, v26;
	v17 =	vld.idx.msk [tilespmem:v17+s16+$0x0], $0xffff;
	[tilespmem:s30+$0xFFFFFF90] =	vst v14  }
0x341: {  	v14 =	vor.u32 v2, v7;
	[tilespmem:s30+$0xFFFFFFA0] =	vst v8;
	v8 =	vld.idx.msk [tilespmem:v9+s16+$0x0], $0xffff  }
0x342: {  	v61 =	vor.u32 v2, v54;
	v16 =	vld.idx.msk [tilespmem:v16+s16+$0x0], $0xffff;
	[tilespmem:s30+$0xFFFFFFF0] =	vst v12  }
0x343: {  	[tilespmem:s30+$0xFFFFFFB0] =	vst v25;
	v12 =	vor.u32 v2, v18;
	v11 =	vld.idx.msk [tilespmem:v13+s16+$0x0], $0xffff  }
0x344: {  	v10 =	vld.idx.msk [tilespmem:v10+s16+$0x0], $0xffff;
	[tilespmem:s30+$0xFFFFFFC0] =	vst v23;
	v13 =	vor.u32 v2, v15  }
0x345: {  	v9 =	vor.u32 v3, v49;
	v24 =	vld.idx.msk [tilespmem:v59+s16+$0x0], $0xffff;
	[tilespmem:s30+$0xFFFFFF80] =	vst v17  }
0x346: {  	v60 =	vor.u32 v2, v53;
	v63 =	vld.idx.msk [tilespmem:v14+s16+$0x0], $0xffff;
	[tilespmem:s30+$0xFFFFFFE0] =	vst v8  }
0x347: {  	v14 =	vld.idx.msk [tilespmem:v61+s16+$0x0], $0xffff;
	[tilespmem:s30+$0xFFFFFFD0] =	vst v16;
	v16 =	vor.u32 v3, v50  }
0x348: {  	v12 =	vld.idx.msk [tilespmem:v12+s16+$0x0], $0xffff;
	[tilespmem:s30+$0x70] =	vst v11;
	v11 =	vor.u32 v3, v26  }
0x349: {  	v17 =	vor.u32 v3, v18;
	v62 =	vld.idx.msk [tilespmem:v13+s16+$0x0], $0xffff  }
0x34a: {  	v15 =	vor.u32 v3, v15;
	[tilespmem:s30+$0x10] =	vst v10;
	v9 =	vld.idx.msk [tilespmem:v9+s16+$0x0], $0xffff  }
0x34b: {  	[tilespmem:s30+$0x20] =	vst v24;
	v13 =	vld.idx.msk [tilespmem:v60+s16+$0x0], $0xffff  }
0x34c: {  	[tilespmem:s30+$0x0] =	vst v63;
	v10 =	vld.idx.msk [tilespmem:v16+s16+$0x0], $0xffff  }
0x34d: {  	[tilespmem:s30+$0x30] =	vst v12;
	v11 =	vld.idx.msk [tilespmem:v11+s16+$0x0], $0xffff  }
0x34e: {  	s31 =	simm.s32 $0x3A70;
	s28 =	simm.s32 $0xABF0;
	v7 =	vor.u32 v3, v7;
	[tilespmem:s30+$0x40] =	vst v62;
	v12 =	vld.idx.msk [tilespmem:v17+s16+$0x0], $0xffff  }
0x34f: {  	s0 =	simm.s32 $0x3740;
	s1 =	simm.s32 $0x8;
	s26 =	sor.u32 $0x1, s25;
	v8 =	vor.u32 v3, v54;
	[tilespmem:s30+$0xF0] =	vst v9;
	v9 =	vor.u32 v3, v53;
	v15 =	vld.idx.msk [tilespmem:v15+s16+$0x0], $0xffff  }
.LBB2_15:
0x350: {  	v16 =	vld [tilespmem:s0+$0x30];
	s1 =	sadd.s32 $0x8, s1;
	[tilespmem:s30+$0x50] =	vst v13  }
0x351: {  	v13 =	vld [tilespmem:s0+$0xFFFFFFD0];
	p1 =	slt.u32 s1, $0x38;
	[tilespmem:s30+$0x60] =	vst v14  }
0x352: {  	v14 =	vld [tilespmem:s0+$0xFFFFFFE0];
	[tilespmem:s29+$0x80] =	vst v6  }
0x353: {  	v6 =	vld [tilespmem:s0+$0xFFFFFFF0];
	[tilespmem:s30+$0x90] =	vst v10  }
0x354: {  	v10 =	vld [tilespmem:s0+$0x0];
	[tilespmem:s30+$0xA0] =	vst v11  }
0x355: {  	v11 =	vld [tilespmem:s0+$0x10];
	v16 =	vshll.u32 v16, $0x6;
	[tilespmem:s30+$0xB0] =	vst v12  }
0x356: {  	v12 =	vshll.u32 v13, $0x6;
	v13 =	vld [tilespmem:s0+$0x20];
	v17 =	vor.u32 v0, v16;
	[tilespmem:s30+$0xC0] =	vst v15  }
0x357: {  	v15 =	vld [tilespmem:s0+$0xFFFFFFC0];
	v18 =	vor.u32 v0, v12;
	v19 =	vor.u32 v1, v12;
	v14 =	vshll.u32 v14, $0x6;
	[tilespmem:s29+$0xD0] =	vst v4  }
0x358: {  	v20 =	vor.u32 v0, v14;
	v21 =	vor.u32 v1, v14;
	v22 =	vshll.u32 v6, $0x6;
	v6 =	vld.idx.msk [tilespmem:v7+s16+$0x0], $0xffff;
	[tilespmem:s29+$0xE0] =	vst v5;
	s29 =	smov.u32 s30  }
0x359: {  	v7 =	vor.u32 v0, v22;
	v23 =	vor.u32 v1, v22;
	v10 =	vshll.u32 v10, $0x6;
	v4 =	vld.idx.msk [tilespmem:v9+s16+$0x0], $0xffff  }
0x35a: {  	v9 =	vor.u32 v0, v10;
	v24 =	vor.u32 v1, v10;
	v11 =	vshll.u32 v11, $0x6;
	v5 =	vld.idx.msk [tilespmem:v8+s16+$0x0], $0xffff  }
0x35b: {  	v8 =	vor.u32 v0, v11;
	v25 =	vor.u32 v1, v11;
	v13 =	vshll.u32 v13, $0x6;
	v17 =	vld.idx.msk [tilespmem:v17+s16+$0x0], $0xffff  }
0x35c: {  	v15 =	vshll.u32 v15, $0x6;
	v18 =	vld.idx.msk [tilespmem:v18+s16+$0x0], $0xffff;
	v26 =	vor.u32 v0, v13;
	v27 =	vor.u32 v1, v13  }
0x35d: {  	v30 =	vor.u32 v1, v16;
	v28 =	vor.u32 v0, v15;
	v29 =	vor.u32 v1, v15;
	v20 =	vld.idx.msk [tilespmem:v20+s16+$0x0], $0xffff  }
0x35e: {  	v32 =	vor.u32 v2, v12;
	v33 =	vor.u32 v2, v14;
	v31 =	vor.u32 v2, v15;
	v34 =	vld.idx.msk [tilespmem:v7+s16+$0x0], $0xffff  }
0x35f: {  	v35 =	vor.u32 v2, v22;
	v37 =	vor.u32 v2, v10;
	v38 =	vor.u32 v2, v11;
	v36 =	vld.idx.msk [tilespmem:v9+s16+$0x0], $0xffff  }
0x360: {  	v12 =	vor.u32 v3, v12;
	s30 =	sadd.s32 $0x200, s30;
	v39 =	vor.u32 v2, v13;
	v7 =	vor.u32 v3, v15;
	v15 =	vld.idx.msk [tilespmem:v8+s16+$0x0], $0xffff  }
0x361: {  	v40 =	vor.u32 v3, v14;
	v22 =	vor.u32 v3, v22;
	v14 =	vld.idx.msk [tilespmem:v26+s16+$0x0], $0xffff;
	[tilespmem:s30+$0xFFFFFF70] =	vst v17  }
0x362: {  	v9 =	vor.u32 v3, v11;
	v17 =	vor.u32 v3, v10;
	[tilespmem:s30+$0xFFFFFF10] =	vst v18;
	v10 =	vld.idx.msk [tilespmem:v30+s16+$0x0], $0xffff  }
0x363: {  	v8 =	vor.u32 v3, v13;
	v11 =	vld.idx.msk [tilespmem:v28+s16+$0x0], $0xffff;
	[tilespmem:s30+$0xFFFFFF20] =	vst v20  }
0x364: {  	v18 =	vor.u32 v2, v16;
	v13 =	vld.idx.msk [tilespmem:v19+s16+$0x0], $0xffff;
	[tilespmem:s30+$0xFFFFFF30] =	vst v34  }
0x365: {  	v19 =	vld.idx.msk [tilespmem:v21+s16+$0x0], $0xffff;
	[tilespmem:s30+$0xFFFFFF40] =	vst v36  }
0x366: {  	v20 =	vld.idx.msk [tilespmem:v23+s16+$0x0], $0xffff;
	[tilespmem:s30+$0xFFFFFF50] =	vst v15  }
0x367: {  	v15 =	vld.idx.msk [tilespmem:v24+s16+$0x0], $0xffff;
	[tilespmem:s30+$0xFFFFFF60] =	vst v14  }
0x368: {  	v14 =	vld.idx.msk [tilespmem:v25+s16+$0x0], $0xffff;
	[tilespmem:s30+$0xFFFFFFF0] =	vst v10  }
0x369: {  	[tilespmem:s30+$0xFFFFFF00] =	vst v11;
	v10 =	vld.idx.msk [tilespmem:v18+s16+$0x0], $0xffff  }
0x36a: {  	v11 =	vld.idx.msk [tilespmem:v29+s16+$0x0], $0xffff;
	[tilespmem:s30+$0xFFFFFF90] =	vst v13  }
0x36b: {  	v16 =	vor.u32 v3, v16;
	[tilespmem:s30+$0xFFFFFFA0] =	vst v19;
	v13 =	vld.idx.msk [tilespmem:v27+s16+$0x0], $0xffff  }
0x36c: {  	v18 =	vld.idx.msk [tilespmem:v32+s16+$0x0], $0xffff;
	[tilespmem:s30+$0xFFFFFFB0] =	vst v20  }
0x36d: {  	v19 =	vld.idx.msk [tilespmem:v33+s16+$0x0], $0xffff;
	[tilespmem:s30+$0xFFFFFFC0] =	vst v15  }
0x36e: {  	v15 =	vld.idx.msk [tilespmem:v35+s16+$0x0], $0xffff;
	[tilespmem:s30+$0xFFFFFFD0] =	vst v14  }
0x36f: {  	v20 =	vld.idx.msk [tilespmem:v37+s16+$0x0], $0xffff;
	[tilespmem:s30+$0x70] =	vst v10  }
0x370: {  	[tilespmem:s30+$0xFFFFFF80] =	vst v11;
	v16 =	vld.idx.msk [tilespmem:v16+s16+$0x0], $0xffff  }
0x371: {  	v21 =	vld.idx.msk [tilespmem:v31+s16+$0x0], $0xffff;
	[tilespmem:s30+$0xFFFFFFE0] =	vst v13  }
0x372: {  	[tilespmem:s30+$0x10] =	vst v18;
	v13 =	vld.idx.msk [tilespmem:v38+s16+$0x0], $0xffff  }
.Ltmp8:
0x373: {  	[tilespmem:s30+$0x20] =	vst v19;
	v14 =	vld.idx.msk [tilespmem:v39+s16+$0x0], $0xffff;
	(pc) =	sbr.rel @p1 .LBB2_15-.Ltmp8, $4  }
0x374: {  	v10 =	vld.idx.msk [tilespmem:v12+s16+$0x0], $0xffff;
	[tilespmem:s30+$0x30] =	vst v15  }
0x375: {  	v11 =	vld.idx.msk [tilespmem:v40+s16+$0x0], $0xffff;
	[tilespmem:s30+$0x40] =	vst v20  }
0x376: {  	v12 =	vld.idx.msk [tilespmem:v22+s16+$0x0], $0xffff;
	[tilespmem:s30+$0xF0] =	vst v16  }
0x377: {  	s0 =	sadd.s32 $0x80, s0;
	[tilespmem:s30+$0x0] =	vst v21;
	v15 =	vld.idx.msk [tilespmem:v17+s16+$0x0], $0xffff  }
0x378: {  	[tilespmem:s30+$0x50] =	vst v13  }
0x379: {  	[tilespmem:s30+$0x60] =	vst v14  }
0x37a: {  	[tilespmem:s29+$0x80] =	vst v6  }
0x37b: {  	[tilespmem:s29+$0xD0] =	vst v4  }
0x37c: {  	v6 =	vld.idx.msk [tilespmem:v7+s16+$0x0], $0xffff;
	[tilespmem:s29+$0xE0] =	vst v5  }
0x37d: {  	[tilespmem:s30+$0x90] =	vst v10;
	v7 =	vld.idx.msk [tilespmem:v9+s16+$0x0], $0xffff  }
0x37e: {  	v8 =	vld.idx.msk [tilespmem:v8+s16+$0x0], $0xffff;
	[tilespmem:s30+$0xA0] =	vst v11  }
0x37f: {  	[tilespmem:s30+$0xB0] =	vst v12  }
0x380: {  	[tilespmem:s30+$0xC0] =	vst v15  }
0x381: {  	[tilespmem:s30+$0x80] =	vst v6  }
0x382: {  	[tilespmem:s30+$0xD0] =	vst v7  }
0x383: {  	[tilespmem:s30+$0xE0] =	vst v8  }
0x384: {  	v4 =	vld [tilespmem:s31+$0x0]  }
0x385: {  	v5 =	vld [tilespmem:s31+$0xFFFFFFA0]  }
0x386: {  	v6 =	vld [tilespmem:s31+$0xFFFFFFB0]  }
0x387: {  	v7 =	vld [tilespmem:s31+$0xFFFFFFC0]  }
0x388: {  	v8 =	vld [tilespmem:s31+$0xFFFFFFD0]  }
0x389: {  	v9 =	vld [tilespmem:s31+$0xFFFFFFE0];
	v4 =	vshll.u32 v4, $0x6  }
0x38a: {  	v10 =	vld [tilespmem:s31+$0xFFFFFFF0];
	v5 =	vshll.u32 v5, $0x6;
	v11 =	vor.u32 v0, v4  }
0x38b: {  	s0 =	simm.s32 $0x3AF0;
	v13 =	vld [tilespmem:s31+$0xFFFFFF90];
	v6 =	vshll.u32 v6, $0x6;
	v12 =	vor.u32 v0, v5  }
0x38c: {  	v46 =	vld [tilespmem:s0+$0xFFFFFFC0];
	v7 =	vshll.u32 v7, $0x6;
	v14 =	vor.u32 v0, v6  }
0x38d: {  	v47 =	vld [tilespmem:s0+$0xFFFFFFD0];
	v8 =	vshll.u32 v8, $0x6;
	v15 =	vor.u32 v0, v7  }
0x38e: {  	v51 =	vld [tilespmem:s0+$0xFFFFFFF0];
	v9 =	vshll.u32 v9, $0x6;
	v16 =	vor.u32 v0, v8  }
0x38f: {  	v10 =	vshll.u32 v10, $0x6;
	v17 =	vor.u32 v0, v9;
	v11 =	vld.idx.msk [tilespmem:v11+s16+$0x0], $0xffff  }
0x390: {  	v13 =	vshll.u32 v13, $0x6;
	v18 =	vor.u32 v0, v10;
	v12 =	vld.idx.msk [tilespmem:v12+s16+$0x0], $0xffff  }
0x391: {  	v20 =	vor.u32 v0, v13;
	v14 =	vld.idx.msk [tilespmem:v14+s16+$0x0], $0xffff  }
0x392: {  	v19 =	vor.u32 v1, v4;
	v15 =	vld.idx.msk [tilespmem:v15+s16+$0x0], $0xffff  }
0x393: {  	v21 =	vor.u32 v1, v5;
	v16 =	vld.idx.msk [tilespmem:v16+s16+$0x0], $0xffff  }
0x394: {  	v22 =	vor.u32 v1, v6;
	v17 =	vld.idx.msk [tilespmem:v17+s16+$0x0], $0xffff  }
0x395: {  	v23 =	vor.u32 v1, v7;
	v18 =	vld.idx.msk [tilespmem:v18+s16+$0x0], $0xffff;
	[tilespmem:s28+$0xFFFFFE80] =	vst v11  }
0x396: {  	v24 =	vor.u32 v1, v9;
	[tilespmem:s28+$0xFFFFFE20] =	vst v12;
	v12 =	vld.idx.msk [tilespmem:v20+s16+$0x0], $0xffff  }
0x397: {  	v11 =	vor.u32 v1, v8;
	[tilespmem:s28+$0xFFFFFE30] =	vst v14;
	v19 =	vld.idx.msk [tilespmem:v19+s16+$0x0], $0xffff  }
0x398: {  	v38 =	vor.u32 v1, v10;
	[tilespmem:s28+$0xFFFFFE40] =	vst v15;
	v14 =	vld.idx.msk [tilespmem:v21+s16+$0x0], $0xffff  }
0x399: {  	v36 =	vor.u32 v2, v4;
	[tilespmem:s28+$0xFFFFFE50] =	vst v16;
	v15 =	vld.idx.msk [tilespmem:v22+s16+$0x0], $0xffff  }
0x39a: {  	v39 =	vor.u32 v2, v5;
	[tilespmem:s28+$0xFFFFFE60] =	vst v17;
	v16 =	vld.idx.msk [tilespmem:v23+s16+$0x0], $0xffff  }
0x39b: {  	v17 =	vor.u32 v2, v6;
	[tilespmem:s28+$0xFFFFFE70] =	vst v18;
	v24 =	vld.idx.msk [tilespmem:v24+s16+$0x0], $0xffff  }
0x39c: {  	v37 =	vor.u32 v1, v13;
	v11 =	vld.idx.msk [tilespmem:v11+s16+$0x0], $0xffff;
	[tilespmem:s28+$0xFFFFFF00] =	vst v19  }
0x39d: {  	v40 =	vor.u32 v2, v7;
	[tilespmem:s28+$0xFFFFFEA0] =	vst v14;
	v14 =	vld.idx.msk [tilespmem:v38+s16+$0x0], $0xffff  }
0x39e: {  	v41 =	vor.u32 v2, v8;
	[tilespmem:s28+$0xFFFFFE10] =	vst v12;
	v12 =	vld.idx.msk [tilespmem:v36+s16+$0x0], $0xffff  }
0x39f: {  	v44 =	vor.u32 v2, v9;
	[tilespmem:s28+$0xFFFFFEB0] =	vst v15;
	v15 =	vld.idx.msk [tilespmem:v39+s16+$0x0], $0xffff  }
0x3a0: {  	[tilespmem:s28+$0xFFFFFEC0] =	vst v16;
	v16 =	vld.idx.msk [tilespmem:v17+s16+$0x0], $0xffff;
	v17 =	vor.u32 v2, v10  }
0x3a1: {  	v4 =	vor.u32 v3, v4;
	v42 =	vld.idx.msk [tilespmem:v37+s16+$0x0], $0xffff;
	[tilespmem:s28+$0xFFFFFEE0] =	vst v24  }
0x3a2: {  	v43 =	vor.u32 v2, v13;
	[tilespmem:s28+$0xFFFFFED0] =	vst v11;
	v11 =	vld.idx.msk [tilespmem:v40+s16+$0x0], $0xffff  }
0x3a3: {  	v5 =	vor.u32 v3, v5;
	v45 =	vld.idx.msk [tilespmem:v41+s16+$0x0], $0xffff;
	[tilespmem:s28+$0xFFFFFEF0] =	vst v14  }
0x3a4: {  	v14 =	vld.idx.msk [tilespmem:v44+s16+$0x0], $0xffff;
	[tilespmem:s28+$0xFFFFFF80] =	vst v12  }
0x3a5: {  	v6 =	vor.u32 v3, v6;
	[tilespmem:s28+$0xFFFFFF20] =	vst v15;
	v15 =	vld.idx.msk [tilespmem:v17+s16+$0x0], $0xffff  }
0x3a6: {  	[tilespmem:s28+$0xFFFFFE90] =	vst v42;
	v12 =	vld.idx.msk [tilespmem:v4+s16+$0x0], $0xffff  }
0x3a7: {  	v4 =	vor.u32 v3, v7;
	v7 =	vld.idx.msk [tilespmem:v43+s16+$0x0], $0xffff  }
0x3a8: {  	[tilespmem:s28+$0xFFFFFF30] =	vst v16;
	v16 =	vld.idx.msk [tilespmem:v5+s16+$0x0], $0xffff  }
0x3a9: {  	v54 =	vshll.u32 v51, $0x6;
	v5 =	vld [tilespmem:s0+$0xFFFFFFA0]  }
0x3aa: {  	v56 =	vor.u32 v0, v54;
	[tilespmem:s28+$0xFFFFFF40] =	vst v11;
	v11 =	vld.idx.msk [tilespmem:v6+s16+$0x0], $0xffff  }
0x3ab: {  	v6 =	vld [tilespmem:s0+$0xFFFFFFB0]  }
0x3ac: {  	v8 =	vor.u32 v3, v8;
	v17 =	vld.idx.msk [tilespmem:v4+s16+$0x0], $0xffff  }
0x3ad: {  	v9 =	vor.u32 v3, v9;
	v4 =	vld [tilespmem:s0+$0x0]  }
0x3ae: {  	v48 =	vld [tilespmem:s0+$0xFFFFFFE0];
	v10 =	vor.u32 v3, v10;
	[tilespmem:s28+$0xFFFFFF50] =	vst v45  }
0x3af: {  	v13 =	vor.u32 v3, v13;
	v24 =	vld.idx.msk [tilespmem:v56+s16+$0x0], $0xffff;
	[tilespmem:s28+$0xFFFFFF60] =	vst v14;
	v50 =	vshll.u32 v5, $0x6  }
0x3b0: {  	[tilespmem:s28+$0xFFFFFF10] =	vst v7;
	v7 =	vld [tilespmem:s0+$0xFFFFFF90];
	v25 =	vor.u32 v0, v50;
	v26 =	vshll.u32 v6, $0x6  }
0x3b1: {  	v8 =	vld.idx.msk [tilespmem:v8+s16+$0x0], $0xffff;
	[tilespmem:s28+$0xFFFFFF70] =	vst v15;
	v15 =	vshll.u32 v47, $0x6;
	v14 =	vor.u32 v0, v26  }
0x3b2: {  	v49 =	vshll.u32 v4, $0x6;
	v4 =	vld.idx.msk [tilespmem:v9+s16+$0x0], $0xffff;
	v9 =	vor.u32 v0, v15  }
0x3b3: {  	s30 =	simm.s32 $0xADF0;
	v18 =	vshll.u32 v46, $0x6;
	v5 =	vld.idx.msk [tilespmem:v10+s16+$0x0], $0xffff;
	v52 =	vor.u32 v0, v49  }
0x3b4: {  	v53 =	vshll.u32 v48, $0x6;
	[tilespmem:s30+$0xFFFFFE70] =	vst v24;
	v6 =	vld.idx.msk [tilespmem:v13+s16+$0x0], $0xffff;
	v13 =	vor.u32 v0, v18  }
0x3b5: {  	v10 =	vor.u32 v0, v53;
	[tilespmem:s28+$0x0] =	vst v12;
	v7 =	vshll.u32 v7, $0x6;
	v12 =	vld.idx.msk [tilespmem:v25+s16+$0x0], $0xffff  }
0x3b6: {  	[tilespmem:s28+$0xFFFFFFB0] =	vst v11;
	v11 =	vor.u32 v0, v7;
	v14 =	vld.idx.msk [tilespmem:v14+s16+$0x0], $0xffff  }
0x3b7: {  	[tilespmem:s28+$0xFFFFFFC0] =	vst v17;
	v17 =	vor.u32 v1, v50;
	v9 =	vld.idx.msk [tilespmem:v9+s16+$0x0], $0xffff  }
0x3b8: {  	[tilespmem:s28+$0xFFFFFFD0] =	vst v8;
	v8 =	vor.u32 v1, v26;
	v55 =	vld.idx.msk [tilespmem:v52+s16+$0x0], $0xffff  }
0x3b9: {  	[tilespmem:s28+$0xFFFFFFA0] =	vst v16;
	v16 =	vor.u32 v1, v49;
	v13 =	vld.idx.msk [tilespmem:v13+s16+$0x0], $0xffff  }
0x3ba: {  	v57 =	vor.u32 v1, v18;
	v10 =	vld.idx.msk [tilespmem:v10+s16+$0x0], $0xffff;
	[tilespmem:s30+$0xFFFFFE20] =	vst v12  }
0x3bb: {  	v58 =	vor.u32 v1, v15;
	v11 =	vld.idx.msk [tilespmem:v11+s16+$0x0], $0xffff;
	[tilespmem:s30+$0xFFFFFE30] =	vst v14  }
0x3bc: {  	v14 =	vld.idx.msk [tilespmem:v17+s16+$0x0], $0xffff;
	v17 =	vor.u32 v1, v7;
	[tilespmem:s30+$0xFFFFFE50] =	vst v9  }
0x3bd: {  	v8 =	vld.idx.msk [tilespmem:v8+s16+$0x0], $0xffff;
	v9 =	vor.u32 v1, v54;
	[tilespmem:s30+$0xFFFFFE80] =	vst v55  }
0x3be: {  	[tilespmem:s30+$0xFFFFFE40] =	vst v13;
	v12 =	vld.idx.msk [tilespmem:v16+s16+$0x0], $0xffff;
	v16 =	vor.u32 v1, v53  }
0x3bf: {  	[tilespmem:s30+$0xFFFFFE60] =	vst v10;
	v13 =	vor.u32 v2, v49;
	v25 =	vld.idx.msk [tilespmem:v57+s16+$0x0], $0xffff  }
0x3c0: {  	v10 =	vor.u32 v2, v50;
	v23 =	vld.idx.msk [tilespmem:v58+s16+$0x0], $0xffff;
	[tilespmem:s30+$0xFFFFFE10] =	vst v11  }
0x3c1: {  	v59 =	vor.u32 v2, v26;
	v17 =	vld.idx.msk [tilespmem:v17+s16+$0x0], $0xffff;
	[tilespmem:s30+$0xFFFFFEA0] =	vst v14  }
0x3c2: {  	v14 =	vor.u32 v2, v7;
	[tilespmem:s30+$0xFFFFFEB0] =	vst v8;
	v8 =	vld.idx.msk [tilespmem:v9+s16+$0x0], $0xffff  }
0x3c3: {  	v61 =	vor.u32 v2, v54;
	v16 =	vld.idx.msk [tilespmem:v16+s16+$0x0], $0xffff;
	[tilespmem:s30+$0xFFFFFF00] =	vst v12  }
0x3c4: {  	[tilespmem:s30+$0xFFFFFEC0] =	vst v25;
	v12 =	vor.u32 v2, v18;
	v11 =	vld.idx.msk [tilespmem:v13+s16+$0x0], $0xffff  }
0x3c5: {  	v10 =	vld.idx.msk [tilespmem:v10+s16+$0x0], $0xffff;
	[tilespmem:s30+$0xFFFFFED0] =	vst v23;
	v13 =	vor.u32 v2, v15  }
0x3c6: {  	v9 =	vor.u32 v3, v49;
	v24 =	vld.idx.msk [tilespmem:v59+s16+$0x0], $0xffff;
	[tilespmem:s30+$0xFFFFFE90] =	vst v17  }
0x3c7: {  	v60 =	vor.u32 v2, v53;
	v63 =	vld.idx.msk [tilespmem:v14+s16+$0x0], $0xffff;
	[tilespmem:s30+$0xFFFFFEF0] =	vst v8  }
0x3c8: {  	v14 =	vld.idx.msk [tilespmem:v61+s16+$0x0], $0xffff;
	[tilespmem:s30+$0xFFFFFEE0] =	vst v16;
	v16 =	vor.u32 v3, v50  }
0x3c9: {  	v12 =	vld.idx.msk [tilespmem:v12+s16+$0x0], $0xffff;
	[tilespmem:s30+$0xFFFFFF80] =	vst v11;
	v11 =	vor.u32 v3, v26  }
0x3ca: {  	v17 =	vor.u32 v3, v18;
	v62 =	vld.idx.msk [tilespmem:v13+s16+$0x0], $0xffff  }
0x3cb: {  	v15 =	vor.u32 v3, v15;
	[tilespmem:s30+$0xFFFFFF20] =	vst v10;
	v9 =	vld.idx.msk [tilespmem:v9+s16+$0x0], $0xffff  }
0x3cc: {  	[tilespmem:s30+$0xFFFFFF30] =	vst v24;
	v13 =	vld.idx.msk [tilespmem:v60+s16+$0x0], $0xffff  }
0x3cd: {  	[tilespmem:s30+$0xFFFFFF10] =	vst v63;
	v10 =	vld.idx.msk [tilespmem:v16+s16+$0x0], $0xffff  }
0x3ce: {  	[tilespmem:s30+$0xFFFFFF40] =	vst v12;
	v11 =	vld.idx.msk [tilespmem:v11+s16+$0x0], $0xffff  }
0x3cf: {  	s29 =	simm.s32 $0xBBF0;
	v7 =	vor.u32 v3, v7;
	[tilespmem:s30+$0xFFFFFF50] =	vst v62;
	v12 =	vld.idx.msk [tilespmem:v17+s16+$0x0], $0xffff  }
0x3d0: {  	s1 =	simm.s32 $0x8;
	s31 =	simm.s32 $0x3E70;
	s0 =	simm.s32 $0x3B70;
	v8 =	vor.u32 v3, v54;
	[tilespmem:s30+$0x0] =	vst v9;
	v9 =	vor.u32 v3, v53;
	v15 =	vld.idx.msk [tilespmem:v15+s16+$0x0], $0xffff  }
.LBB2_17:
0x3d1: {  	v16 =	vld [tilespmem:s0+$0x0];
	s1 =	sadd.s32 $0x8, s1;
	[tilespmem:s30+$0xFFFFFF60] =	vst v13  }
0x3d2: {  	v13 =	vld [tilespmem:s0+$0xFFFFFFA0];
	p1 =	slt.u32 s1, $0x38;
	[tilespmem:s30+$0xFFFFFF70] =	vst v14  }
0x3d3: {  	v14 =	vld [tilespmem:s0+$0xFFFFFFB0];
	[tilespmem:s28+$0xFFFFFF90] =	vst v6  }
0x3d4: {  	v6 =	vld [tilespmem:s0+$0xFFFFFFC0];
	[tilespmem:s30+$0xFFFFFFA0] =	vst v10  }
0x3d5: {  	v10 =	vld [tilespmem:s0+$0xFFFFFFD0];
	[tilespmem:s30+$0xFFFFFFB0] =	vst v11  }
0x3d6: {  	v11 =	vld [tilespmem:s0+$0xFFFFFFE0];
	v16 =	vshll.u32 v16, $0x6;
	[tilespmem:s30+$0xFFFFFFC0] =	vst v12  }
0x3d7: {  	v12 =	vshll.u32 v13, $0x6;
	v13 =	vld [tilespmem:s0+$0xFFFFFFF0];
	v17 =	vor.u32 v0, v16;
	[tilespmem:s30+$0xFFFFFFD0] =	vst v15  }
0x3d8: {  	v15 =	vld [tilespmem:s0+$0xFFFFFF90];
	v18 =	vor.u32 v0, v12;
	v19 =	vor.u32 v1, v12;
	v14 =	vshll.u32 v14, $0x6;
	[tilespmem:s28+$0xFFFFFFE0] =	vst v4  }
0x3d9: {  	v20 =	vor.u32 v0, v14;
	v21 =	vor.u32 v1, v14;
	v22 =	vshll.u32 v6, $0x6;
	v6 =	vld.idx.msk [tilespmem:v7+s16+$0x0], $0xffff;
	[tilespmem:s28+$0xFFFFFFF0] =	vst v5;
	s28 =	smov.u32 s30  }
0x3da: {  	v7 =	vor.u32 v0, v22;
	v23 =	vor.u32 v1, v22;
	v10 =	vshll.u32 v10, $0x6;
	v4 =	vld.idx.msk [tilespmem:v9+s16+$0x0], $0xffff  }
0x3db: {  	v9 =	vor.u32 v0, v10;
	v24 =	vor.u32 v1, v10;
	v11 =	vshll.u32 v11, $0x6;
	v5 =	vld.idx.msk [tilespmem:v8+s16+$0x0], $0xffff  }
0x3dc: {  	v8 =	vor.u32 v0, v11;
	v25 =	vor.u32 v1, v11;
	v13 =	vshll.u32 v13, $0x6;
	v17 =	vld.idx.msk [tilespmem:v17+s16+$0x0], $0xffff  }
0x3dd: {  	v15 =	vshll.u32 v15, $0x6;
	v18 =	vld.idx.msk [tilespmem:v18+s16+$0x0], $0xffff;
	v26 =	vor.u32 v0, v13;
	v27 =	vor.u32 v1, v13  }
0x3de: {  	v30 =	vor.u32 v1, v16;
	v28 =	vor.u32 v0, v15;
	v29 =	vor.u32 v1, v15;
	v20 =	vld.idx.msk [tilespmem:v20+s16+$0x0], $0xffff  }
0x3df: {  	v32 =	vor.u32 v2, v12;
	v33 =	vor.u32 v2, v14;
	v31 =	vor.u32 v2, v15;
	v34 =	vld.idx.msk [tilespmem:v7+s16+$0x0], $0xffff  }
0x3e0: {  	v35 =	vor.u32 v2, v22;
	v37 =	vor.u32 v2, v10;
	v38 =	vor.u32 v2, v11;
	v36 =	vld.idx.msk [tilespmem:v9+s16+$0x0], $0xffff  }
0x3e1: {  	v12 =	vor.u32 v3, v12;
	s30 =	sadd.s32 $0x200, s30;
	v39 =	vor.u32 v2, v13;
	v7 =	vor.u32 v3, v15;
	v15 =	vld.idx.msk [tilespmem:v8+s16+$0x0], $0xffff  }
0x3e2: {  	v40 =	vor.u32 v3, v14;
	v22 =	vor.u32 v3, v22;
	v14 =	vld.idx.msk [tilespmem:v26+s16+$0x0], $0xffff;
	[tilespmem:s30+$0xFFFFFE80] =	vst v17  }
0x3e3: {  	v9 =	vor.u32 v3, v11;
	v17 =	vor.u32 v3, v10;
	[tilespmem:s30+$0xFFFFFE20] =	vst v18;
	v10 =	vld.idx.msk [tilespmem:v30+s16+$0x0], $0xffff  }
0x3e4: {  	v8 =	vor.u32 v3, v13;
	v11 =	vld.idx.msk [tilespmem:v28+s16+$0x0], $0xffff;
	[tilespmem:s30+$0xFFFFFE30] =	vst v20  }
0x3e5: {  	v18 =	vor.u32 v2, v16;
	v13 =	vld.idx.msk [tilespmem:v19+s16+$0x0], $0xffff;
	[tilespmem:s30+$0xFFFFFE40] =	vst v34  }
0x3e6: {  	v19 =	vld.idx.msk [tilespmem:v21+s16+$0x0], $0xffff;
	[tilespmem:s30+$0xFFFFFE50] =	vst v36  }
0x3e7: {  	v20 =	vld.idx.msk [tilespmem:v23+s16+$0x0], $0xffff;
	[tilespmem:s30+$0xFFFFFE60] =	vst v15  }
0x3e8: {  	v15 =	vld.idx.msk [tilespmem:v24+s16+$0x0], $0xffff;
	[tilespmem:s30+$0xFFFFFE70] =	vst v14  }
0x3e9: {  	v14 =	vld.idx.msk [tilespmem:v25+s16+$0x0], $0xffff;
	[tilespmem:s30+$0xFFFFFF00] =	vst v10  }
0x3ea: {  	[tilespmem:s30+$0xFFFFFE10] =	vst v11;
	v10 =	vld.idx.msk [tilespmem:v18+s16+$0x0], $0xffff  }
0x3eb: {  	v11 =	vld.idx.msk [tilespmem:v29+s16+$0x0], $0xffff;
	[tilespmem:s30+$0xFFFFFEA0] =	vst v13  }
0x3ec: {  	v16 =	vor.u32 v3, v16;
	[tilespmem:s30+$0xFFFFFEB0] =	vst v19;
	v13 =	vld.idx.msk [tilespmem:v27+s16+$0x0], $0xffff  }
0x3ed: {  	v18 =	vld.idx.msk [tilespmem:v32+s16+$0x0], $0xffff;
	[tilespmem:s30+$0xFFFFFEC0] =	vst v20  }
0x3ee: {  	v19 =	vld.idx.msk [tilespmem:v33+s16+$0x0], $0xffff;
	[tilespmem:s30+$0xFFFFFED0] =	vst v15  }
0x3ef: {  	v15 =	vld.idx.msk [tilespmem:v35+s16+$0x0], $0xffff;
	[tilespmem:s30+$0xFFFFFEE0] =	vst v14  }
0x3f0: {  	v20 =	vld.idx.msk [tilespmem:v37+s16+$0x0], $0xffff;
	[tilespmem:s30+$0xFFFFFF80] =	vst v10  }
0x3f1: {  	[tilespmem:s30+$0xFFFFFE90] =	vst v11;
	v16 =	vld.idx.msk [tilespmem:v16+s16+$0x0], $0xffff  }
0x3f2: {  	v21 =	vld.idx.msk [tilespmem:v31+s16+$0x0], $0xffff;
	[tilespmem:s30+$0xFFFFFEF0] =	vst v13  }
0x3f3: {  	[tilespmem:s30+$0xFFFFFF20] =	vst v18;
	v13 =	vld.idx.msk [tilespmem:v38+s16+$0x0], $0xffff  }
.Ltmp9:
0x3f4: {  	[tilespmem:s30+$0xFFFFFF30] =	vst v19;
	v14 =	vld.idx.msk [tilespmem:v39+s16+$0x0], $0xffff;
	(pc) =	sbr.rel @p1 .LBB2_17-.Ltmp9, $4  }
0x3f5: {  	v10 =	vld.idx.msk [tilespmem:v12+s16+$0x0], $0xffff;
	[tilespmem:s30+$0xFFFFFF40] =	vst v15  }
0x3f6: {  	v11 =	vld.idx.msk [tilespmem:v40+s16+$0x0], $0xffff;
	[tilespmem:s30+$0xFFFFFF50] =	vst v20  }
0x3f7: {  	v12 =	vld.idx.msk [tilespmem:v22+s16+$0x0], $0xffff;
	[tilespmem:s30+$0x0] =	vst v16  }
0x3f8: {  	s0 =	sadd.s32 $0x80, s0;
	[tilespmem:s30+$0xFFFFFF10] =	vst v21;
	v15 =	vld.idx.msk [tilespmem:v17+s16+$0x0], $0xffff  }
0x3f9: {  	[tilespmem:s30+$0xFFFFFF60] =	vst v13  }
0x3fa: {  	[tilespmem:s30+$0xFFFFFF70] =	vst v14  }
0x3fb: {  	[tilespmem:s28+$0xFFFFFF90] =	vst v6  }
0x3fc: {  	[tilespmem:s28+$0xFFFFFFE0] =	vst v4  }
0x3fd: {  	v6 =	vld.idx.msk [tilespmem:v7+s16+$0x0], $0xffff;
	[tilespmem:s28+$0xFFFFFFF0] =	vst v5  }
0x3fe: {  	[tilespmem:s30+$0xFFFFFFA0] =	vst v10;
	v7 =	vld.idx.msk [tilespmem:v9+s16+$0x0], $0xffff  }
0x3ff: {  	v8 =	vld.idx.msk [tilespmem:v8+s16+$0x0], $0xffff;
	[tilespmem:s30+$0xFFFFFFB0] =	vst v11  }
0x400: {  	[tilespmem:s30+$0xFFFFFFC0] =	vst v12  }
0x401: {  	[tilespmem:s30+$0xFFFFFFD0] =	vst v15  }
0x402: {  	[tilespmem:s30+$0xFFFFFF90] =	vst v6  }
0x403: {  	[tilespmem:s30+$0xFFFFFFE0] =	vst v7  }
0x404: {  	[tilespmem:s30+$0xFFFFFFF0] =	vst v8  }
0x405: {  	v4 =	vld [tilespmem:s31+$0x0]  }
0x406: {  	v5 =	vld [tilespmem:s31+$0xFFFFFFA0]  }
0x407: {  	v6 =	vld [tilespmem:s31+$0xFFFFFFB0]  }
0x408: {  	v7 =	vld [tilespmem:s31+$0xFFFFFFC0]  }
0x409: {  	v8 =	vld [tilespmem:s31+$0xFFFFFFD0]  }
0x40a: {  	v9 =	vld [tilespmem:s31+$0xFFFFFFE0];
	v4 =	vshll.u32 v4, $0x6  }
0x40b: {  	v10 =	vld [tilespmem:s31+$0xFFFFFFF0];
	v5 =	vshll.u32 v5, $0x6;
	v11 =	vor.u32 v0, v4  }
0x40c: {  	s0 =	simm.s32 $0x3EF0;
	v13 =	vld [tilespmem:s31+$0xFFFFFF90];
	v6 =	vshll.u32 v6, $0x6;
	v12 =	vor.u32 v0, v5  }
0x40d: {  	v46 =	vld [tilespmem:s0+$0xFFFFFFC0];
	v7 =	vshll.u32 v7, $0x6;
	v14 =	vor.u32 v0, v6  }
0x40e: {  	v47 =	vld [tilespmem:s0+$0xFFFFFFD0];
	v8 =	vshll.u32 v8, $0x6;
	v15 =	vor.u32 v0, v7  }
0x40f: {  	v51 =	vld [tilespmem:s0+$0xFFFFFFF0];
	v9 =	vshll.u32 v9, $0x6;
	v16 =	vor.u32 v0, v8  }
0x410: {  	v10 =	vshll.u32 v10, $0x6;
	v17 =	vor.u32 v0, v9;
	v11 =	vld.idx.msk [tilespmem:v11+s16+$0x0], $0xffff  }
0x411: {  	v13 =	vshll.u32 v13, $0x6;
	v18 =	vor.u32 v0, v10;
	v12 =	vld.idx.msk [tilespmem:v12+s16+$0x0], $0xffff  }
0x412: {  	v20 =	vor.u32 v0, v13;
	v14 =	vld.idx.msk [tilespmem:v14+s16+$0x0], $0xffff  }
0x413: {  	v19 =	vor.u32 v1, v4;
	v15 =	vld.idx.msk [tilespmem:v15+s16+$0x0], $0xffff  }
0x414: {  	v21 =	vor.u32 v1, v5;
	v16 =	vld.idx.msk [tilespmem:v16+s16+$0x0], $0xffff  }
0x415: {  	v22 =	vor.u32 v1, v6;
	v17 =	vld.idx.msk [tilespmem:v17+s16+$0x0], $0xffff  }
0x416: {  	v23 =	vor.u32 v1, v7;
	v18 =	vld.idx.msk [tilespmem:v18+s16+$0x0], $0xffff;
	[tilespmem:s29+$0xFFFFFE80] =	vst v11  }
0x417: {  	v24 =	vor.u32 v1, v9;
	[tilespmem:s29+$0xFFFFFE20] =	vst v12;
	v12 =	vld.idx.msk [tilespmem:v20+s16+$0x0], $0xffff  }
0x418: {  	v11 =	vor.u32 v1, v8;
	[tilespmem:s29+$0xFFFFFE30] =	vst v14;
	v19 =	vld.idx.msk [tilespmem:v19+s16+$0x0], $0xffff  }
0x419: {  	v38 =	vor.u32 v1, v10;
	[tilespmem:s29+$0xFFFFFE40] =	vst v15;
	v14 =	vld.idx.msk [tilespmem:v21+s16+$0x0], $0xffff  }
0x41a: {  	v36 =	vor.u32 v2, v4;
	[tilespmem:s29+$0xFFFFFE50] =	vst v16;
	v15 =	vld.idx.msk [tilespmem:v22+s16+$0x0], $0xffff  }
0x41b: {  	v39 =	vor.u32 v2, v5;
	[tilespmem:s29+$0xFFFFFE60] =	vst v17;
	v16 =	vld.idx.msk [tilespmem:v23+s16+$0x0], $0xffff  }
0x41c: {  	v17 =	vor.u32 v2, v6;
	[tilespmem:s29+$0xFFFFFE70] =	vst v18;
	v24 =	vld.idx.msk [tilespmem:v24+s16+$0x0], $0xffff  }
0x41d: {  	v37 =	vor.u32 v1, v13;
	v11 =	vld.idx.msk [tilespmem:v11+s16+$0x0], $0xffff;
	[tilespmem:s29+$0xFFFFFF00] =	vst v19  }
0x41e: {  	v40 =	vor.u32 v2, v7;
	[tilespmem:s29+$0xFFFFFEA0] =	vst v14;
	v14 =	vld.idx.msk [tilespmem:v38+s16+$0x0], $0xffff  }
0x41f: {  	v41 =	vor.u32 v2, v8;
	[tilespmem:s29+$0xFFFFFE10] =	vst v12;
	v12 =	vld.idx.msk [tilespmem:v36+s16+$0x0], $0xffff  }
0x420: {  	v44 =	vor.u32 v2, v9;
	[tilespmem:s29+$0xFFFFFEB0] =	vst v15;
	v15 =	vld.idx.msk [tilespmem:v39+s16+$0x0], $0xffff  }
0x421: {  	[tilespmem:s29+$0xFFFFFEC0] =	vst v16;
	v16 =	vld.idx.msk [tilespmem:v17+s16+$0x0], $0xffff;
	v17 =	vor.u32 v2, v10  }
0x422: {  	v4 =	vor.u32 v3, v4;
	v42 =	vld.idx.msk [tilespmem:v37+s16+$0x0], $0xffff;
	[tilespmem:s29+$0xFFFFFEE0] =	vst v24  }
0x423: {  	v43 =	vor.u32 v2, v13;
	[tilespmem:s29+$0xFFFFFED0] =	vst v11;
	v11 =	vld.idx.msk [tilespmem:v40+s16+$0x0], $0xffff  }
0x424: {  	v5 =	vor.u32 v3, v5;
	v45 =	vld.idx.msk [tilespmem:v41+s16+$0x0], $0xffff;
	[tilespmem:s29+$0xFFFFFEF0] =	vst v14  }
0x425: {  	v14 =	vld.idx.msk [tilespmem:v44+s16+$0x0], $0xffff;
	[tilespmem:s29+$0xFFFFFF80] =	vst v12  }
0x426: {  	v6 =	vor.u32 v3, v6;
	[tilespmem:s29+$0xFFFFFF20] =	vst v15;
	v15 =	vld.idx.msk [tilespmem:v17+s16+$0x0], $0xffff  }
0x427: {  	[tilespmem:s29+$0xFFFFFE90] =	vst v42;
	v12 =	vld.idx.msk [tilespmem:v4+s16+$0x0], $0xffff  }
0x428: {  	v4 =	vor.u32 v3, v7;
	v7 =	vld.idx.msk [tilespmem:v43+s16+$0x0], $0xffff  }
0x429: {  	[tilespmem:s29+$0xFFFFFF30] =	vst v16;
	v16 =	vld.idx.msk [tilespmem:v5+s16+$0x0], $0xffff  }
0x42a: {  	v54 =	vshll.u32 v51, $0x6;
	v5 =	vld [tilespmem:s0+$0xFFFFFFA0]  }
0x42b: {  	v56 =	vor.u32 v0, v54;
	[tilespmem:s29+$0xFFFFFF40] =	vst v11;
	v11 =	vld.idx.msk [tilespmem:v6+s16+$0x0], $0xffff  }
0x42c: {  	v6 =	vld [tilespmem:s0+$0xFFFFFFB0]  }
0x42d: {  	v8 =	vor.u32 v3, v8;
	v17 =	vld.idx.msk [tilespmem:v4+s16+$0x0], $0xffff  }
0x42e: {  	v9 =	vor.u32 v3, v9;
	v4 =	vld [tilespmem:s0+$0x0]  }
0x42f: {  	v48 =	vld [tilespmem:s0+$0xFFFFFFE0];
	v10 =	vor.u32 v3, v10;
	[tilespmem:s29+$0xFFFFFF50] =	vst v45  }
0x430: {  	v13 =	vor.u32 v3, v13;
	v24 =	vld.idx.msk [tilespmem:v56+s16+$0x0], $0xffff;
	[tilespmem:s29+$0xFFFFFF60] =	vst v14;
	v50 =	vshll.u32 v5, $0x6  }
0x431: {  	[tilespmem:s29+$0xFFFFFF10] =	vst v7;
	v7 =	vld [tilespmem:s0+$0xFFFFFF90];
	v25 =	vor.u32 v0, v50;
	v26 =	vshll.u32 v6, $0x6  }
0x432: {  	v8 =	vld.idx.msk [tilespmem:v8+s16+$0x0], $0xffff;
	[tilespmem:s29+$0xFFFFFF70] =	vst v15;
	v15 =	vshll.u32 v47, $0x6;
	v14 =	vor.u32 v0, v26  }
0x433: {  	v49 =	vshll.u32 v4, $0x6;
	v4 =	vld.idx.msk [tilespmem:v9+s16+$0x0], $0xffff;
	v9 =	vor.u32 v0, v15  }
0x434: {  	s30 =	simm.s32 $0xBDF0;
	v18 =	vshll.u32 v46, $0x6;
	v5 =	vld.idx.msk [tilespmem:v10+s16+$0x0], $0xffff;
	v52 =	vor.u32 v0, v49  }
0x435: {  	v53 =	vshll.u32 v48, $0x6;
	[tilespmem:s30+$0xFFFFFE70] =	vst v24;
	v6 =	vld.idx.msk [tilespmem:v13+s16+$0x0], $0xffff;
	v13 =	vor.u32 v0, v18  }
0x436: {  	v10 =	vor.u32 v0, v53;
	[tilespmem:s29+$0x0] =	vst v12;
	v7 =	vshll.u32 v7, $0x6;
	v12 =	vld.idx.msk [tilespmem:v25+s16+$0x0], $0xffff  }
0x437: {  	[tilespmem:s29+$0xFFFFFFB0] =	vst v11;
	v11 =	vor.u32 v0, v7;
	v14 =	vld.idx.msk [tilespmem:v14+s16+$0x0], $0xffff  }
0x438: {  	[tilespmem:s29+$0xFFFFFFC0] =	vst v17;
	v17 =	vor.u32 v1, v50;
	v9 =	vld.idx.msk [tilespmem:v9+s16+$0x0], $0xffff  }
0x439: {  	[tilespmem:s29+$0xFFFFFFD0] =	vst v8;
	v8 =	vor.u32 v1, v26;
	v55 =	vld.idx.msk [tilespmem:v52+s16+$0x0], $0xffff  }
0x43a: {  	[tilespmem:s29+$0xFFFFFFA0] =	vst v16;
	v16 =	vor.u32 v1, v49;
	v13 =	vld.idx.msk [tilespmem:v13+s16+$0x0], $0xffff  }
0x43b: {  	v57 =	vor.u32 v1, v18;
	v10 =	vld.idx.msk [tilespmem:v10+s16+$0x0], $0xffff;
	[tilespmem:s30+$0xFFFFFE20] =	vst v12  }
0x43c: {  	v58 =	vor.u32 v1, v15;
	v11 =	vld.idx.msk [tilespmem:v11+s16+$0x0], $0xffff;
	[tilespmem:s30+$0xFFFFFE30] =	vst v14  }
0x43d: {  	v14 =	vld.idx.msk [tilespmem:v17+s16+$0x0], $0xffff;
	v17 =	vor.u32 v1, v7;
	[tilespmem:s30+$0xFFFFFE50] =	vst v9  }
0x43e: {  	v8 =	vld.idx.msk [tilespmem:v8+s16+$0x0], $0xffff;
	v9 =	vor.u32 v1, v54;
	[tilespmem:s30+$0xFFFFFE80] =	vst v55  }
0x43f: {  	[tilespmem:s30+$0xFFFFFE40] =	vst v13;
	v12 =	vld.idx.msk [tilespmem:v16+s16+$0x0], $0xffff;
	v16 =	vor.u32 v1, v53  }
0x440: {  	[tilespmem:s30+$0xFFFFFE60] =	vst v10;
	v13 =	vor.u32 v2, v49;
	v25 =	vld.idx.msk [tilespmem:v57+s16+$0x0], $0xffff  }
0x441: {  	v10 =	vor.u32 v2, v50;
	v23 =	vld.idx.msk [tilespmem:v58+s16+$0x0], $0xffff;
	[tilespmem:s30+$0xFFFFFE10] =	vst v11  }
0x442: {  	v59 =	vor.u32 v2, v26;
	v17 =	vld.idx.msk [tilespmem:v17+s16+$0x0], $0xffff;
	[tilespmem:s30+$0xFFFFFEA0] =	vst v14  }
0x443: {  	v14 =	vor.u32 v2, v7;
	[tilespmem:s30+$0xFFFFFEB0] =	vst v8;
	v8 =	vld.idx.msk [tilespmem:v9+s16+$0x0], $0xffff  }
0x444: {  	v61 =	vor.u32 v2, v54;
	v16 =	vld.idx.msk [tilespmem:v16+s16+$0x0], $0xffff;
	[tilespmem:s30+$0xFFFFFF00] =	vst v12  }
0x445: {  	[tilespmem:s30+$0xFFFFFEC0] =	vst v25;
	v12 =	vor.u32 v2, v18;
	v11 =	vld.idx.msk [tilespmem:v13+s16+$0x0], $0xffff  }
0x446: {  	v10 =	vld.idx.msk [tilespmem:v10+s16+$0x0], $0xffff;
	[tilespmem:s30+$0xFFFFFED0] =	vst v23;
	v13 =	vor.u32 v2, v15  }
0x447: {  	v9 =	vor.u32 v3, v49;
	v24 =	vld.idx.msk [tilespmem:v59+s16+$0x0], $0xffff;
	[tilespmem:s30+$0xFFFFFE90] =	vst v17  }
0x448: {  	v60 =	vor.u32 v2, v53;
	v63 =	vld.idx.msk [tilespmem:v14+s16+$0x0], $0xffff;
	[tilespmem:s30+$0xFFFFFEF0] =	vst v8  }
0x449: {  	v14 =	vld.idx.msk [tilespmem:v61+s16+$0x0], $0xffff;
	[tilespmem:s30+$0xFFFFFEE0] =	vst v16;
	v16 =	vor.u32 v3, v50  }
0x44a: {  	v12 =	vld.idx.msk [tilespmem:v12+s16+$0x0], $0xffff;
	[tilespmem:s30+$0xFFFFFF80] =	vst v11;
	v11 =	vor.u32 v3, v26  }
0x44b: {  	v17 =	vor.u32 v3, v18;
	v62 =	vld.idx.msk [tilespmem:v13+s16+$0x0], $0xffff  }
0x44c: {  	v15 =	vor.u32 v3, v15;
	[tilespmem:s30+$0xFFFFFF20] =	vst v10;
	v9 =	vld.idx.msk [tilespmem:v9+s16+$0x0], $0xffff  }
0x44d: {  	[tilespmem:s30+$0xFFFFFF30] =	vst v24;
	v13 =	vld.idx.msk [tilespmem:v60+s16+$0x0], $0xffff  }
0x44e: {  	[tilespmem:s30+$0xFFFFFF10] =	vst v63;
	v10 =	vld.idx.msk [tilespmem:v16+s16+$0x0], $0xffff  }
0x44f: {  	[tilespmem:s30+$0xFFFFFF40] =	vst v12;
	v11 =	vld.idx.msk [tilespmem:v11+s16+$0x0], $0xffff  }
0x450: {  	s28 =	simm.s32 $0xCBF0;
	v7 =	vor.u32 v3, v7;
	[tilespmem:s30+$0xFFFFFF50] =	vst v62;
	v12 =	vld.idx.msk [tilespmem:v17+s16+$0x0], $0xffff  }
0x451: {  	s1 =	simm.s32 $0x8;
	s31 =	simm.s32 $0x4270;
	s0 =	simm.s32 $0x3F70;
	v8 =	vor.u32 v3, v54;
	[tilespmem:s30+$0x0] =	vst v9;
	v9 =	vor.u32 v3, v53;
	v15 =	vld.idx.msk [tilespmem:v15+s16+$0x0], $0xffff  }
.LBB2_19:
0x452: {  	v16 =	vld [tilespmem:s0+$0x0];
	s1 =	sadd.s32 $0x8, s1;
	[tilespmem:s30+$0xFFFFFF60] =	vst v13  }
0x453: {  	v13 =	vld [tilespmem:s0+$0xFFFFFFA0];
	p1 =	slt.u32 s1, $0x38;
	[tilespmem:s30+$0xFFFFFF70] =	vst v14  }
0x454: {  	v14 =	vld [tilespmem:s0+$0xFFFFFFB0];
	[tilespmem:s29+$0xFFFFFF90] =	vst v6  }
0x455: {  	v6 =	vld [tilespmem:s0+$0xFFFFFFC0];
	[tilespmem:s30+$0xFFFFFFA0] =	vst v10  }
0x456: {  	v10 =	vld [tilespmem:s0+$0xFFFFFFD0];
	[tilespmem:s30+$0xFFFFFFB0] =	vst v11  }
0x457: {  	v11 =	vld [tilespmem:s0+$0xFFFFFFE0];
	v16 =	vshll.u32 v16, $0x6;
	[tilespmem:s30+$0xFFFFFFC0] =	vst v12  }
0x458: {  	v12 =	vshll.u32 v13, $0x6;
	v13 =	vld [tilespmem:s0+$0xFFFFFFF0];
	v17 =	vor.u32 v0, v16;
	[tilespmem:s30+$0xFFFFFFD0] =	vst v15  }
0x459: {  	v15 =	vld [tilespmem:s0+$0xFFFFFF90];
	v18 =	vor.u32 v0, v12;
	v19 =	vor.u32 v1, v12;
	v14 =	vshll.u32 v14, $0x6;
	[tilespmem:s29+$0xFFFFFFE0] =	vst v4  }
0x45a: {  	v20 =	vor.u32 v0, v14;
	v21 =	vor.u32 v1, v14;
	v22 =	vshll.u32 v6, $0x6;
	v6 =	vld.idx.msk [tilespmem:v7+s16+$0x0], $0xffff;
	[tilespmem:s29+$0xFFFFFFF0] =	vst v5;
	s29 =	smov.u32 s30  }
0x45b: {  	v7 =	vor.u32 v0, v22;
	v23 =	vor.u32 v1, v22;
	v10 =	vshll.u32 v10, $0x6;
	v4 =	vld.idx.msk [tilespmem:v9+s16+$0x0], $0xffff  }
0x45c: {  	v9 =	vor.u32 v0, v10;
	v24 =	vor.u32 v1, v10;
	v11 =	vshll.u32 v11, $0x6;
	v5 =	vld.idx.msk [tilespmem:v8+s16+$0x0], $0xffff  }
0x45d: {  	v8 =	vor.u32 v0, v11;
	v25 =	vor.u32 v1, v11;
	v13 =	vshll.u32 v13, $0x6;
	v17 =	vld.idx.msk [tilespmem:v17+s16+$0x0], $0xffff  }
0x45e: {  	v15 =	vshll.u32 v15, $0x6;
	v18 =	vld.idx.msk [tilespmem:v18+s16+$0x0], $0xffff;
	v26 =	vor.u32 v0, v13;
	v27 =	vor.u32 v1, v13  }
0x45f: {  	v30 =	vor.u32 v1, v16;
	v28 =	vor.u32 v0, v15;
	v29 =	vor.u32 v1, v15;
	v20 =	vld.idx.msk [tilespmem:v20+s16+$0x0], $0xffff  }
0x460: {  	v32 =	vor.u32 v2, v12;
	v33 =	vor.u32 v2, v14;
	v31 =	vor.u32 v2, v15;
	v34 =	vld.idx.msk [tilespmem:v7+s16+$0x0], $0xffff  }
0x461: {  	v35 =	vor.u32 v2, v22;
	v37 =	vor.u32 v2, v10;
	v38 =	vor.u32 v2, v11;
	v36 =	vld.idx.msk [tilespmem:v9+s16+$0x0], $0xffff  }
0x462: {  	v12 =	vor.u32 v3, v12;
	s30 =	sadd.s32 $0x200, s30;
	v39 =	vor.u32 v2, v13;
	v7 =	vor.u32 v3, v15;
	v15 =	vld.idx.msk [tilespmem:v8+s16+$0x0], $0xffff  }
0x463: {  	v40 =	vor.u32 v3, v14;
	v22 =	vor.u32 v3, v22;
	v14 =	vld.idx.msk [tilespmem:v26+s16+$0x0], $0xffff;
	[tilespmem:s30+$0xFFFFFE80] =	vst v17  }
0x464: {  	v9 =	vor.u32 v3, v11;
	v17 =	vor.u32 v3, v10;
	[tilespmem:s30+$0xFFFFFE20] =	vst v18;
	v10 =	vld.idx.msk [tilespmem:v30+s16+$0x0], $0xffff  }
0x465: {  	v8 =	vor.u32 v3, v13;
	v11 =	vld.idx.msk [tilespmem:v28+s16+$0x0], $0xffff;
	[tilespmem:s30+$0xFFFFFE30] =	vst v20  }
0x466: {  	v18 =	vor.u32 v2, v16;
	v13 =	vld.idx.msk [tilespmem:v19+s16+$0x0], $0xffff;
	[tilespmem:s30+$0xFFFFFE40] =	vst v34  }
0x467: {  	v19 =	vld.idx.msk [tilespmem:v21+s16+$0x0], $0xffff;
	[tilespmem:s30+$0xFFFFFE50] =	vst v36  }
0x468: {  	v20 =	vld.idx.msk [tilespmem:v23+s16+$0x0], $0xffff;
	[tilespmem:s30+$0xFFFFFE60] =	vst v15  }
0x469: {  	v15 =	vld.idx.msk [tilespmem:v24+s16+$0x0], $0xffff;
	[tilespmem:s30+$0xFFFFFE70] =	vst v14  }
0x46a: {  	v14 =	vld.idx.msk [tilespmem:v25+s16+$0x0], $0xffff;
	[tilespmem:s30+$0xFFFFFF00] =	vst v10  }
0x46b: {  	[tilespmem:s30+$0xFFFFFE10] =	vst v11;
	v10 =	vld.idx.msk [tilespmem:v18+s16+$0x0], $0xffff  }
0x46c: {  	v11 =	vld.idx.msk [tilespmem:v29+s16+$0x0], $0xffff;
	[tilespmem:s30+$0xFFFFFEA0] =	vst v13  }
0x46d: {  	v16 =	vor.u32 v3, v16;
	[tilespmem:s30+$0xFFFFFEB0] =	vst v19;
	v13 =	vld.idx.msk [tilespmem:v27+s16+$0x0], $0xffff  }
0x46e: {  	v18 =	vld.idx.msk [tilespmem:v32+s16+$0x0], $0xffff;
	[tilespmem:s30+$0xFFFFFEC0] =	vst v20  }
0x46f: {  	v19 =	vld.idx.msk [tilespmem:v33+s16+$0x0], $0xffff;
	[tilespmem:s30+$0xFFFFFED0] =	vst v15  }
0x470: {  	v15 =	vld.idx.msk [tilespmem:v35+s16+$0x0], $0xffff;
	[tilespmem:s30+$0xFFFFFEE0] =	vst v14  }
0x471: {  	v20 =	vld.idx.msk [tilespmem:v37+s16+$0x0], $0xffff;
	[tilespmem:s30+$0xFFFFFF80] =	vst v10  }
0x472: {  	[tilespmem:s30+$0xFFFFFE90] =	vst v11;
	v16 =	vld.idx.msk [tilespmem:v16+s16+$0x0], $0xffff  }
0x473: {  	v21 =	vld.idx.msk [tilespmem:v31+s16+$0x0], $0xffff;
	[tilespmem:s30+$0xFFFFFEF0] =	vst v13  }
0x474: {  	[tilespmem:s30+$0xFFFFFF20] =	vst v18;
	v13 =	vld.idx.msk [tilespmem:v38+s16+$0x0], $0xffff  }
.Ltmp10:
0x475: {  	[tilespmem:s30+$0xFFFFFF30] =	vst v19;
	v14 =	vld.idx.msk [tilespmem:v39+s16+$0x0], $0xffff;
	(pc) =	sbr.rel @p1 .LBB2_19-.Ltmp10, $4  }
0x476: {  	v10 =	vld.idx.msk [tilespmem:v12+s16+$0x0], $0xffff;
	[tilespmem:s30+$0xFFFFFF40] =	vst v15  }
0x477: {  	v11 =	vld.idx.msk [tilespmem:v40+s16+$0x0], $0xffff;
	[tilespmem:s30+$0xFFFFFF50] =	vst v20  }
0x478: {  	v12 =	vld.idx.msk [tilespmem:v22+s16+$0x0], $0xffff;
	[tilespmem:s30+$0x0] =	vst v16  }
0x479: {  	s0 =	sadd.s32 $0x80, s0;
	[tilespmem:s30+$0xFFFFFF10] =	vst v21;
	v15 =	vld.idx.msk [tilespmem:v17+s16+$0x0], $0xffff  }
0x47a: {  	[tilespmem:s30+$0xFFFFFF60] =	vst v13  }
0x47b: {  	[tilespmem:s30+$0xFFFFFF70] =	vst v14  }
0x47c: {  	[tilespmem:s29+$0xFFFFFF90] =	vst v6  }
0x47d: {  	[tilespmem:s29+$0xFFFFFFE0] =	vst v4  }
0x47e: {  	v6 =	vld.idx.msk [tilespmem:v7+s16+$0x0], $0xffff;
	[tilespmem:s29+$0xFFFFFFF0] =	vst v5  }
0x47f: {  	[tilespmem:s30+$0xFFFFFFA0] =	vst v10;
	v7 =	vld.idx.msk [tilespmem:v9+s16+$0x0], $0xffff  }
0x480: {  	v8 =	vld.idx.msk [tilespmem:v8+s16+$0x0], $0xffff;
	[tilespmem:s30+$0xFFFFFFB0] =	vst v11  }
0x481: {  	[tilespmem:s30+$0xFFFFFFC0] =	vst v12  }
0x482: {  	[tilespmem:s30+$0xFFFFFFD0] =	vst v15  }
0x483: {  	[tilespmem:s30+$0xFFFFFF90] =	vst v6  }
0x484: {  	[tilespmem:s30+$0xFFFFFFE0] =	vst v7  }
0x485: {  	[tilespmem:s30+$0xFFFFFFF0] =	vst v8  }
0x486: {  	v4 =	vld [tilespmem:s31+$0x0]  }
0x487: {  	v5 =	vld [tilespmem:s31+$0xFFFFFFA0]  }
0x488: {  	v6 =	vld [tilespmem:s31+$0xFFFFFFB0]  }
0x489: {  	v7 =	vld [tilespmem:s31+$0xFFFFFFC0]  }
0x48a: {  	v8 =	vld [tilespmem:s31+$0xFFFFFFD0]  }
0x48b: {  	v9 =	vld [tilespmem:s31+$0xFFFFFFE0];
	v4 =	vshll.u32 v4, $0x6  }
0x48c: {  	v10 =	vld [tilespmem:s31+$0xFFFFFFF0];
	v5 =	vshll.u32 v5, $0x6;
	v11 =	vor.u32 v0, v4  }
0x48d: {  	s0 =	simm.s32 $0x42F0;
	v13 =	vld [tilespmem:s31+$0xFFFFFF90];
	v6 =	vshll.u32 v6, $0x6;
	v12 =	vor.u32 v0, v5  }
0x48e: {  	v46 =	vld [tilespmem:s0+$0xFFFFFFC0];
	v7 =	vshll.u32 v7, $0x6;
	v14 =	vor.u32 v0, v6  }
0x48f: {  	v47 =	vld [tilespmem:s0+$0xFFFFFFD0];
	v8 =	vshll.u32 v8, $0x6;
	v15 =	vor.u32 v0, v7  }
0x490: {  	v51 =	vld [tilespmem:s0+$0xFFFFFFF0];
	v9 =	vshll.u32 v9, $0x6;
	v16 =	vor.u32 v0, v8  }
0x491: {  	v10 =	vshll.u32 v10, $0x6;
	v17 =	vor.u32 v0, v9;
	v11 =	vld.idx.msk [tilespmem:v11+s16+$0x0], $0xffff  }
0x492: {  	v13 =	vshll.u32 v13, $0x6;
	v18 =	vor.u32 v0, v10;
	v12 =	vld.idx.msk [tilespmem:v12+s16+$0x0], $0xffff  }
0x493: {  	v20 =	vor.u32 v0, v13;
	v14 =	vld.idx.msk [tilespmem:v14+s16+$0x0], $0xffff  }
0x494: {  	v19 =	vor.u32 v1, v4;
	v15 =	vld.idx.msk [tilespmem:v15+s16+$0x0], $0xffff  }
0x495: {  	v21 =	vor.u32 v1, v5;
	v16 =	vld.idx.msk [tilespmem:v16+s16+$0x0], $0xffff  }
0x496: {  	v22 =	vor.u32 v1, v6;
	v17 =	vld.idx.msk [tilespmem:v17+s16+$0x0], $0xffff  }
0x497: {  	v23 =	vor.u32 v1, v7;
	v18 =	vld.idx.msk [tilespmem:v18+s16+$0x0], $0xffff;
	[tilespmem:s28+$0xFFFFFE80] =	vst v11  }
0x498: {  	v24 =	vor.u32 v1, v9;
	[tilespmem:s28+$0xFFFFFE20] =	vst v12;
	v12 =	vld.idx.msk [tilespmem:v20+s16+$0x0], $0xffff  }
0x499: {  	v11 =	vor.u32 v1, v8;
	[tilespmem:s28+$0xFFFFFE30] =	vst v14;
	v19 =	vld.idx.msk [tilespmem:v19+s16+$0x0], $0xffff  }
0x49a: {  	v38 =	vor.u32 v1, v10;
	[tilespmem:s28+$0xFFFFFE40] =	vst v15;
	v14 =	vld.idx.msk [tilespmem:v21+s16+$0x0], $0xffff  }
0x49b: {  	v36 =	vor.u32 v2, v4;
	[tilespmem:s28+$0xFFFFFE50] =	vst v16;
	v15 =	vld.idx.msk [tilespmem:v22+s16+$0x0], $0xffff  }
0x49c: {  	v39 =	vor.u32 v2, v5;
	[tilespmem:s28+$0xFFFFFE60] =	vst v17;
	v16 =	vld.idx.msk [tilespmem:v23+s16+$0x0], $0xffff  }
0x49d: {  	v17 =	vor.u32 v2, v6;
	[tilespmem:s28+$0xFFFFFE70] =	vst v18;
	v24 =	vld.idx.msk [tilespmem:v24+s16+$0x0], $0xffff  }
0x49e: {  	v37 =	vor.u32 v1, v13;
	v11 =	vld.idx.msk [tilespmem:v11+s16+$0x0], $0xffff;
	[tilespmem:s28+$0xFFFFFF00] =	vst v19  }
0x49f: {  	v40 =	vor.u32 v2, v7;
	[tilespmem:s28+$0xFFFFFEA0] =	vst v14;
	v14 =	vld.idx.msk [tilespmem:v38+s16+$0x0], $0xffff  }
0x4a0: {  	v41 =	vor.u32 v2, v8;
	[tilespmem:s28+$0xFFFFFE10] =	vst v12;
	v12 =	vld.idx.msk [tilespmem:v36+s16+$0x0], $0xffff  }
0x4a1: {  	v44 =	vor.u32 v2, v9;
	[tilespmem:s28+$0xFFFFFEB0] =	vst v15;
	v15 =	vld.idx.msk [tilespmem:v39+s16+$0x0], $0xffff  }
0x4a2: {  	[tilespmem:s28+$0xFFFFFEC0] =	vst v16;
	v16 =	vld.idx.msk [tilespmem:v17+s16+$0x0], $0xffff;
	v17 =	vor.u32 v2, v10  }
0x4a3: {  	v4 =	vor.u32 v3, v4;
	v42 =	vld.idx.msk [tilespmem:v37+s16+$0x0], $0xffff;
	[tilespmem:s28+$0xFFFFFEE0] =	vst v24  }
0x4a4: {  	v43 =	vor.u32 v2, v13;
	[tilespmem:s28+$0xFFFFFED0] =	vst v11;
	v11 =	vld.idx.msk [tilespmem:v40+s16+$0x0], $0xffff  }
0x4a5: {  	v5 =	vor.u32 v3, v5;
	v45 =	vld.idx.msk [tilespmem:v41+s16+$0x0], $0xffff;
	[tilespmem:s28+$0xFFFFFEF0] =	vst v14  }
0x4a6: {  	v14 =	vld.idx.msk [tilespmem:v44+s16+$0x0], $0xffff;
	[tilespmem:s28+$0xFFFFFF80] =	vst v12  }
0x4a7: {  	v6 =	vor.u32 v3, v6;
	[tilespmem:s28+$0xFFFFFF20] =	vst v15;
	v15 =	vld.idx.msk [tilespmem:v17+s16+$0x0], $0xffff  }
0x4a8: {  	[tilespmem:s28+$0xFFFFFE90] =	vst v42;
	v12 =	vld.idx.msk [tilespmem:v4+s16+$0x0], $0xffff  }
0x4a9: {  	v4 =	vor.u32 v3, v7;
	v7 =	vld.idx.msk [tilespmem:v43+s16+$0x0], $0xffff  }
0x4aa: {  	[tilespmem:s28+$0xFFFFFF30] =	vst v16;
	v16 =	vld.idx.msk [tilespmem:v5+s16+$0x0], $0xffff  }
0x4ab: {  	v54 =	vshll.u32 v51, $0x6;
	v5 =	vld [tilespmem:s0+$0xFFFFFFA0]  }
0x4ac: {  	v56 =	vor.u32 v0, v54;
	[tilespmem:s28+$0xFFFFFF40] =	vst v11;
	v11 =	vld.idx.msk [tilespmem:v6+s16+$0x0], $0xffff  }
0x4ad: {  	v6 =	vld [tilespmem:s0+$0xFFFFFFB0]  }
0x4ae: {  	v8 =	vor.u32 v3, v8;
	v17 =	vld.idx.msk [tilespmem:v4+s16+$0x0], $0xffff  }
0x4af: {  	v9 =	vor.u32 v3, v9;
	v4 =	vld [tilespmem:s0+$0x0]  }
0x4b0: {  	v48 =	vld [tilespmem:s0+$0xFFFFFFE0];
	v10 =	vor.u32 v3, v10;
	[tilespmem:s28+$0xFFFFFF50] =	vst v45  }
0x4b1: {  	v13 =	vor.u32 v3, v13;
	v24 =	vld.idx.msk [tilespmem:v56+s16+$0x0], $0xffff;
	[tilespmem:s28+$0xFFFFFF60] =	vst v14;
	v50 =	vshll.u32 v5, $0x6  }
0x4b2: {  	[tilespmem:s28+$0xFFFFFF10] =	vst v7;
	v7 =	vld [tilespmem:s0+$0xFFFFFF90];
	v25 =	vor.u32 v0, v50;
	v26 =	vshll.u32 v6, $0x6  }
0x4b3: {  	v8 =	vld.idx.msk [tilespmem:v8+s16+$0x0], $0xffff;
	[tilespmem:s28+$0xFFFFFF70] =	vst v15;
	v15 =	vshll.u32 v47, $0x6;
	v14 =	vor.u32 v0, v26  }
0x4b4: {  	v49 =	vshll.u32 v4, $0x6;
	v4 =	vld.idx.msk [tilespmem:v9+s16+$0x0], $0xffff;
	v9 =	vor.u32 v0, v15  }
0x4b5: {  	s30 =	simm.s32 $0xCDF0;
	v18 =	vshll.u32 v46, $0x6;
	v5 =	vld.idx.msk [tilespmem:v10+s16+$0x0], $0xffff;
	v52 =	vor.u32 v0, v49  }
0x4b6: {  	v53 =	vshll.u32 v48, $0x6;
	[tilespmem:s30+$0xFFFFFE70] =	vst v24;
	v6 =	vld.idx.msk [tilespmem:v13+s16+$0x0], $0xffff;
	v13 =	vor.u32 v0, v18  }
0x4b7: {  	v10 =	vor.u32 v0, v53;
	[tilespmem:s28+$0x0] =	vst v12;
	v7 =	vshll.u32 v7, $0x6;
	v12 =	vld.idx.msk [tilespmem:v25+s16+$0x0], $0xffff  }
0x4b8: {  	[tilespmem:s28+$0xFFFFFFB0] =	vst v11;
	v11 =	vor.u32 v0, v7;
	v14 =	vld.idx.msk [tilespmem:v14+s16+$0x0], $0xffff  }
0x4b9: {  	[tilespmem:s28+$0xFFFFFFC0] =	vst v17;
	v17 =	vor.u32 v1, v50;
	v9 =	vld.idx.msk [tilespmem:v9+s16+$0x0], $0xffff  }
0x4ba: {  	[tilespmem:s28+$0xFFFFFFD0] =	vst v8;
	v8 =	vor.u32 v1, v26;
	v55 =	vld.idx.msk [tilespmem:v52+s16+$0x0], $0xffff  }
0x4bb: {  	[tilespmem:s28+$0xFFFFFFA0] =	vst v16;
	v16 =	vor.u32 v1, v49;
	v13 =	vld.idx.msk [tilespmem:v13+s16+$0x0], $0xffff  }
0x4bc: {  	v57 =	vor.u32 v1, v18;
	v10 =	vld.idx.msk [tilespmem:v10+s16+$0x0], $0xffff;
	[tilespmem:s30+$0xFFFFFE20] =	vst v12  }
0x4bd: {  	v58 =	vor.u32 v1, v15;
	v11 =	vld.idx.msk [tilespmem:v11+s16+$0x0], $0xffff;
	[tilespmem:s30+$0xFFFFFE30] =	vst v14  }
0x4be: {  	v14 =	vld.idx.msk [tilespmem:v17+s16+$0x0], $0xffff;
	v17 =	vor.u32 v1, v7;
	[tilespmem:s30+$0xFFFFFE50] =	vst v9  }
0x4bf: {  	v8 =	vld.idx.msk [tilespmem:v8+s16+$0x0], $0xffff;
	v9 =	vor.u32 v1, v54;
	[tilespmem:s30+$0xFFFFFE80] =	vst v55  }
0x4c0: {  	[tilespmem:s30+$0xFFFFFE40] =	vst v13;
	v12 =	vld.idx.msk [tilespmem:v16+s16+$0x0], $0xffff;
	v16 =	vor.u32 v1, v53  }
0x4c1: {  	[tilespmem:s30+$0xFFFFFE60] =	vst v10;
	v13 =	vor.u32 v2, v49;
	v25 =	vld.idx.msk [tilespmem:v57+s16+$0x0], $0xffff  }
0x4c2: {  	v10 =	vor.u32 v2, v50;
	v23 =	vld.idx.msk [tilespmem:v58+s16+$0x0], $0xffff;
	[tilespmem:s30+$0xFFFFFE10] =	vst v11  }
0x4c3: {  	v59 =	vor.u32 v2, v26;
	v17 =	vld.idx.msk [tilespmem:v17+s16+$0x0], $0xffff;
	[tilespmem:s30+$0xFFFFFEA0] =	vst v14  }
0x4c4: {  	v14 =	vor.u32 v2, v7;
	[tilespmem:s30+$0xFFFFFEB0] =	vst v8;
	v8 =	vld.idx.msk [tilespmem:v9+s16+$0x0], $0xffff  }
0x4c5: {  	v61 =	vor.u32 v2, v54;
	v16 =	vld.idx.msk [tilespmem:v16+s16+$0x0], $0xffff;
	[tilespmem:s30+$0xFFFFFF00] =	vst v12  }
0x4c6: {  	[tilespmem:s30+$0xFFFFFEC0] =	vst v25;
	v12 =	vor.u32 v2, v18;
	v11 =	vld.idx.msk [tilespmem:v13+s16+$0x0], $0xffff  }
0x4c7: {  	v10 =	vld.idx.msk [tilespmem:v10+s16+$0x0], $0xffff;
	[tilespmem:s30+$0xFFFFFED0] =	vst v23;
	v13 =	vor.u32 v2, v15  }
0x4c8: {  	v9 =	vor.u32 v3, v49;
	v24 =	vld.idx.msk [tilespmem:v59+s16+$0x0], $0xffff;
	[tilespmem:s30+$0xFFFFFE90] =	vst v17  }
0x4c9: {  	v60 =	vor.u32 v2, v53;
	v63 =	vld.idx.msk [tilespmem:v14+s16+$0x0], $0xffff;
	[tilespmem:s30+$0xFFFFFEF0] =	vst v8  }
0x4ca: {  	v14 =	vld.idx.msk [tilespmem:v61+s16+$0x0], $0xffff;
	[tilespmem:s30+$0xFFFFFEE0] =	vst v16;
	v16 =	vor.u32 v3, v50  }
0x4cb: {  	v12 =	vld.idx.msk [tilespmem:v12+s16+$0x0], $0xffff;
	[tilespmem:s30+$0xFFFFFF80] =	vst v11;
	v11 =	vor.u32 v3, v26  }
0x4cc: {  	v17 =	vor.u32 v3, v18;
	v62 =	vld.idx.msk [tilespmem:v13+s16+$0x0], $0xffff  }
0x4cd: {  	v15 =	vor.u32 v3, v15;
	[tilespmem:s30+$0xFFFFFF20] =	vst v10;
	v9 =	vld.idx.msk [tilespmem:v9+s16+$0x0], $0xffff  }
0x4ce: {  	[tilespmem:s30+$0xFFFFFF30] =	vst v24;
	v13 =	vld.idx.msk [tilespmem:v60+s16+$0x0], $0xffff  }
0x4cf: {  	[tilespmem:s30+$0xFFFFFF10] =	vst v63;
	v10 =	vld.idx.msk [tilespmem:v16+s16+$0x0], $0xffff  }
0x4d0: {  	[tilespmem:s30+$0xFFFFFF40] =	vst v12;
	v11 =	vld.idx.msk [tilespmem:v11+s16+$0x0], $0xffff  }
0x4d1: {  	s29 =	simm.s32 $0xDBF0;
	v7 =	vor.u32 v3, v7;
	[tilespmem:s30+$0xFFFFFF50] =	vst v62;
	v12 =	vld.idx.msk [tilespmem:v17+s16+$0x0], $0xffff  }
0x4d2: {  	s1 =	simm.s32 $0x8;
	s31 =	simm.s32 $0x4670;
	s0 =	simm.s32 $0x4370;
	v8 =	vor.u32 v3, v54;
	[tilespmem:s30+$0x0] =	vst v9;
	v9 =	vor.u32 v3, v53;
	v15 =	vld.idx.msk [tilespmem:v15+s16+$0x0], $0xffff  }
.LBB2_21:
0x4d3: {  	v16 =	vld [tilespmem:s0+$0x0];
	s1 =	sadd.s32 $0x8, s1;
	[tilespmem:s30+$0xFFFFFF60] =	vst v13  }
0x4d4: {  	v13 =	vld [tilespmem:s0+$0xFFFFFFA0];
	p1 =	slt.u32 s1, $0x38;
	[tilespmem:s30+$0xFFFFFF70] =	vst v14  }
0x4d5: {  	v14 =	vld [tilespmem:s0+$0xFFFFFFB0];
	[tilespmem:s28+$0xFFFFFF90] =	vst v6  }
0x4d6: {  	v6 =	vld [tilespmem:s0+$0xFFFFFFC0];
	[tilespmem:s30+$0xFFFFFFA0] =	vst v10  }
0x4d7: {  	v10 =	vld [tilespmem:s0+$0xFFFFFFD0];
	[tilespmem:s30+$0xFFFFFFB0] =	vst v11  }
0x4d8: {  	v11 =	vld [tilespmem:s0+$0xFFFFFFE0];
	v16 =	vshll.u32 v16, $0x6;
	[tilespmem:s30+$0xFFFFFFC0] =	vst v12  }
0x4d9: {  	v12 =	vshll.u32 v13, $0x6;
	v13 =	vld [tilespmem:s0+$0xFFFFFFF0];
	v17 =	vor.u32 v0, v16;
	[tilespmem:s30+$0xFFFFFFD0] =	vst v15  }
0x4da: {  	v15 =	vld [tilespmem:s0+$0xFFFFFF90];
	v18 =	vor.u32 v0, v12;
	v19 =	vor.u32 v1, v12;
	v14 =	vshll.u32 v14, $0x6;
	[tilespmem:s28+$0xFFFFFFE0] =	vst v4  }
0x4db: {  	v20 =	vor.u32 v0, v14;
	v21 =	vor.u32 v1, v14;
	v22 =	vshll.u32 v6, $0x6;
	v6 =	vld.idx.msk [tilespmem:v7+s16+$0x0], $0xffff;
	[tilespmem:s28+$0xFFFFFFF0] =	vst v5;
	s28 =	smov.u32 s30  }
0x4dc: {  	v7 =	vor.u32 v0, v22;
	v23 =	vor.u32 v1, v22;
	v10 =	vshll.u32 v10, $0x6;
	v4 =	vld.idx.msk [tilespmem:v9+s16+$0x0], $0xffff  }
0x4dd: {  	v9 =	vor.u32 v0, v10;
	v24 =	vor.u32 v1, v10;
	v11 =	vshll.u32 v11, $0x6;
	v5 =	vld.idx.msk [tilespmem:v8+s16+$0x0], $0xffff  }
0x4de: {  	v8 =	vor.u32 v0, v11;
	v25 =	vor.u32 v1, v11;
	v13 =	vshll.u32 v13, $0x6;
	v17 =	vld.idx.msk [tilespmem:v17+s16+$0x0], $0xffff  }
0x4df: {  	v15 =	vshll.u32 v15, $0x6;
	v18 =	vld.idx.msk [tilespmem:v18+s16+$0x0], $0xffff;
	v26 =	vor.u32 v0, v13;
	v27 =	vor.u32 v1, v13  }
0x4e0: {  	v30 =	vor.u32 v1, v16;
	v28 =	vor.u32 v0, v15;
	v29 =	vor.u32 v1, v15;
	v20 =	vld.idx.msk [tilespmem:v20+s16+$0x0], $0xffff  }
0x4e1: {  	v32 =	vor.u32 v2, v12;
	v33 =	vor.u32 v2, v14;
	v31 =	vor.u32 v2, v15;
	v34 =	vld.idx.msk [tilespmem:v7+s16+$0x0], $0xffff  }
0x4e2: {  	v35 =	vor.u32 v2, v22;
	v37 =	vor.u32 v2, v10;
	v38 =	vor.u32 v2, v11;
	v36 =	vld.idx.msk [tilespmem:v9+s16+$0x0], $0xffff  }
0x4e3: {  	v12 =	vor.u32 v3, v12;
	s30 =	sadd.s32 $0x200, s30;
	v39 =	vor.u32 v2, v13;
	v7 =	vor.u32 v3, v15;
	v15 =	vld.idx.msk [tilespmem:v8+s16+$0x0], $0xffff  }
0x4e4: {  	v40 =	vor.u32 v3, v14;
	v22 =	vor.u32 v3, v22;
	v14 =	vld.idx.msk [tilespmem:v26+s16+$0x0], $0xffff;
	[tilespmem:s30+$0xFFFFFE80] =	vst v17  }
0x4e5: {  	v9 =	vor.u32 v3, v11;
	v17 =	vor.u32 v3, v10;
	[tilespmem:s30+$0xFFFFFE20] =	vst v18;
	v10 =	vld.idx.msk [tilespmem:v30+s16+$0x0], $0xffff  }
0x4e6: {  	v8 =	vor.u32 v3, v13;
	v11 =	vld.idx.msk [tilespmem:v28+s16+$0x0], $0xffff;
	[tilespmem:s30+$0xFFFFFE30] =	vst v20  }
0x4e7: {  	v18 =	vor.u32 v2, v16;
	v13 =	vld.idx.msk [tilespmem:v19+s16+$0x0], $0xffff;
	[tilespmem:s30+$0xFFFFFE40] =	vst v34  }
0x4e8: {  	v19 =	vld.idx.msk [tilespmem:v21+s16+$0x0], $0xffff;
	[tilespmem:s30+$0xFFFFFE50] =	vst v36  }
0x4e9: {  	v20 =	vld.idx.msk [tilespmem:v23+s16+$0x0], $0xffff;
	[tilespmem:s30+$0xFFFFFE60] =	vst v15  }
0x4ea: {  	v15 =	vld.idx.msk [tilespmem:v24+s16+$0x0], $0xffff;
	[tilespmem:s30+$0xFFFFFE70] =	vst v14  }
0x4eb: {  	v14 =	vld.idx.msk [tilespmem:v25+s16+$0x0], $0xffff;
	[tilespmem:s30+$0xFFFFFF00] =	vst v10  }
0x4ec: {  	[tilespmem:s30+$0xFFFFFE10] =	vst v11;
	v10 =	vld.idx.msk [tilespmem:v18+s16+$0x0], $0xffff  }
0x4ed: {  	v11 =	vld.idx.msk [tilespmem:v29+s16+$0x0], $0xffff;
	[tilespmem:s30+$0xFFFFFEA0] =	vst v13  }
0x4ee: {  	v16 =	vor.u32 v3, v16;
	[tilespmem:s30+$0xFFFFFEB0] =	vst v19;
	v13 =	vld.idx.msk [tilespmem:v27+s16+$0x0], $0xffff  }
0x4ef: {  	v18 =	vld.idx.msk [tilespmem:v32+s16+$0x0], $0xffff;
	[tilespmem:s30+$0xFFFFFEC0] =	vst v20  }
0x4f0: {  	v19 =	vld.idx.msk [tilespmem:v33+s16+$0x0], $0xffff;
	[tilespmem:s30+$0xFFFFFED0] =	vst v15  }
0x4f1: {  	v15 =	vld.idx.msk [tilespmem:v35+s16+$0x0], $0xffff;
	[tilespmem:s30+$0xFFFFFEE0] =	vst v14  }
0x4f2: {  	v20 =	vld.idx.msk [tilespmem:v37+s16+$0x0], $0xffff;
	[tilespmem:s30+$0xFFFFFF80] =	vst v10  }
0x4f3: {  	[tilespmem:s30+$0xFFFFFE90] =	vst v11;
	v16 =	vld.idx.msk [tilespmem:v16+s16+$0x0], $0xffff  }
0x4f4: {  	v21 =	vld.idx.msk [tilespmem:v31+s16+$0x0], $0xffff;
	[tilespmem:s30+$0xFFFFFEF0] =	vst v13  }
0x4f5: {  	[tilespmem:s30+$0xFFFFFF20] =	vst v18;
	v13 =	vld.idx.msk [tilespmem:v38+s16+$0x0], $0xffff  }
.Ltmp11:
0x4f6: {  	[tilespmem:s30+$0xFFFFFF30] =	vst v19;
	v14 =	vld.idx.msk [tilespmem:v39+s16+$0x0], $0xffff;
	(pc) =	sbr.rel @p1 .LBB2_21-.Ltmp11, $4  }
0x4f7: {  	v10 =	vld.idx.msk [tilespmem:v12+s16+$0x0], $0xffff;
	[tilespmem:s30+$0xFFFFFF40] =	vst v15  }
0x4f8: {  	v11 =	vld.idx.msk [tilespmem:v40+s16+$0x0], $0xffff;
	[tilespmem:s30+$0xFFFFFF50] =	vst v20  }
0x4f9: {  	v12 =	vld.idx.msk [tilespmem:v22+s16+$0x0], $0xffff;
	[tilespmem:s30+$0x0] =	vst v16  }
0x4fa: {  	s0 =	sadd.s32 $0x80, s0;
	[tilespmem:s30+$0xFFFFFF10] =	vst v21;
	v15 =	vld.idx.msk [tilespmem:v17+s16+$0x0], $0xffff  }
0x4fb: {  	[tilespmem:s30+$0xFFFFFF60] =	vst v13  }
0x4fc: {  	[tilespmem:s30+$0xFFFFFF70] =	vst v14  }
0x4fd: {  	[tilespmem:s28+$0xFFFFFF90] =	vst v6  }
0x4fe: {  	[tilespmem:s28+$0xFFFFFFE0] =	vst v4  }
0x4ff: {  	v6 =	vld.idx.msk [tilespmem:v7+s16+$0x0], $0xffff;
	[tilespmem:s28+$0xFFFFFFF0] =	vst v5  }
0x500: {  	[tilespmem:s30+$0xFFFFFFA0] =	vst v10;
	v7 =	vld.idx.msk [tilespmem:v9+s16+$0x0], $0xffff  }
0x501: {  	v8 =	vld.idx.msk [tilespmem:v8+s16+$0x0], $0xffff;
	[tilespmem:s30+$0xFFFFFFB0] =	vst v11  }
0x502: {  	[tilespmem:s30+$0xFFFFFFC0] =	vst v12  }
0x503: {  	[tilespmem:s30+$0xFFFFFFD0] =	vst v15  }
0x504: {  	[tilespmem:s30+$0xFFFFFF90] =	vst v6  }
0x505: {  	[tilespmem:s30+$0xFFFFFFE0] =	vst v7  }
0x506: {  	[tilespmem:s30+$0xFFFFFFF0] =	vst v8  }
0x507: {  	v4 =	vld [tilespmem:s31+$0x0]  }
0x508: {  	v5 =	vld [tilespmem:s31+$0xFFFFFFA0]  }
0x509: {  	v6 =	vld [tilespmem:s31+$0xFFFFFFB0]  }
0x50a: {  	v7 =	vld [tilespmem:s31+$0xFFFFFFC0]  }
0x50b: {  	v8 =	vld [tilespmem:s31+$0xFFFFFFD0]  }
0x50c: {  	v9 =	vld [tilespmem:s31+$0xFFFFFFE0]  }
0x50d: {  	v10 =	vld [tilespmem:s31+$0xFFFFFFF0];
	v4 =	vshll.u32 v4, $0x6  }
0x50e: {  	s0 =	simm.s32 $0x46F0;
	v13 =	vld [tilespmem:s31+$0xFFFFFF90];
	v5 =	vshll.u32 v5, $0x6;
	v11 =	vor.u32 v0, v4  }
0x50f: {  	v47 =	vld [tilespmem:s0+$0xFFFFFFC0];
	v6 =	vshll.u32 v6, $0x6;
	v12 =	vor.u32 v0, v5  }
0x510: {  	v48 =	vld [tilespmem:s0+$0xFFFFFFD0];
	v7 =	vshll.u32 v7, $0x6;
	v14 =	vor.u32 v0, v6  }
0x511: {  	v49 =	vld [tilespmem:s0+$0xFFFFFFE0];
	v8 =	vshll.u32 v8, $0x6;
	v15 =	vor.u32 v0, v7  }
0x512: {  	v52 =	vld [tilespmem:s0+$0xFFFFFFF0];
	v9 =	vshll.u32 v9, $0x6;
	v16 =	vor.u32 v0, v8  }
0x513: {  	v10 =	vshll.u32 v10, $0x6;
	v17 =	vor.u32 v0, v9;
	v11 =	vld.idx.msk [tilespmem:v11+s16+$0x0], $0xffff  }
0x514: {  	v13 =	vshll.u32 v13, $0x6;
	v18 =	vor.u32 v0, v10;
	v12 =	vld.idx.msk [tilespmem:v12+s16+$0x0], $0xffff  }
0x515: {  	v20 =	vor.u32 v0, v13;
	v14 =	vld.idx.msk [tilespmem:v14+s16+$0x0], $0xffff  }
0x516: {  	v19 =	vor.u32 v1, v4;
	v15 =	vld.idx.msk [tilespmem:v15+s16+$0x0], $0xffff  }
0x517: {  	v21 =	vor.u32 v1, v5;
	v16 =	vld.idx.msk [tilespmem:v16+s16+$0x0], $0xffff  }
0x518: {  	v22 =	vor.u32 v1, v6;
	v17 =	vld.idx.msk [tilespmem:v17+s16+$0x0], $0xffff  }
0x519: {  	v23 =	vor.u32 v1, v7;
	v18 =	vld.idx.msk [tilespmem:v18+s16+$0x0], $0xffff;
	[tilespmem:s29+$0xFFFFFE80] =	vst v11  }
0x51a: {  	v24 =	vor.u32 v1, v9;
	[tilespmem:s29+$0xFFFFFE20] =	vst v12;
	v12 =	vld.idx.msk [tilespmem:v20+s16+$0x0], $0xffff  }
0x51b: {  	v11 =	vor.u32 v1, v8;
	[tilespmem:s29+$0xFFFFFE30] =	vst v14;
	v19 =	vld.idx.msk [tilespmem:v19+s16+$0x0], $0xffff  }
0x51c: {  	v39 =	vor.u32 v1, v10;
	[tilespmem:s29+$0xFFFFFE40] =	vst v15;
	v14 =	vld.idx.msk [tilespmem:v21+s16+$0x0], $0xffff  }
0x51d: {  	v37 =	vor.u32 v2, v4;
	[tilespmem:s29+$0xFFFFFE50] =	vst v16;
	v15 =	vld.idx.msk [tilespmem:v22+s16+$0x0], $0xffff  }
0x51e: {  	v40 =	vor.u32 v2, v5;
	[tilespmem:s29+$0xFFFFFE60] =	vst v17;
	v16 =	vld.idx.msk [tilespmem:v23+s16+$0x0], $0xffff  }
0x51f: {  	v17 =	vor.u32 v2, v6;
	[tilespmem:s29+$0xFFFFFE70] =	vst v18;
	v24 =	vld.idx.msk [tilespmem:v24+s16+$0x0], $0xffff  }
0x520: {  	v38 =	vor.u32 v1, v13;
	v11 =	vld.idx.msk [tilespmem:v11+s16+$0x0], $0xffff;
	[tilespmem:s29+$0xFFFFFF00] =	vst v19  }
0x521: {  	v41 =	vor.u32 v2, v7;
	[tilespmem:s29+$0xFFFFFEA0] =	vst v14;
	v14 =	vld.idx.msk [tilespmem:v39+s16+$0x0], $0xffff  }
0x522: {  	v42 =	vor.u32 v2, v8;
	[tilespmem:s29+$0xFFFFFE10] =	vst v12;
	v12 =	vld.idx.msk [tilespmem:v37+s16+$0x0], $0xffff  }
0x523: {  	v45 =	vor.u32 v2, v9;
	[tilespmem:s29+$0xFFFFFEB0] =	vst v15;
	v15 =	vld.idx.msk [tilespmem:v40+s16+$0x0], $0xffff  }
0x524: {  	[tilespmem:s29+$0xFFFFFEC0] =	vst v16;
	v16 =	vld.idx.msk [tilespmem:v17+s16+$0x0], $0xffff;
	v17 =	vor.u32 v2, v10  }
0x525: {  	v4 =	vor.u32 v3, v4;
	v43 =	vld.idx.msk [tilespmem:v38+s16+$0x0], $0xffff;
	[tilespmem:s29+$0xFFFFFEE0] =	vst v24  }
0x526: {  	v44 =	vor.u32 v2, v13;
	[tilespmem:s29+$0xFFFFFED0] =	vst v11;
	v11 =	vld.idx.msk [tilespmem:v41+s16+$0x0], $0xffff  }
0x527: {  	v5 =	vor.u32 v3, v5;
	v46 =	vld.idx.msk [tilespmem:v42+s16+$0x0], $0xffff;
	[tilespmem:s29+$0xFFFFFEF0] =	vst v14  }
0x528: {  	v14 =	vld.idx.msk [tilespmem:v45+s16+$0x0], $0xffff;
	[tilespmem:s29+$0xFFFFFF80] =	vst v12  }
0x529: {  	v6 =	vor.u32 v3, v6;
	[tilespmem:s29+$0xFFFFFF20] =	vst v15;
	v15 =	vld.idx.msk [tilespmem:v17+s16+$0x0], $0xffff  }
0x52a: {  	[tilespmem:s29+$0xFFFFFE90] =	vst v43;
	v12 =	vld.idx.msk [tilespmem:v4+s16+$0x0], $0xffff  }
0x52b: {  	v4 =	vor.u32 v3, v7;
	v7 =	vld.idx.msk [tilespmem:v44+s16+$0x0], $0xffff  }
0x52c: {  	v55 =	vshll.u32 v52, $0x6;
	[tilespmem:s29+$0xFFFFFF30] =	vst v16;
	v16 =	vld.idx.msk [tilespmem:v5+s16+$0x0], $0xffff  }
0x52d: {  	v57 =	vor.u32 v0, v55;
	v5 =	vld [tilespmem:s0+$0xFFFFFFA0]  }
0x52e: {  	[tilespmem:s29+$0xFFFFFF40] =	vst v11;
	v11 =	vld.idx.msk [tilespmem:v6+s16+$0x0], $0xffff  }
0x52f: {  	v9 =	vor.u32 v3, v9;
	v6 =	vld [tilespmem:s0+$0xFFFFFFB0]  }
0x530: {  	v17 =	vld.idx.msk [tilespmem:v4+s16+$0x0], $0xffff  }
0x531: {  	v8 =	vor.u32 v3, v8;
	[tilespmem:s29+$0xFFFFFF60] =	vst v14;
	v4 =	vld [tilespmem:s0+$0x0]  }
0x532: {  	v13 =	vor.u32 v3, v13;
	v24 =	vld.idx.msk [tilespmem:v57+s16+$0x0], $0xffff;
	[tilespmem:s29+$0xFFFFFF70] =	vst v15  }
0x533: {  	v10 =	vor.u32 v3, v10;
	v15 =	vshll.u32 v48, $0x6;
	[tilespmem:s29+$0xFFFFFF10] =	vst v7;
	v7 =	vld [tilespmem:s0+$0xFFFFFF90]  }
0x534: {  	v51 =	vshll.u32 v5, $0x6;
	v5 =	vld.idx.msk [tilespmem:v9+s16+$0x0], $0xffff;
	v9 =	vor.u32 v0, v15  }
0x535: {  	[tilespmem:s29+$0xFFFFFF50] =	vst v46;
	v25 =	vor.u32 v0, v51;
	v26 =	vshll.u32 v6, $0x6  }
0x536: {  	v8 =	vld.idx.msk [tilespmem:v8+s16+$0x0], $0xffff;
	v14 =	vor.u32 v0, v26;
	v50 =	vshll.u32 v4, $0x6  }
0x537: {  	s28 =	simm.s32 $0xDDF0;
	v54 =	vshll.u32 v49, $0x6;
	v6 =	vld.idx.msk [tilespmem:v13+s16+$0x0], $0xffff;
	v53 =	vor.u32 v0, v50  }
0x538: {  	v18 =	vshll.u32 v47, $0x6;
	[tilespmem:s28+$0xFFFFFE70] =	vst v24;
	v4 =	vld.idx.msk [tilespmem:v10+s16+$0x0], $0xffff;
	v10 =	vor.u32 v0, v54  }
0x539: {  	[tilespmem:s29+$0x0] =	vst v12;
	v13 =	vor.u32 v0, v18;
	v7 =	vshll.u32 v7, $0x6;
	v9 =	vld.idx.msk [tilespmem:v9+s16+$0x0], $0xffff  }
0x53a: {  	[tilespmem:s29+$0xFFFFFFB0] =	vst v11;
	v12 =	vld.idx.msk [tilespmem:v25+s16+$0x0], $0xffff;
	v11 =	vor.u32 v0, v7  }
0x53b: {  	[tilespmem:s29+$0xFFFFFFC0] =	vst v17;
	v17 =	vor.u32 v1, v51;
	v14 =	vld.idx.msk [tilespmem:v14+s16+$0x0], $0xffff  }
0x53c: {  	[tilespmem:s29+$0xFFFFFFD0] =	vst v8;
	v8 =	vor.u32 v1, v26;
	v56 =	vld.idx.msk [tilespmem:v53+s16+$0x0], $0xffff  }
0x53d: {  	[tilespmem:s29+$0xFFFFFFA0] =	vst v16;
	v16 =	vor.u32 v1, v50;
	v10 =	vld.idx.msk [tilespmem:v10+s16+$0x0], $0xffff  }
0x53e: {  	v59 =	vor.u32 v1, v15;
	v13 =	vld.idx.msk [tilespmem:v13+s16+$0x0], $0xffff;
	[tilespmem:s28+$0xFFFFFE50] =	vst v9  }
0x53f: {  	v58 =	vor.u32 v1, v18;
	[tilespmem:s28+$0xFFFFFE20] =	vst v12;
	v11 =	vld.idx.msk [tilespmem:v11+s16+$0x0], $0xffff  }
0x540: {  	[tilespmem:s28+$0xFFFFFE30] =	vst v14;
	v14 =	vld.idx.msk [tilespmem:v17+s16+$0x0], $0xffff;
	v17 =	vor.u32 v1, v7  }
0x541: {  	v9 =	vor.u32 v1, v55;
	v8 =	vld.idx.msk [tilespmem:v8+s16+$0x0], $0xffff;
	[tilespmem:s28+$0xFFFFFE80] =	vst v56  }
0x542: {  	[tilespmem:s28+$0xFFFFFE60] =	vst v10;
	v10 =	vor.u32 v2, v51;
	v12 =	vld.idx.msk [tilespmem:v16+s16+$0x0], $0xffff  }
0x543: {  	v23 =	vld.idx.msk [tilespmem:v59+s16+$0x0], $0xffff;
	[tilespmem:s28+$0xFFFFFE40] =	vst v13;
	v13 =	vor.u32 v2, v50  }
0x544: {  	v25 =	vld.idx.msk [tilespmem:v58+s16+$0x0], $0xffff;
	[tilespmem:s28+$0xFFFFFE10] =	vst v11;
	v16 =	vor.u32 v1, v54  }
0x545: {  	v60 =	vor.u32 v2, v26;
	v17 =	vld.idx.msk [tilespmem:v17+s16+$0x0], $0xffff;
	[tilespmem:s28+$0xFFFFFEA0] =	vst v14  }
0x546: {  	v14 =	vor.u32 v2, v7;
	[tilespmem:s28+$0xFFFFFEB0] =	vst v8;
	v8 =	vld.idx.msk [tilespmem:v9+s16+$0x0], $0xffff  }
0x547: {  	v10 =	vld.idx.msk [tilespmem:v10+s16+$0x0], $0xffff;
	[tilespmem:s28+$0xFFFFFF00] =	vst v12;
	v12 =	vor.u32 v2, v18  }
0x548: {  	v62 =	vor.u32 v2, v55;
	v11 =	vld.idx.msk [tilespmem:v13+s16+$0x0], $0xffff  }
0x549: {  	[tilespmem:s28+$0xFFFFFED0] =	vst v23;
	v16 =	vld.idx.msk [tilespmem:v16+s16+$0x0], $0xffff;
	v13 =	vor.u32 v2, v15  }
0x54a: {  	v9 =	vor.u32 v3, v50;
	v24 =	vld.idx.msk [tilespmem:v60+s16+$0x0], $0xffff;
	[tilespmem:s28+$0xFFFFFE90] =	vst v17  }
0x54b: {  	v61 =	vor.u32 v2, v54;
	[tilespmem:s28+$0xFFFFFEC0] =	vst v25;
	v17 =	vld.idx.msk [tilespmem:v14+s16+$0x0], $0xffff  }
0x54c: {  	[tilespmem:s28+$0xFFFFFEF0] =	vst v8;
	v25 =	vld.idx.msk [tilespmem:v12+s16+$0x0], $0xffff;
	v12 =	vor.u32 v3, v51  }
0x54d: {  	v63 =	vor.u32 v3, v15;
	v15 =	vld.idx.msk [tilespmem:v62+s16+$0x0], $0xffff;
	[tilespmem:s28+$0xFFFFFF80] =	vst v11;
	v11 =	vor.u32 v3, v26  }
0x54e: {  	[tilespmem:s28+$0xFFFFFEE0] =	vst v16;
	v16 =	vor.u32 v3, v18;
	v13 =	vld.idx.msk [tilespmem:v13+s16+$0x0], $0xffff  }
0x54f: {  	[tilespmem:s28+$0xFFFFFF20] =	vst v10;
	v9 =	vld.idx.msk [tilespmem:v9+s16+$0x0], $0xffff  }
0x550: {  	[tilespmem:s28+$0xFFFFFF30] =	vst v24;
	v14 =	vld.idx.msk [tilespmem:v61+s16+$0x0], $0xffff  }
0x551: {  	[tilespmem:s28+$0xFFFFFF10] =	vst v17;
	v12 =	vld.idx.msk [tilespmem:v12+s16+$0x0], $0xffff  }
0x552: {  	[tilespmem:s28+$0xFFFFFF40] =	vst v25;
	v10 =	vld.idx.msk [tilespmem:v11+s16+$0x0], $0xffff  }
0x553: {  	v7 =	vor.u32 v3, v7;
	[tilespmem:s28+$0xFFFFFF50] =	vst v13;
	v11 =	vld.idx.msk [tilespmem:v16+s16+$0x0], $0xffff  }
0x554: {  	s1 =	simm.s32 $0x8;
	s0 =	simm.s32 $0x4770;
	v8 =	vor.u32 v3, v55;
	[tilespmem:s28+$0x0] =	vst v9;
	v9 =	vor.u32 v3, v54;
	v13 =	vld.idx.msk [tilespmem:v63+s16+$0x0], $0xffff  }
.LBB2_23:
0x555: {  	v16 =	vld [tilespmem:s0+$0x0];
	s1 =	sadd.s32 $0x8, s1;
	[tilespmem:s28+$0xFFFFFF60] =	vst v14  }
0x556: {  	v14 =	vld [tilespmem:s0+$0xFFFFFFA0];
	p1 =	slt.u32 s1, $0x38;
	[tilespmem:s28+$0xFFFFFF70] =	vst v15  }
0x557: {  	v15 =	vld [tilespmem:s0+$0xFFFFFFB0];
	[tilespmem:s29+$0xFFFFFF90] =	vst v6  }
0x558: {  	v6 =	vld [tilespmem:s0+$0xFFFFFFC0];
	[tilespmem:s28+$0xFFFFFFA0] =	vst v12  }
0x559: {  	v12 =	vld [tilespmem:s0+$0xFFFFFFD0];
	[tilespmem:s28+$0xFFFFFFB0] =	vst v10  }
0x55a: {  	v10 =	vld [tilespmem:s0+$0xFFFFFFE0];
	v16 =	vshll.u32 v16, $0x6;
	[tilespmem:s28+$0xFFFFFFC0] =	vst v11  }
0x55b: {  	v11 =	vshll.u32 v14, $0x6;
	v14 =	vld [tilespmem:s0+$0xFFFFFFF0];
	v17 =	vor.u32 v0, v16;
	[tilespmem:s28+$0xFFFFFFD0] =	vst v13  }
0x55c: {  	v13 =	vld [tilespmem:s0+$0xFFFFFF90];
	v18 =	vor.u32 v0, v11;
	v19 =	vor.u32 v1, v11;
	v15 =	vshll.u32 v15, $0x6;
	[tilespmem:s29+$0xFFFFFFE0] =	vst v5  }
0x55d: {  	v20 =	vor.u32 v0, v15;
	v21 =	vor.u32 v1, v15;
	v22 =	vshll.u32 v6, $0x6;
	v6 =	vld.idx.msk [tilespmem:v7+s16+$0x0], $0xffff;
	[tilespmem:s29+$0xFFFFFFF0] =	vst v4;
	s29 =	smov.u32 s28  }
0x55e: {  	v7 =	vor.u32 v0, v22;
	v23 =	vor.u32 v1, v22;
	v12 =	vshll.u32 v12, $0x6;
	v5 =	vld.idx.msk [tilespmem:v9+s16+$0x0], $0xffff  }
0x55f: {  	v9 =	vor.u32 v0, v12;
	v24 =	vor.u32 v1, v12;
	v10 =	vshll.u32 v10, $0x6;
	v4 =	vld.idx.msk [tilespmem:v8+s16+$0x0], $0xffff  }
0x560: {  	v8 =	vor.u32 v0, v10;
	v25 =	vor.u32 v1, v10;
	v14 =	vshll.u32 v14, $0x6;
	v17 =	vld.idx.msk [tilespmem:v17+s16+$0x0], $0xffff  }
0x561: {  	v13 =	vshll.u32 v13, $0x6;
	v18 =	vld.idx.msk [tilespmem:v18+s16+$0x0], $0xffff;
	v26 =	vor.u32 v0, v14;
	v27 =	vor.u32 v1, v14  }
0x562: {  	v30 =	vor.u32 v1, v16;
	v28 =	vor.u32 v0, v13;
	v29 =	vor.u32 v1, v13;
	v20 =	vld.idx.msk [tilespmem:v20+s16+$0x0], $0xffff  }
0x563: {  	v32 =	vor.u32 v2, v11;
	v33 =	vor.u32 v2, v15;
	v31 =	vor.u32 v2, v13;
	v34 =	vld.idx.msk [tilespmem:v7+s16+$0x0], $0xffff  }
0x564: {  	v35 =	vor.u32 v2, v22;
	v37 =	vor.u32 v2, v12;
	v38 =	vor.u32 v2, v10;
	v36 =	vld.idx.msk [tilespmem:v9+s16+$0x0], $0xffff  }
0x565: {  	v11 =	vor.u32 v3, v11;
	s28 =	sadd.s32 $0x200, s28;
	v39 =	vor.u32 v2, v14;
	v7 =	vor.u32 v3, v13;
	v13 =	vld.idx.msk [tilespmem:v8+s16+$0x0], $0xffff  }
0x566: {  	v40 =	vor.u32 v3, v15;
	v22 =	vor.u32 v3, v22;
	v15 =	vld.idx.msk [tilespmem:v26+s16+$0x0], $0xffff;
	[tilespmem:s28+$0xFFFFFE80] =	vst v17  }
0x567: {  	v9 =	vor.u32 v3, v10;
	v17 =	vor.u32 v3, v12;
	[tilespmem:s28+$0xFFFFFE20] =	vst v18;
	v10 =	vld.idx.msk [tilespmem:v30+s16+$0x0], $0xffff  }
0x568: {  	v8 =	vor.u32 v3, v14;
	v12 =	vld.idx.msk [tilespmem:v28+s16+$0x0], $0xffff;
	[tilespmem:s28+$0xFFFFFE30] =	vst v20  }
0x569: {  	v18 =	vor.u32 v2, v16;
	v14 =	vld.idx.msk [tilespmem:v19+s16+$0x0], $0xffff;
	[tilespmem:s28+$0xFFFFFE40] =	vst v34  }
0x56a: {  	v19 =	vld.idx.msk [tilespmem:v21+s16+$0x0], $0xffff;
	[tilespmem:s28+$0xFFFFFE50] =	vst v36  }
0x56b: {  	v20 =	vld.idx.msk [tilespmem:v23+s16+$0x0], $0xffff;
	[tilespmem:s28+$0xFFFFFE60] =	vst v13  }
0x56c: {  	v13 =	vld.idx.msk [tilespmem:v24+s16+$0x0], $0xffff;
	[tilespmem:s28+$0xFFFFFE70] =	vst v15  }
0x56d: {  	v15 =	vld.idx.msk [tilespmem:v25+s16+$0x0], $0xffff;
	[tilespmem:s28+$0xFFFFFF00] =	vst v10  }
0x56e: {  	[tilespmem:s28+$0xFFFFFE10] =	vst v12;
	v10 =	vld.idx.msk [tilespmem:v18+s16+$0x0], $0xffff  }
0x56f: {  	v12 =	vld.idx.msk [tilespmem:v29+s16+$0x0], $0xffff;
	[tilespmem:s28+$0xFFFFFEA0] =	vst v14  }
0x570: {  	v16 =	vor.u32 v3, v16;
	[tilespmem:s28+$0xFFFFFEB0] =	vst v19;
	v14 =	vld.idx.msk [tilespmem:v27+s16+$0x0], $0xffff  }
0x571: {  	v18 =	vld.idx.msk [tilespmem:v32+s16+$0x0], $0xffff;
	[tilespmem:s28+$0xFFFFFEC0] =	vst v20  }
0x572: {  	v19 =	vld.idx.msk [tilespmem:v33+s16+$0x0], $0xffff;
	[tilespmem:s28+$0xFFFFFED0] =	vst v13  }
0x573: {  	v13 =	vld.idx.msk [tilespmem:v35+s16+$0x0], $0xffff;
	[tilespmem:s28+$0xFFFFFEE0] =	vst v15  }
0x574: {  	v20 =	vld.idx.msk [tilespmem:v37+s16+$0x0], $0xffff;
	[tilespmem:s28+$0xFFFFFF80] =	vst v10  }
0x575: {  	[tilespmem:s28+$0xFFFFFE90] =	vst v12;
	v16 =	vld.idx.msk [tilespmem:v16+s16+$0x0], $0xffff  }
0x576: {  	v21 =	vld.idx.msk [tilespmem:v31+s16+$0x0], $0xffff;
	[tilespmem:s28+$0xFFFFFEF0] =	vst v14  }
0x577: {  	[tilespmem:s28+$0xFFFFFF20] =	vst v18;
	v14 =	vld.idx.msk [tilespmem:v38+s16+$0x0], $0xffff  }
.Ltmp12:
0x578: {  	[tilespmem:s28+$0xFFFFFF30] =	vst v19;
	v15 =	vld.idx.msk [tilespmem:v39+s16+$0x0], $0xffff;
	(pc) =	sbr.rel @p1 .LBB2_23-.Ltmp12, $4  }
0x579: {  	v12 =	vld.idx.msk [tilespmem:v11+s16+$0x0], $0xffff;
	[tilespmem:s28+$0xFFFFFF40] =	vst v13  }
0x57a: {  	v10 =	vld.idx.msk [tilespmem:v40+s16+$0x0], $0xffff;
	[tilespmem:s28+$0xFFFFFF50] =	vst v20  }
0x57b: {  	v11 =	vld.idx.msk [tilespmem:v22+s16+$0x0], $0xffff;
	[tilespmem:s28+$0x0] =	vst v16  }
0x57c: {  	s0 =	sadd.s32 $0x80, s0;
	[tilespmem:s28+$0xFFFFFF10] =	vst v21;
	v13 =	vld.idx.msk [tilespmem:v17+s16+$0x0], $0xffff  }
0x57d: {  	[tilespmem:s28+$0xFFFFFF60] =	vst v14  }
0x57e: {  	[tilespmem:s28+$0xFFFFFF70] =	vst v15;
	s0 =	smulhi.u32 $0x66666667, s26  }
0x57f: {  	[tilespmem:s29+$0xFFFFFF90] =	vst v6  }
0x580: {  	[tilespmem:s29+$0xFFFFFFE0] =	vst v5;
	s0 =	sshrl.u32 s0, $0x1  }
0x581: {  	v5 =	vld.idx.msk [tilespmem:v7+s16+$0x0], $0xffff;
	[tilespmem:s29+$0xFFFFFFF0] =	vst v4;
	s1 =	smul.u32 $0x5, s0  }
0x582: {  	[tilespmem:s28+$0xFFFFFFA0] =	vst v12;
	v4 =	vld.idx.msk [tilespmem:v9+s16+$0x0], $0xffff  }
0x583: {  	v63 =	vld.idx.msk [tilespmem:v8+s16+$0x0], $0xffff;
	[tilespmem:s28+$0xFFFFFFB0] =	vst v10;
	s1 =	ssub.s32 s26, s1  }
0x584: {  	[tilespmem:s28+$0xFFFFFFC0] =	vst v11;
	s0 =	sadd.s32 s5, s0;
	s1 =	smul.u32 $0x280000, s1  }
.Ltmp13:
0x585: {  	[tilespmem:s28+$0xFFFFFFD0] =	vst v13;
	s0 =	sshll.u32 s0, $0x9;
	(pc) =	sbr.rel @p0 .LBB2_26-.Ltmp13, $4  }
0x586: {  	[tilespmem:s28+$0xFFFFFF90] =	vst v5;
	s0 =	sadd.s32 s1, s0  }
0x587: {  	[tilespmem:s28+$0xFFFFFFE0] =	vst v4;
	s0 =	sshrl.u32 s0, $0x3  }
0x588: {  	[tilespmem:s28+$0xFFFFFFF0] =	vst v63;
	s0 =	sadd.s32 s3, s0  }
0x589: {  	[hbm4b:s0+s16] =	stream.strided.scatter [tilespmem:s20], [sflag:$0x4], $0x5000, s17, s16, $0x38;
	[tilespmem:$0xEA00] =	vst v63  }
0x58a: {  	s0 =	sadd.s32 $0x3, s25  }
0x58b: {  	s1 =	smulhi.u32 $0x66666667, s0;
	_ =	sdelay $0x1  }
0x58c: {  	s1 =	sshrl.u32 s1, $0x1  }
0x58d: {  	s31 =	smul.u32 $0x5, s1;
	_ =	sdelay $0x1  }
0x58e: {  	s0 =	ssub.s32 s0, s31  }
0x58f: {  	s1 =	sadd.s32 s5, s1;
	s0 =	smul.u32 $0xA0000, s0  }
.Ltmp14:
0x590: {  	s1 =	sshll.u32 s1, $0xA;
	(pc) =	sbr.rel .LBB2_4-.Ltmp14, $4  }
0x591: {  	s0 =	sadd.s32 s0, s1  }
0x592: {  	s0 =	sshrl.u32 s0, $0x3  }
0x593: {  	s24 =	sadd.s32 $0x1, s24;
	s0 =	sadd.s32 s2, s0  }
0x594: {  	[tilespmem:s14], [sflag:$0x2] =	stream.strided.gather [hbm4b:s0+s11], $0x1400, s12, s11, $0x38;
	[tilespmem:$0xEA00] =	vst v63  }
.LBB2_27:
0x595: {  	_ =	sfence.sel $0x180000  }
0x596: {  	[bflag:$0x0] =	sbarrier.arrive $0xFFFF  }
0x597: {  	_ =	strace $0x90000047  }
0x598: {  	s0 =	stileid.u32;
	[bflag:$0x2] =	sbarrier.arrive $0xFFFF  }
0x599: {  	p0 =	sne.s32 s0, $0x0;
	s0 =	rddreg [dreg:$0x3]  }
0x59a: {  	s0 =	sadd.s32 @!p0 $0x100000, s0  }
0x59b: {  	[sflag:s0] =	ssyncadd.tile.s32 @!p0 $0x1;
	_ =	shalt  }
.Lfunc_end2:
_tile_overlayer_lowered:
.L_overlay_start_2:
0x59c: {  	(tag) =	ssettag $0x2  }
0x59d: {  	s0 =	rddreg [dreg:$0x0];
	s2 =	stileid.u32  }
0x59e: {  	s1 =	rddreg [dreg:$0x1];
	p0 =	sne.s32 s2, $0x0  }
0x59f: {  	s3 =	rddreg [dreg:$0x2];
	[bflag:$0x3] =	sbarrier.arrive $0xFFFF;
	s2 =	simm.s32 @!p0 $0x1C05  }
0x5a0: {  	[timem:s3], [sflag:s2] =	dma.local @!p0 [hbm:s0], s1  }
0x5a1: {  	s0 =	simm.s32 @!p0 $0x5  }
0x5a2: {  	_ =	swait.ge @!p0 [sflag:s0], s1  }
0x5a3: {  	s1 =	ssub.s32 @!p0 $0x0, s1;
	[sflag:s0] =	ssyncset.done @!p0 $0x0  }
0x5a4: {  	[sflag:s0] =	ssyncadd.s32 @!p0 s1  }
0x5a5: {  	[bflag:$0x3] =	sbarrier.arrive $0xFFFF  }
0x5a6: {  	_ =	shalt  }

</sc_bundles>
